<compile_context>
chip_gen: v7x
topology: tpu7x:2x2x1
jax: 0.10.2.dev20260603
libtpu: 0.0.44.dev20260713+nightly
codegen_flags: <defaults>
</compile_context>

<pallas_src>
import functools

import jax
import jax.numpy as jnp
from jax import lax
from jax.experimental import pallas as pl
from jax.experimental.pallas import tpu as pltpu
from jax.experimental.pallas import tpu_sc as plsc

N = 10000
E = 320000
HID = 128
MSG = 32
KEY = 32

NC = 2
NS = 16
NW = NC * NS
EPW = E // NW
CH = 80
NCHUNK = EPW // CH
DEN_R, DEN_C = 128, 80


def _edge_body(src_hbm, dst_hbm, s_hbm, q_hbm, v_hbm,
               acc_out, den_out,
               src_loc, dst_loc, srow0, qrow0, vrow0, srow1, qrow1, vrow1,
               den_loc, iota128, zer, zden, acc_s, den_s,
               sem_s0, sem_q0, sem_v0, sem_s1, sem_q1, sem_v1):
    cid = lax.axis_index("c")
    sid = lax.axis_index("s")
    wid = cid * NS + sid

    lanes = lax.iota(jnp.int32, 16)
    zf = jnp.zeros((16,), jnp.float32)

    bufs = ((srow0, qrow0, vrow0, sem_s0, sem_q0, sem_v0),
            (srow1, qrow1, vrow1, sem_s1, sem_q1, sem_v1))

    def _z1(i, _):
        zer[i // 2, pl.ds((i % 2) * 16, 16)] = zf
        return 0
    lax.fori_loop(0, 400, _z1, 0)

    def _z2(i, _):
        zden[i // 5, pl.ds((i % 5) * 16, 16)] = zf
        return 0
    lax.fori_loop(0, 40, _z2, 0)

    def _z3(i, _):
        den_loc[i // 5, pl.ds((i % 5) * 16, 16)] = zf
        return 0
    lax.fori_loop(0, DEN_R * 5, _z3, 0)

    def _z4(i, _):
        iota128[pl.ds(i * 16, 16)] = lanes + i * 16
        return 0
    lax.fori_loop(0, 8, _z4, 0)

    pltpu.sync_copy(src_hbm.at[wid], src_loc)
    pltpu.sync_copy(dst_hbm.at[wid], dst_loc)

    @pl.when(sid < 10)
    def _():
        def _z5(j, _):
            pltpu.sync_copy(zer, acc_s.at[pl.ds(sid * 1000 + j * 200, 200), :])
            return 0
        lax.fori_loop(0, 5, _z5, 0)
    pltpu.sync_copy(zden, den_s.at[pl.ds(sid * 8, 8), :])
    plsc.subcore_barrier()

    def _start(j, b):
        srow, qrow, vrow, ss, sq, sv = bufs[b]
        pltpu.async_copy(s_hbm.at[src_loc.at[j]], srow, ss)
        pltpu.async_copy(q_hbm.at[dst_loc.at[j]], qrow, sq)
        pltpu.async_copy(v_hbm.at[src_loc.at[j]], vrow, sv)

    def _wait(b):
        srow, qrow, vrow, ss, sq, sv = bufs[b]
        pltpu.make_async_copy(s_hbm.at[src_loc.at[0]], srow, ss).wait()
        pltpu.make_async_copy(q_hbm.at[dst_loc.at[0]], qrow, sq).wait()
        pltpu.make_async_copy(v_hbm.at[src_loc.at[0]], vrow, sv).wait()

    def _compute(j, b):
        srow, qrow, vrow, *_ = bufs[b]

        def _grp(g, _):
            rows = g * 16 + lanes
            dv = dst_loc[j, pl.ds(g * 16, 16)]

            @plsc.parallel_loop(0, MSG, unroll=4,
                                carry=jnp.zeros((16,), jnp.float32))
            def e(k, acc):
                kk = jnp.full((16,), k, jnp.int32)
                sv = plsc.load_gather(srow, [rows, kk])
                qv = plsc.load_gather(qrow, [rows, kk])
                return acc + sv * qv
            w = jnp.exp(e)
            plsc.addupdate_scatter(den_loc, [dv // DEN_C, dv % DEN_C], w)

            @plsc.parallel_loop(0, MSG, unroll=4)
            def _(k):
                kk = jnp.full((16,), k, jnp.int32)
                vv = plsc.load_gather(vrow, [rows, kk])
                plsc.store_scatter(vrow, [rows, kk], vv * w)
            return 0
        lax.fori_loop(0, 5, _grp, 0)
        pltpu.sync_copy(vrow, acc_s.at[dst_loc.at[j]], add=True)

    _start(0, 0)

    def _pair(jj, _):
        j0 = 2 * jj
        _start(j0 + 1, 1)
        _wait(0)
        _compute(j0, 0)
        _start(j0 + 2, 0)
        _wait(1)
        _compute(j0 + 1, 1)
        return 0
    lax.fori_loop(0, (NCHUNK - 1) // 2, _pair, 0)
    _wait(0)
    _compute(NCHUNK - 1, 0)

    pltpu.sync_copy(den_loc, den_s.at[iota128], add=True)
    plsc.subcore_barrier()

    @pl.when(sid < 10)
    def _():
        pltpu.sync_copy(acc_s.at[pl.ds(sid * 1000, 1000), :],
                        acc_out.at[cid, pl.ds(sid * 1000, 1000), :])

    @pl.when(sid < 8)
    def _():
        pltpu.sync_copy(den_s.at[pl.ds(sid * 16, 16), :],
                        den_out.at[cid, pl.ds(sid * 16, 16), :])


_edge_call = functools.partial(
    pl.kernel,
    mesh=plsc.VectorSubcoreMesh(core_axis_name="c", subcore_axis_name="s"),
    compiler_params=pltpu.CompilerParams(
        needs_layout_passes=False, use_tc_tiling_on_sc=False),
    out_type=[
        jax.ShapeDtypeStruct((NC, N, MSG), jnp.float32),
        jax.ShapeDtypeStruct((NC, DEN_R, DEN_C), jnp.float32),
    ],
    scratch_types=[
        pltpu.VMEM((NCHUNK, CH), jnp.int32),
        pltpu.VMEM((NCHUNK, CH), jnp.int32),
        pltpu.VMEM((CH, KEY), jnp.float32),
        pltpu.VMEM((CH, KEY), jnp.float32),
        pltpu.VMEM((CH, MSG), jnp.float32),
        pltpu.VMEM((CH, KEY), jnp.float32),
        pltpu.VMEM((CH, KEY), jnp.float32),
        pltpu.VMEM((CH, MSG), jnp.float32),
        pltpu.VMEM((DEN_R, DEN_C), jnp.float32),
        pltpu.VMEM((128,), jnp.int32),
        pltpu.VMEM((200, MSG), jnp.float32),
        pltpu.VMEM((8, DEN_C), jnp.float32),
        pltpu.VMEM_SHARED((N, MSG), jnp.float32),
        pltpu.VMEM_SHARED((DEN_R, DEN_C), jnp.float32),
        pltpu.SemaphoreType.DMA,
        pltpu.SemaphoreType.DMA,
        pltpu.SemaphoreType.DMA,
        pltpu.SemaphoreType.DMA,
        pltpu.SemaphoreType.DMA,
        pltpu.SemaphoreType.DMA,
    ],
)(_edge_body)



RB = 400
GRID = N // RB


def _proj_body(x_ref, h_ref, w_ref, b_ref, s_ref, q_ref, v_ref):
    inp = jnp.concatenate([x_ref[...], h_ref[...]], axis=1)
    out = lax.dot_general(inp, w_ref[...], (((1,), (1,)), ((), ())),
                          preferred_element_type=jnp.float32) + b_ref[...]
    s_ref[...] = out[:, 0:KEY] * (1.0 / KEY)
    q_ref[...] = out[:, KEY:2 * KEY]
    v_ref[...] = out[:, 2 * KEY:2 * KEY + MSG]


def _proj(x, h, W_cat, b_cat):
    return pl.pallas_call(
        _proj_body,
        grid=(GRID,),
        in_specs=[
            pl.BlockSpec((RB, HID), lambda i: (i, 0)),
            pl.BlockSpec((RB, HID), lambda i: (i, 0)),
            pl.BlockSpec((2 * KEY + MSG, 2 * HID), lambda i: (0, 0)),
            pl.BlockSpec((1, 2 * KEY + MSG), lambda i: (0, 0)),
        ],
        out_specs=[
            pl.BlockSpec((RB, KEY), lambda i: (i, 0)),
            pl.BlockSpec((RB, KEY), lambda i: (i, 0)),
            pl.BlockSpec((RB, MSG), lambda i: (i, 0)),
        ],
        out_shape=[
            jax.ShapeDtypeStruct((N, KEY), jnp.float32),
            jax.ShapeDtypeStruct((N, KEY), jnp.float32),
            jax.ShapeDtypeStruct((N, MSG), jnp.float32),
        ],
    )(x, h, W_cat, b_cat)


def _gru_body(with_proj, x_ref, h_ref, a0_ref, a1_ref, d0_ref, d1_ref,
              wih_ref, bih_ref, whh_ref, bhh_ref, wc_ref, bc_ref,
              h_out, *proj_outs):
    x = x_ref[...]
    hv = h_ref[...]
    den = d0_ref[...] + d1_ref[...]
    inv = jnp.where(den > 0.0, 1.0 / jnp.where(den > 0.0, den, 1.0), 0.0)
    c = (a0_ref[...] + a1_ref[...]) * inv
    inp = jnp.concatenate([x, c], axis=1)
    gi = lax.dot_general(inp, wih_ref[...], (((1,), (1,)), ((), ())),
                         preferred_element_type=jnp.float32) + bih_ref[...]
    gh = lax.dot_general(hv, whh_ref[...], (((1,), (1,)), ((), ())),
                         preferred_element_type=jnp.float32) + bhh_ref[...]
    r = jax.nn.sigmoid(gi[:, 0:HID] + gh[:, 0:HID])
    z = jax.nn.sigmoid(gi[:, HID:2 * HID] + gh[:, HID:2 * HID])
    n = jnp.tanh(gi[:, 2 * HID:] + r * gh[:, 2 * HID:])
    hn = (1.0 - z) * n + z * hv
    h_out[...] = hn
    if with_proj:
        s_ref, q_ref, v_ref = proj_outs
        inp2 = jnp.concatenate([x, hn], axis=1)
        out = lax.dot_general(inp2, wc_ref[...], (((1,), (1,)), ((), ())),
                              preferred_element_type=jnp.float32) + bc_ref[...]
        s_ref[...] = out[:, 0:KEY] * (1.0 / KEY)
        q_ref[...] = out[:, KEY:2 * KEY]
        v_ref[...] = out[:, 2 * KEY:2 * KEY + MSG]


def _gru(x, h, a0, a1, d0, d1, W_ih, b_ih, W_hh, b_hh, W_cat, b_cat, with_proj):
    out_specs = [pl.BlockSpec((RB, HID), lambda i: (i, 0))]
    out_shape = [jax.ShapeDtypeStruct((N, HID), jnp.float32)]
    if with_proj:
        out_specs += [
            pl.BlockSpec((RB, KEY), lambda i: (i, 0)),
            pl.BlockSpec((RB, KEY), lambda i: (i, 0)),
            pl.BlockSpec((RB, MSG), lambda i: (i, 0)),
        ]
        out_shape += [
            jax.ShapeDtypeStruct((N, KEY), jnp.float32),
            jax.ShapeDtypeStruct((N, KEY), jnp.float32),
            jax.ShapeDtypeStruct((N, MSG), jnp.float32),
        ]
    return pl.pallas_call(
        functools.partial(_gru_body, with_proj),
        grid=(GRID,),
        in_specs=[
            pl.BlockSpec((RB, HID), lambda i: (i, 0)),
            pl.BlockSpec((RB, HID), lambda i: (i, 0)),
            pl.BlockSpec((RB, MSG), lambda i: (i, 0)),
            pl.BlockSpec((RB, MSG), lambda i: (i, 0)),
            pl.BlockSpec((RB, 1), lambda i: (i, 0)),
            pl.BlockSpec((RB, 1), lambda i: (i, 0)),
            pl.BlockSpec((3 * HID, HID + MSG), lambda i: (0, 0)),
            pl.BlockSpec((1, 3 * HID), lambda i: (0, 0)),
            pl.BlockSpec((3 * HID, HID), lambda i: (0, 0)),
            pl.BlockSpec((1, 3 * HID), lambda i: (0, 0)),
            pl.BlockSpec((2 * KEY + MSG, 2 * HID), lambda i: (0, 0)),
            pl.BlockSpec((1, 2 * KEY + MSG), lambda i: (0, 0)),
        ],
        out_specs=out_specs,
        out_shape=out_shape,
    )(x, h, a0, a1, d0, d1, W_ih, b_ih, W_hh, b_hh, W_cat, b_cat)


def kernel(x, h, edge_index, W_val, b_val, W_sign, b_sign, W_que, b_que,
           W_ih, b_ih, W_hh, b_hh):
    src = edge_index[0].astype(jnp.int32).reshape(NW, NCHUNK, CH)
    dst = edge_index[1].astype(jnp.int32).reshape(NW, NCHUNK, CH)
    W_cat = jnp.concatenate([W_sign, W_que, W_val], axis=0)
    b_cat = jnp.concatenate([b_sign, b_que, b_val], axis=0)[None, :]
    b_ih2 = b_ih[None, :]
    b_hh2 = b_hh[None, :]

    s_t, q_t, v_t = _proj(x, h, W_cat, b_cat)
    acc, den = _edge_call(src, dst, s_t, q_t, v_t)
    d = den.reshape(NC, DEN_R * DEN_C)[:, :N]
    h1, s_t, q_t, v_t = _gru(x, h, acc[0], acc[1],
                             d[0][:, None], d[1][:, None],
                             W_ih, b_ih2, W_hh, b_hh2, W_cat, b_cat, True)
    acc, den = _edge_call(src, dst, s_t, q_t, v_t)
    d = den.reshape(NC, DEN_R * DEN_C)[:, :N]
    (h2,) = _gru(x, h1, acc[0], acc[1],
                 d[0][:, None], d[1][:, None],
                 W_ih, b_ih2, W_hh, b_hh2, W_cat, b_cat, False)
    return h2

# --- scband reference (transcript-rebuilt; emitter-appended) ---
"""Pipeline reference for scband-tar-mac-29214367547983 (READ-ONLY COPY).

The authoritative reference and input builder live on the scoring server;
editing this copy changes nothing except your own understanding.
"""

import jax, jax.numpy as jnp
import numpy as np

N = 10000
E = 320000
HID = 128
MSG = 32
KEY = 32
N_ROUNDS = 2


def setup_inputs(seed: int = 0) -> dict:
    key = jax.random.key(seed)
    ks = jax.random.split(key, 16)
    x = jax.random.normal(ks[0], (N, HID), dtype=jnp.float32)
    h = jax.random.normal(ks[1], (N, HID), dtype=jnp.float32)
    edge_index = jax.random.randint(ks[2], (2, E), 0, N, dtype=jnp.int64)
    s = 1.0 / np.sqrt(2 * HID)
    W_val = jax.random.uniform(ks[3], (MSG, 2 * HID), jnp.float32, -s, s)
    b_val = jax.random.uniform(ks[4], (MSG,), jnp.float32, -s, s)
    W_sign = jax.random.uniform(ks[5], (KEY, 2 * HID), jnp.float32, -s, s)
    b_sign = jax.random.uniform(ks[6], (KEY,), jnp.float32, -s, s)
    W_que = jax.random.uniform(ks[7], (KEY, 2 * HID), jnp.float32, -s, s)
    b_que = jax.random.uniform(ks[8], (KEY,), jnp.float32, -s, s)
    sg = 1.0 / np.sqrt(HID)
    W_ih = jax.random.uniform(ks[9], (3 * HID, HID + MSG), jnp.float32, -sg, sg)
    b_ih = jax.random.uniform(ks[10], (3 * HID,), jnp.float32, -sg, sg)
    W_hh = jax.random.uniform(ks[11], (3 * HID, HID), jnp.float32, -sg, sg)
    b_hh = jax.random.uniform(ks[12], (3 * HID,), jnp.float32, -sg, sg)
    return {"x": x, "h": h, "edge_index": edge_index, "W_val": W_val, "b_val": b_val,
            "W_sign": W_sign, "b_sign": b_sign, "W_que": W_que, "b_que": b_que,
            "W_ih": W_ih, "b_ih": b_ih, "W_hh": W_hh, "b_hh": b_hh}


def _gru_cell(inp, h, W_ih, b_ih, W_hh, b_hh):
    gi = inp @ W_ih.T + b_ih
    gh = h @ W_hh.T + b_hh
    i_r, i_z, i_n = jnp.split(gi, 3, axis=1)
    h_r, h_z, h_n = jnp.split(gh, 3, axis=1)
    r = jax.nn.sigmoid(i_r + h_r)
    z = jax.nn.sigmoid(i_z + h_z)
    n = jnp.tanh(i_n + r * h_n)
    return (1.0 - z) * n + z * h


def reference(x, h, edge_index, W_val, b_val, W_sign, b_sign, W_que, b_que, W_ih, b_ih, W_hh, b_hh):
    src = edge_index[0]
    dst = edge_index[1]
    for _ in range(N_ROUNDS):
        inp = jnp.concatenate([x, jax.lax.stop_gradient(h)], axis=1)
        v = inp @ W_val.T + b_val          # [N, MSG]
        s = inp @ W_sign.T + b_sign        # [N, KEY]
        q = inp @ W_que.T + b_que          # [N, KEY]
        # apply_edges u_dot_v: e = s[src] . q[dst]
        e = jnp.sum(s[src] * q[dst], axis=1) / KEY   # [E]
        # edge softmax over incoming edges per dst node
        e_max = jax.ops.segment_max(e, dst, num_segments=N)
        e_exp = jnp.exp(e - e_max[dst])
        denom = jax.ops.segment_sum(e_exp, dst, num_segments=N)
        a = e_exp / denom[dst]             # [E]
        # update_all: c[dst] = sum_e a * v[src]
        msg = v[src] * a[:, None]          # [E, MSG]
        c = jax.ops.segment_sum(msg, dst, num_segments=N)  # [N, MSG]
        h = _gru_cell(jnp.concatenate([x, c], axis=1), h, W_ih, b_ih, W_hh, b_hh)
    return h

if __name__ == "__main__":
    import jax
    _d = setup_inputs()
    print(jax.jit(kernel)(*tuple(_d.values())))

</pallas_src>

<mosaic_0001>
#map = affine_map<(d0, d1) -> (0, 0, 0)>
#map1 = affine_map<(d0, d1) -> (0, 0)>
module attributes {stable_mosaic.version = 14 : i64} {
  func.func @_edge_body(%arg0: i32, %arg1: i32, %arg2: memref<32x125x80xi32, #tpu.memory_space<hbm>>, %arg3: memref<32x125x80xi32, #tpu.memory_space<hbm>>, %arg4: memref<10000x32xf32, #tpu.memory_space<hbm>>, %arg5: memref<10000x32xf32, #tpu.memory_space<hbm>>, %arg6: memref<10000x32xf32, #tpu.memory_space<hbm>>, %arg7: memref<2x10000x32xf32, #tpu.memory_space<hbm>>, %arg8: memref<2x128x80xf32, #tpu.memory_space<hbm>>, %arg9: memref<125x80xi32, #tpu.memory_space<vmem>>, %arg10: memref<125x80xi32, #tpu.memory_space<vmem>>, %arg11: memref<80x32xf32, #tpu.memory_space<vmem>>, %arg12: memref<80x32xf32, #tpu.memory_space<vmem>>, %arg13: memref<80x32xf32, #tpu.memory_space<vmem>>, %arg14: memref<80x32xf32, #tpu.memory_space<vmem>>, %arg15: memref<80x32xf32, #tpu.memory_space<vmem>>, %arg16: memref<80x32xf32, #tpu.memory_space<vmem>>, %arg17: memref<128x80xf32, #tpu.memory_space<vmem>>, %arg18: memref<128xi32, #tpu.memory_space<vmem>>, %arg19: memref<200x32xf32, #tpu.memory_space<vmem>>, %arg20: memref<8x80xf32, #tpu.memory_space<vmem>>, %arg21: memref<10000x32xf32, #tpu.memory_space<vmem_shared>>, %arg22: memref<128x80xf32, #tpu.memory_space<vmem_shared>>, %arg23: memref<!tpu.dma_semaphore, #tpu.memory_space<semaphore_mem>>, %arg24: memref<!tpu.dma_semaphore, #tpu.memory_space<semaphore_mem>>, %arg25: memref<!tpu.dma_semaphore, #tpu.memory_space<semaphore_mem>>, %arg26: memref<!tpu.dma_semaphore, #tpu.memory_space<semaphore_mem>>, %arg27: memref<!tpu.dma_semaphore, #tpu.memory_space<semaphore_mem>>, %arg28: memref<!tpu.dma_semaphore, #tpu.memory_space<semaphore_mem>>) attributes {dimension_semantics = [#tpu.dimension_semantics<core_parallel>, #tpu.dimension_semantics<subcore_parallel>], iteration_bounds = array<i64: 2, 16>, scalar_prefetch = 0 : i64, scratch_operands = 20 : i64, tpu.core_type = #tpu.core_type<sc_vector_subcore>, window_params = [{transform_indices = #map}, {transform_indices = #map}, {transform_indices = #map1}, {transform_indices = #map1}, {transform_indices = #map1}, {transform_indices = #map}, {transform_indices = #map}]} {
    %mul3A = arith.constant 16 : i32
    %mul3A_0 = arith.muli %arg0, %mul3A : i32
    %add3A = arith.addi %mul3A_0, %arg1 : i32
    %iota3A = tpu.iota {dimensions = array<i32: 0>} : vector<16xi32>
    %broadcast_in_dim3A = arith.constant 0.000000e+00 : f32
    %broadcast_in_dim3A_1 = vector.broadcast %broadcast_in_dim3A : f32 to vector<16xf32>
    %scan3A = arith.constant 0 : i32
    %scan3A_2 = arith.constant 0 : i32
    %scan3A_3 = arith.constant 400 : i32
    %scan3A_4 = arith.addi %scan3A_2, %scan3A_3 : i32
    %scan3A_5 = arith.constant 1 : i32
    %scan3A_6 = scf.for %scan3A_98 = %scan3A_2 to %scan3A_4 step %scan3A_5 iter_args(%scan3A_99 = %scan3A) -> (i32)  : i32 {
      %jit3A = arith.constant 2 : i32
      %div3A = arith.divsi %scan3A_98, %jit3A : i32
      %sign3A = arith.constant 0 : i32
      %sign3A_100 = arith.cmpi sgt, %scan3A_98, %sign3A : i32
      %sign3A_101 = arith.extui %sign3A_100 : i1 to i32
      %sign3A_102 = arith.constant 0 : i32
      %sign3A_103 = arith.cmpi slt, %scan3A_98, %sign3A_102 : i32
      %sign3A_104 = arith.extui %sign3A_103 : i1 to i32
      %sign3A_105 = arith.subi %sign3A_101, %sign3A_104 : i32
      %sign3A_106 = arith.constant 0 : i32
      %sign3A_107 = arith.cmpi sgt, %jit3A, %sign3A_106 : i32
      %sign3A_108 = arith.extui %sign3A_107 : i1 to i32
      %sign3A_109 = arith.constant 0 : i32
      %sign3A_110 = arith.cmpi slt, %jit3A, %sign3A_109 : i32
      %sign3A_111 = arith.extui %sign3A_110 : i1 to i32
      %sign3A_112 = arith.subi %sign3A_108, %sign3A_111 : i32
      %ne3A = arith.cmpi ne, %sign3A_105, %sign3A_112 : i32
      %rem3A = arith.remsi %scan3A_98, %jit3A : i32
      %ne3A_113 = arith.constant 0 : i32
      %ne3A_114 = arith.cmpi ne, %rem3A, %ne3A_113 : i32
      %and3A = arith.andi %ne3A, %ne3A_114 : i1
      %sub3A = arith.constant 1 : i32
      %sub3A_115 = arith.subi %div3A, %sub3A : i32
      %select_n3A = arith.select %and3A, %sub3A_115, %div3A : i32
      %jit3A_116 = arith.constant 2 : i32
      %eq3A = arith.constant 0 : i32
      %eq3A_117 = arith.cmpi eq, %jit3A_116, %eq3A : i32
      %jit3A_118 = arith.constant 1 : i32
      %select_n3A_119 = arith.select %eq3A_117, %jit3A_118, %jit3A_116 : i32
      %rem3A_120 = arith.remsi %scan3A_98, %select_n3A_119 : i32
      %ne3A_121 = arith.constant 0 : i32
      %ne3A_122 = arith.cmpi ne, %rem3A_120, %ne3A_121 : i32
      %lt3A_123 = arith.constant 0 : i32
      %lt3A_124 = arith.cmpi slt, %rem3A_120, %lt3A_123 : i32
      %lt3A_125 = arith.constant 0 : i32
      %lt3A_126 = arith.cmpi slt, %select_n3A_119, %lt3A_125 : i32
      %ne3A_127 = arith.xori %lt3A_124, %lt3A_126 : i1
      %and3A_128 = arith.andi %ne3A_127, %ne3A_122 : i1
      %add3A_129 = arith.addi %rem3A_120, %select_n3A_119 : i32
      %select_n3A_130 = arith.select %and3A_128, %add3A_129, %rem3A_120 : i32
      %mul3A_131 = arith.constant 16 : i32
      %mul3A_132 = arith.muli %select_n3A_130, %mul3A_131 : i32
      %swap3A = arith.index_cast %select_n3A : i32 to index
      %swap3A_133 = arith.index_cast %mul3A_132 : i32 to index
      %swap3A_134 = tpu.vector_load %arg19[%swap3A, %swap3A_133] {strides = array<i32>} : memref<200x32xf32, #tpu.memory_space<vmem>>, vector<16xf32>,
      tpu.vector_store %arg19[%swap3A, %swap3A_133], %broadcast_in_dim3A_1 {strides = array<i32>} : memref<200x32xf32, #tpu.memory_space<vmem>>, vector<16xf32>,
      %scan3A_135 = arith.constant 0 : i32
      scf.yield %scan3A_135 : i32
    }
    %scan3A_7 = arith.constant 400 : i32
    %scan3A_8 = arith.constant 0 : i32
    %scan3A_9 = arith.constant 0 : i32
    %scan3A_10 = arith.constant 40 : i32
    %scan3A_11 = arith.addi %scan3A_9, %scan3A_10 : i32
    %scan3A_12 = arith.constant 1 : i32
    %scan3A_13 = scf.for %scan3A_98 = %scan3A_9 to %scan3A_11 step %scan3A_12 iter_args(%scan3A_99 = %scan3A_8) -> (i32)  : i32 {
      %jit3A = arith.constant 5 : i32
      %div3A = arith.divsi %scan3A_98, %jit3A : i32
      %sign3A = arith.constant 0 : i32
      %sign3A_100 = arith.cmpi sgt, %scan3A_98, %sign3A : i32
      %sign3A_101 = arith.extui %sign3A_100 : i1 to i32
      %sign3A_102 = arith.constant 0 : i32
      %sign3A_103 = arith.cmpi slt, %scan3A_98, %sign3A_102 : i32
      %sign3A_104 = arith.extui %sign3A_103 : i1 to i32
      %sign3A_105 = arith.subi %sign3A_101, %sign3A_104 : i32
      %sign3A_106 = arith.constant 0 : i32
      %sign3A_107 = arith.cmpi sgt, %jit3A, %sign3A_106 : i32
      %sign3A_108 = arith.extui %sign3A_107 : i1 to i32
      %sign3A_109 = arith.constant 0 : i32
      %sign3A_110 = arith.cmpi slt, %jit3A, %sign3A_109 : i32
      %sign3A_111 = arith.extui %sign3A_110 : i1 to i32
      %sign3A_112 = arith.subi %sign3A_108, %sign3A_111 : i32
      %ne3A = arith.cmpi ne, %sign3A_105, %sign3A_112 : i32
      %rem3A = arith.remsi %scan3A_98, %jit3A : i32
      %ne3A_113 = arith.constant 0 : i32
      %ne3A_114 = arith.cmpi ne, %rem3A, %ne3A_113 : i32
      %and3A = arith.andi %ne3A, %ne3A_114 : i1
      %sub3A = arith.constant 1 : i32
      %sub3A_115 = arith.subi %div3A, %sub3A : i32
      %select_n3A = arith.select %and3A, %sub3A_115, %div3A : i32
      %jit3A_116 = arith.constant 5 : i32
      %eq3A = arith.constant 0 : i32
      %eq3A_117 = arith.cmpi eq, %jit3A_116, %eq3A : i32
      %jit3A_118 = arith.constant 1 : i32
      %select_n3A_119 = arith.select %eq3A_117, %jit3A_118, %jit3A_116 : i32
      %rem3A_120 = arith.remsi %scan3A_98, %select_n3A_119 : i32
      %ne3A_121 = arith.constant 0 : i32
      %ne3A_122 = arith.cmpi ne, %rem3A_120, %ne3A_121 : i32
      %lt3A_123 = arith.constant 0 : i32
      %lt3A_124 = arith.cmpi slt, %rem3A_120, %lt3A_123 : i32
      %lt3A_125 = arith.constant 0 : i32
      %lt3A_126 = arith.cmpi slt, %select_n3A_119, %lt3A_125 : i32
      %ne3A_127 = arith.xori %lt3A_124, %lt3A_126 : i1
      %and3A_128 = arith.andi %ne3A_127, %ne3A_122 : i1
      %add3A_129 = arith.addi %rem3A_120, %select_n3A_119 : i32
      %select_n3A_130 = arith.select %and3A_128, %add3A_129, %rem3A_120 : i32
      %mul3A_131 = arith.constant 16 : i32
      %mul3A_132 = arith.muli %select_n3A_130, %mul3A_131 : i32
      %swap3A = arith.index_cast %select_n3A : i32 to index
      %swap3A_133 = arith.index_cast %mul3A_132 : i32 to index
      %swap3A_134 = tpu.vector_load %arg20[%swap3A, %swap3A_133] {strides = array<i32>} : memref<8x80xf32, #tpu.memory_space<vmem>>, vector<16xf32>,
      tpu.vector_store %arg20[%swap3A, %swap3A_133], %broadcast_in_dim3A_1 {strides = array<i32>} : memref<8x80xf32, #tpu.memory_space<vmem>>, vector<16xf32>,
      %scan3A_135 = arith.constant 0 : i32
      scf.yield %scan3A_135 : i32
    }
    %scan3A_14 = arith.constant 40 : i32
    %scan3A_15 = arith.constant 0 : i32
    %scan3A_16 = arith.constant 0 : i32
    %scan3A_17 = arith.constant 640 : i32
    %scan3A_18 = arith.addi %scan3A_16, %scan3A_17 : i32
    %scan3A_19 = arith.constant 1 : i32
    %scan3A_20 = scf.for %scan3A_98 = %scan3A_16 to %scan3A_18 step %scan3A_19 iter_args(%scan3A_99 = %scan3A_15) -> (i32)  : i32 {
      %jit3A = arith.constant 5 : i32
      %div3A = arith.divsi %scan3A_98, %jit3A : i32
      %sign3A = arith.constant 0 : i32
      %sign3A_100 = arith.cmpi sgt, %scan3A_98, %sign3A : i32
      %sign3A_101 = arith.extui %sign3A_100 : i1 to i32
      %sign3A_102 = arith.constant 0 : i32
      %sign3A_103 = arith.cmpi slt, %scan3A_98, %sign3A_102 : i32
      %sign3A_104 = arith.extui %sign3A_103 : i1 to i32
      %sign3A_105 = arith.subi %sign3A_101, %sign3A_104 : i32
      %sign3A_106 = arith.constant 0 : i32
      %sign3A_107 = arith.cmpi sgt, %jit3A, %sign3A_106 : i32
      %sign3A_108 = arith.extui %sign3A_107 : i1 to i32
      %sign3A_109 = arith.constant 0 : i32
      %sign3A_110 = arith.cmpi slt, %jit3A, %sign3A_109 : i32
      %sign3A_111 = arith.extui %sign3A_110 : i1 to i32
      %sign3A_112 = arith.subi %sign3A_108, %sign3A_111 : i32
      %ne3A = arith.cmpi ne, %sign3A_105, %sign3A_112 : i32
      %rem3A = arith.remsi %scan3A_98, %jit3A : i32
      %ne3A_113 = arith.constant 0 : i32
      %ne3A_114 = arith.cmpi ne, %rem3A, %ne3A_113 : i32
      %and3A = arith.andi %ne3A, %ne3A_114 : i1
      %sub3A = arith.constant 1 : i32
      %sub3A_115 = arith.subi %div3A, %sub3A : i32
      %select_n3A = arith.select %and3A, %sub3A_115, %div3A : i32
      %jit3A_116 = arith.constant 5 : i32
      %eq3A = arith.constant 0 : i32
      %eq3A_117 = arith.cmpi eq, %jit3A_116, %eq3A : i32
      %jit3A_118 = arith.constant 1 : i32
      %select_n3A_119 = arith.select %eq3A_117, %jit3A_118, %jit3A_116 : i32
      %rem3A_120 = arith.remsi %scan3A_98, %select_n3A_119 : i32
      %ne3A_121 = arith.constant 0 : i32
      %ne3A_122 = arith.cmpi ne, %rem3A_120, %ne3A_121 : i32
      %lt3A_123 = arith.constant 0 : i32
      %lt3A_124 = arith.cmpi slt, %rem3A_120, %lt3A_123 : i32
      %lt3A_125 = arith.constant 0 : i32
      %lt3A_126 = arith.cmpi slt, %select_n3A_119, %lt3A_125 : i32
      %ne3A_127 = arith.xori %lt3A_124, %lt3A_126 : i1
      %and3A_128 = arith.andi %ne3A_127, %ne3A_122 : i1
      %add3A_129 = arith.addi %rem3A_120, %select_n3A_119 : i32
      %select_n3A_130 = arith.select %and3A_128, %add3A_129, %rem3A_120 : i32
      %mul3A_131 = arith.constant 16 : i32
      %mul3A_132 = arith.muli %select_n3A_130, %mul3A_131 : i32
      %swap3A = arith.index_cast %select_n3A : i32 to index
      %swap3A_133 = arith.index_cast %mul3A_132 : i32 to index
      %swap3A_134 = tpu.vector_load %arg17[%swap3A, %swap3A_133] {strides = array<i32>} : memref<128x80xf32, #tpu.memory_space<vmem>>, vector<16xf32>,
      tpu.vector_store %arg17[%swap3A, %swap3A_133], %broadcast_in_dim3A_1 {strides = array<i32>} : memref<128x80xf32, #tpu.memory_space<vmem>>, vector<16xf32>,
      %scan3A_135 = arith.constant 0 : i32
      scf.yield %scan3A_135 : i32
    }
    %scan3A_21 = arith.constant 640 : i32
    %scan3A_22 = arith.constant 0 : i32
    %scan3A_23 = arith.constant 0 : i32
    %scan3A_24 = arith.constant 8 : i32
    %scan3A_25 = arith.addi %scan3A_23, %scan3A_24 : i32
    %scan3A_26 = arith.constant 1 : i32
    %scan3A_27 = scf.for %scan3A_98 = %scan3A_23 to %scan3A_25 step %scan3A_26 iter_args(%scan3A_99 = %scan3A_22) -> (i32)  : i32 {
      %mul3A_100 = arith.constant 16 : i32
      %mul3A_101 = arith.muli %scan3A_98, %mul3A_100 : i32
      %add3A_102 = vector.broadcast %mul3A_101 : i32 to vector<16xi32>
      %add3A_103 = arith.addi %iota3A, %add3A_102 : vector<16xi32>
      %mul3A_104 = arith.constant 16 : i32
      %mul3A_105 = arith.muli %scan3A_98, %mul3A_104 : i32
      %swap3A = arith.index_cast %mul3A_105 : i32 to index
      %swap3A_106 = tpu.vector_load %arg18[%swap3A] {strides = array<i32>} : memref<128xi32, #tpu.memory_space<vmem>>, vector<16xi32>,
      tpu.vector_store %arg18[%swap3A], %add3A_103 {strides = array<i32>} : memref<128xi32, #tpu.memory_space<vmem>>, vector<16xi32>,
      %scan3A_107 = arith.constant 0 : i32
      scf.yield %scan3A_107 : i32
    }
    %scan3A_28 = arith.constant 8 : i32
    "tpu.region"() ({
      %run_scoped3A_98 = tpu.sem_alloc : memref<!tpu.dma_semaphore, #tpu.memory_space<semaphore_mem>>
      %dma_start3A_99 = arith.constant 0 : i32
      %dma_start3A_100 = arith.constant 0 : i32
      %dma_start3A_101 = tpu.memref_slice %arg2[%add3A, %dma_start3A_99, %dma_start3A_100] : memref<32x125x80xi32, #tpu.memory_space<hbm>> -> memref<1x125x80xi32, #tpu.memory_space<hbm>>
      %dma_start3A_102 = tpu.memref_squeeze %dma_start3A_101 : memref<1x125x80xi32, #tpu.memory_space<hbm>> -> memref<125x80xi32, #tpu.memory_space<hbm>>
      %dma_start3A_103 = arith.constant 0 : i32
      %dma_start3A_104 = arith.constant 0 : i32
      %dma_start3A_105 = tpu.memref_slice %arg2[%add3A, %dma_start3A_103, %dma_start3A_104] : memref<32x125x80xi32, #tpu.memory_space<hbm>> -> memref<1x125x80xi32, #tpu.memory_space<hbm>>
      %dma_start3A_106 = tpu.memref_squeeze %dma_start3A_105 : memref<1x125x80xi32, #tpu.memory_space<hbm>> -> memref<125x80xi32, #tpu.memory_space<hbm>>
      tpu.enqueue_dma source(%dma_start3A_106 : memref<125x80xi32, #tpu.memory_space<hbm>>) target(%arg9 : memref<125x80xi32, #tpu.memory_space<vmem>>) target_semaphore(%run_scoped3A_98 : memref<!tpu.dma_semaphore, #tpu.memory_space<semaphore_mem>>)
      %dma_wait3A_107 = arith.constant 0 : i32
      %dma_wait3A_108 = arith.constant 0 : i32
      %dma_wait3A_109 = tpu.memref_slice %arg2[%add3A, %dma_wait3A_107, %dma_wait3A_108] : memref<32x125x80xi32, #tpu.memory_space<hbm>> -> memref<1x125x80xi32, #tpu.memory_space<hbm>>
      %dma_wait3A_110 = tpu.memref_squeeze %dma_wait3A_109 : memref<1x125x80xi32, #tpu.memory_space<hbm>> -> memref<125x80xi32, #tpu.memory_space<hbm>>
      %dma_wait3A_111 = arith.constant 0 : i32
      %dma_wait3A_112 = arith.constant 0 : i32
      %dma_wait3A_113 = tpu.memref_slice %arg2[%add3A, %dma_wait3A_111, %dma_wait3A_112] : memref<32x125x80xi32, #tpu.memory_space<hbm>> -> memref<1x125x80xi32, #tpu.memory_space<hbm>>
      %dma_wait3A_114 = tpu.memref_squeeze %dma_wait3A_113 : memref<1x125x80xi32, #tpu.memory_space<hbm>> -> memref<125x80xi32, #tpu.memory_space<hbm>>
      tpu.wait_dma2 semaphore(%run_scoped3A_98 : memref<!tpu.dma_semaphore, #tpu.memory_space<semaphore_mem>>) src(%dma_wait3A_114 : memref<125x80xi32, #tpu.memory_space<hbm>>) dst(%arg9 : memref<125x80xi32, #tpu.memory_space<vmem>>)
      tpu.yield
    }) : () -> ()
    "tpu.region"() ({
      %run_scoped3A_98 = tpu.sem_alloc : memref<!tpu.dma_semaphore, #tpu.memory_space<semaphore_mem>>
      %dma_start3A_99 = arith.constant 0 : i32
      %dma_start3A_100 = arith.constant 0 : i32
      %dma_start3A_101 = tpu.memref_slice %arg3[%add3A, %dma_start3A_99, %dma_start3A_100] : memref<32x125x80xi32, #tpu.memory_space<hbm>> -> memref<1x125x80xi32, #tpu.memory_space<hbm>>
      %dma_start3A_102 = tpu.memref_squeeze %dma_start3A_101 : memref<1x125x80xi32, #tpu.memory_space<hbm>> -> memref<125x80xi32, #tpu.memory_space<hbm>>
      %dma_start3A_103 = arith.constant 0 : i32
      %dma_start3A_104 = arith.constant 0 : i32
      %dma_start3A_105 = tpu.memref_slice %arg3[%add3A, %dma_start3A_103, %dma_start3A_104] : memref<32x125x80xi32, #tpu.memory_space<hbm>> -> memref<1x125x80xi32, #tpu.memory_space<hbm>>
      %dma_start3A_106 = tpu.memref_squeeze %dma_start3A_105 : memref<1x125x80xi32, #tpu.memory_space<hbm>> -> memref<125x80xi32, #tpu.memory_space<hbm>>
      tpu.enqueue_dma source(%dma_start3A_106 : memref<125x80xi32, #tpu.memory_space<hbm>>) target(%arg10 : memref<125x80xi32, #tpu.memory_space<vmem>>) target_semaphore(%run_scoped3A_98 : memref<!tpu.dma_semaphore, #tpu.memory_space<semaphore_mem>>)
      %dma_wait3A_107 = arith.constant 0 : i32
      %dma_wait3A_108 = arith.constant 0 : i32
      %dma_wait3A_109 = tpu.memref_slice %arg3[%add3A, %dma_wait3A_107, %dma_wait3A_108] : memref<32x125x80xi32, #tpu.memory_space<hbm>> -> memref<1x125x80xi32, #tpu.memory_space<hbm>>
      %dma_wait3A_110 = tpu.memref_squeeze %dma_wait3A_109 : memref<1x125x80xi32, #tpu.memory_space<hbm>> -> memref<125x80xi32, #tpu.memory_space<hbm>>
      %dma_wait3A_111 = arith.constant 0 : i32
      %dma_wait3A_112 = arith.constant 0 : i32
      %dma_wait3A_113 = tpu.memref_slice %arg3[%add3A, %dma_wait3A_111, %dma_wait3A_112] : memref<32x125x80xi32, #tpu.memory_space<hbm>> -> memref<1x125x80xi32, #tpu.memory_space<hbm>>
      %dma_wait3A_114 = tpu.memref_squeeze %dma_wait3A_113 : memref<1x125x80xi32, #tpu.memory_space<hbm>> -> memref<125x80xi32, #tpu.memory_space<hbm>>
      tpu.wait_dma2 semaphore(%run_scoped3A_98 : memref<!tpu.dma_semaphore, #tpu.memory_space<semaphore_mem>>) src(%dma_wait3A_114 : memref<125x80xi32, #tpu.memory_space<hbm>>) dst(%arg10 : memref<125x80xi32, #tpu.memory_space<vmem>>)
      tpu.yield
    }) : () -> ()
    %lt3A = arith.constant 10 : i32
    %lt3A_29 = arith.cmpi slt, %arg1, %lt3A : i32
    %convert_element_type3A = arith.extui %lt3A_29 : i1 to i32
    %cond3A = arith.constant 0 : i32
    %cond3A_30 = arith.cmpi ne, %convert_element_type3A, %cond3A : i32
    scf.if %cond3A_30 {
      %scan3A_98 = arith.constant 0 : i32
      %scan3A_99 = arith.constant 0 : i32
      %scan3A_100 = arith.constant 5 : i32
      %scan3A_101 = arith.addi %scan3A_99, %scan3A_100 : i32
      %scan3A_102 = arith.constant 1 : i32
      %scan3A_103 = scf.for %scan3A_105 = %scan3A_99 to %scan3A_101 step %scan3A_102 iter_args(%scan3A_106 = %scan3A_98) -> (i32)  : i32 {
        %mul3A_107 = arith.constant 1000 : i32
        %mul3A_108 = arith.muli %arg1, %mul3A_107 : i32
        %mul3A_109 = arith.constant 200 : i32
        %mul3A_110 = arith.muli %scan3A_105, %mul3A_109 : i32
        %add3A_111 = arith.addi %mul3A_108, %mul3A_110 : i32
        "tpu.region"() ({
          %run_scoped3A_113 = tpu.sem_alloc : memref<!tpu.dma_semaphore, #tpu.memory_space<semaphore_mem>>
          %dma_start3A_114 = arith.constant 0 : i32
          %dma_start3A_115 = tpu.memref_slice %arg21[%add3A_111, %dma_start3A_114] : memref<10000x32xf32, #tpu.memory_space<vmem_shared>> -> memref<200x32xf32, #tpu.memory_space<vmem_shared>>
          %dma_start3A_116 = arith.constant 0 : i32
          %dma_start3A_117 = tpu.memref_slice %arg21[%add3A_111, %dma_start3A_116] : memref<10000x32xf32, #tpu.memory_space<vmem_shared>> -> memref<200x32xf32, #tpu.memory_space<vmem_shared>>
          tpu.enqueue_dma source(%arg19 : memref<200x32xf32, #tpu.memory_space<vmem>>) target(%dma_start3A_117 : memref<200x32xf32, #tpu.memory_space<vmem_shared>>) target_semaphore(%run_scoped3A_113 : memref<!tpu.dma_semaphore, #tpu.memory_space<semaphore_mem>>)
          %dma_wait3A_118 = arith.constant 0 : i32
          %dma_wait3A_119 = tpu.memref_slice %arg21[%add3A_111, %dma_wait3A_118] : memref<10000x32xf32, #tpu.memory_space<vmem_shared>> -> memref<200x32xf32, #tpu.memory_space<vmem_shared>>
          %dma_wait3A_120 = arith.constant 0 : i32
          %dma_wait3A_121 = tpu.memref_slice %arg21[%add3A_111, %dma_wait3A_120] : memref<10000x32xf32, #tpu.memory_space<vmem_shared>> -> memref<200x32xf32, #tpu.memory_space<vmem_shared>>
          tpu.wait_dma2 semaphore(%run_scoped3A_113 : memref<!tpu.dma_semaphore, #tpu.memory_space<semaphore_mem>>) src(%arg19 : memref<200x32xf32, #tpu.memory_space<vmem>>) dst(%dma_wait3A_121 : memref<200x32xf32, #tpu.memory_space<vmem_shared>>)
          tpu.yield
        }) : () -> ()
        %scan3A_112 = arith.constant 0 : i32
        scf.yield %scan3A_112 : i32
      }
      %scan3A_104 = arith.constant 5 : i32
    } else {
    }
    %mul3A_31 = arith.constant 8 : i32
    %mul3A_32 = arith.muli %arg1, %mul3A_31 : i32
    "tpu.region"() ({
      %run_scoped3A_98 = tpu.sem_alloc : memref<!tpu.dma_semaphore, #tpu.memory_space<semaphore_mem>>
      %dma_start3A_99 = arith.constant 0 : i32
      %dma_start3A_100 = tpu.memref_slice %arg22[%mul3A_32, %dma_start3A_99] : memref<128x80xf32, #tpu.memory_space<vmem_shared>> -> memref<8x80xf32, #tpu.memory_space<vmem_shared>>
      %dma_start3A_101 = arith.constant 0 : i32
      %dma_start3A_102 = tpu.memref_slice %arg22[%mul3A_32, %dma_start3A_101] : memref<128x80xf32, #tpu.memory_space<vmem_shared>> -> memref<8x80xf32, #tpu.memory_space<vmem_shared>>
      tpu.enqueue_dma source(%arg20 : memref<8x80xf32, #tpu.memory_space<vmem>>) target(%dma_start3A_102 : memref<8x80xf32, #tpu.memory_space<vmem_shared>>) target_semaphore(%run_scoped3A_98 : memref<!tpu.dma_semaphore, #tpu.memory_space<semaphore_mem>>)
      %dma_wait3A_103 = arith.constant 0 : i32
      %dma_wait3A_104 = tpu.memref_slice %arg22[%mul3A_32, %dma_wait3A_103] : memref<128x80xf32, #tpu.memory_space<vmem_shared>> -> memref<8x80xf32, #tpu.memory_space<vmem_shared>>
      %dma_wait3A_105 = arith.constant 0 : i32
      %dma_wait3A_106 = tpu.memref_slice %arg22[%mul3A_32, %dma_wait3A_105] : memref<128x80xf32, #tpu.memory_space<vmem_shared>> -> memref<8x80xf32, #tpu.memory_space<vmem_shared>>
      tpu.wait_dma2 semaphore(%run_scoped3A_98 : memref<!tpu.dma_semaphore, #tpu.memory_space<semaphore_mem>>) src(%arg20 : memref<8x80xf32, #tpu.memory_space<vmem>>) dst(%dma_wait3A_106 : memref<8x80xf32, #tpu.memory_space<vmem_shared>>)
      tpu.yield
    }) : () -> ()
    %barrier3A = arith.constant 0 : index
    tpu.barrier barrier_id(%barrier3A)
    %dma_start3A = arith.constant 0 : i32
    %dma_start3A_33 = arith.constant 0 : i32
    %dma_start3A_34 = tpu.memref_slice %arg9[%dma_start3A, %dma_start3A_33] : memref<125x80xi32, #tpu.memory_space<vmem>> -> memref<1x80xi32, #tpu.memory_space<vmem>>
    %dma_start3A_35 = tpu.memref_squeeze %dma_start3A_34 : memref<1x80xi32, #tpu.memory_space<vmem>> -> memref<80xi32, #tpu.memory_space<vmem>>
    %dma_start3A_36 = arith.constant 0 : i32
    %dma_start3A_37 = arith.constant 0 : i32
    %dma_start3A_38 = tpu.memref_slice %arg4[%dma_start3A_36, %dma_start3A_37] : memref<10000x32xf32, #tpu.memory_space<hbm>> -> memref<10000x32xf32, #tpu.memory_space<hbm>>
    tpu.enqueue_indirect_dma source(%dma_start3A_38 : memref<10000x32xf32, #tpu.memory_space<hbm>>) target(%arg11 : memref<80x32xf32, #tpu.memory_space<vmem>>) offsets(%dma_start3A_35 : memref<80xi32, #tpu.memory_space<vmem>>) semaphore(%arg23 : memref<!tpu.dma_semaphore, #tpu.memory_space<semaphore_mem>>)
    %dma_start3A_39 = arith.constant 0 : i32
    %dma_start3A_40 = arith.constant 0 : i32
    %dma_start3A_41 = tpu.memref_slice %arg10[%dma_start3A_39, %dma_start3A_40] : memref<125x80xi32, #tpu.memory_space<vmem>> -> memref<1x80xi32, #tpu.memory_space<vmem>>
    %dma_start3A_42 = tpu.memref_squeeze %dma_start3A_41 : memref<1x80xi32, #tpu.memory_space<vmem>> -> memref<80xi32, #tpu.memory_space<vmem>>
    %dma_start3A_43 = arith.constant 0 : i32
    %dma_start3A_44 = arith.constant 0 : i32
    %dma_start3A_45 = tpu.memref_slice %arg5[%dma_start3A_43, %dma_start3A_44] : memref<10000x32xf32, #tpu.memory_space<hbm>> -> memref<10000x32xf32, #tpu.memory_space<hbm>>
    tpu.enqueue_indirect_dma source(%dma_start3A_45 : memref<10000x32xf32, #tpu.memory_space<hbm>>) target(%arg12 : memref<80x32xf32, #tpu.memory_space<vmem>>) offsets(%dma_start3A_42 : memref<80xi32, #tpu.memory_space<vmem>>) semaphore(%arg24 : memref<!tpu.dma_semaphore, #tpu.memory_space<semaphore_mem>>)
    %dma_start3A_46 = arith.constant 0 : i32
    %dma_start3A_47 = arith.constant 0 : i32
    %dma_start3A_48 = tpu.memref_slice %arg9[%dma_start3A_46, %dma_start3A_47] : memref<125x80xi32, #tpu.memory_space<vmem>> -> memref<1x80xi32, #tpu.memory_space<vmem>>
    %dma_start3A_49 = tpu.memref_squeeze %dma_start3A_48 : memref<1x80xi32, #tpu.memory_space<vmem>> -> memref<80xi32, #tpu.memory_space<vmem>>
    %dma_start3A_50 = arith.constant 0 : i32
    %dma_start3A_51 = arith.constant 0 : i32
    %dma_start3A_52 = tpu.memref_slice %arg6[%dma_start3A_50, %dma_start3A_51] : memref<10000x32xf32, #tpu.memory_space<hbm>> -> memref<10000x32xf32, #tpu.memory_space<hbm>>
    tpu.enqueue_indirect_dma source(%dma_start3A_52 : memref<10000x32xf32, #tpu.memory_space<hbm>>) target(%arg13 : memref<80x32xf32, #tpu.memory_space<vmem>>) offsets(%dma_start3A_49 : memref<80xi32, #tpu.memory_space<vmem>>) semaphore(%arg25 : memref<!tpu.dma_semaphore, #tpu.memory_space<semaphore_mem>>)
    %scan3A_53 = arith.constant 0 : i32
    %scan3A_54 = arith.constant 0 : i32
    %scan3A_55 = arith.constant 62 : i32
    %scan3A_56 = arith.addi %scan3A_54, %scan3A_55 : i32
    %scan3A_57 = arith.constant 1 : i32
    %scan3A_58 = scf.for %scan3A_98 = %scan3A_54 to %scan3A_56 step %scan3A_57 iter_args(%scan3A_99 = %scan3A_53) -> (i32)  : i32 {
      %mul3A_100 = arith.constant 2 : i32
      %mul3A_101 = arith.muli %mul3A_100, %scan3A_98 : i32
      %add3A_102 = arith.constant 1 : i32
      %add3A_103 = arith.addi %mul3A_101, %add3A_102 : i32
      %dma_start3A_104 = arith.constant 0 : i32
      %dma_start3A_105 = tpu.memref_slice %arg9[%add3A_103, %dma_start3A_104] : memref<125x80xi32, #tpu.memory_space<vmem>> -> memref<1x80xi32, #tpu.memory_space<vmem>>
      %dma_start3A_106 = tpu.memref_squeeze %dma_start3A_105 : memref<1x80xi32, #tpu.memory_space<vmem>> -> memref<80xi32, #tpu.memory_space<vmem>>
      %dma_start3A_107 = arith.constant 0 : i32
      %dma_start3A_108 = arith.constant 0 : i32
      %dma_start3A_109 = tpu.memref_slice %arg4[%dma_start3A_107, %dma_start3A_108] : memref<10000x32xf32, #tpu.memory_space<hbm>> -> memref<10000x32xf32, #tpu.memory_space<hbm>>
      tpu.enqueue_indirect_dma source(%dma_start3A_109 : memref<10000x32xf32, #tpu.memory_space<hbm>>) target(%arg14 : memref<80x32xf32, #tpu.memory_space<vmem>>) offsets(%dma_start3A_106 : memref<80xi32, #tpu.memory_space<vmem>>) semaphore(%arg26 : memref<!tpu.dma_semaphore, #tpu.memory_space<semaphore_mem>>)
      %dma_start3A_110 = arith.constant 0 : i32
      %dma_start3A_111 = tpu.memref_slice %arg10[%add3A_103, %dma_start3A_110] : memref<125x80xi32, #tpu.memory_space<vmem>> -> memref<1x80xi32, #tpu.memory_space<vmem>>
      %dma_start3A_112 = tpu.memref_squeeze %dma_start3A_111 : memref<1x80xi32, #tpu.memory_space<vmem>> -> memref<80xi32, #tpu.memory_space<vmem>>
      %dma_start3A_113 = arith.constant 0 : i32
      %dma_start3A_114 = arith.constant 0 : i32
      %dma_start3A_115 = tpu.memref_slice %arg5[%dma_start3A_113, %dma_start3A_114] : memref<10000x32xf32, #tpu.memory_space<hbm>> -> memref<10000x32xf32, #tpu.memory_space<hbm>>
      tpu.enqueue_indirect_dma source(%dma_start3A_115 : memref<10000x32xf32, #tpu.memory_space<hbm>>) target(%arg15 : memref<80x32xf32, #tpu.memory_space<vmem>>) offsets(%dma_start3A_112 : memref<80xi32, #tpu.memory_space<vmem>>) semaphore(%arg27 : memref<!tpu.dma_semaphore, #tpu.memory_space<semaphore_mem>>)
      %dma_start3A_116 = arith.constant 0 : i32
      %dma_start3A_117 = tpu.memref_slice %arg9[%add3A_103, %dma_start3A_116] : memref<125x80xi32, #tpu.memory_space<vmem>> -> memref<1x80xi32, #tpu.memory_space<vmem>>
      %dma_start3A_118 = tpu.memref_squeeze %dma_start3A_117 : memref<1x80xi32, #tpu.memory_space<vmem>> -> memref<80xi32, #tpu.memory_space<vmem>>
      %dma_start3A_119 = arith.constant 0 : i32
      %dma_start3A_120 = arith.constant 0 : i32
      %dma_start3A_121 = tpu.memref_slice %arg6[%dma_start3A_119, %dma_start3A_120] : memref<10000x32xf32, #tpu.memory_space<hbm>> -> memref<10000x32xf32, #tpu.memory_space<hbm>>
      tpu.enqueue_indirect_dma source(%dma_start3A_121 : memref<10000x32xf32, #tpu.memory_space<hbm>>) target(%arg16 : memref<80x32xf32, #tpu.memory_space<vmem>>) offsets(%dma_start3A_118 : memref<80xi32, #tpu.memory_space<vmem>>) semaphore(%arg28 : memref<!tpu.dma_semaphore, #tpu.memory_space<semaphore_mem>>)
      %dma_wait3A_122 = arith.constant 0 : i32
      %dma_wait3A_123 = arith.constant 0 : i32
      %dma_wait3A_124 = tpu.memref_slice %arg9[%dma_wait3A_122, %dma_wait3A_123] : memref<125x80xi32, #tpu.memory_space<vmem>> -> memref<1x80xi32, #tpu.memory_space<vmem>>
      %dma_wait3A_125 = tpu.memref_squeeze %dma_wait3A_124 : memref<1x80xi32, #tpu.memory_space<vmem>> -> memref<80xi32, #tpu.memory_space<vmem>>
      %dma_wait3A_126 = arith.constant 0 : i32
      %dma_wait3A_127 = arith.constant 0 : i32
      %dma_wait3A_128 = tpu.memref_slice %arg4[%dma_wait3A_126, %dma_wait3A_127] : memref<10000x32xf32, #tpu.memory_space<hbm>> -> memref<10000x32xf32, #tpu.memory_space<hbm>>
      tpu.wait_indirect_dma semaphore(%arg23 : memref<!tpu.dma_semaphore, #tpu.memory_space<semaphore_mem>>) src(%dma_wait3A_128 : memref<10000x32xf32, #tpu.memory_space<hbm>>) dst(%arg11 : memref<80x32xf32, #tpu.memory_space<vmem>>)
      %dma_wait3A_129 = arith.constant 0 : i32
      %dma_wait3A_130 = arith.constant 0 : i32
      %dma_wait3A_131 = tpu.memref_slice %arg10[%dma_wait3A_129, %dma_wait3A_130] : memref<125x80xi32, #tpu.memory_space<vmem>> -> memref<1x80xi32, #tpu.memory_space<vmem>>
      %dma_wait3A_132 = tpu.memref_squeeze %dma_wait3A_131 : memref<1x80xi32, #tpu.memory_space<vmem>> -> memref<80xi32, #tpu.memory_space<vmem>>
      %dma_wait3A_133 = arith.constant 0 : i32
      %dma_wait3A_134 = arith.constant 0 : i32
      %dma_wait3A_135 = tpu.memref_slice %arg5[%dma_wait3A_133, %dma_wait3A_134] : memref<10000x32xf32, #tpu.memory_space<hbm>> -> memref<10000x32xf32, #tpu.memory_space<hbm>>
      tpu.wait_indirect_dma semaphore(%arg24 : memref<!tpu.dma_semaphore, #tpu.memory_space<semaphore_mem>>) src(%dma_wait3A_135 : memref<10000x32xf32, #tpu.memory_space<hbm>>) dst(%arg12 : memref<80x32xf32, #tpu.memory_space<vmem>>)
      %dma_wait3A_136 = arith.constant 0 : i32
      %dma_wait3A_137 = arith.constant 0 : i32
      %dma_wait3A_138 = tpu.memref_slice %arg9[%dma_wait3A_136, %dma_wait3A_137] : memref<125x80xi32, #tpu.memory_space<vmem>> -> memref<1x80xi32, #tpu.memory_space<vmem>>
      %dma_wait3A_139 = tpu.memref_squeeze %dma_wait3A_138 : memref<1x80xi32, #tpu.memory_space<vmem>> -> memref<80xi32, #tpu.memory_space<vmem>>
      %dma_wait3A_140 = arith.constant 0 : i32
      %dma_wait3A_141 = arith.constant 0 : i32
      %dma_wait3A_142 = tpu.memref_slice %arg6[%dma_wait3A_140, %dma_wait3A_141] : memref<10000x32xf32, #tpu.memory_space<hbm>> -> memref<10000x32xf32, #tpu.memory_space<hbm>>
      tpu.wait_indirect_dma semaphore(%arg25 : memref<!tpu.dma_semaphore, #tpu.memory_space<semaphore_mem>>) src(%dma_wait3A_142 : memref<10000x32xf32, #tpu.memory_space<hbm>>) dst(%arg13 : memref<80x32xf32, #tpu.memory_space<vmem>>)
      %scan3A_143 = arith.constant 0 : i32
      %scan3A_144 = arith.constant 0 : i32
      %scan3A_145 = arith.constant 5 : i32
      %scan3A_146 = arith.addi %scan3A_144, %scan3A_145 : i32
      %scan3A_147 = arith.constant 1 : i32
      %scan3A_148 = scf.for %scan3A_201 = %scan3A_144 to %scan3A_146 step %scan3A_147 iter_args(%scan3A_202 = %scan3A_143) -> (i32)  : i32 {
        %mul3A_203 = arith.constant 16 : i32
        %mul3A_204 = arith.muli %scan3A_201, %mul3A_203 : i32
        %add3A_205 = vector.broadcast %mul3A_204 : i32 to vector<16xi32>
        %add3A_206 = arith.addi %add3A_205, %iota3A : vector<16xi32>
        %mul3A_207 = arith.constant 16 : i32
        %mul3A_208 = arith.muli %scan3A_201, %mul3A_207 : i32
        %get3A = arith.index_cast %mul3A_101 : i32 to index
        %get3A_209 = arith.index_cast %mul3A_208 : i32 to index
        %get3A_210 = tpu.vector_load %arg10[%get3A, %get3A_209] {strides = array<i32>} : memref<125x80xi32, #tpu.memory_space<vmem>>, vector<16xi32>,
        %broadcast_in_dim3A_211 = arith.constant 0.000000e+00 : f32
        %broadcast_in_dim3A_212 = vector.broadcast %broadcast_in_dim3A_211 : f32 to vector<16xf32>
        %parallel_loop3A = arith.constant 0 : i32
        %parallel_loop3A_213 = arith.constant 32 : i32
        %parallel_loop3A_214 = arith.constant 1 : i32
        %parallel_loop3A_215 = scf.for %parallel_loop3A_264 = %parallel_loop3A to %parallel_loop3A_213 step %parallel_loop3A_214 iter_args(%parallel_loop3A_265 = %broadcast_in_dim3A_212) -> (vector<16xf32>)  : i32 {
          %parallel_loop3A_266 = vector.broadcast %parallel_loop3A_264 : i32 to vector<16xi32>
          %parallel_loop3A_267 = tpu.vector_load_idx %arg11[%add3A_206, %parallel_loop3A_266] : memref<80x32xf32, #tpu.memory_space<vmem>>[vector<16xi32>, vector<16xi32>], vector<16xf32>,
          %parallel_loop3A_268 = tpu.vector_load_idx %arg12[%add3A_206, %parallel_loop3A_266] : memref<80x32xf32, #tpu.memory_space<vmem>>[vector<16xi32>, vector<16xi32>], vector<16xf32>,
          %parallel_loop3A_269 = arith.mulf %parallel_loop3A_267, %parallel_loop3A_268 : vector<16xf32>
          %parallel_loop3A_270 = arith.addf %parallel_loop3A_265, %parallel_loop3A_269 : vector<16xf32>
          scf.yield %parallel_loop3A_270 : vector<16xf32>
        } {sc.loop_unroll_factor = 4 : i64, sc.parallel_access}
        %exp3A = math.exp %parallel_loop3A_215 : vector<16xf32>
        %jit3A = arith.constant 80 : i32
        %div3A = vector.broadcast %jit3A : i32 to vector<16xi32>
        %div3A_216 = arith.divsi %get3A_210, %div3A : vector<16xi32>
        %sign3A = arith.constant 0 : i32
        %sign3A_217 = vector.broadcast %sign3A : i32 to vector<16xi32>
        %sign3A_218 = arith.cmpi sgt, %get3A_210, %sign3A_217 : vector<16xi32>
        %sign3A_219 = arith.extui %sign3A_218 : vector<16xi1> to vector<16xi32>
        %sign3A_220 = arith.constant 0 : i32
        %sign3A_221 = vector.broadcast %sign3A_220 : i32 to vector<16xi32>
        %sign3A_222 = arith.cmpi slt, %get3A_210, %sign3A_221 : vector<16xi32>
        %sign3A_223 = arith.extui %sign3A_222 : vector<16xi1> to vector<16xi32>
        %sign3A_224 = arith.subi %sign3A_219, %sign3A_223 : vector<16xi32>
        %sign3A_225 = arith.constant 0 : i32
        %sign3A_226 = arith.cmpi sgt, %jit3A, %sign3A_225 : i32
        %sign3A_227 = arith.extui %sign3A_226 : i1 to i32
        %sign3A_228 = arith.constant 0 : i32
        %sign3A_229 = arith.cmpi slt, %jit3A, %sign3A_228 : i32
        %sign3A_230 = arith.extui %sign3A_229 : i1 to i32
        %sign3A_231 = arith.subi %sign3A_227, %sign3A_230 : i32
        %ne3A = vector.broadcast %sign3A_231 : i32 to vector<16xi32>
        %ne3A_232 = arith.cmpi ne, %sign3A_224, %ne3A : vector<16xi32>
        %rem3A = vector.broadcast %jit3A : i32 to vector<16xi32>
        %rem3A_233 = arith.remsi %get3A_210, %rem3A : vector<16xi32>
        %ne3A_234 = arith.constant 0 : i32
        %ne3A_235 = vector.broadcast %ne3A_234 : i32 to vector<16xi32>
        %ne3A_236 = arith.cmpi ne, %rem3A_233, %ne3A_235 : vector<16xi32>
        %and3A = arith.andi %ne3A_232, %ne3A_236 : vector<16xi1>
        %sub3A = arith.constant 1 : i32
        %sub3A_237 = vector.broadcast %sub3A : i32 to vector<16xi32>
        %sub3A_238 = arith.subi %div3A_216, %sub3A_237 : vector<16xi32>
        %select_n3A = arith.select %and3A, %sub3A_238, %div3A_216 : vector<16xi1>, vector<16xi32>
        %jit3A_239 = arith.constant 80 : i32
        %eq3A = arith.constant 0 : i32
        %eq3A_240 = arith.cmpi eq, %jit3A_239, %eq3A : i32
        %jit3A_241 = arith.constant 1 : i32
        %select_n3A_242 = arith.select %eq3A_240, %jit3A_241, %jit3A_239 : i32
        %rem3A_243 = vector.broadcast %select_n3A_242 : i32 to vector<16xi32>
        %rem3A_244 = arith.remsi %get3A_210, %rem3A_243 : vector<16xi32>
        %ne3A_245 = arith.constant 0 : i32
        %ne3A_246 = vector.broadcast %ne3A_245 : i32 to vector<16xi32>
        %ne3A_247 = arith.cmpi ne, %rem3A_244, %ne3A_246 : vector<16xi32>
        %lt3A_248 = arith.constant 0 : i32
        %lt3A_249 = vector.broadcast %lt3A_248 : i32 to vector<16xi32>
        %lt3A_250 = arith.cmpi slt, %rem3A_244, %lt3A_249 : vector<16xi32>
        %lt3A_251 = arith.constant 0 : i32
        %lt3A_252 = arith.cmpi slt, %select_n3A_242, %lt3A_251 : i32
        %ne3A_253 = vector.broadcast %lt3A_252 : i1 to vector<16xi1>
        %ne3A_254 = vector.broadcast %ne3A_253 : vector<16xi1> to vector<16xi1>
        %ne3A_255 = arith.xori %lt3A_250, %ne3A_254 : vector<16xi1>
        %and3A_256 = arith.andi %ne3A_255, %ne3A_247 : vector<16xi1>
        %add3A_257 = vector.broadcast %select_n3A_242 : i32 to vector<16xi32>
        %add3A_258 = arith.addi %rem3A_244, %add3A_257 : vector<16xi32>
        %select_n3A_259 = arith.select %and3A_256, %add3A_258, %rem3A_244 : vector<16xi1>, vector<16xi32>
        tpu.vector_store_idx %arg17[%select_n3A, %select_n3A_259], %exp3A {add = true} : memref<128x80xf32, #tpu.memory_space<vmem>>[vector<16xi32>, vector<16xi32>], vector<16xf32>,
        %parallel_loop3A_260 = arith.constant 0 : i32
        %parallel_loop3A_261 = arith.constant 32 : i32
        %parallel_loop3A_262 = arith.constant 1 : i32
        scf.for %parallel_loop3A_264 = %parallel_loop3A_260 to %parallel_loop3A_261 step %parallel_loop3A_262  : i32 {
          %parallel_loop3A_265 = vector.broadcast %parallel_loop3A_264 : i32 to vector<16xi32>
          %parallel_loop3A_266 = tpu.vector_load_idx %arg13[%add3A_206, %parallel_loop3A_265] : memref<80x32xf32, #tpu.memory_space<vmem>>[vector<16xi32>, vector<16xi32>], vector<16xf32>,
          %parallel_loop3A_267 = arith.mulf %parallel_loop3A_266, %exp3A : vector<16xf32>
          tpu.vector_store_idx %arg13[%add3A_206, %parallel_loop3A_265], %parallel_loop3A_267 : memref<80x32xf32, #tpu.memory_space<vmem>>[vector<16xi32>, vector<16xi32>], vector<16xf32>,
        } {sc.loop_unroll_factor = 4 : i64, sc.parallel_access}
        %scan3A_263 = arith.constant 0 : i32
        scf.yield %scan3A_263 : i32
      }
      %scan3A_149 = arith.constant 5 : i32
      "tpu.region"() ({
        %run_scoped3A_201 = tpu.sem_alloc : memref<!tpu.dma_semaphore, #tpu.memory_space<semaphore_mem>>
        %dma_start3A_202 = arith.constant 0 : i32
        %dma_start3A_203 = tpu.memref_slice %arg10[%mul3A_101, %dma_start3A_202] : memref<125x80xi32, #tpu.memory_space<vmem>> -> memref<1x80xi32, #tpu.memory_space<vmem>>
        %dma_start3A_204 = tpu.memref_squeeze %dma_start3A_203 : memref<1x80xi32, #tpu.memory_space<vmem>> -> memref<80xi32, #tpu.memory_space<vmem>>
        %dma_start3A_205 = arith.constant 0 : i32
        %dma_start3A_206 = arith.constant 0 : i32
        %dma_start3A_207 = tpu.memref_slice %arg21[%dma_start3A_205, %dma_start3A_206] : memref<10000x32xf32, #tpu.memory_space<vmem_shared>> -> memref<10000x32xf32, #tpu.memory_space<vmem_shared>>
        tpu.enqueue_indirect_dma source(%arg13 : memref<80x32xf32, #tpu.memory_space<vmem>>) target(%dma_start3A_207 : memref<10000x32xf32, #tpu.memory_space<vmem_shared>>) offsets(%dma_start3A_204 : memref<80xi32, #tpu.memory_space<vmem>>) semaphore(%run_scoped3A_201 : memref<!tpu.dma_semaphore, #tpu.memory_space<semaphore_mem>>) {add = true}
        %dma_wait3A_208 = arith.constant 0 : i32
        %dma_wait3A_209 = tpu.memref_slice %arg10[%mul3A_101, %dma_wait3A_208] : memref<125x80xi32, #tpu.memory_space<vmem>> -> memref<1x80xi32, #tpu.memory_space<vmem>>
        %dma_wait3A_210 = tpu.memref_squeeze %dma_wait3A_209 : memref<1x80xi32, #tpu.memory_space<vmem>> -> memref<80xi32, #tpu.memory_space<vmem>>
        %dma_wait3A_211 = arith.constant 0 : i32
        %dma_wait3A_212 = arith.constant 0 : i32
        %dma_wait3A_213 = tpu.memref_slice %arg21[%dma_wait3A_211, %dma_wait3A_212] : memref<10000x32xf32, #tpu.memory_space<vmem_shared>> -> memref<10000x32xf32, #tpu.memory_space<vmem_shared>>
        tpu.wait_indirect_dma semaphore(%run_scoped3A_201 : memref<!tpu.dma_semaphore, #tpu.memory_space<semaphore_mem>>) src(%arg13 : memref<80x32xf32, #tpu.memory_space<vmem>>) dst(%dma_wait3A_213 : memref<10000x32xf32, #tpu.memory_space<vmem_shared>>)
        tpu.yield
      }) : () -> ()
      %add3A_150 = arith.constant 2 : i32
      %add3A_151 = arith.addi %mul3A_101, %add3A_150 : i32
      %dma_start3A_152 = arith.constant 0 : i32
      %dma_start3A_153 = tpu.memref_slice %arg9[%add3A_151, %dma_start3A_152] : memref<125x80xi32, #tpu.memory_space<vmem>> -> memref<1x80xi32, #tpu.memory_space<vmem>>
      %dma_start3A_154 = tpu.memref_squeeze %dma_start3A_153 : memref<1x80xi32, #tpu.memory_space<vmem>> -> memref<80xi32, #tpu.memory_space<vmem>>
      %dma_start3A_155 = arith.constant 0 : i32
      %dma_start3A_156 = arith.constant 0 : i32
      %dma_start3A_157 = tpu.memref_slice %arg4[%dma_start3A_155, %dma_start3A_156] : memref<10000x32xf32, #tpu.memory_space<hbm>> -> memref<10000x32xf32, #tpu.memory_space<hbm>>
      tpu.enqueue_indirect_dma source(%dma_start3A_157 : memref<10000x32xf32, #tpu.memory_space<hbm>>) target(%arg11 : memref<80x32xf32, #tpu.memory_space<vmem>>) offsets(%dma_start3A_154 : memref<80xi32, #tpu.memory_space<vmem>>) semaphore(%arg23 : memref<!tpu.dma_semaphore, #tpu.memory_space<semaphore_mem>>)
      %dma_start3A_158 = arith.constant 0 : i32
      %dma_start3A_159 = tpu.memref_slice %arg10[%add3A_151, %dma_start3A_158] : memref<125x80xi32, #tpu.memory_space<vmem>> -> memref<1x80xi32, #tpu.memory_space<vmem>>
      %dma_start3A_160 = tpu.memref_squeeze %dma_start3A_159 : memref<1x80xi32, #tpu.memory_space<vmem>> -> memref<80xi32, #tpu.memory_space<vmem>>
      %dma_start3A_161 = arith.constant 0 : i32
      %dma_start3A_162 = arith.constant 0 : i32
      %dma_start3A_163 = tpu.memref_slice %arg5[%dma_start3A_161, %dma_start3A_162] : memref<10000x32xf32, #tpu.memory_space<hbm>> -> memref<10000x32xf32, #tpu.memory_space<hbm>>
      tpu.enqueue_indirect_dma source(%dma_start3A_163 : memref<10000x32xf32, #tpu.memory_space<hbm>>) target(%arg12 : memref<80x32xf32, #tpu.memory_space<vmem>>) offsets(%dma_start3A_160 : memref<80xi32, #tpu.memory_space<vmem>>) semaphore(%arg24 : memref<!tpu.dma_semaphore, #tpu.memory_space<semaphore_mem>>)
      %dma_start3A_164 = arith.constant 0 : i32
      %dma_start3A_165 = tpu.memref_slice %arg9[%add3A_151, %dma_start3A_164] : memref<125x80xi32, #tpu.memory_space<vmem>> -> memref<1x80xi32, #tpu.memory_space<vmem>>
      %dma_start3A_166 = tpu.memref_squeeze %dma_start3A_165 : memref<1x80xi32, #tpu.memory_space<vmem>> -> memref<80xi32, #tpu.memory_space<vmem>>
      %dma_start3A_167 = arith.constant 0 : i32
      %dma_start3A_168 = arith.constant 0 : i32
      %dma_start3A_169 = tpu.memref_slice %arg6[%dma_start3A_167, %dma_start3A_168] : memref<10000x32xf32, #tpu.memory_space<hbm>> -> memref<10000x32xf32, #tpu.memory_space<hbm>>
      tpu.enqueue_indirect_dma source(%dma_start3A_169 : memref<10000x32xf32, #tpu.memory_space<hbm>>) target(%arg13 : memref<80x32xf32, #tpu.memory_space<vmem>>) offsets(%dma_start3A_166 : memref<80xi32, #tpu.memory_space<vmem>>) semaphore(%arg25 : memref<!tpu.dma_semaphore, #tpu.memory_space<semaphore_mem>>)
      %dma_wait3A_170 = arith.constant 0 : i32
      %dma_wait3A_171 = arith.constant 0 : i32
      %dma_wait3A_172 = tpu.memref_slice %arg9[%dma_wait3A_170, %dma_wait3A_171] : memref<125x80xi32, #tpu.memory_space<vmem>> -> memref<1x80xi32, #tpu.memory_space<vmem>>
      %dma_wait3A_173 = tpu.memref_squeeze %dma_wait3A_172 : memref<1x80xi32, #tpu.memory_space<vmem>> -> memref<80xi32, #tpu.memory_space<vmem>>
      %dma_wait3A_174 = arith.constant 0 : i32
      %dma_wait3A_175 = arith.constant 0 : i32
      %dma_wait3A_176 = tpu.memref_slice %arg4[%dma_wait3A_174, %dma_wait3A_175] : memref<10000x32xf32, #tpu.memory_space<hbm>> -> memref<10000x32xf32, #tpu.memory_space<hbm>>
      tpu.wait_indirect_dma semaphore(%arg26 : memref<!tpu.dma_semaphore, #tpu.memory_space<semaphore_mem>>) src(%dma_wait3A_176 : memref<10000x32xf32, #tpu.memory_space<hbm>>) dst(%arg14 : memref<80x32xf32, #tpu.memory_space<vmem>>)
      %dma_wait3A_177 = arith.constant 0 : i32
      %dma_wait3A_178 = arith.constant 0 : i32
      %dma_wait3A_179 = tpu.memref_slice %arg10[%dma_wait3A_177, %dma_wait3A_178] : memref<125x80xi32, #tpu.memory_space<vmem>> -> memref<1x80xi32, #tpu.memory_space<vmem>>
      %dma_wait3A_180 = tpu.memref_squeeze %dma_wait3A_179 : memref<1x80xi32, #tpu.memory_space<vmem>> -> memref<80xi32, #tpu.memory_space<vmem>>
      %dma_wait3A_181 = arith.constant 0 : i32
      %dma_wait3A_182 = arith.constant 0 : i32
      %dma_wait3A_183 = tpu.memref_slice %arg5[%dma_wait3A_181, %dma_wait3A_182] : memref<10000x32xf32, #tpu.memory_space<hbm>> -> memref<10000x32xf32, #tpu.memory_space<hbm>>
      tpu.wait_indirect_dma semaphore(%arg27 : memref<!tpu.dma_semaphore, #tpu.memory_space<semaphore_mem>>) src(%dma_wait3A_183 : memref<10000x32xf32, #tpu.memory_space<hbm>>) dst(%arg15 : memref<80x32xf32, #tpu.memory_space<vmem>>)
      %dma_wait3A_184 = arith.constant 0 : i32
      %dma_wait3A_185 = arith.constant 0 : i32
      %dma_wait3A_186 = tpu.memref_slice %arg9[%dma_wait3A_184, %dma_wait3A_185] : memref<125x80xi32, #tpu.memory_space<vmem>> -> memref<1x80xi32, #tpu.memory_space<vmem>>
      %dma_wait3A_187 = tpu.memref_squeeze %dma_wait3A_186 : memref<1x80xi32, #tpu.memory_space<vmem>> -> memref<80xi32, #tpu.memory_space<vmem>>
      %dma_wait3A_188 = arith.constant 0 : i32
      %dma_wait3A_189 = arith.constant 0 : i32
      %dma_wait3A_190 = tpu.memref_slice %arg6[%dma_wait3A_188, %dma_wait3A_189] : memref<10000x32xf32, #tpu.memory_space<hbm>> -> memref<10000x32xf32, #tpu.memory_space<hbm>>
      tpu.wait_indirect_dma semaphore(%arg28 : memref<!tpu.dma_semaphore, #tpu.memory_space<semaphore_mem>>) src(%dma_wait3A_190 : memref<10000x32xf32, #tpu.memory_space<hbm>>) dst(%arg16 : memref<80x32xf32, #tpu.memory_space<vmem>>)
      %add3A_191 = arith.constant 1 : i32
      %add3A_192 = arith.addi %mul3A_101, %add3A_191 : i32
      %scan3A_193 = arith.constant 0 : i32
      %scan3A_194 = arith.constant 0 : i32
      %scan3A_195 = arith.constant 5 : i32
      %scan3A_196 = arith.addi %scan3A_194, %scan3A_195 : i32
      %scan3A_197 = arith.constant 1 : i32
      %scan3A_198 = scf.for %scan3A_201 = %scan3A_194 to %scan3A_196 step %scan3A_197 iter_args(%scan3A_202 = %scan3A_193) -> (i32)  : i32 {
        %mul3A_203 = arith.constant 16 : i32
        %mul3A_204 = arith.muli %scan3A_201, %mul3A_203 : i32
        %add3A_205 = vector.broadcast %mul3A_204 : i32 to vector<16xi32>
        %add3A_206 = arith.addi %add3A_205, %iota3A : vector<16xi32>
        %mul3A_207 = arith.constant 16 : i32
        %mul3A_208 = arith.muli %scan3A_201, %mul3A_207 : i32
        %get3A = arith.index_cast %add3A_192 : i32 to index
        %get3A_209 = arith.index_cast %mul3A_208 : i32 to index
        %get3A_210 = tpu.vector_load %arg10[%get3A, %get3A_209] {strides = array<i32>} : memref<125x80xi32, #tpu.memory_space<vmem>>, vector<16xi32>,
        %broadcast_in_dim3A_211 = arith.constant 0.000000e+00 : f32
        %broadcast_in_dim3A_212 = vector.broadcast %broadcast_in_dim3A_211 : f32 to vector<16xf32>
        %parallel_loop3A = arith.constant 0 : i32
        %parallel_loop3A_213 = arith.constant 32 : i32
        %parallel_loop3A_214 = arith.constant 1 : i32
        %parallel_loop3A_215 = scf.for %parallel_loop3A_264 = %parallel_loop3A to %parallel_loop3A_213 step %parallel_loop3A_214 iter_args(%parallel_loop3A_265 = %broadcast_in_dim3A_212) -> (vector<16xf32>)  : i32 {
          %parallel_loop3A_266 = vector.broadcast %parallel_loop3A_264 : i32 to vector<16xi32>
          %parallel_loop3A_267 = tpu.vector_load_idx %arg14[%add3A_206, %parallel_loop3A_266] : memref<80x32xf32, #tpu.memory_space<vmem>>[vector<16xi32>, vector<16xi32>], vector<16xf32>,
          %parallel_loop3A_268 = tpu.vector_load_idx %arg15[%add3A_206, %parallel_loop3A_266] : memref<80x32xf32, #tpu.memory_space<vmem>>[vector<16xi32>, vector<16xi32>], vector<16xf32>,
          %parallel_loop3A_269 = arith.mulf %parallel_loop3A_267, %parallel_loop3A_268 : vector<16xf32>
          %parallel_loop3A_270 = arith.addf %parallel_loop3A_265, %parallel_loop3A_269 : vector<16xf32>
          scf.yield %parallel_loop3A_270 : vector<16xf32>
        } {sc.loop_unroll_factor = 4 : i64, sc.parallel_access}
        %exp3A = math.exp %parallel_loop3A_215 : vector<16xf32>
        %jit3A = arith.constant 80 : i32
        %div3A = vector.broadcast %jit3A : i32 to vector<16xi32>
        %div3A_216 = arith.divsi %get3A_210, %div3A : vector<16xi32>
        %sign3A = arith.constant 0 : i32
        %sign3A_217 = vector.broadcast %sign3A : i32 to vector<16xi32>
        %sign3A_218 = arith.cmpi sgt, %get3A_210, %sign3A_217 : vector<16xi32>
        %sign3A_219 = arith.extui %sign3A_218 : vector<16xi1> to vector<16xi32>
        %sign3A_220 = arith.constant 0 : i32
        %sign3A_221 = vector.broadcast %sign3A_220 : i32 to vector<16xi32>
        %sign3A_222 = arith.cmpi slt, %get3A_210, %sign3A_221 : vector<16xi32>
        %sign3A_223 = arith.extui %sign3A_222 : vector<16xi1> to vector<16xi32>
        %sign3A_224 = arith.subi %sign3A_219, %sign3A_223 : vector<16xi32>
        %sign3A_225 = arith.constant 0 : i32
        %sign3A_226 = arith.cmpi sgt, %jit3A, %sign3A_225 : i32
        %sign3A_227 = arith.extui %sign3A_226 : i1 to i32
        %sign3A_228 = arith.constant 0 : i32
        %sign3A_229 = arith.cmpi slt, %jit3A, %sign3A_228 : i32
        %sign3A_230 = arith.extui %sign3A_229 : i1 to i32
        %sign3A_231 = arith.subi %sign3A_227, %sign3A_230 : i32
        %ne3A = vector.broadcast %sign3A_231 : i32 to vector<16xi32>
        %ne3A_232 = arith.cmpi ne, %sign3A_224, %ne3A : vector<16xi32>
        %rem3A = vector.broadcast %jit3A : i32 to vector<16xi32>
        %rem3A_233 = arith.remsi %get3A_210, %rem3A : vector<16xi32>
        %ne3A_234 = arith.constant 0 : i32
        %ne3A_235 = vector.broadcast %ne3A_234 : i32 to vector<16xi32>
        %ne3A_236 = arith.cmpi ne, %rem3A_233, %ne3A_235 : vector<16xi32>
        %and3A = arith.andi %ne3A_232, %ne3A_236 : vector<16xi1>
        %sub3A = arith.constant 1 : i32
        %sub3A_237 = vector.broadcast %sub3A : i32 to vector<16xi32>
        %sub3A_238 = arith.subi %div3A_216, %sub3A_237 : vector<16xi32>
        %select_n3A = arith.select %and3A, %sub3A_238, %div3A_216 : vector<16xi1>, vector<16xi32>
        %jit3A_239 = arith.constant 80 : i32
        %eq3A = arith.constant 0 : i32
        %eq3A_240 = arith.cmpi eq, %jit3A_239, %eq3A : i32
        %jit3A_241 = arith.constant 1 : i32
        %select_n3A_242 = arith.select %eq3A_240, %jit3A_241, %jit3A_239 : i32
        %rem3A_243 = vector.broadcast %select_n3A_242 : i32 to vector<16xi32>
        %rem3A_244 = arith.remsi %get3A_210, %rem3A_243 : vector<16xi32>
        %ne3A_245 = arith.constant 0 : i32
        %ne3A_246 = vector.broadcast %ne3A_245 : i32 to vector<16xi32>
        %ne3A_247 = arith.cmpi ne, %rem3A_244, %ne3A_246 : vector<16xi32>
        %lt3A_248 = arith.constant 0 : i32
        %lt3A_249 = vector.broadcast %lt3A_248 : i32 to vector<16xi32>
        %lt3A_250 = arith.cmpi slt, %rem3A_244, %lt3A_249 : vector<16xi32>
        %lt3A_251 = arith.constant 0 : i32
        %lt3A_252 = arith.cmpi slt, %select_n3A_242, %lt3A_251 : i32
        %ne3A_253 = vector.broadcast %lt3A_252 : i1 to vector<16xi1>
        %ne3A_254 = vector.broadcast %ne3A_253 : vector<16xi1> to vector<16xi1>
        %ne3A_255 = arith.xori %lt3A_250, %ne3A_254 : vector<16xi1>
        %and3A_256 = arith.andi %ne3A_255, %ne3A_247 : vector<16xi1>
        %add3A_257 = vector.broadcast %select_n3A_242 : i32 to vector<16xi32>
        %add3A_258 = arith.addi %rem3A_244, %add3A_257 : vector<16xi32>
        %select_n3A_259 = arith.select %and3A_256, %add3A_258, %rem3A_244 : vector<16xi1>, vector<16xi32>
        tpu.vector_store_idx %arg17[%select_n3A, %select_n3A_259], %exp3A {add = true} : memref<128x80xf32, #tpu.memory_space<vmem>>[vector<16xi32>, vector<16xi32>], vector<16xf32>,
        %parallel_loop3A_260 = arith.constant 0 : i32
        %parallel_loop3A_261 = arith.constant 32 : i32
        %parallel_loop3A_262 = arith.constant 1 : i32
        scf.for %parallel_loop3A_264 = %parallel_loop3A_260 to %parallel_loop3A_261 step %parallel_loop3A_262  : i32 {
          %parallel_loop3A_265 = vector.broadcast %parallel_loop3A_264 : i32 to vector<16xi32>
          %parallel_loop3A_266 = tpu.vector_load_idx %arg16[%add3A_206, %parallel_loop3A_265] : memref<80x32xf32, #tpu.memory_space<vmem>>[vector<16xi32>, vector<16xi32>], vector<16xf32>,
          %parallel_loop3A_267 = arith.mulf %parallel_loop3A_266, %exp3A : vector<16xf32>
          tpu.vector_store_idx %arg16[%add3A_206, %parallel_loop3A_265], %parallel_loop3A_267 : memref<80x32xf32, #tpu.memory_space<vmem>>[vector<16xi32>, vector<16xi32>], vector<16xf32>,
        } {sc.loop_unroll_factor = 4 : i64, sc.parallel_access}
        %scan3A_263 = arith.constant 0 : i32
        scf.yield %scan3A_263 : i32
      }
      %scan3A_199 = arith.constant 5 : i32
      "tpu.region"() ({
        %run_scoped3A_201 = tpu.sem_alloc : memref<!tpu.dma_semaphore, #tpu.memory_space<semaphore_mem>>
        %dma_start3A_202 = arith.constant 0 : i32
        %dma_start3A_203 = tpu.memref_slice %arg10[%add3A_192, %dma_start3A_202] : memref<125x80xi32, #tpu.memory_space<vmem>> -> memref<1x80xi32, #tpu.memory_space<vmem>>
        %dma_start3A_204 = tpu.memref_squeeze %dma_start3A_203 : memref<1x80xi32, #tpu.memory_space<vmem>> -> memref<80xi32, #tpu.memory_space<vmem>>
        %dma_start3A_205 = arith.constant 0 : i32
        %dma_start3A_206 = arith.constant 0 : i32
        %dma_start3A_207 = tpu.memref_slice %arg21[%dma_start3A_205, %dma_start3A_206] : memref<10000x32xf32, #tpu.memory_space<vmem_shared>> -> memref<10000x32xf32, #tpu.memory_space<vmem_shared>>
        tpu.enqueue_indirect_dma source(%arg16 : memref<80x32xf32, #tpu.memory_space<vmem>>) target(%dma_start3A_207 : memref<10000x32xf32, #tpu.memory_space<vmem_shared>>) offsets(%dma_start3A_204 : memref<80xi32, #tpu.memory_space<vmem>>) semaphore(%run_scoped3A_201 : memref<!tpu.dma_semaphore, #tpu.memory_space<semaphore_mem>>) {add = true}
        %dma_wait3A_208 = arith.constant 0 : i32
        %dma_wait3A_209 = tpu.memref_slice %arg10[%add3A_192, %dma_wait3A_208] : memref<125x80xi32, #tpu.memory_space<vmem>> -> memref<1x80xi32, #tpu.memory_space<vmem>>
        %dma_wait3A_210 = tpu.memref_squeeze %dma_wait3A_209 : memref<1x80xi32, #tpu.memory_space<vmem>> -> memref<80xi32, #tpu.memory_space<vmem>>
        %dma_wait3A_211 = arith.constant 0 : i32
        %dma_wait3A_212 = arith.constant 0 : i32
        %dma_wait3A_213 = tpu.memref_slice %arg21[%dma_wait3A_211, %dma_wait3A_212] : memref<10000x32xf32, #tpu.memory_space<vmem_shared>> -> memref<10000x32xf32, #tpu.memory_space<vmem_shared>>
        tpu.wait_indirect_dma semaphore(%run_scoped3A_201 : memref<!tpu.dma_semaphore, #tpu.memory_space<semaphore_mem>>) src(%arg16 : memref<80x32xf32, #tpu.memory_space<vmem>>) dst(%dma_wait3A_213 : memref<10000x32xf32, #tpu.memory_space<vmem_shared>>)
        tpu.yield
      }) : () -> ()
      %scan3A_200 = arith.constant 0 : i32
      scf.yield %scan3A_200 : i32
    }
    %scan3A_59 = arith.constant 62 : i32
    %dma_wait3A = arith.constant 0 : i32
    %dma_wait3A_60 = arith.constant 0 : i32
    %dma_wait3A_61 = tpu.memref_slice %arg9[%dma_wait3A, %dma_wait3A_60] : memref<125x80xi32, #tpu.memory_space<vmem>> -> memref<1x80xi32, #tpu.memory_space<vmem>>
    %dma_wait3A_62 = tpu.memref_squeeze %dma_wait3A_61 : memref<1x80xi32, #tpu.memory_space<vmem>> -> memref<80xi32, #tpu.memory_space<vmem>>
    %dma_wait3A_63 = arith.constant 0 : i32
    %dma_wait3A_64 = arith.constant 0 : i32
    %dma_wait3A_65 = tpu.memref_slice %arg4[%dma_wait3A_63, %dma_wait3A_64] : memref<10000x32xf32, #tpu.memory_space<hbm>> -> memref<10000x32xf32, #tpu.memory_space<hbm>>
    tpu.wait_indirect_dma semaphore(%arg23 : memref<!tpu.dma_semaphore, #tpu.memory_space<semaphore_mem>>) src(%dma_wait3A_65 : memref<10000x32xf32, #tpu.memory_space<hbm>>) dst(%arg11 : memref<80x32xf32, #tpu.memory_space<vmem>>)
    %dma_wait3A_66 = arith.constant 0 : i32
    %dma_wait3A_67 = arith.constant 0 : i32
    %dma_wait3A_68 = tpu.memref_slice %arg10[%dma_wait3A_66, %dma_wait3A_67] : memref<125x80xi32, #tpu.memory_space<vmem>> -> memref<1x80xi32, #tpu.memory_space<vmem>>
    %dma_wait3A_69 = tpu.memref_squeeze %dma_wait3A_68 : memref<1x80xi32, #tpu.memory_space<vmem>> -> memref<80xi32, #tpu.memory_space<vmem>>
    %dma_wait3A_70 = arith.constant 0 : i32
    %dma_wait3A_71 = arith.constant 0 : i32
    %dma_wait3A_72 = tpu.memref_slice %arg5[%dma_wait3A_70, %dma_wait3A_71] : memref<10000x32xf32, #tpu.memory_space<hbm>> -> memref<10000x32xf32, #tpu.memory_space<hbm>>
    tpu.wait_indirect_dma semaphore(%arg24 : memref<!tpu.dma_semaphore, #tpu.memory_space<semaphore_mem>>) src(%dma_wait3A_72 : memref<10000x32xf32, #tpu.memory_space<hbm>>) dst(%arg12 : memref<80x32xf32, #tpu.memory_space<vmem>>)
    %dma_wait3A_73 = arith.constant 0 : i32
    %dma_wait3A_74 = arith.constant 0 : i32
    %dma_wait3A_75 = tpu.memref_slice %arg9[%dma_wait3A_73, %dma_wait3A_74] : memref<125x80xi32, #tpu.memory_space<vmem>> -> memref<1x80xi32, #tpu.memory_space<vmem>>
    %dma_wait3A_76 = tpu.memref_squeeze %dma_wait3A_75 : memref<1x80xi32, #tpu.memory_space<vmem>> -> memref<80xi32, #tpu.memory_space<vmem>>
    %dma_wait3A_77 = arith.constant 0 : i32
    %dma_wait3A_78 = arith.constant 0 : i32
    %dma_wait3A_79 = tpu.memref_slice %arg6[%dma_wait3A_77, %dma_wait3A_78] : memref<10000x32xf32, #tpu.memory_space<hbm>> -> memref<10000x32xf32, #tpu.memory_space<hbm>>
    tpu.wait_indirect_dma semaphore(%arg25 : memref<!tpu.dma_semaphore, #tpu.memory_space<semaphore_mem>>) src(%dma_wait3A_79 : memref<10000x32xf32, #tpu.memory_space<hbm>>) dst(%arg13 : memref<80x32xf32, #tpu.memory_space<vmem>>)
    %scan3A_80 = arith.constant 0 : i32
    %scan3A_81 = arith.constant 0 : i32
    %scan3A_82 = arith.constant 5 : i32
    %scan3A_83 = arith.addi %scan3A_81, %scan3A_82 : i32
    %scan3A_84 = arith.constant 1 : i32
    %scan3A_85 = scf.for %scan3A_98 = %scan3A_81 to %scan3A_83 step %scan3A_84 iter_args(%scan3A_99 = %scan3A_80) -> (i32)  : i32 {
      %mul3A_100 = arith.constant 16 : i32
      %mul3A_101 = arith.muli %scan3A_98, %mul3A_100 : i32
      %add3A_102 = vector.broadcast %mul3A_101 : i32 to vector<16xi32>
      %add3A_103 = arith.addi %add3A_102, %iota3A : vector<16xi32>
      %mul3A_104 = arith.constant 16 : i32
      %mul3A_105 = arith.muli %scan3A_98, %mul3A_104 : i32
      %get3A = arith.constant 124 : i32
      %get3A_106 = arith.index_cast %get3A : i32 to index
      %get3A_107 = arith.index_cast %mul3A_105 : i32 to index
      %get3A_108 = tpu.vector_load %arg10[%get3A_106, %get3A_107] {strides = array<i32>} : memref<125x80xi32, #tpu.memory_space<vmem>>, vector<16xi32>,
      %broadcast_in_dim3A_109 = arith.constant 0.000000e+00 : f32
      %broadcast_in_dim3A_110 = vector.broadcast %broadcast_in_dim3A_109 : f32 to vector<16xf32>
      %parallel_loop3A = arith.constant 0 : i32
      %parallel_loop3A_111 = arith.constant 32 : i32
      %parallel_loop3A_112 = arith.constant 1 : i32
      %parallel_loop3A_113 = scf.for %parallel_loop3A_162 = %parallel_loop3A to %parallel_loop3A_111 step %parallel_loop3A_112 iter_args(%parallel_loop3A_163 = %broadcast_in_dim3A_110) -> (vector<16xf32>)  : i32 {
        %parallel_loop3A_164 = vector.broadcast %parallel_loop3A_162 : i32 to vector<16xi32>
        %parallel_loop3A_165 = tpu.vector_load_idx %arg11[%add3A_103, %parallel_loop3A_164] : memref<80x32xf32, #tpu.memory_space<vmem>>[vector<16xi32>, vector<16xi32>], vector<16xf32>,
        %parallel_loop3A_166 = tpu.vector_load_idx %arg12[%add3A_103, %parallel_loop3A_164] : memref<80x32xf32, #tpu.memory_space<vmem>>[vector<16xi32>, vector<16xi32>], vector<16xf32>,
        %parallel_loop3A_167 = arith.mulf %parallel_loop3A_165, %parallel_loop3A_166 : vector<16xf32>
        %parallel_loop3A_168 = arith.addf %parallel_loop3A_163, %parallel_loop3A_167 : vector<16xf32>
        scf.yield %parallel_loop3A_168 : vector<16xf32>
      } {sc.loop_unroll_factor = 4 : i64, sc.parallel_access}
      %exp3A = math.exp %parallel_loop3A_113 : vector<16xf32>
      %jit3A = arith.constant 80 : i32
      %div3A = vector.broadcast %jit3A : i32 to vector<16xi32>
      %div3A_114 = arith.divsi %get3A_108, %div3A : vector<16xi32>
      %sign3A = arith.constant 0 : i32
      %sign3A_115 = vector.broadcast %sign3A : i32 to vector<16xi32>
      %sign3A_116 = arith.cmpi sgt, %get3A_108, %sign3A_115 : vector<16xi32>
      %sign3A_117 = arith.extui %sign3A_116 : vector<16xi1> to vector<16xi32>
      %sign3A_118 = arith.constant 0 : i32
      %sign3A_119 = vector.broadcast %sign3A_118 : i32 to vector<16xi32>
      %sign3A_120 = arith.cmpi slt, %get3A_108, %sign3A_119 : vector<16xi32>
      %sign3A_121 = arith.extui %sign3A_120 : vector<16xi1> to vector<16xi32>
      %sign3A_122 = arith.subi %sign3A_117, %sign3A_121 : vector<16xi32>
      %sign3A_123 = arith.constant 0 : i32
      %sign3A_124 = arith.cmpi sgt, %jit3A, %sign3A_123 : i32
      %sign3A_125 = arith.extui %sign3A_124 : i1 to i32
      %sign3A_126 = arith.constant 0 : i32
      %sign3A_127 = arith.cmpi slt, %jit3A, %sign3A_126 : i32
      %sign3A_128 = arith.extui %sign3A_127 : i1 to i32
      %sign3A_129 = arith.subi %sign3A_125, %sign3A_128 : i32
      %ne3A = vector.broadcast %sign3A_129 : i32 to vector<16xi32>
      %ne3A_130 = arith.cmpi ne, %sign3A_122, %ne3A : vector<16xi32>
      %rem3A = vector.broadcast %jit3A : i32 to vector<16xi32>
      %rem3A_131 = arith.remsi %get3A_108, %rem3A : vector<16xi32>
      %ne3A_132 = arith.constant 0 : i32
      %ne3A_133 = vector.broadcast %ne3A_132 : i32 to vector<16xi32>
      %ne3A_134 = arith.cmpi ne, %rem3A_131, %ne3A_133 : vector<16xi32>
      %and3A = arith.andi %ne3A_130, %ne3A_134 : vector<16xi1>
      %sub3A = arith.constant 1 : i32
      %sub3A_135 = vector.broadcast %sub3A : i32 to vector<16xi32>
      %sub3A_136 = arith.subi %div3A_114, %sub3A_135 : vector<16xi32>
      %select_n3A = arith.select %and3A, %sub3A_136, %div3A_114 : vector<16xi1>, vector<16xi32>
      %jit3A_137 = arith.constant 80 : i32
      %eq3A = arith.constant 0 : i32
      %eq3A_138 = arith.cmpi eq, %jit3A_137, %eq3A : i32
      %jit3A_139 = arith.constant 1 : i32
      %select_n3A_140 = arith.select %eq3A_138, %jit3A_139, %jit3A_137 : i32
      %rem3A_141 = vector.broadcast %select_n3A_140 : i32 to vector<16xi32>
      %rem3A_142 = arith.remsi %get3A_108, %rem3A_141 : vector<16xi32>
      %ne3A_143 = arith.constant 0 : i32
      %ne3A_144 = vector.broadcast %ne3A_143 : i32 to vector<16xi32>
      %ne3A_145 = arith.cmpi ne, %rem3A_142, %ne3A_144 : vector<16xi32>
      %lt3A_146 = arith.constant 0 : i32
      %lt3A_147 = vector.broadcast %lt3A_146 : i32 to vector<16xi32>
      %lt3A_148 = arith.cmpi slt, %rem3A_142, %lt3A_147 : vector<16xi32>
      %lt3A_149 = arith.constant 0 : i32
      %lt3A_150 = arith.cmpi slt, %select_n3A_140, %lt3A_149 : i32
      %ne3A_151 = vector.broadcast %lt3A_150 : i1 to vector<16xi1>
      %ne3A_152 = vector.broadcast %ne3A_151 : vector<16xi1> to vector<16xi1>
      %ne3A_153 = arith.xori %lt3A_148, %ne3A_152 : vector<16xi1>
      %and3A_154 = arith.andi %ne3A_153, %ne3A_145 : vector<16xi1>
      %add3A_155 = vector.broadcast %select_n3A_140 : i32 to vector<16xi32>
      %add3A_156 = arith.addi %rem3A_142, %add3A_155 : vector<16xi32>
      %select_n3A_157 = arith.select %and3A_154, %add3A_156, %rem3A_142 : vector<16xi1>, vector<16xi32>
      tpu.vector_store_idx %arg17[%select_n3A, %select_n3A_157], %exp3A {add = true} : memref<128x80xf32, #tpu.memory_space<vmem>>[vector<16xi32>, vector<16xi32>], vector<16xf32>,
      %parallel_loop3A_158 = arith.constant 0 : i32
      %parallel_loop3A_159 = arith.constant 32 : i32
      %parallel_loop3A_160 = arith.constant 1 : i32
      scf.for %parallel_loop3A_162 = %parallel_loop3A_158 to %parallel_loop3A_159 step %parallel_loop3A_160  : i32 {
        %parallel_loop3A_163 = vector.broadcast %parallel_loop3A_162 : i32 to vector<16xi32>
        %parallel_loop3A_164 = tpu.vector_load_idx %arg13[%add3A_103, %parallel_loop3A_163] : memref<80x32xf32, #tpu.memory_space<vmem>>[vector<16xi32>, vector<16xi32>], vector<16xf32>,
        %parallel_loop3A_165 = arith.mulf %parallel_loop3A_164, %exp3A : vector<16xf32>
        tpu.vector_store_idx %arg13[%add3A_103, %parallel_loop3A_163], %parallel_loop3A_165 : memref<80x32xf32, #tpu.memory_space<vmem>>[vector<16xi32>, vector<16xi32>], vector<16xf32>,
      } {sc.loop_unroll_factor = 4 : i64, sc.parallel_access}
      %scan3A_161 = arith.constant 0 : i32
      scf.yield %scan3A_161 : i32
    }
    %scan3A_86 = arith.constant 5 : i32
    %run_scoped3A = arith.constant 124 : i32
    "tpu.region"() ({
      %run_scoped3A_98 = tpu.sem_alloc : memref<!tpu.dma_semaphore, #tpu.memory_space<semaphore_mem>>
      %dma_start3A_99 = arith.constant 0 : i32
      %dma_start3A_100 = tpu.memref_slice %arg10[%run_scoped3A, %dma_start3A_99] : memref<125x80xi32, #tpu.memory_space<vmem>> -> memref<1x80xi32, #tpu.memory_space<vmem>>
      %dma_start3A_101 = tpu.memref_squeeze %dma_start3A_100 : memref<1x80xi32, #tpu.memory_space<vmem>> -> memref<80xi32, #tpu.memory_space<vmem>>
      %dma_start3A_102 = arith.constant 0 : i32
      %dma_start3A_103 = arith.constant 0 : i32
      %dma_start3A_104 = tpu.memref_slice %arg21[%dma_start3A_102, %dma_start3A_103] : memref<10000x32xf32, #tpu.memory_space<vmem_shared>> -> memref<10000x32xf32, #tpu.memory_space<vmem_shared>>
      tpu.enqueue_indirect_dma source(%arg13 : memref<80x32xf32, #tpu.memory_space<vmem>>) target(%dma_start3A_104 : memref<10000x32xf32, #tpu.memory_space<vmem_shared>>) offsets(%dma_start3A_101 : memref<80xi32, #tpu.memory_space<vmem>>) semaphore(%run_scoped3A_98 : memref<!tpu.dma_semaphore, #tpu.memory_space<semaphore_mem>>) {add = true}
      %dma_wait3A_105 = arith.constant 0 : i32
      %dma_wait3A_106 = tpu.memref_slice %arg10[%run_scoped3A, %dma_wait3A_105] : memref<125x80xi32, #tpu.memory_space<vmem>> -> memref<1x80xi32, #tpu.memory_space<vmem>>
      %dma_wait3A_107 = tpu.memref_squeeze %dma_wait3A_106 : memref<1x80xi32, #tpu.memory_space<vmem>> -> memref<80xi32, #tpu.memory_space<vmem>>
      %dma_wait3A_108 = arith.constant 0 : i32
      %dma_wait3A_109 = arith.constant 0 : i32
      %dma_wait3A_110 = tpu.memref_slice %arg21[%dma_wait3A_108, %dma_wait3A_109] : memref<10000x32xf32, #tpu.memory_space<vmem_shared>> -> memref<10000x32xf32, #tpu.memory_space<vmem_shared>>
      tpu.wait_indirect_dma semaphore(%run_scoped3A_98 : memref<!tpu.dma_semaphore, #tpu.memory_space<semaphore_mem>>) src(%arg13 : memref<80x32xf32, #tpu.memory_space<vmem>>) dst(%dma_wait3A_110 : memref<10000x32xf32, #tpu.memory_space<vmem_shared>>)
      tpu.yield
    }) : () -> ()
    "tpu.region"() ({
      %run_scoped3A_98 = tpu.sem_alloc : memref<!tpu.dma_semaphore, #tpu.memory_space<semaphore_mem>>
      %dma_start3A_99 = arith.constant 0 : i32
      %dma_start3A_100 = arith.constant 0 : i32
      %dma_start3A_101 = tpu.memref_slice %arg22[%dma_start3A_99, %dma_start3A_100] : memref<128x80xf32, #tpu.memory_space<vmem_shared>> -> memref<128x80xf32, #tpu.memory_space<vmem_shared>>
      tpu.enqueue_indirect_dma source(%arg17 : memref<128x80xf32, #tpu.memory_space<vmem>>) target(%dma_start3A_101 : memref<128x80xf32, #tpu.memory_space<vmem_shared>>) offsets(%arg18 : memref<128xi32, #tpu.memory_space<vmem>>) semaphore(%run_scoped3A_98 : memref<!tpu.dma_semaphore, #tpu.memory_space<semaphore_mem>>) {add = true}
      %dma_wait3A_102 = arith.constant 0 : i32
      %dma_wait3A_103 = arith.constant 0 : i32
      %dma_wait3A_104 = tpu.memref_slice %arg22[%dma_wait3A_102, %dma_wait3A_103] : memref<128x80xf32, #tpu.memory_space<vmem_shared>> -> memref<128x80xf32, #tpu.memory_space<vmem_shared>>
      tpu.wait_indirect_dma semaphore(%run_scoped3A_98 : memref<!tpu.dma_semaphore, #tpu.memory_space<semaphore_mem>>) src(%arg17 : memref<128x80xf32, #tpu.memory_space<vmem>>) dst(%dma_wait3A_104 : memref<128x80xf32, #tpu.memory_space<vmem_shared>>)
      tpu.yield
    }) : () -> ()
    %barrier3A_87 = arith.constant 0 : index
    tpu.barrier barrier_id(%barrier3A_87)
    %lt3A_88 = arith.constant 10 : i32
    %lt3A_89 = arith.cmpi slt, %arg1, %lt3A_88 : i32
    %convert_element_type3A_90 = arith.extui %lt3A_89 : i1 to i32
    %cond3A_91 = arith.constant 0 : i32
    %cond3A_92 = arith.cmpi ne, %convert_element_type3A_90, %cond3A_91 : i32
    scf.if %cond3A_92 {
      %mul3A_98 = arith.constant 1000 : i32
      %mul3A_99 = arith.muli %arg1, %mul3A_98 : i32
      %mul3A_100 = arith.constant 1000 : i32
      %mul3A_101 = arith.muli %arg1, %mul3A_100 : i32
      "tpu.region"() ({
        %run_scoped3A_102 = tpu.sem_alloc : memref<!tpu.dma_semaphore, #tpu.memory_space<semaphore_mem>>
        %dma_start3A_103 = arith.constant 0 : i32
        %dma_start3A_104 = tpu.memref_slice %arg7[%arg0, %mul3A_101, %dma_start3A_103] : memref<2x10000x32xf32, #tpu.memory_space<hbm>> -> memref<1x1000x32xf32, #tpu.memory_space<hbm>>
        %dma_start3A_105 = tpu.memref_squeeze %dma_start3A_104 : memref<1x1000x32xf32, #tpu.memory_space<hbm>> -> memref<1000x32xf32, #tpu.memory_space<hbm>>
        %dma_start3A_106 = arith.constant 0 : i32
        %dma_start3A_107 = tpu.memref_slice %arg21[%mul3A_99, %dma_start3A_106] : memref<10000x32xf32, #tpu.memory_space<vmem_shared>> -> memref<1000x32xf32, #tpu.memory_space<vmem_shared>>
        tpu.enqueue_dma source(%dma_start3A_107 : memref<1000x32xf32, #tpu.memory_space<vmem_shared>>) target(%dma_start3A_105 : memref<1000x32xf32, #tpu.memory_space<hbm>>) target_semaphore(%run_scoped3A_102 : memref<!tpu.dma_semaphore, #tpu.memory_space<semaphore_mem>>)
        %dma_wait3A_108 = arith.constant 0 : i32
        %dma_wait3A_109 = tpu.memref_slice %arg7[%arg0, %mul3A_101, %dma_wait3A_108] : memref<2x10000x32xf32, #tpu.memory_space<hbm>> -> memref<1x1000x32xf32, #tpu.memory_space<hbm>>
        %dma_wait3A_110 = tpu.memref_squeeze %dma_wait3A_109 : memref<1x1000x32xf32, #tpu.memory_space<hbm>> -> memref<1000x32xf32, #tpu.memory_space<hbm>>
        %dma_wait3A_111 = arith.constant 0 : i32
        %dma_wait3A_112 = tpu.memref_slice %arg21[%mul3A_99, %dma_wait3A_111] : memref<10000x32xf32, #tpu.memory_space<vmem_shared>> -> memref<1000x32xf32, #tpu.memory_space<vmem_shared>>
        tpu.wait_dma2 semaphore(%run_scoped3A_102 : memref<!tpu.dma_semaphore, #tpu.memory_space<semaphore_mem>>) src(%dma_wait3A_112 : memref<1000x32xf32, #tpu.memory_space<vmem_shared>>) dst(%dma_wait3A_110 : memref<1000x32xf32, #tpu.memory_space<hbm>>)
        tpu.yield
      }) : () -> ()
    } else {
    }
    %lt3A_93 = arith.constant 8 : i32
    %lt3A_94 = arith.cmpi slt, %arg1, %lt3A_93 : i32
    %convert_element_type3A_95 = arith.extui %lt3A_94 : i1 to i32
    %cond3A_96 = arith.constant 0 : i32
    %cond3A_97 = arith.cmpi ne, %convert_element_type3A_95, %cond3A_96 : i32
    scf.if %cond3A_97 {
      %mul3A_98 = arith.constant 16 : i32
      %mul3A_99 = arith.muli %arg1, %mul3A_98 : i32
      %mul3A_100 = arith.constant 16 : i32
      %mul3A_101 = arith.muli %arg1, %mul3A_100 : i32
      "tpu.region"() ({
        %run_scoped3A_102 = tpu.sem_alloc : memref<!tpu.dma_semaphore, #tpu.memory_space<semaphore_mem>>
        %dma_start3A_103 = arith.constant 0 : i32
        %dma_start3A_104 = tpu.memref_slice %arg8[%arg0, %mul3A_101, %dma_start3A_103] : memref<2x128x80xf32, #tpu.memory_space<hbm>> -> memref<1x16x80xf32, #tpu.memory_space<hbm>>
        %dma_start3A_105 = tpu.memref_squeeze %dma_start3A_104 : memref<1x16x80xf32, #tpu.memory_space<hbm>> -> memref<16x80xf32, #tpu.memory_space<hbm>>
        %dma_start3A_106 = arith.constant 0 : i32
        %dma_start3A_107 = tpu.memref_slice %arg22[%mul3A_99, %dma_start3A_106] : memref<128x80xf32, #tpu.memory_space<vmem_shared>> -> memref<16x80xf32, #tpu.memory_space<vmem_shared>>
        tpu.enqueue_dma source(%dma_start3A_107 : memref<16x80xf32, #tpu.memory_space<vmem_shared>>) target(%dma_start3A_105 : memref<16x80xf32, #tpu.memory_space<hbm>>) target_semaphore(%run_scoped3A_102 : memref<!tpu.dma_semaphore, #tpu.memory_space<semaphore_mem>>)
        %dma_wait3A_108 = arith.constant 0 : i32
        %dma_wait3A_109 = tpu.memref_slice %arg8[%arg0, %mul3A_101, %dma_wait3A_108] : memref<2x128x80xf32, #tpu.memory_space<hbm>> -> memref<1x16x80xf32, #tpu.memory_space<hbm>>
        %dma_wait3A_110 = tpu.memref_squeeze %dma_wait3A_109 : memref<1x16x80xf32, #tpu.memory_space<hbm>> -> memref<16x80xf32, #tpu.memory_space<hbm>>
        %dma_wait3A_111 = arith.constant 0 : i32
        %dma_wait3A_112 = tpu.memref_slice %arg22[%mul3A_99, %dma_wait3A_111] : memref<128x80xf32, #tpu.memory_space<vmem_shared>> -> memref<16x80xf32, #tpu.memory_space<vmem_shared>>
        tpu.wait_dma2 semaphore(%run_scoped3A_102 : memref<!tpu.dma_semaphore, #tpu.memory_space<semaphore_mem>>) src(%dma_wait3A_112 : memref<16x80xf32, #tpu.memory_space<vmem_shared>>) dst(%dma_wait3A_110 : memref<16x80xf32, #tpu.memory_space<hbm>>)
        tpu.yield
      }) : () -> ()
    } else {
    }
    return
  }
}

#map = affine_map<(d0, d1) -> (0, 0, 0)>
#map1 = affine_map<(d0, d1) -> (0, 0)>
module attributes {stable_mosaic.version = 14 : i64} {
  func.func @_edge_body(%arg0: i32, %arg1: i32, %arg2: memref<32x125x80xi32, #tpu.memory_space<hbm>>, %arg3: memref<32x125x80xi32, #tpu.memory_space<hbm>>, %arg4: memref<10000x32xf32, #tpu.memory_space<hbm>>, %arg5: memref<10000x32xf32, #tpu.memory_space<hbm>>, %arg6: memref<10000x32xf32, #tpu.memory_space<hbm>>, %arg7: memref<2x10000x32xf32, #tpu.memory_space<hbm>>, %arg8: memref<2x128x80xf32, #tpu.memory_space<hbm>>, %arg9: memref<125x80xi32, #tpu.memory_space<vmem>>, %arg10: memref<125x80xi32, #tpu.memory_space<vmem>>, %arg11: memref<80x32xf32, #tpu.memory_space<vmem>>, %arg12: memref<80x32xf32, #tpu.memory_space<vmem>>, %arg13: memref<80x32xf32, #tpu.memory_space<vmem>>, %arg14: memref<80x32xf32, #tpu.memory_space<vmem>>, %arg15: memref<80x32xf32, #tpu.memory_space<vmem>>, %arg16: memref<80x32xf32, #tpu.memory_space<vmem>>, %arg17: memref<128x80xf32, #tpu.memory_space<vmem>>, %arg18: memref<128xi32, #tpu.memory_space<vmem>>, %arg19: memref<200x32xf32, #tpu.memory_space<vmem>>, %arg20: memref<8x80xf32, #tpu.memory_space<vmem>>, %arg21: memref<10000x32xf32, #tpu.memory_space<vmem_shared>>, %arg22: memref<128x80xf32, #tpu.memory_space<vmem_shared>>, %arg23: memref<!tpu.dma_semaphore, #tpu.memory_space<semaphore_mem>>, %arg24: memref<!tpu.dma_semaphore, #tpu.memory_space<semaphore_mem>>, %arg25: memref<!tpu.dma_semaphore, #tpu.memory_space<semaphore_mem>>, %arg26: memref<!tpu.dma_semaphore, #tpu.memory_space<semaphore_mem>>, %arg27: memref<!tpu.dma_semaphore, #tpu.memory_space<semaphore_mem>>, %arg28: memref<!tpu.dma_semaphore, #tpu.memory_space<semaphore_mem>>) attributes {dimension_semantics = [#tpu.dimension_semantics<core_parallel>, #tpu.dimension_semantics<subcore_parallel>], iteration_bounds = array<i64: 2, 16>, scalar_prefetch = 0 : i64, scratch_operands = 20 : i64, tpu.core_type = #tpu.core_type<sc_vector_subcore>, window_params = [{transform_indices = #map}, {transform_indices = #map}, {transform_indices = #map1}, {transform_indices = #map1}, {transform_indices = #map1}, {transform_indices = #map}, {transform_indices = #map}]} {
    %mul3A = arith.constant 16 : i32
    %mul3A_0 = arith.muli %arg0, %mul3A : i32
    %add3A = arith.addi %mul3A_0, %arg1 : i32
    %iota3A = tpu.iota {dimensions = array<i32: 0>} : vector<16xi32>
    %broadcast_in_dim3A = arith.constant 0.000000e+00 : f32
    %broadcast_in_dim3A_1 = vector.broadcast %broadcast_in_dim3A : f32 to vector<16xf32>
    %scan3A = arith.constant 0 : i32
    %scan3A_2 = arith.constant 0 : i32
    %scan3A_3 = arith.constant 400 : i32
    %scan3A_4 = arith.addi %scan3A_2, %scan3A_3 : i32
    %scan3A_5 = arith.constant 1 : i32
    %scan3A_6 = scf.for %scan3A_98 = %scan3A_2 to %scan3A_4 step %scan3A_5 iter_args(%scan3A_99 = %scan3A) -> (i32)  : i32 {
      %jit3A = arith.constant 2 : i32
      %div3A = arith.divsi %scan3A_98, %jit3A : i32
      %sign3A = arith.constant 0 : i32
      %sign3A_100 = arith.cmpi sgt, %scan3A_98, %sign3A : i32
      %sign3A_101 = arith.extui %sign3A_100 : i1 to i32
      %sign3A_102 = arith.constant 0 : i32
      %sign3A_103 = arith.cmpi slt, %scan3A_98, %sign3A_102 : i32
      %sign3A_104 = arith.extui %sign3A_103 : i1 to i32
      %sign3A_105 = arith.subi %sign3A_101, %sign3A_104 : i32
      %sign3A_106 = arith.constant 0 : i32
      %sign3A_107 = arith.cmpi sgt, %jit3A, %sign3A_106 : i32
      %sign3A_108 = arith.extui %sign3A_107 : i1 to i32
      %sign3A_109 = arith.constant 0 : i32
      %sign3A_110 = arith.cmpi slt, %jit3A, %sign3A_109 : i32
      %sign3A_111 = arith.extui %sign3A_110 : i1 to i32
      %sign3A_112 = arith.subi %sign3A_108, %sign3A_111 : i32
      %ne3A = arith.cmpi ne, %sign3A_105, %sign3A_112 : i32
      %rem3A = arith.remsi %scan3A_98, %jit3A : i32
      %ne3A_113 = arith.constant 0 : i32
      %ne3A_114 = arith.cmpi ne, %rem3A, %ne3A_113 : i32
      %and3A = arith.andi %ne3A, %ne3A_114 : i1
      %sub3A = arith.constant 1 : i32
      %sub3A_115 = arith.subi %div3A, %sub3A : i32
      %select_n3A = arith.select %and3A, %sub3A_115, %div3A : i32
      %jit3A_116 = arith.constant 2 : i32
      %eq3A = arith.constant 0 : i32
      %eq3A_117 = arith.cmpi eq, %jit3A_116, %eq3A : i32
      %jit3A_118 = arith.constant 1 : i32
      %select_n3A_119 = arith.select %eq3A_117, %jit3A_118, %jit3A_116 : i32
      %rem3A_120 = arith.remsi %scan3A_98, %select_n3A_119 : i32
      %ne3A_121 = arith.constant 0 : i32
      %ne3A_122 = arith.cmpi ne, %rem3A_120, %ne3A_121 : i32
      %lt3A_123 = arith.constant 0 : i32
      %lt3A_124 = arith.cmpi slt, %rem3A_120, %lt3A_123 : i32
      %lt3A_125 = arith.constant 0 : i32
      %lt3A_126 = arith.cmpi slt, %select_n3A_119, %lt3A_125 : i32
      %ne3A_127 = arith.xori %lt3A_124, %lt3A_126 : i1
      %and3A_128 = arith.andi %ne3A_127, %ne3A_122 : i1
      %add3A_129 = arith.addi %rem3A_120, %select_n3A_119 : i32
      %select_n3A_130 = arith.select %and3A_128, %add3A_129, %rem3A_120 : i32
      %mul3A_131 = arith.constant 16 : i32
      %mul3A_132 = arith.muli %select_n3A_130, %mul3A_131 : i32
      %swap3A = arith.index_cast %select_n3A : i32 to index
      %swap3A_133 = arith.index_cast %mul3A_132 : i32 to index
      %swap3A_134 = tpu.vector_load %arg19[%swap3A, %swap3A_133] {strides = array<i32>} : memref<200x32xf32, #tpu.memory_space<vmem>>, vector<16xf32>,
      tpu.vector_store %arg19[%swap3A, %swap3A_133], %broadcast_in_dim3A_1 {strides = array<i32>} : memref<200x32xf32, #tpu.memory_space<vmem>>, vector<16xf32>,
      %scan3A_135 = arith.constant 0 : i32
      scf.yield %scan3A_135 : i32
    }
    %scan3A_7 = arith.constant 400 : i32
    %scan3A_8 = arith.constant 0 : i32
    %scan3A_9 = arith.constant 0 : i32
    %scan3A_10 = arith.constant 40 : i32
    %scan3A_11 = arith.addi %scan3A_9, %scan3A_10 : i32
    %scan3A_12 = arith.constant 1 : i32
    %scan3A_13 = scf.for %scan3A_98 = %scan3A_9 to %scan3A_11 step %scan3A_12 iter_args(%scan3A_99 = %scan3A_8) -> (i32)  : i32 {
      %jit3A = arith.constant 5 : i32
      %div3A = arith.divsi %scan3A_98, %jit3A : i32
      %sign3A = arith.constant 0 : i32
      %sign3A_100 = arith.cmpi sgt, %scan3A_98, %sign3A : i32
      %sign3A_101 = arith.extui %sign3A_100 : i1 to i32
      %sign3A_102 = arith.constant 0 : i32
      %sign3A_103 = arith.cmpi slt, %scan3A_98, %sign3A_102 : i32
      %sign3A_104 = arith.extui %sign3A_103 : i1 to i32
      %sign3A_105 = arith.subi %sign3A_101, %sign3A_104 : i32
      %sign3A_106 = arith.constant 0 : i32
      %sign3A_107 = arith.cmpi sgt, %jit3A, %sign3A_106 : i32
      %sign3A_108 = arith.extui %sign3A_107 : i1 to i32
      %sign3A_109 = arith.constant 0 : i32
      %sign3A_110 = arith.cmpi slt, %jit3A, %sign3A_109 : i32
      %sign3A_111 = arith.extui %sign3A_110 : i1 to i32
      %sign3A_112 = arith.subi %sign3A_108, %sign3A_111 : i32
      %ne3A = arith.cmpi ne, %sign3A_105, %sign3A_112 : i32
      %rem3A = arith.remsi %scan3A_98, %jit3A : i32
      %ne3A_113 = arith.constant 0 : i32
      %ne3A_114 = arith.cmpi ne, %rem3A, %ne3A_113 : i32
      %and3A = arith.andi %ne3A, %ne3A_114 : i1
      %sub3A = arith.constant 1 : i32
      %sub3A_115 = arith.subi %div3A, %sub3A : i32
      %select_n3A = arith.select %and3A, %sub3A_115, %div3A : i32
      %jit3A_116 = arith.constant 5 : i32
      %eq3A = arith.constant 0 : i32
      %eq3A_117 = arith.cmpi eq, %jit3A_116, %eq3A : i32
      %jit3A_118 = arith.constant 1 : i32
      %select_n3A_119 = arith.select %eq3A_117, %jit3A_118, %jit3A_116 : i32
      %rem3A_120 = arith.remsi %scan3A_98, %select_n3A_119 : i32
      %ne3A_121 = arith.constant 0 : i32
      %ne3A_122 = arith.cmpi ne, %rem3A_120, %ne3A_121 : i32
      %lt3A_123 = arith.constant 0 : i32
      %lt3A_124 = arith.cmpi slt, %rem3A_120, %lt3A_123 : i32
      %lt3A_125 = arith.constant 0 : i32
      %lt3A_126 = arith.cmpi slt, %select_n3A_119, %lt3A_125 : i32
      %ne3A_127 = arith.xori %lt3A_124, %lt3A_126 : i1
      %and3A_128 = arith.andi %ne3A_127, %ne3A_122 : i1
      %add3A_129 = arith.addi %rem3A_120, %select_n3A_119 : i32
      %select_n3A_130 = arith.select %and3A_128, %add3A_129, %rem3A_120 : i32
      %mul3A_131 = arith.constant 16 : i32
      %mul3A_132 = arith.muli %select_n3A_130, %mul3A_131 : i32
      %swap3A = arith.index_cast %select_n3A : i32 to index
      %swap3A_133 = arith.index_cast %mul3A_132 : i32 to index
      %swap3A_134 = tpu.vector_load %arg20[%swap3A, %swap3A_133] {strides = array<i32>} : memref<8x80xf32, #tpu.memory_space<vmem>>, vector<16xf32>,
      tpu.vector_store %arg20[%swap3A, %swap3A_133], %broadcast_in_dim3A_1 {strides = array<i32>} : memref<8x80xf32, #tpu.memory_space<vmem>>, vector<16xf32>,
      %scan3A_135 = arith.constant 0 : i32
      scf.yield %scan3A_135 : i32
    }
    %scan3A_14 = arith.constant 40 : i32
    %scan3A_15 = arith.constant 0 : i32
    %scan3A_16 = arith.constant 0 : i32
    %scan3A_17 = arith.constant 640 : i32
    %scan3A_18 = arith.addi %scan3A_16, %scan3A_17 : i32
    %scan3A_19 = arith.constant 1 : i32
    %scan3A_20 = scf.for %scan3A_98 = %scan3A_16 to %scan3A_18 step %scan3A_19 iter_args(%scan3A_99 = %scan3A_15) -> (i32)  : i32 {
      %jit3A = arith.constant 5 : i32
      %div3A = arith.divsi %scan3A_98, %jit3A : i32
      %sign3A = arith.constant 0 : i32
      %sign3A_100 = arith.cmpi sgt, %scan3A_98, %sign3A : i32
      %sign3A_101 = arith.extui %sign3A_100 : i1 to i32
      %sign3A_102 = arith.constant 0 : i32
      %sign3A_103 = arith.cmpi slt, %scan3A_98, %sign3A_102 : i32
      %sign3A_104 = arith.extui %sign3A_103 : i1 to i32
      %sign3A_105 = arith.subi %sign3A_101, %sign3A_104 : i32
      %sign3A_106 = arith.constant 0 : i32
      %sign3A_107 = arith.cmpi sgt, %jit3A, %sign3A_106 : i32
      %sign3A_108 = arith.extui %sign3A_107 : i1 to i32
      %sign3A_109 = arith.constant 0 : i32
      %sign3A_110 = arith.cmpi slt, %jit3A, %sign3A_109 : i32
      %sign3A_111 = arith.extui %sign3A_110 : i1 to i32
      %sign3A_112 = arith.subi %sign3A_108, %sign3A_111 : i32
      %ne3A = arith.cmpi ne, %sign3A_105, %sign3A_112 : i32
      %rem3A = arith.remsi %scan3A_98, %jit3A : i32
      %ne3A_113 = arith.constant 0 : i32
      %ne3A_114 = arith.cmpi ne, %rem3A, %ne3A_113 : i32
      %and3A = arith.andi %ne3A, %ne3A_114 : i1
      %sub3A = arith.constant 1 : i32
      %sub3A_115 = arith.subi %div3A, %sub3A : i32
      %select_n3A = arith.select %and3A, %sub3A_115, %div3A : i32
      %jit3A_116 = arith.constant 5 : i32
      %eq3A = arith.constant 0 : i32
      %eq3A_117 = arith.cmpi eq, %jit3A_116, %eq3A : i32
      %jit3A_118 = arith.constant 1 : i32
      %select_n3A_119 = arith.select %eq3A_117, %jit3A_118, %jit3A_116 : i32
      %rem3A_120 = arith.remsi %scan3A_98, %select_n3A_119 : i32
      %ne3A_121 = arith.constant 0 : i32
      %ne3A_122 = arith.cmpi ne, %rem3A_120, %ne3A_121 : i32
      %lt3A_123 = arith.constant 0 : i32
      %lt3A_124 = arith.cmpi slt, %rem3A_120, %lt3A_123 : i32
      %lt3A_125 = arith.constant 0 : i32
      %lt3A_126 = arith.cmpi slt, %select_n3A_119, %lt3A_125 : i32
      %ne3A_127 = arith.xori %lt3A_124, %lt3A_126 : i1
      %and3A_128 = arith.andi %ne3A_127, %ne3A_122 : i1
      %add3A_129 = arith.addi %rem3A_120, %select_n3A_119 : i32
      %select_n3A_130 = arith.select %and3A_128, %add3A_129, %rem3A_120 : i32
      %mul3A_131 = arith.constant 16 : i32
      %mul3A_132 = arith.muli %select_n3A_130, %mul3A_131 : i32
      %swap3A = arith.index_cast %select_n3A : i32 to index
      %swap3A_133 = arith.index_cast %mul3A_132 : i32 to index
      %swap3A_134 = tpu.vector_load %arg17[%swap3A, %swap3A_133] {strides = array<i32>} : memref<128x80xf32, #tpu.memory_space<vmem>>, vector<16xf32>,
      tpu.vector_store %arg17[%swap3A, %swap3A_133], %broadcast_in_dim3A_1 {strides = array<i32>} : memref<128x80xf32, #tpu.memory_space<vmem>>, vector<16xf32>,
      %scan3A_135 = arith.constant 0 : i32
      scf.yield %scan3A_135 : i32
    }
    %scan3A_21 = arith.constant 640 : i32
    %scan3A_22 = arith.constant 0 : i32
    %scan3A_23 = arith.constant 0 : i32
    %scan3A_24 = arith.constant 8 : i32
    %scan3A_25 = arith.addi %scan3A_23, %scan3A_24 : i32
    %scan3A_26 = arith.constant 1 : i32
    %scan3A_27 = scf.for %scan3A_98 = %scan3A_23 to %scan3A_25 step %scan3A_26 iter_args(%scan3A_99 = %scan3A_22) -> (i32)  : i32 {
      %mul3A_100 = arith.constant 16 : i32
      %mul3A_101 = arith.muli %scan3A_98, %mul3A_100 : i32
      %add3A_102 = vector.broadcast %mul3A_101 : i32 to vector<16xi32>
      %add3A_103 = arith.addi %iota3A, %add3A_102 : vector<16xi32>
      %mul3A_104 = arith.constant 16 : i32
      %mul3A_105 = arith.muli %scan3A_98, %mul3A_104 : i32
      %swap3A = arith.index_cast %mul3A_105 : i32 to index
      %swap3A_106 = tpu.vector_load %arg18[%swap3A] {strides = array<i32>} : memref<128xi32, #tpu.memory_space<vmem>>, vector<16xi32>,
      tpu.vector_store %arg18[%swap3A], %add3A_103 {strides = array<i32>} : memref<128xi32, #tpu.memory_space<vmem>>, vector<16xi32>,
      %scan3A_107 = arith.constant 0 : i32
      scf.yield %scan3A_107 : i32
    }
    %scan3A_28 = arith.constant 8 : i32
    "tpu.region"() ({
      %run_scoped3A_98 = tpu.sem_alloc : memref<!tpu.dma_semaphore, #tpu.memory_space<semaphore_mem>>
      %dma_start3A_99 = arith.constant 0 : i32
      %dma_start3A_100 = arith.constant 0 : i32
      %dma_start3A_101 = tpu.memref_slice %arg2[%add3A, %dma_start3A_99, %dma_start3A_100] : memref<32x125x80xi32, #tpu.memory_space<hbm>> -> memref<1x125x80xi32, #tpu.memory_space<hbm>>
      %dma_start3A_102 = tpu.memref_squeeze %dma_start3A_101 : memref<1x125x80xi32, #tpu.memory_space<hbm>> -> memref<125x80xi32, #tpu.memory_space<hbm>>
      %dma_start3A_103 = arith.constant 0 : i32
      %dma_start3A_104 = arith.constant 0 : i32
      %dma_start3A_105 = tpu.memref_slice %arg2[%add3A, %dma_start3A_103, %dma_start3A_104] : memref<32x125x80xi32, #tpu.memory_space<hbm>> -> memref<1x125x80xi32, #tpu.memory_space<hbm>>
      %dma_start3A_106 = tpu.memref_squeeze %dma_start3A_105 : memref<1x125x80xi32, #tpu.memory_space<hbm>> -> memref<125x80xi32, #tpu.memory_space<hbm>>
      tpu.enqueue_dma source(%dma_start3A_106 : memref<125x80xi32, #tpu.memory_space<hbm>>) target(%arg9 : memref<125x80xi32, #tpu.memory_space<vmem>>) target_semaphore(%run_scoped3A_98 : memref<!tpu.dma_semaphore, #tpu.memory_space<semaphore_mem>>)
      %dma_wait3A_107 = arith.constant 0 : i32
      %dma_wait3A_108 = arith.constant 0 : i32
      %dma_wait3A_109 = tpu.memref_slice %arg2[%add3A, %dma_wait3A_107, %dma_wait3A_108] : memref<32x125x80xi32, #tpu.memory_space<hbm>> -> memref<1x125x80xi32, #tpu.memory_space<hbm>>
      %dma_wait3A_110 = tpu.memref_squeeze %dma_wait3A_109 : memref<1x125x80xi32, #tpu.memory_space<hbm>> -> memref<125x80xi32, #tpu.memory_space<hbm>>
      %dma_wait3A_111 = arith.constant 0 : i32
      %dma_wait3A_112 = arith.constant 0 : i32
      %dma_wait3A_113 = tpu.memref_slice %arg2[%add3A, %dma_wait3A_111, %dma_wait3A_112] : memref<32x125x80xi32, #tpu.memory_space<hbm>> -> memref<1x125x80xi32, #tpu.memory_space<hbm>>
      %dma_wait3A_114 = tpu.memref_squeeze %dma_wait3A_113 : memref<1x125x80xi32, #tpu.memory_space<hbm>> -> memref<125x80xi32, #tpu.memory_space<hbm>>
      tpu.wait_dma2 semaphore(%run_scoped3A_98 : memref<!tpu.dma_semaphore, #tpu.memory_space<semaphore_mem>>) src(%dma_wait3A_114 : memref<125x80xi32, #tpu.memory_space<hbm>>) dst(%arg9 : memref<125x80xi32, #tpu.memory_space<vmem>>)
      tpu.yield
    }) : () -> ()
    "tpu.region"() ({
      %run_scoped3A_98 = tpu.sem_alloc : memref<!tpu.dma_semaphore, #tpu.memory_space<semaphore_mem>>
      %dma_start3A_99 = arith.constant 0 : i32
      %dma_start3A_100 = arith.constant 0 : i32
      %dma_start3A_101 = tpu.memref_slice %arg3[%add3A, %dma_start3A_99, %dma_start3A_100] : memref<32x125x80xi32, #tpu.memory_space<hbm>> -> memref<1x125x80xi32, #tpu.memory_space<hbm>>
      %dma_start3A_102 = tpu.memref_squeeze %dma_start3A_101 : memref<1x125x80xi32, #tpu.memory_space<hbm>> -> memref<125x80xi32, #tpu.memory_space<hbm>>
      %dma_start3A_103 = arith.constant 0 : i32
      %dma_start3A_104 = arith.constant 0 : i32
      %dma_start3A_105 = tpu.memref_slice %arg3[%add3A, %dma_start3A_103, %dma_start3A_104] : memref<32x125x80xi32, #tpu.memory_space<hbm>> -> memref<1x125x80xi32, #tpu.memory_space<hbm>>
      %dma_start3A_106 = tpu.memref_squeeze %dma_start3A_105 : memref<1x125x80xi32, #tpu.memory_space<hbm>> -> memref<125x80xi32, #tpu.memory_space<hbm>>
      tpu.enqueue_dma source(%dma_start3A_106 : memref<125x80xi32, #tpu.memory_space<hbm>>) target(%arg10 : memref<125x80xi32, #tpu.memory_space<vmem>>) target_semaphore(%run_scoped3A_98 : memref<!tpu.dma_semaphore, #tpu.memory_space<semaphore_mem>>)
      %dma_wait3A_107 = arith.constant 0 : i32
      %dma_wait3A_108 = arith.constant 0 : i32
      %dma_wait3A_109 = tpu.memref_slice %arg3[%add3A, %dma_wait3A_107, %dma_wait3A_108] : memref<32x125x80xi32, #tpu.memory_space<hbm>> -> memref<1x125x80xi32, #tpu.memory_space<hbm>>
      %dma_wait3A_110 = tpu.memref_squeeze %dma_wait3A_109 : memref<1x125x80xi32, #tpu.memory_space<hbm>> -> memref<125x80xi32, #tpu.memory_space<hbm>>
      %dma_wait3A_111 = arith.constant 0 : i32
      %dma_wait3A_112 = arith.constant 0 : i32
      %dma_wait3A_113 = tpu.memref_slice %arg3[%add3A, %dma_wait3A_111, %dma_wait3A_112] : memref<32x125x80xi32, #tpu.memory_space<hbm>> -> memref<1x125x80xi32, #tpu.memory_space<hbm>>
      %dma_wait3A_114 = tpu.memref_squeeze %dma_wait3A_113 : memref<1x125x80xi32, #tpu.memory_space<hbm>> -> memref<125x80xi32, #tpu.memory_space<hbm>>
      tpu.wait_dma2 semaphore(%run_scoped3A_98 : memref<!tpu.dma_semaphore, #tpu.memory_space<semaphore_mem>>) src(%dma_wait3A_114 : memref<125x80xi32, #tpu.memory_space<hbm>>) dst(%arg10 : memref<125x80xi32, #tpu.memory_space<vmem>>)
      tpu.yield
    }) : () -> ()
    %lt3A = arith.constant 10 : i32
    %lt3A_29 = arith.cmpi slt, %arg1, %lt3A : i32
    %convert_element_type3A = arith.extui %lt3A_29 : i1 to i32
    %cond3A = arith.constant 0 : i32
    %cond3A_30 = arith.cmpi ne, %convert_element_type3A, %cond3A : i32
    scf.if %cond3A_30 {
      %scan3A_98 = arith.constant 0 : i32
      %scan3A_99 = arith.constant 0 : i32
      %scan3A_100 = arith.constant 5 : i32
      %scan3A_101 = arith.addi %scan3A_99, %scan3A_100 : i32
      %scan3A_102 = arith.constant 1 : i32
      %scan3A_103 = scf.for %scan3A_105 = %scan3A_99 to %scan3A_101 step %scan3A_102 iter_args(%scan3A_106 = %scan3A_98) -> (i32)  : i32 {
        %mul3A_107 = arith.constant 1000 : i32
        %mul3A_108 = arith.muli %arg1, %mul3A_107 : i32
        %mul3A_109 = arith.constant 200 : i32
        %mul3A_110 = arith.muli %scan3A_105, %mul3A_109 : i32
        %add3A_111 = arith.addi %mul3A_108, %mul3A_110 : i32
        "tpu.region"() ({
          %run_scoped3A_113 = tpu.sem_alloc : memref<!tpu.dma_semaphore, #tpu.memory_space<semaphore_mem>>
          %dma_start3A_114 = arith.constant 0 : i32
          %dma_start3A_115 = tpu.memref_slice %arg21[%add3A_111, %dma_start3A_114] : memref<10000x32xf32, #tpu.memory_space<vmem_shared>> -> memref<200x32xf32, #tpu.memory_space<vmem_shared>>
          %dma_start3A_116 = arith.constant 0 : i32
          %dma_start3A_117 = tpu.memref_slice %arg21[%add3A_111, %dma_start3A_116] : memref<10000x32xf32, #tpu.memory_space<vmem_shared>> -> memref<200x32xf32, #tpu.memory_space<vmem_shared>>
          tpu.enqueue_dma source(%arg19 : memref<200x32xf32, #tpu.memory_space<vmem>>) target(%dma_start3A_117 : memref<200x32xf32, #tpu.memory_space<vmem_shared>>) target_semaphore(%run_scoped3A_113 : memref<!tpu.dma_semaphore, #tpu.memory_space<semaphore_mem>>)
          %dma_wait3A_118 = arith.constant 0 : i32
          %dma_wait3A_119 = tpu.memref_slice %arg21[%add3A_111, %dma_wait3A_118] : memref<10000x32xf32, #tpu.memory_space<vmem_shared>> -> memref<200x32xf32, #tpu.memory_space<vmem_shared>>
          %dma_wait3A_120 = arith.constant 0 : i32
          %dma_wait3A_121 = tpu.memref_slice %arg21[%add3A_111, %dma_wait3A_120] : memref<10000x32xf32, #tpu.memory_space<vmem_shared>> -> memref<200x32xf32, #tpu.memory_space<vmem_shared>>
          tpu.wait_dma2 semaphore(%run_scoped3A_113 : memref<!tpu.dma_semaphore, #tpu.memory_space<semaphore_mem>>) src(%arg19 : memref<200x32xf32, #tpu.memory_space<vmem>>) dst(%dma_wait3A_121 : memref<200x32xf32, #tpu.memory_space<vmem_shared>>)
          tpu.yield
        }) : () -> ()
        %scan3A_112 = arith.constant 0 : i32
        scf.yield %scan3A_112 : i32
      }
      %scan3A_104 = arith.constant 5 : i32
    } else {
    }
    %mul3A_31 = arith.constant 8 : i32
    %mul3A_32 = arith.muli %arg1, %mul3A_31 : i32
    "tpu.region"() ({
      %run_scoped3A_98 = tpu.sem_alloc : memref<!tpu.dma_semaphore, #tpu.memory_space<semaphore_mem>>
      %dma_start3A_99 = arith.constant 0 : i32
      %dma_start3A_100 = tpu.memref_slice %arg22[%mul3A_32, %dma_start3A_99] : memref<128x80xf32, #tpu.memory_space<vmem_shared>> -> memref<8x80xf32, #tpu.memory_space<vmem_shared>>
      %dma_start3A_101 = arith.constant 0 : i32
      %dma_start3A_102 = tpu.memref_slice %arg22[%mul3A_32, %dma_start3A_101] : memref<128x80xf32, #tpu.memory_space<vmem_shared>> -> memref<8x80xf32, #tpu.memory_space<vmem_shared>>
      tpu.enqueue_dma source(%arg20 : memref<8x80xf32, #tpu.memory_space<vmem>>) target(%dma_start3A_102 : memref<8x80xf32, #tpu.memory_space<vmem_shared>>) target_semaphore(%run_scoped3A_98 : memref<!tpu.dma_semaphore, #tpu.memory_space<semaphore_mem>>)
      %dma_wait3A_103 = arith.constant 0 : i32
      %dma_wait3A_104 = tpu.memref_slice %arg22[%mul3A_32, %dma_wait3A_103] : memref<128x80xf32, #tpu.memory_space<vmem_shared>> -> memref<8x80xf32, #tpu.memory_space<vmem_shared>>
      %dma_wait3A_105 = arith.constant 0 : i32
      %dma_wait3A_106 = tpu.memref_slice %arg22[%mul3A_32, %dma_wait3A_105] : memref<128x80xf32, #tpu.memory_space<vmem_shared>> -> memref<8x80xf32, #tpu.memory_space<vmem_shared>>
      tpu.wait_dma2 semaphore(%run_scoped3A_98 : memref<!tpu.dma_semaphore, #tpu.memory_space<semaphore_mem>>) src(%arg20 : memref<8x80xf32, #tpu.memory_space<vmem>>) dst(%dma_wait3A_106 : memref<8x80xf32, #tpu.memory_space<vmem_shared>>)
      tpu.yield
    }) : () -> ()
    %barrier3A = arith.constant 0 : index
    tpu.barrier barrier_id(%barrier3A)
    %dma_start3A = arith.constant 0 : i32
    %dma_start3A_33 = arith.constant 0 : i32
    %dma_start3A_34 = tpu.memref_slice %arg9[%dma_start3A, %dma_start3A_33] : memref<125x80xi32, #tpu.memory_space<vmem>> -> memref<1x80xi32, #tpu.memory_space<vmem>>
    %dma_start3A_35 = tpu.memref_squeeze %dma_start3A_34 : memref<1x80xi32, #tpu.memory_space<vmem>> -> memref<80xi32, #tpu.memory_space<vmem>>
    %dma_start3A_36 = arith.constant 0 : i32
    %dma_start3A_37 = arith.constant 0 : i32
    %dma_start3A_38 = tpu.memref_slice %arg4[%dma_start3A_36, %dma_start3A_37] : memref<10000x32xf32, #tpu.memory_space<hbm>> -> memref<10000x32xf32, #tpu.memory_space<hbm>>
    tpu.enqueue_indirect_dma source(%dma_start3A_38 : memref<10000x32xf32, #tpu.memory_space<hbm>>) target(%arg11 : memref<80x32xf32, #tpu.memory_space<vmem>>) offsets(%dma_start3A_35 : memref<80xi32, #tpu.memory_space<vmem>>) semaphore(%arg23 : memref<!tpu.dma_semaphore, #tpu.memory_space<semaphore_mem>>)
    %dma_start3A_39 = arith.constant 0 : i32
    %dma_start3A_40 = arith.constant 0 : i32
    %dma_start3A_41 = tpu.memref_slice %arg10[%dma_start3A_39, %dma_start3A_40] : memref<125x80xi32, #tpu.memory_space<vmem>> -> memref<1x80xi32, #tpu.memory_space<vmem>>
    %dma_start3A_42 = tpu.memref_squeeze %dma_start3A_41 : memref<1x80xi32, #tpu.memory_space<vmem>> -> memref<80xi32, #tpu.memory_space<vmem>>
    %dma_start3A_43 = arith.constant 0 : i32
    %dma_start3A_44 = arith.constant 0 : i32
    %dma_start3A_45 = tpu.memref_slice %arg5[%dma_start3A_43, %dma_start3A_44] : memref<10000x32xf32, #tpu.memory_space<hbm>> -> memref<10000x32xf32, #tpu.memory_space<hbm>>
    tpu.enqueue_indirect_dma source(%dma_start3A_45 : memref<10000x32xf32, #tpu.memory_space<hbm>>) target(%arg12 : memref<80x32xf32, #tpu.memory_space<vmem>>) offsets(%dma_start3A_42 : memref<80xi32, #tpu.memory_space<vmem>>) semaphore(%arg24 : memref<!tpu.dma_semaphore, #tpu.memory_space<semaphore_mem>>)
    %dma_start3A_46 = arith.constant 0 : i32
    %dma_start3A_47 = arith.constant 0 : i32
    %dma_start3A_48 = tpu.memref_slice %arg9[%dma_start3A_46, %dma_start3A_47] : memref<125x80xi32, #tpu.memory_space<vmem>> -> memref<1x80xi32, #tpu.memory_space<vmem>>
    %dma_start3A_49 = tpu.memref_squeeze %dma_start3A_48 : memref<1x80xi32, #tpu.memory_space<vmem>> -> memref<80xi32, #tpu.memory_space<vmem>>
    %dma_start3A_50 = arith.constant 0 : i32
    %dma_start3A_51 = arith.constant 0 : i32
    %dma_start3A_52 = tpu.memref_slice %arg6[%dma_start3A_50, %dma_start3A_51] : memref<10000x32xf32, #tpu.memory_space<hbm>> -> memref<10000x32xf32, #tpu.memory_space<hbm>>
    tpu.enqueue_indirect_dma source(%dma_start3A_52 : memref<10000x32xf32, #tpu.memory_space<hbm>>) target(%arg13 : memref<80x32xf32, #tpu.memory_space<vmem>>) offsets(%dma_start3A_49 : memref<80xi32, #tpu.memory_space<vmem>>) semaphore(%arg25 : memref<!tpu.dma_semaphore, #tpu.memory_space<semaphore_mem>>)
    %scan3A_53 = arith.constant 0 : i32
    %scan3A_54 = arith.constant 0 : i32
    %scan3A_55 = arith.constant 62 : i32
    %scan3A_56 = arith.addi %scan3A_54, %scan3A_55 : i32
    %scan3A_57 = arith.constant 1 : i32
    %scan3A_58 = scf.for %scan3A_98 = %scan3A_54 to %scan3A_56 step %scan3A_57 iter_args(%scan3A_99 = %scan3A_53) -> (i32)  : i32 {
      %mul3A_100 = arith.constant 2 : i32
      %mul3A_101 = arith.muli %mul3A_100, %scan3A_98 : i32
      %add3A_102 = arith.constant 1 : i32
      %add3A_103 = arith.addi %mul3A_101, %add3A_102 : i32
      %dma_start3A_104 = arith.constant 0 : i32
      %dma_start3A_105 = tpu.memref_slice %arg9[%add3A_103, %dma_start3A_104] : memref<125x80xi32, #tpu.memory_space<vmem>> -> memref<1x80xi32, #tpu.memory_space<vmem>>
      %dma_start3A_106 = tpu.memref_squeeze %dma_start3A_105 : memref<1x80xi32, #tpu.memory_space<vmem>> -> memref<80xi32, #tpu.memory_space<vmem>>
      %dma_start3A_107 = arith.constant 0 : i32
      %dma_start3A_108 = arith.constant 0 : i32
      %dma_start3A_109 = tpu.memref_slice %arg4[%dma_start3A_107, %dma_start3A_108] : memref<10000x32xf32, #tpu.memory_space<hbm>> -> memref<10000x32xf32, #tpu.memory_space<hbm>>
      tpu.enqueue_indirect_dma source(%dma_start3A_109 : memref<10000x32xf32, #tpu.memory_space<hbm>>) target(%arg14 : memref<80x32xf32, #tpu.memory_space<vmem>>) offsets(%dma_start3A_106 : memref<80xi32, #tpu.memory_space<vmem>>) semaphore(%arg26 : memref<!tpu.dma_semaphore, #tpu.memory_space<semaphore_mem>>)
      %dma_start3A_110 = arith.constant 0 : i32
      %dma_start3A_111 = tpu.memref_slice %arg10[%add3A_103, %dma_start3A_110] : memref<125x80xi32, #tpu.memory_space<vmem>> -> memref<1x80xi32, #tpu.memory_space<vmem>>
      %dma_start3A_112 = tpu.memref_squeeze %dma_start3A_111 : memref<1x80xi32, #tpu.memory_space<vmem>> -> memref<80xi32, #tpu.memory_space<vmem>>
      %dma_start3A_113 = arith.constant 0 : i32
      %dma_start3A_114 = arith.constant 0 : i32
      %dma_start3A_115 = tpu.memref_slice %arg5[%dma_start3A_113, %dma_start3A_114] : memref<10000x32xf32, #tpu.memory_space<hbm>> -> memref<10000x32xf32, #tpu.memory_space<hbm>>
      tpu.enqueue_indirect_dma source(%dma_start3A_115 : memref<10000x32xf32, #tpu.memory_space<hbm>>) target(%arg15 : memref<80x32xf32, #tpu.memory_space<vmem>>) offsets(%dma_start3A_112 : memref<80xi32, #tpu.memory_space<vmem>>) semaphore(%arg27 : memref<!tpu.dma_semaphore, #tpu.memory_space<semaphore_mem>>)
      %dma_start3A_116 = arith.constant 0 : i32
      %dma_start3A_117 = tpu.memref_slice %arg9[%add3A_103, %dma_start3A_116] : memref<125x80xi32, #tpu.memory_space<vmem>> -> memref<1x80xi32, #tpu.memory_space<vmem>>
      %dma_start3A_118 = tpu.memref_squeeze %dma_start3A_117 : memref<1x80xi32, #tpu.memory_space<vmem>> -> memref<80xi32, #tpu.memory_space<vmem>>
      %dma_start3A_119 = arith.constant 0 : i32
      %dma_start3A_120 = arith.constant 0 : i32
      %dma_start3A_121 = tpu.memref_slice %arg6[%dma_start3A_119, %dma_start3A_120] : memref<10000x32xf32, #tpu.memory_space<hbm>> -> memref<10000x32xf32, #tpu.memory_space<hbm>>
      tpu.enqueue_indirect_dma source(%dma_start3A_121 : memref<10000x32xf32, #tpu.memory_space<hbm>>) target(%arg16 : memref<80x32xf32, #tpu.memory_space<vmem>>) offsets(%dma_start3A_118 : memref<80xi32, #tpu.memory_space<vmem>>) semaphore(%arg28 : memref<!tpu.dma_semaphore, #tpu.memory_space<semaphore_mem>>)
      %dma_wait3A_122 = arith.constant 0 : i32
      %dma_wait3A_123 = arith.constant 0 : i32
      %dma_wait3A_124 = tpu.memref_slice %arg9[%dma_wait3A_122, %dma_wait3A_123] : memref<125x80xi32, #tpu.memory_space<vmem>> -> memref<1x80xi32, #tpu.memory_space<vmem>>
      %dma_wait3A_125 = tpu.memref_squeeze %dma_wait3A_124 : memref<1x80xi32, #tpu.memory_space<vmem>> -> memref<80xi32, #tpu.memory_space<vmem>>
      %dma_wait3A_126 = arith.constant 0 : i32
      %dma_wait3A_127 = arith.constant 0 : i32
      %dma_wait3A_128 = tpu.memref_slice %arg4[%dma_wait3A_126, %dma_wait3A_127] : memref<10000x32xf32, #tpu.memory_space<hbm>> -> memref<10000x32xf32, #tpu.memory_space<hbm>>
      tpu.wait_indirect_dma semaphore(%arg23 : memref<!tpu.dma_semaphore, #tpu.memory_space<semaphore_mem>>) src(%dma_wait3A_128 : memref<10000x32xf32, #tpu.memory_space<hbm>>) dst(%arg11 : memref<80x32xf32, #tpu.memory_space<vmem>>)
      %dma_wait3A_129 = arith.constant 0 : i32
      %dma_wait3A_130 = arith.constant 0 : i32
      %dma_wait3A_131 = tpu.memref_slice %arg10[%dma_wait3A_129, %dma_wait3A_130] : memref<125x80xi32, #tpu.memory_space<vmem>> -> memref<1x80xi32, #tpu.memory_space<vmem>>
      %dma_wait3A_132 = tpu.memref_squeeze %dma_wait3A_131 : memref<1x80xi32, #tpu.memory_space<vmem>> -> memref<80xi32, #tpu.memory_space<vmem>>
      %dma_wait3A_133 = arith.constant 0 : i32
      %dma_wait3A_134 = arith.constant 0 : i32
      %dma_wait3A_135 = tpu.memref_slice %arg5[%dma_wait3A_133, %dma_wait3A_134] : memref<10000x32xf32, #tpu.memory_space<hbm>> -> memref<10000x32xf32, #tpu.memory_space<hbm>>
      tpu.wait_indirect_dma semaphore(%arg24 : memref<!tpu.dma_semaphore, #tpu.memory_space<semaphore_mem>>) src(%dma_wait3A_135 : memref<10000x32xf32, #tpu.memory_space<hbm>>) dst(%arg12 : memref<80x32xf32, #tpu.memory_space<vmem>>)
      %dma_wait3A_136 = arith.constant 0 : i32
      %dma_wait3A_137 = arith.constant 0 : i32
      %dma_wait3A_138 = tpu.memref_slice %arg9[%dma_wait3A_136, %dma_wait3A_137] : memref<125x80xi32, #tpu.memory_space<vmem>> -> memref<1x80xi32, #tpu.memory_space<vmem>>
      %dma_wait3A_139 = tpu.memref_squeeze %dma_wait3A_138 : memref<1x80xi32, #tpu.memory_space<vmem>> -> memref<80xi32, #tpu.memory_space<vmem>>
      %dma_wait3A_140 = arith.constant 0 : i32
      %dma_wait3A_141 = arith.constant 0 : i32
      %dma_wait3A_142 = tpu.memref_slice %arg6[%dma_wait3A_140, %dma_wait3A_141] : memref<10000x32xf32, #tpu.memory_space<hbm>> -> memref<10000x32xf32, #tpu.memory_space<hbm>>
      tpu.wait_indirect_dma semaphore(%arg25 : memref<!tpu.dma_semaphore, #tpu.memory_space<semaphore_mem>>) src(%dma_wait3A_142 : memref<10000x32xf32, #tpu.memory_space<hbm>>) dst(%arg13 : memref<80x32xf32, #tpu.memory_space<vmem>>)
      %scan3A_143 = arith.constant 0 : i32
      %scan3A_144 = arith.constant 0 : i32
      %scan3A_145 = arith.constant 5 : i32
      %scan3A_146 = arith.addi %scan3A_144, %scan3A_145 : i32
      %scan3A_147 = arith.constant 1 : i32
      %scan3A_148 = scf.for %scan3A_201 = %scan3A_144 to %scan3A_146 step %scan3A_147 iter_args(%scan3A_202 = %scan3A_143) -> (i32)  : i32 {
        %mul3A_203 = arith.constant 16 : i32
        %mul3A_204 = arith.muli %scan3A_201, %mul3A_203 : i32
        %add3A_205 = vector.broadcast %mul3A_204 : i32 to vector<16xi32>
        %add3A_206 = arith.addi %add3A_205, %iota3A : vector<16xi32>
        %mul3A_207 = arith.constant 16 : i32
        %mul3A_208 = arith.muli %scan3A_201, %mul3A_207 : i32
        %get3A = arith.index_cast %mul3A_101 : i32 to index
        %get3A_209 = arith.index_cast %mul3A_208 : i32 to index
        %get3A_210 = tpu.vector_load %arg10[%get3A, %get3A_209] {strides = array<i32>} : memref<125x80xi32, #tpu.memory_space<vmem>>, vector<16xi32>,
        %broadcast_in_dim3A_211 = arith.constant 0.000000e+00 : f32
        %broadcast_in_dim3A_212 = vector.broadcast %broadcast_in_dim3A_211 : f32 to vector<16xf32>
        %parallel_loop3A = arith.constant 0 : i32
        %parallel_loop3A_213 = arith.constant 32 : i32
        %parallel_loop3A_214 = arith.constant 1 : i32
        %parallel_loop3A_215 = scf.for %parallel_loop3A_264 = %parallel_loop3A to %parallel_loop3A_213 step %parallel_loop3A_214 iter_args(%parallel_loop3A_265 = %broadcast_in_dim3A_212) -> (vector<16xf32>)  : i32 {
          %parallel_loop3A_266 = vector.broadcast %parallel_loop3A_264 : i32 to vector<16xi32>
          %parallel_loop3A_267 = tpu.vector_load_idx %arg11[%add3A_206, %parallel_loop3A_266] : memref<80x32xf32, #tpu.memory_space<vmem>>[vector<16xi32>, vector<16xi32>], vector<16xf32>,
          %parallel_loop3A_268 = tpu.vector_load_idx %arg12[%add3A_206, %parallel_loop3A_266] : memref<80x32xf32, #tpu.memory_space<vmem>>[vector<16xi32>, vector<16xi32>], vector<16xf32>,
          %parallel_loop3A_269 = arith.mulf %parallel_loop3A_267, %parallel_loop3A_268 : vector<16xf32>
          %parallel_loop3A_270 = arith.addf %parallel_loop3A_265, %parallel_loop3A_269 : vector<16xf32>
          scf.yield %parallel_loop3A_270 : vector<16xf32>
        } {sc.loop_unroll_factor = 4 : i64, sc.parallel_access}
        %exp3A = math.exp %parallel_loop3A_215 : vector<16xf32>
        %jit3A = arith.constant 80 : i32
        %div3A = vector.broadcast %jit3A : i32 to vector<16xi32>
        %div3A_216 = arith.divsi %get3A_210, %div3A : vector<16xi32>
        %sign3A = arith.constant 0 : i32
        %sign3A_217 = vector.broadcast %sign3A : i32 to vector<16xi32>
        %sign3A_218 = arith.cmpi sgt, %get3A_210, %sign3A_217 : vector<16xi32>
        %sign3A_219 = arith.extui %sign3A_218 : vector<16xi1> to vector<16xi32>
        %sign3A_220 = arith.constant 0 : i32
        %sign3A_221 = vector.broadcast %sign3A_220 : i32 to vector<16xi32>
        %sign3A_222 = arith.cmpi slt, %get3A_210, %sign3A_221 : vector<16xi32>
        %sign3A_223 = arith.extui %sign3A_222 : vector<16xi1> to vector<16xi32>
        %sign3A_224 = arith.subi %sign3A_219, %sign3A_223 : vector<16xi32>
        %sign3A_225 = arith.constant 0 : i32
        %sign3A_226 = arith.cmpi sgt, %jit3A, %sign3A_225 : i32
        %sign3A_227 = arith.extui %sign3A_226 : i1 to i32
        %sign3A_228 = arith.constant 0 : i32
        %sign3A_229 = arith.cmpi slt, %jit3A, %sign3A_228 : i32
        %sign3A_230 = arith.extui %sign3A_229 : i1 to i32
        %sign3A_231 = arith.subi %sign3A_227, %sign3A_230 : i32
        %ne3A = vector.broadcast %sign3A_231 : i32 to vector<16xi32>
        %ne3A_232 = arith.cmpi ne, %sign3A_224, %ne3A : vector<16xi32>
        %rem3A = vector.broadcast %jit3A : i32 to vector<16xi32>
        %rem3A_233 = arith.remsi %get3A_210, %rem3A : vector<16xi32>
        %ne3A_234 = arith.constant 0 : i32
        %ne3A_235 = vector.broadcast %ne3A_234 : i32 to vector<16xi32>
        %ne3A_236 = arith.cmpi ne, %rem3A_233, %ne3A_235 : vector<16xi32>
        %and3A = arith.andi %ne3A_232, %ne3A_236 : vector<16xi1>
        %sub3A = arith.constant 1 : i32
        %sub3A_237 = vector.broadcast %sub3A : i32 to vector<16xi32>
        %sub3A_238 = arith.subi %div3A_216, %sub3A_237 : vector<16xi32>
        %select_n3A = arith.select %and3A, %sub3A_238, %div3A_216 : vector<16xi1>, vector<16xi32>
        %jit3A_239 = arith.constant 80 : i32
        %eq3A = arith.constant 0 : i32
        %eq3A_240 = arith.cmpi eq, %jit3A_239, %eq3A : i32
        %jit3A_241 = arith.constant 1 : i32
        %select_n3A_242 = arith.select %eq3A_240, %jit3A_241, %jit3A_239 : i32
        %rem3A_243 = vector.broadcast %select_n3A_242 : i32 to vector<16xi32>
        %rem3A_244 = arith.remsi %get3A_210, %rem3A_243 : vector<16xi32>
        %ne3A_245 = arith.constant 0 : i32
        %ne3A_246 = vector.broadcast %ne3A_245 : i32 to vector<16xi32>
        %ne3A_247 = arith.cmpi ne, %rem3A_244, %ne3A_246 : vector<16xi32>
        %lt3A_248 = arith.constant 0 : i32
        %lt3A_249 = vector.broadcast %lt3A_248 : i32 to vector<16xi32>
        %lt3A_250 = arith.cmpi slt, %rem3A_244, %lt3A_249 : vector<16xi32>
        %lt3A_251 = arith.constant 0 : i32
        %lt3A_252 = arith.cmpi slt, %select_n3A_242, %lt3A_251 : i32
        %ne3A_253 = vector.broadcast %lt3A_252 : i1 to vector<16xi1>
        %ne3A_254 = vector.broadcast %ne3A_253 : vector<16xi1> to vector<16xi1>
        %ne3A_255 = arith.xori %lt3A_250, %ne3A_254 : vector<16xi1>
        %and3A_256 = arith.andi %ne3A_255, %ne3A_247 : vector<16xi1>
        %add3A_257 = vector.broadcast %select_n3A_242 : i32 to vector<16xi32>
        %add3A_258 = arith.addi %rem3A_244, %add3A_257 : vector<16xi32>
        %select_n3A_259 = arith.select %and3A_256, %add3A_258, %rem3A_244 : vector<16xi1>, vector<16xi32>
        tpu.vector_store_idx %arg17[%select_n3A, %select_n3A_259], %exp3A {add = true} : memref<128x80xf32, #tpu.memory_space<vmem>>[vector<16xi32>, vector<16xi32>], vector<16xf32>,
        %parallel_loop3A_260 = arith.constant 0 : i32
        %parallel_loop3A_261 = arith.constant 32 : i32
        %parallel_loop3A_262 = arith.constant 1 : i32
        scf.for %parallel_loop3A_264 = %parallel_loop3A_260 to %parallel_loop3A_261 step %parallel_loop3A_262  : i32 {
          %parallel_loop3A_265 = vector.broadcast %parallel_loop3A_264 : i32 to vector<16xi32>
          %parallel_loop3A_266 = tpu.vector_load_idx %arg13[%add3A_206, %parallel_loop3A_265] : memref<80x32xf32, #tpu.memory_space<vmem>>[vector<16xi32>, vector<16xi32>], vector<16xf32>,
          %parallel_loop3A_267 = arith.mulf %parallel_loop3A_266, %exp3A : vector<16xf32>
          tpu.vector_store_idx %arg13[%add3A_206, %parallel_loop3A_265], %parallel_loop3A_267 : memref<80x32xf32, #tpu.memory_space<vmem>>[vector<16xi32>, vector<16xi32>], vector<16xf32>,
        } {sc.loop_unroll_factor = 4 : i64, sc.parallel_access}
        %scan3A_263 = arith.constant 0 : i32
        scf.yield %scan3A_263 : i32
      }
      %scan3A_149 = arith.constant 5 : i32
      "tpu.region"() ({
        %run_scoped3A_201 = tpu.sem_alloc : memref<!tpu.dma_semaphore, #tpu.memory_space<semaphore_mem>>
        %dma_start3A_202 = arith.constant 0 : i32
        %dma_start3A_203 = tpu.memref_slice %arg10[%mul3A_101, %dma_start3A_202] : memref<125x80xi32, #tpu.memory_space<vmem>> -> memref<1x80xi32, #tpu.memory_space<vmem>>
        %dma_start3A_204 = tpu.memref_squeeze %dma_start3A_203 : memref<1x80xi32, #tpu.memory_space<vmem>> -> memref<80xi32, #tpu.memory_space<vmem>>
        %dma_start3A_205 = arith.constant 0 : i32
        %dma_start3A_206 = arith.constant 0 : i32
        %dma_start3A_207 = tpu.memref_slice %arg21[%dma_start3A_205, %dma_start3A_206] : memref<10000x32xf32, #tpu.memory_space<vmem_shared>> -> memref<10000x32xf32, #tpu.memory_space<vmem_shared>>
        tpu.enqueue_indirect_dma source(%arg13 : memref<80x32xf32, #tpu.memory_space<vmem>>) target(%dma_start3A_207 : memref<10000x32xf32, #tpu.memory_space<vmem_shared>>) offsets(%dma_start3A_204 : memref<80xi32, #tpu.memory_space<vmem>>) semaphore(%run_scoped3A_201 : memref<!tpu.dma_semaphore, #tpu.memory_space<semaphore_mem>>) {add = true}
        %dma_wait3A_208 = arith.constant 0 : i32
        %dma_wait3A_209 = tpu.memref_slice %arg10[%mul3A_101, %dma_wait3A_208] : memref<125x80xi32, #tpu.memory_space<vmem>> -> memref<1x80xi32, #tpu.memory_space<vmem>>
        %dma_wait3A_210 = tpu.memref_squeeze %dma_wait3A_209 : memref<1x80xi32, #tpu.memory_space<vmem>> -> memref<80xi32, #tpu.memory_space<vmem>>
        %dma_wait3A_211 = arith.constant 0 : i32
        %dma_wait3A_212 = arith.constant 0 : i32
        %dma_wait3A_213 = tpu.memref_slice %arg21[%dma_wait3A_211, %dma_wait3A_212] : memref<10000x32xf32, #tpu.memory_space<vmem_shared>> -> memref<10000x32xf32, #tpu.memory_space<vmem_shared>>
        tpu.wait_indirect_dma semaphore(%run_scoped3A_201 : memref<!tpu.dma_semaphore, #tpu.memory_space<semaphore_mem>>) src(%arg13 : memref<80x32xf32, #tpu.memory_space<vmem>>) dst(%dma_wait3A_213 : memref<10000x32xf32, #tpu.memory_space<vmem_shared>>)
        tpu.yield
      }) : () -> ()
      %add3A_150 = arith.constant 2 : i32
      %add3A_151 = arith.addi %mul3A_101, %add3A_150 : i32
      %dma_start3A_152 = arith.constant 0 : i32
      %dma_start3A_153 = tpu.memref_slice %arg9[%add3A_151, %dma_start3A_152] : memref<125x80xi32, #tpu.memory_space<vmem>> -> memref<1x80xi32, #tpu.memory_space<vmem>>
      %dma_start3A_154 = tpu.memref_squeeze %dma_start3A_153 : memref<1x80xi32, #tpu.memory_space<vmem>> -> memref<80xi32, #tpu.memory_space<vmem>>
      %dma_start3A_155 = arith.constant 0 : i32
      %dma_start3A_156 = arith.constant 0 : i32
      %dma_start3A_157 = tpu.memref_slice %arg4[%dma_start3A_155, %dma_start3A_156] : memref<10000x32xf32, #tpu.memory_space<hbm>> -> memref<10000x32xf32, #tpu.memory_space<hbm>>
      tpu.enqueue_indirect_dma source(%dma_start3A_157 : memref<10000x32xf32, #tpu.memory_space<hbm>>) target(%arg11 : memref<80x32xf32, #tpu.memory_space<vmem>>) offsets(%dma_start3A_154 : memref<80xi32, #tpu.memory_space<vmem>>) semaphore(%arg23 : memref<!tpu.dma_semaphore, #tpu.memory_space<semaphore_mem>>)
      %dma_start3A_158 = arith.constant 0 : i32
      %dma_start3A_159 = tpu.memref_slice %arg10[%add3A_151, %dma_start3A_158] : memref<125x80xi32, #tpu.memory_space<vmem>> -> memref<1x80xi32, #tpu.memory_space<vmem>>
      %dma_start3A_160 = tpu.memref_squeeze %dma_start3A_159 : memref<1x80xi32, #tpu.memory_space<vmem>> -> memref<80xi32, #tpu.memory_space<vmem>>
      %dma_start3A_161 = arith.constant 0 : i32
      %dma_start3A_162 = arith.constant 0 : i32
      %dma_start3A_163 = tpu.memref_slice %arg5[%dma_start3A_161, %dma_start3A_162] : memref<10000x32xf32, #tpu.memory_space<hbm>> -> memref<10000x32xf32, #tpu.memory_space<hbm>>
      tpu.enqueue_indirect_dma source(%dma_start3A_163 : memref<10000x32xf32, #tpu.memory_space<hbm>>) target(%arg12 : memref<80x32xf32, #tpu.memory_space<vmem>>) offsets(%dma_start3A_160 : memref<80xi32, #tpu.memory_space<vmem>>) semaphore(%arg24 : memref<!tpu.dma_semaphore, #tpu.memory_space<semaphore_mem>>)
      %dma_start3A_164 = arith.constant 0 : i32
      %dma_start3A_165 = tpu.memref_slice %arg9[%add3A_151, %dma_start3A_164] : memref<125x80xi32, #tpu.memory_space<vmem>> -> memref<1x80xi32, #tpu.memory_space<vmem>>
      %dma_start3A_166 = tpu.memref_squeeze %dma_start3A_165 : memref<1x80xi32, #tpu.memory_space<vmem>> -> memref<80xi32, #tpu.memory_space<vmem>>
      %dma_start3A_167 = arith.constant 0 : i32
      %dma_start3A_168 = arith.constant 0 : i32
      %dma_start3A_169 = tpu.memref_slice %arg6[%dma_start3A_167, %dma_start3A_168] : memref<10000x32xf32, #tpu.memory_space<hbm>> -> memref<10000x32xf32, #tpu.memory_space<hbm>>
      tpu.enqueue_indirect_dma source(%dma_start3A_169 : memref<10000x32xf32, #tpu.memory_space<hbm>>) target(%arg13 : memref<80x32xf32, #tpu.memory_space<vmem>>) offsets(%dma_start3A_166 : memref<80xi32, #tpu.memory_space<vmem>>) semaphore(%arg25 : memref<!tpu.dma_semaphore, #tpu.memory_space<semaphore_mem>>)
      %dma_wait3A_170 = arith.constant 0 : i32
      %dma_wait3A_171 = arith.constant 0 : i32
      %dma_wait3A_172 = tpu.memref_slice %arg9[%dma_wait3A_170, %dma_wait3A_171] : memref<125x80xi32, #tpu.memory_space<vmem>> -> memref<1x80xi32, #tpu.memory_space<vmem>>
      %dma_wait3A_173 = tpu.memref_squeeze %dma_wait3A_172 : memref<1x80xi32, #tpu.memory_space<vmem>> -> memref<80xi32, #tpu.memory_space<vmem>>
      %dma_wait3A_174 = arith.constant 0 : i32
      %dma_wait3A_175 = arith.constant 0 : i32
      %dma_wait3A_176 = tpu.memref_slice %arg4[%dma_wait3A_174, %dma_wait3A_175] : memref<10000x32xf32, #tpu.memory_space<hbm>> -> memref<10000x32xf32, #tpu.memory_space<hbm>>
      tpu.wait_indirect_dma semaphore(%arg26 : memref<!tpu.dma_semaphore, #tpu.memory_space<semaphore_mem>>) src(%dma_wait3A_176 : memref<10000x32xf32, #tpu.memory_space<hbm>>) dst(%arg14 : memref<80x32xf32, #tpu.memory_space<vmem>>)
      %dma_wait3A_177 = arith.constant 0 : i32
      %dma_wait3A_178 = arith.constant 0 : i32
      %dma_wait3A_179 = tpu.memref_slice %arg10[%dma_wait3A_177, %dma_wait3A_178] : memref<125x80xi32, #tpu.memory_space<vmem>> -> memref<1x80xi32, #tpu.memory_space<vmem>>
      %dma_wait3A_180 = tpu.memref_squeeze %dma_wait3A_179 : memref<1x80xi32, #tpu.memory_space<vmem>> -> memref<80xi32, #tpu.memory_space<vmem>>
      %dma_wait3A_181 = arith.constant 0 : i32
      %dma_wait3A_182 = arith.constant 0 : i32
      %dma_wait3A_183 = tpu.memref_slice %arg5[%dma_wait3A_181, %dma_wait3A_182] : memref<10000x32xf32, #tpu.memory_space<hbm>> -> memref<10000x32xf32, #tpu.memory_space<hbm>>
      tpu.wait_indirect_dma semaphore(%arg27 : memref<!tpu.dma_semaphore, #tpu.memory_space<semaphore_mem>>) src(%dma_wait3A_183 : memref<10000x32xf32, #tpu.memory_space<hbm>>) dst(%arg15 : memref<80x32xf32, #tpu.memory_space<vmem>>)
      %dma_wait3A_184 = arith.constant 0 : i32
      %dma_wait3A_185 = arith.constant 0 : i32
      %dma_wait3A_186 = tpu.memref_slice %arg9[%dma_wait3A_184, %dma_wait3A_185] : memref<125x80xi32, #tpu.memory_space<vmem>> -> memref<1x80xi32, #tpu.memory_space<vmem>>
      %dma_wait3A_187 = tpu.memref_squeeze %dma_wait3A_186 : memref<1x80xi32, #tpu.memory_space<vmem>> -> memref<80xi32, #tpu.memory_space<vmem>>
      %dma_wait3A_188 = arith.constant 0 : i32
      %dma_wait3A_189 = arith.constant 0 : i32
      %dma_wait3A_190 = tpu.memref_slice %arg6[%dma_wait3A_188, %dma_wait3A_189] : memref<10000x32xf32, #tpu.memory_space<hbm>> -> memref<10000x32xf32, #tpu.memory_space<hbm>>
      tpu.wait_indirect_dma semaphore(%arg28 : memref<!tpu.dma_semaphore, #tpu.memory_space<semaphore_mem>>) src(%dma_wait3A_190 : memref<10000x32xf32, #tpu.memory_space<hbm>>) dst(%arg16 : memref<80x32xf32, #tpu.memory_space<vmem>>)
      %add3A_191 = arith.constant 1 : i32
      %add3A_192 = arith.addi %mul3A_101, %add3A_191 : i32
      %scan3A_193 = arith.constant 0 : i32
      %scan3A_194 = arith.constant 0 : i32
      %scan3A_195 = arith.constant 5 : i32
      %scan3A_196 = arith.addi %scan3A_194, %scan3A_195 : i32
      %scan3A_197 = arith.constant 1 : i32
      %scan3A_198 = scf.for %scan3A_201 = %scan3A_194 to %scan3A_196 step %scan3A_197 iter_args(%scan3A_202 = %scan3A_193) -> (i32)  : i32 {
        %mul3A_203 = arith.constant 16 : i32
        %mul3A_204 = arith.muli %scan3A_201, %mul3A_203 : i32
        %add3A_205 = vector.broadcast %mul3A_204 : i32 to vector<16xi32>
        %add3A_206 = arith.addi %add3A_205, %iota3A : vector<16xi32>
        %mul3A_207 = arith.constant 16 : i32
        %mul3A_208 = arith.muli %scan3A_201, %mul3A_207 : i32
        %get3A = arith.index_cast %add3A_192 : i32 to index
        %get3A_209 = arith.index_cast %mul3A_208 : i32 to index
        %get3A_210 = tpu.vector_load %arg10[%get3A, %get3A_209] {strides = array<i32>} : memref<125x80xi32, #tpu.memory_space<vmem>>, vector<16xi32>,
        %broadcast_in_dim3A_211 = arith.constant 0.000000e+00 : f32
        %broadcast_in_dim3A_212 = vector.broadcast %broadcast_in_dim3A_211 : f32 to vector<16xf32>
        %parallel_loop3A = arith.constant 0 : i32
        %parallel_loop3A_213 = arith.constant 32 : i32
        %parallel_loop3A_214 = arith.constant 1 : i32
        %parallel_loop3A_215 = scf.for %parallel_loop3A_264 = %parallel_loop3A to %parallel_loop3A_213 step %parallel_loop3A_214 iter_args(%parallel_loop3A_265 = %broadcast_in_dim3A_212) -> (vector<16xf32>)  : i32 {
          %parallel_loop3A_266 = vector.broadcast %parallel_loop3A_264 : i32 to vector<16xi32>
          %parallel_loop3A_267 = tpu.vector_load_idx %arg14[%add3A_206, %parallel_loop3A_266] : memref<80x32xf32, #tpu.memory_space<vmem>>[vector<16xi32>, vector<16xi32>], vector<16xf32>,
          %parallel_loop3A_268 = tpu.vector_load_idx %arg15[%add3A_206, %parallel_loop3A_266] : memref<80x32xf32, #tpu.memory_space<vmem>>[vector<16xi32>, vector<16xi32>], vector<16xf32>,
          %parallel_loop3A_269 = arith.mulf %parallel_loop3A_267, %parallel_loop3A_268 : vector<16xf32>
          %parallel_loop3A_270 = arith.addf %parallel_loop3A_265, %parallel_loop3A_269 : vector<16xf32>
          scf.yield %parallel_loop3A_270 : vector<16xf32>
        } {sc.loop_unroll_factor = 4 : i64, sc.parallel_access}
        %exp3A = math.exp %parallel_loop3A_215 : vector<16xf32>
        %jit3A = arith.constant 80 : i32
        %div3A = vector.broadcast %jit3A : i32 to vector<16xi32>
        %div3A_216 = arith.divsi %get3A_210, %div3A : vector<16xi32>
        %sign3A = arith.constant 0 : i32
        %sign3A_217 = vector.broadcast %sign3A : i32 to vector<16xi32>
        %sign3A_218 = arith.cmpi sgt, %get3A_210, %sign3A_217 : vector<16xi32>
        %sign3A_219 = arith.extui %sign3A_218 : vector<16xi1> to vector<16xi32>
        %sign3A_220 = arith.constant 0 : i32
        %sign3A_221 = vector.broadcast %sign3A_220 : i32 to vector<16xi32>
        %sign3A_222 = arith.cmpi slt, %get3A_210, %sign3A_221 : vector<16xi32>
        %sign3A_223 = arith.extui %sign3A_222 : vector<16xi1> to vector<16xi32>
        %sign3A_224 = arith.subi %sign3A_219, %sign3A_223 : vector<16xi32>
        %sign3A_225 = arith.constant 0 : i32
        %sign3A_226 = arith.cmpi sgt, %jit3A, %sign3A_225 : i32
        %sign3A_227 = arith.extui %sign3A_226 : i1 to i32
        %sign3A_228 = arith.constant 0 : i32
        %sign3A_229 = arith.cmpi slt, %jit3A, %sign3A_228 : i32
        %sign3A_230 = arith.extui %sign3A_229 : i1 to i32
        %sign3A_231 = arith.subi %sign3A_227, %sign3A_230 : i32
        %ne3A = vector.broadcast %sign3A_231 : i32 to vector<16xi32>
        %ne3A_232 = arith.cmpi ne, %sign3A_224, %ne3A : vector<16xi32>
        %rem3A = vector.broadcast %jit3A : i32 to vector<16xi32>
        %rem3A_233 = arith.remsi %get3A_210, %rem3A : vector<16xi32>
        %ne3A_234 = arith.constant 0 : i32
        %ne3A_235 = vector.broadcast %ne3A_234 : i32 to vector<16xi32>
        %ne3A_236 = arith.cmpi ne, %rem3A_233, %ne3A_235 : vector<16xi32>
        %and3A = arith.andi %ne3A_232, %ne3A_236 : vector<16xi1>
        %sub3A = arith.constant 1 : i32
        %sub3A_237 = vector.broadcast %sub3A : i32 to vector<16xi32>
        %sub3A_238 = arith.subi %div3A_216, %sub3A_237 : vector<16xi32>
        %select_n3A = arith.select %and3A, %sub3A_238, %div3A_216 : vector<16xi1>, vector<16xi32>
        %jit3A_239 = arith.constant 80 : i32
        %eq3A = arith.constant 0 : i32
        %eq3A_240 = arith.cmpi eq, %jit3A_239, %eq3A : i32
        %jit3A_241 = arith.constant 1 : i32
        %select_n3A_242 = arith.select %eq3A_240, %jit3A_241, %jit3A_239 : i32
        %rem3A_243 = vector.broadcast %select_n3A_242 : i32 to vector<16xi32>
        %rem3A_244 = arith.remsi %get3A_210, %rem3A_243 : vector<16xi32>
        %ne3A_245 = arith.constant 0 : i32
        %ne3A_246 = vector.broadcast %ne3A_245 : i32 to vector<16xi32>
        %ne3A_247 = arith.cmpi ne, %rem3A_244, %ne3A_246 : vector<16xi32>
        %lt3A_248 = arith.constant 0 : i32
        %lt3A_249 = vector.broadcast %lt3A_248 : i32 to vector<16xi32>
        %lt3A_250 = arith.cmpi slt, %rem3A_244, %lt3A_249 : vector<16xi32>
        %lt3A_251 = arith.constant 0 : i32
        %lt3A_252 = arith.cmpi slt, %select_n3A_242, %lt3A_251 : i32
        %ne3A_253 = vector.broadcast %lt3A_252 : i1 to vector<16xi1>
        %ne3A_254 = vector.broadcast %ne3A_253 : vector<16xi1> to vector<16xi1>
        %ne3A_255 = arith.xori %lt3A_250, %ne3A_254 : vector<16xi1>
        %and3A_256 = arith.andi %ne3A_255, %ne3A_247 : vector<16xi1>
        %add3A_257 = vector.broadcast %select_n3A_242 : i32 to vector<16xi32>
        %add3A_258 = arith.addi %rem3A_244, %add3A_257 : vector<16xi32>
        %select_n3A_259 = arith.select %and3A_256, %add3A_258, %rem3A_244 : vector<16xi1>, vector<16xi32>
        tpu.vector_store_idx %arg17[%select_n3A, %select_n3A_259], %exp3A {add = true} : memref<128x80xf32, #tpu.memory_space<vmem>>[vector<16xi32>, vector<16xi32>], vector<16xf32>,
        %parallel_loop3A_260 = arith.constant 0 : i32
        %parallel_loop3A_261 = arith.constant 32 : i32
        %parallel_loop3A_262 = arith.constant 1 : i32
        scf.for %parallel_loop3A_264 = %parallel_loop3A_260 to %parallel_loop3A_261 step %parallel_loop3A_262  : i32 {
          %parallel_loop3A_265 = vector.broadcast %parallel_loop3A_264 : i32 to vector<16xi32>
          %parallel_loop3A_266 = tpu.vector_load_idx %arg16[%add3A_206, %parallel_loop3A_265] : memref<80x32xf32, #tpu.memory_space<vmem>>[vector<16xi32>, vector<16xi32>], vector<16xf32>,
          %parallel_loop3A_267 = arith.mulf %parallel_loop3A_266, %exp3A : vector<16xf32>
          tpu.vector_store_idx %arg16[%add3A_206, %parallel_loop3A_265], %parallel_loop3A_267 : memref<80x32xf32, #tpu.memory_space<vmem>>[vector<16xi32>, vector<16xi32>], vector<16xf32>,
        } {sc.loop_unroll_factor = 4 : i64, sc.parallel_access}
        %scan3A_263 = arith.constant 0 : i32
        scf.yield %scan3A_263 : i32
      }
      %scan3A_199 = arith.constant 5 : i32
      "tpu.region"() ({
        %run_scoped3A_201 = tpu.sem_alloc : memref<!tpu.dma_semaphore, #tpu.memory_space<semaphore_mem>>
        %dma_start3A_202 = arith.constant 0 : i32
        %dma_start3A_203 = tpu.memref_slice %arg10[%add3A_192, %dma_start3A_202] : memref<125x80xi32, #tpu.memory_space<vmem>> -> memref<1x80xi32, #tpu.memory_space<vmem>>
        %dma_start3A_204 = tpu.memref_squeeze %dma_start3A_203 : memref<1x80xi32, #tpu.memory_space<vmem>> -> memref<80xi32, #tpu.memory_space<vmem>>
        %dma_start3A_205 = arith.constant 0 : i32
        %dma_start3A_206 = arith.constant 0 : i32
        %dma_start3A_207 = tpu.memref_slice %arg21[%dma_start3A_205, %dma_start3A_206] : memref<10000x32xf32, #tpu.memory_space<vmem_shared>> -> memref<10000x32xf32, #tpu.memory_space<vmem_shared>>
        tpu.enqueue_indirect_dma source(%arg16 : memref<80x32xf32, #tpu.memory_space<vmem>>) target(%dma_start3A_207 : memref<10000x32xf32, #tpu.memory_space<vmem_shared>>) offsets(%dma_start3A_204 : memref<80xi32, #tpu.memory_space<vmem>>) semaphore(%run_scoped3A_201 : memref<!tpu.dma_semaphore, #tpu.memory_space<semaphore_mem>>) {add = true}
        %dma_wait3A_208 = arith.constant 0 : i32
        %dma_wait3A_209 = tpu.memref_slice %arg10[%add3A_192, %dma_wait3A_208] : memref<125x80xi32, #tpu.memory_space<vmem>> -> memref<1x80xi32, #tpu.memory_space<vmem>>
        %dma_wait3A_210 = tpu.memref_squeeze %dma_wait3A_209 : memref<1x80xi32, #tpu.memory_space<vmem>> -> memref<80xi32, #tpu.memory_space<vmem>>
        %dma_wait3A_211 = arith.constant 0 : i32
        %dma_wait3A_212 = arith.constant 0 : i32
        %dma_wait3A_213 = tpu.memref_slice %arg21[%dma_wait3A_211, %dma_wait3A_212] : memref<10000x32xf32, #tpu.memory_space<vmem_shared>> -> memref<10000x32xf32, #tpu.memory_space<vmem_shared>>
        tpu.wait_indirect_dma semaphore(%run_scoped3A_201 : memref<!tpu.dma_semaphore, #tpu.memory_space<semaphore_mem>>) src(%arg16 : memref<80x32xf32, #tpu.memory_space<vmem>>) dst(%dma_wait3A_213 : memref<10000x32xf32, #tpu.memory_space<vmem_shared>>)
        tpu.yield
      }) : () -> ()
      %scan3A_200 = arith.constant 0 : i32
      scf.yield %scan3A_200 : i32
    }
    %scan3A_59 = arith.constant 62 : i32
    %dma_wait3A = arith.constant 0 : i32
    %dma_wait3A_60 = arith.constant 0 : i32
    %dma_wait3A_61 = tpu.memref_slice %arg9[%dma_wait3A, %dma_wait3A_60] : memref<125x80xi32, #tpu.memory_space<vmem>> -> memref<1x80xi32, #tpu.memory_space<vmem>>
    %dma_wait3A_62 = tpu.memref_squeeze %dma_wait3A_61 : memref<1x80xi32, #tpu.memory_space<vmem>> -> memref<80xi32, #tpu.memory_space<vmem>>
    %dma_wait3A_63 = arith.constant 0 : i32
    %dma_wait3A_64 = arith.constant 0 : i32
    %dma_wait3A_65 = tpu.memref_slice %arg4[%dma_wait3A_63, %dma_wait3A_64] : memref<10000x32xf32, #tpu.memory_space<hbm>> -> memref<10000x32xf32, #tpu.memory_space<hbm>>
    tpu.wait_indirect_dma semaphore(%arg23 : memref<!tpu.dma_semaphore, #tpu.memory_space<semaphore_mem>>) src(%dma_wait3A_65 : memref<10000x32xf32, #tpu.memory_space<hbm>>) dst(%arg11 : memref<80x32xf32, #tpu.memory_space<vmem>>)
    %dma_wait3A_66 = arith.constant 0 : i32
    %dma_wait3A_67 = arith.constant 0 : i32
    %dma_wait3A_68 = tpu.memref_slice %arg10[%dma_wait3A_66, %dma_wait3A_67] : memref<125x80xi32, #tpu.memory_space<vmem>> -> memref<1x80xi32, #tpu.memory_space<vmem>>
    %dma_wait3A_69 = tpu.memref_squeeze %dma_wait3A_68 : memref<1x80xi32, #tpu.memory_space<vmem>> -> memref<80xi32, #tpu.memory_space<vmem>>
    %dma_wait3A_70 = arith.constant 0 : i32
    %dma_wait3A_71 = arith.constant 0 : i32
    %dma_wait3A_72 = tpu.memref_slice %arg5[%dma_wait3A_70, %dma_wait3A_71] : memref<10000x32xf32, #tpu.memory_space<hbm>> -> memref<10000x32xf32, #tpu.memory_space<hbm>>
    tpu.wait_indirect_dma semaphore(%arg24 : memref<!tpu.dma_semaphore, #tpu.memory_space<semaphore_mem>>) src(%dma_wait3A_72 : memref<10000x32xf32, #tpu.memory_space<hbm>>) dst(%arg12 : memref<80x32xf32, #tpu.memory_space<vmem>>)
    %dma_wait3A_73 = arith.constant 0 : i32
    %dma_wait3A_74 = arith.constant 0 : i32
    %dma_wait3A_75 = tpu.memref_slice %arg9[%dma_wait3A_73, %dma_wait3A_74] : memref<125x80xi32, #tpu.memory_space<vmem>> -> memref<1x80xi32, #tpu.memory_space<vmem>>
    %dma_wait3A_76 = tpu.memref_squeeze %dma_wait3A_75 : memref<1x80xi32, #tpu.memory_space<vmem>> -> memref<80xi32, #tpu.memory_space<vmem>>
    %dma_wait3A_77 = arith.constant 0 : i32
    %dma_wait3A_78 = arith.constant 0 : i32
    %dma_wait3A_79 = tpu.memref_slice %arg6[%dma_wait3A_77, %dma_wait3A_78] : memref<10000x32xf32, #tpu.memory_space<hbm>> -> memref<10000x32xf32, #tpu.memory_space<hbm>>
    tpu.wait_indirect_dma semaphore(%arg25 : memref<!tpu.dma_semaphore, #tpu.memory_space<semaphore_mem>>) src(%dma_wait3A_79 : memref<10000x32xf32, #tpu.memory_space<hbm>>) dst(%arg13 : memref<80x32xf32, #tpu.memory_space<vmem>>)
    %scan3A_80 = arith.constant 0 : i32
    %scan3A_81 = arith.constant 0 : i32
    %scan3A_82 = arith.constant 5 : i32
    %scan3A_83 = arith.addi %scan3A_81, %scan3A_82 : i32
    %scan3A_84 = arith.constant 1 : i32
    %scan3A_85 = scf.for %scan3A_98 = %scan3A_81 to %scan3A_83 step %scan3A_84 iter_args(%scan3A_99 = %scan3A_80) -> (i32)  : i32 {
      %mul3A_100 = arith.constant 16 : i32
      %mul3A_101 = arith.muli %scan3A_98, %mul3A_100 : i32
      %add3A_102 = vector.broadcast %mul3A_101 : i32 to vector<16xi32>
      %add3A_103 = arith.addi %add3A_102, %iota3A : vector<16xi32>
      %mul3A_104 = arith.constant 16 : i32
      %mul3A_105 = arith.muli %scan3A_98, %mul3A_104 : i32
      %get3A = arith.constant 124 : i32
      %get3A_106 = arith.index_cast %get3A : i32 to index
      %get3A_107 = arith.index_cast %mul3A_105 : i32 to index
      %get3A_108 = tpu.vector_load %arg10[%get3A_106, %get3A_107] {strides = array<i32>} : memref<125x80xi32, #tpu.memory_space<vmem>>, vector<16xi32>,
      %broadcast_in_dim3A_109 = arith.constant 0.000000e+00 : f32
      %broadcast_in_dim3A_110 = vector.broadcast %broadcast_in_dim3A_109 : f32 to vector<16xf32>
      %parallel_loop3A = arith.constant 0 : i32
      %parallel_loop3A_111 = arith.constant 32 : i32
      %parallel_loop3A_112 = arith.constant 1 : i32
      %parallel_loop3A_113 = scf.for %parallel_loop3A_162 = %parallel_loop3A to %parallel_loop3A_111 step %parallel_loop3A_112 iter_args(%parallel_loop3A_163 = %broadcast_in_dim3A_110) -> (vector<16xf32>)  : i32 {
        %parallel_loop3A_164 = vector.broadcast %parallel_loop3A_162 : i32 to vector<16xi32>
        %parallel_loop3A_165 = tpu.vector_load_idx %arg11[%add3A_103, %parallel_loop3A_164] : memref<80x32xf32, #tpu.memory_space<vmem>>[vector<16xi32>, vector<16xi32>], vector<16xf32>,
        %parallel_loop3A_166 = tpu.vector_load_idx %arg12[%add3A_103, %parallel_loop3A_164] : memref<80x32xf32, #tpu.memory_space<vmem>>[vector<16xi32>, vector<16xi32>], vector<16xf32>,
        %parallel_loop3A_167 = arith.mulf %parallel_loop3A_165, %parallel_loop3A_166 : vector<16xf32>
        %parallel_loop3A_168 = arith.addf %parallel_loop3A_163, %parallel_loop3A_167 : vector<16xf32>
        scf.yield %parallel_loop3A_168 : vector<16xf32>
      } {sc.loop_unroll_factor = 4 : i64, sc.parallel_access}
      %exp3A = math.exp %parallel_loop3A_113 : vector<16xf32>
      %jit3A = arith.constant 80 : i32
      %div3A = vector.broadcast %jit3A : i32 to vector<16xi32>
      %div3A_114 = arith.divsi %get3A_108, %div3A : vector<16xi32>
      %sign3A = arith.constant 0 : i32
      %sign3A_115 = vector.broadcast %sign3A : i32 to vector<16xi32>
      %sign3A_116 = arith.cmpi sgt, %get3A_108, %sign3A_115 : vector<16xi32>
      %sign3A_117 = arith.extui %sign3A_116 : vector<16xi1> to vector<16xi32>
      %sign3A_118 = arith.constant 0 : i32
      %sign3A_119 = vector.broadcast %sign3A_118 : i32 to vector<16xi32>
      %sign3A_120 = arith.cmpi slt, %get3A_108, %sign3A_119 : vector<16xi32>
      %sign3A_121 = arith.extui %sign3A_120 : vector<16xi1> to vector<16xi32>
      %sign3A_122 = arith.subi %sign3A_117, %sign3A_121 : vector<16xi32>
      %sign3A_123 = arith.constant 0 : i32
      %sign3A_124 = arith.cmpi sgt, %jit3A, %sign3A_123 : i32
      %sign3A_125 = arith.extui %sign3A_124 : i1 to i32
      %sign3A_126 = arith.constant 0 : i32
      %sign3A_127 = arith.cmpi slt, %jit3A, %sign3A_126 : i32
      %sign3A_128 = arith.extui %sign3A_127 : i1 to i32
      %sign3A_129 = arith.subi %sign3A_125, %sign3A_128 : i32
      %ne3A = vector.broadcast %sign3A_129 : i32 to vector<16xi32>
      %ne3A_130 = arith.cmpi ne, %sign3A_122, %ne3A : vector<16xi32>
      %rem3A = vector.broadcast %jit3A : i32 to vector<16xi32>
      %rem3A_131 = arith.remsi %get3A_108, %rem3A : vector<16xi32>
      %ne3A_132 = arith.constant 0 : i32
      %ne3A_133 = vector.broadcast %ne3A_132 : i32 to vector<16xi32>
      %ne3A_134 = arith.cmpi ne, %rem3A_131, %ne3A_133 : vector<16xi32>
      %and3A = arith.andi %ne3A_130, %ne3A_134 : vector<16xi1>
      %sub3A = arith.constant 1 : i32
      %sub3A_135 = vector.broadcast %sub3A : i32 to vector<16xi32>
      %sub3A_136 = arith.subi %div3A_114, %sub3A_135 : vector<16xi32>
      %select_n3A = arith.select %and3A, %sub3A_136, %div3A_114 : vector<16xi1>, vector<16xi32>
      %jit3A_137 = arith.constant 80 : i32
      %eq3A = arith.constant 0 : i32
      %eq3A_138 = arith.cmpi eq, %jit3A_137, %eq3A : i32
      %jit3A_139 = arith.constant 1 : i32
      %select_n3A_140 = arith.select %eq3A_138, %jit3A_139, %jit3A_137 : i32
      %rem3A_141 = vector.broadcast %select_n3A_140 : i32 to vector<16xi32>
      %rem3A_142 = arith.remsi %get3A_108, %rem3A_141 : vector<16xi32>
      %ne3A_143 = arith.constant 0 : i32
      %ne3A_144 = vector.broadcast %ne3A_143 : i32 to vector<16xi32>
      %ne3A_145 = arith.cmpi ne, %rem3A_142, %ne3A_144 : vector<16xi32>
      %lt3A_146 = arith.constant 0 : i32
      %lt3A_147 = vector.broadcast %lt3A_146 : i32 to vector<16xi32>
      %lt3A_148 = arith.cmpi slt, %rem3A_142, %lt3A_147 : vector<16xi32>
      %lt3A_149 = arith.constant 0 : i32
      %lt3A_150 = arith.cmpi slt, %select_n3A_140, %lt3A_149 : i32
      %ne3A_151 = vector.broadcast %lt3A_150 : i1 to vector<16xi1>
      %ne3A_152 = vector.broadcast %ne3A_151 : vector<16xi1> to vector<16xi1>
      %ne3A_153 = arith.xori %lt3A_148, %ne3A_152 : vector<16xi1>
      %and3A_154 = arith.andi %ne3A_153, %ne3A_145 : vector<16xi1>
      %add3A_155 = vector.broadcast %select_n3A_140 : i32 to vector<16xi32>
      %add3A_156 = arith.addi %rem3A_142, %add3A_155 : vector<16xi32>
      %select_n3A_157 = arith.select %and3A_154, %add3A_156, %rem3A_142 : vector<16xi1>, vector<16xi32>
      tpu.vector_store_idx %arg17[%select_n3A, %select_n3A_157], %exp3A {add = true} : memref<128x80xf32, #tpu.memory_space<vmem>>[vector<16xi32>, vector<16xi32>], vector<16xf32>,
      %parallel_loop3A_158 = arith.constant 0 : i32
      %parallel_loop3A_159 = arith.constant 32 : i32
      %parallel_loop3A_160 = arith.constant 1 : i32
      scf.for %parallel_loop3A_162 = %parallel_loop3A_158 to %parallel_loop3A_159 step %parallel_loop3A_160  : i32 {
        %parallel_loop3A_163 = vector.broadcast %parallel_loop3A_162 : i32 to vector<16xi32>
        %parallel_loop3A_164 = tpu.vector_load_idx %arg13[%add3A_103, %parallel_loop3A_163] : memref<80x32xf32, #tpu.memory_space<vmem>>[vector<16xi32>, vector<16xi32>], vector<16xf32>,
        %parallel_loop3A_165 = arith.mulf %parallel_loop3A_164, %exp3A : vector<16xf32>
        tpu.vector_store_idx %arg13[%add3A_103, %parallel_loop3A_163], %parallel_loop3A_165 : memref<80x32xf32, #tpu.memory_space<vmem>>[vector<16xi32>, vector<16xi32>], vector<16xf32>,
      } {sc.loop_unroll_factor = 4 : i64, sc.parallel_access}
      %scan3A_161 = arith.constant 0 : i32
      scf.yield %scan3A_161 : i32
    }
    %scan3A_86 = arith.constant 5 : i32
    %run_scoped3A = arith.constant 124 : i32
    "tpu.region"() ({
      %run_scoped3A_98 = tpu.sem_alloc : memref<!tpu.dma_semaphore, #tpu.memory_space<semaphore_mem>>
      %dma_start3A_99 = arith.constant 0 : i32
      %dma_start3A_100 = tpu.memref_slice %arg10[%run_scoped3A, %dma_start3A_99] : memref<125x80xi32, #tpu.memory_space<vmem>> -> memref<1x80xi32, #tpu.memory_space<vmem>>
      %dma_start3A_101 = tpu.memref_squeeze %dma_start3A_100 : memref<1x80xi32, #tpu.memory_space<vmem>> -> memref<80xi32, #tpu.memory_space<vmem>>
      %dma_start3A_102 = arith.constant 0 : i32
      %dma_start3A_103 = arith.constant 0 : i32
      %dma_start3A_104 = tpu.memref_slice %arg21[%dma_start3A_102, %dma_start3A_103] : memref<10000x32xf32, #tpu.memory_space<vmem_shared>> -> memref<10000x32xf32, #tpu.memory_space<vmem_shared>>
      tpu.enqueue_indirect_dma source(%arg13 : memref<80x32xf32, #tpu.memory_space<vmem>>) target(%dma_start3A_104 : memref<10000x32xf32, #tpu.memory_space<vmem_shared>>) offsets(%dma_start3A_101 : memref<80xi32, #tpu.memory_space<vmem>>) semaphore(%run_scoped3A_98 : memref<!tpu.dma_semaphore, #tpu.memory_space<semaphore_mem>>) {add = true}
      %dma_wait3A_105 = arith.constant 0 : i32
      %dma_wait3A_106 = tpu.memref_slice %arg10[%run_scoped3A, %dma_wait3A_105] : memref<125x80xi32, #tpu.memory_space<vmem>> -> memref<1x80xi32, #tpu.memory_space<vmem>>
      %dma_wait3A_107 = tpu.memref_squeeze %dma_wait3A_106 : memref<1x80xi32, #tpu.memory_space<vmem>> -> memref<80xi32, #tpu.memory_space<vmem>>
      %dma_wait3A_108 = arith.constant 0 : i32
      %dma_wait3A_109 = arith.constant 0 : i32
      %dma_wait3A_110 = tpu.memref_slice %arg21[%dma_wait3A_108, %dma_wait3A_109] : memref<10000x32xf32, #tpu.memory_space<vmem_shared>> -> memref<10000x32xf32, #tpu.memory_space<vmem_shared>>
      tpu.wait_indirect_dma semaphore(%run_scoped3A_98 : memref<!tpu.dma_semaphore, #tpu.memory_space<semaphore_mem>>) src(%arg13 : memref<80x32xf32, #tpu.memory_space<vmem>>) dst(%dma_wait3A_110 : memref<10000x32xf32, #tpu.memory_space<vmem_shared>>)
      tpu.yield
    }) : () -> ()
    "tpu.region"() ({
      %run_scoped3A_98 = tpu.sem_alloc : memref<!tpu.dma_semaphore, #tpu.memory_space<semaphore_mem>>
      %dma_start3A_99 = arith.constant 0 : i32
      %dma_start3A_100 = arith.constant 0 : i32
      %dma_start3A_101 = tpu.memref_slice %arg22[%dma_start3A_99, %dma_start3A_100] : memref<128x80xf32, #tpu.memory_space<vmem_shared>> -> memref<128x80xf32, #tpu.memory_space<vmem_shared>>
      tpu.enqueue_indirect_dma source(%arg17 : memref<128x80xf32, #tpu.memory_space<vmem>>) target(%dma_start3A_101 : memref<128x80xf32, #tpu.memory_space<vmem_shared>>) offsets(%arg18 : memref<128xi32, #tpu.memory_space<vmem>>) semaphore(%run_scoped3A_98 : memref<!tpu.dma_semaphore, #tpu.memory_space<semaphore_mem>>) {add = true}
      %dma_wait3A_102 = arith.constant 0 : i32
      %dma_wait3A_103 = arith.constant 0 : i32
      %dma_wait3A_104 = tpu.memref_slice %arg22[%dma_wait3A_102, %dma_wait3A_103] : memref<128x80xf32, #tpu.memory_space<vmem_shared>> -> memref<128x80xf32, #tpu.memory_space<vmem_shared>>
      tpu.wait_indirect_dma semaphore(%run_scoped3A_98 : memref<!tpu.dma_semaphore, #tpu.memory_space<semaphore_mem>>) src(%arg17 : memref<128x80xf32, #tpu.memory_space<vmem>>) dst(%dma_wait3A_104 : memref<128x80xf32, #tpu.memory_space<vmem_shared>>)
      tpu.yield
    }) : () -> ()
    %barrier3A_87 = arith.constant 0 : index
    tpu.barrier barrier_id(%barrier3A_87)
    %lt3A_88 = arith.constant 10 : i32
    %lt3A_89 = arith.cmpi slt, %arg1, %lt3A_88 : i32
    %convert_element_type3A_90 = arith.extui %lt3A_89 : i1 to i32
    %cond3A_91 = arith.constant 0 : i32
    %cond3A_92 = arith.cmpi ne, %convert_element_type3A_90, %cond3A_91 : i32
    scf.if %cond3A_92 {
      %mul3A_98 = arith.constant 1000 : i32
      %mul3A_99 = arith.muli %arg1, %mul3A_98 : i32
      %mul3A_100 = arith.constant 1000 : i32
      %mul3A_101 = arith.muli %arg1, %mul3A_100 : i32
      "tpu.region"() ({
        %run_scoped3A_102 = tpu.sem_alloc : memref<!tpu.dma_semaphore, #tpu.memory_space<semaphore_mem>>
        %dma_start3A_103 = arith.constant 0 : i32
        %dma_start3A_104 = tpu.memref_slice %arg7[%arg0, %mul3A_101, %dma_start3A_103] : memref<2x10000x32xf32, #tpu.memory_space<hbm>> -> memref<1x1000x32xf32, #tpu.memory_space<hbm>>
        %dma_start3A_105 = tpu.memref_squeeze %dma_start3A_104 : memref<1x1000x32xf32, #tpu.memory_space<hbm>> -> memref<1000x32xf32, #tpu.memory_space<hbm>>
        %dma_start3A_106 = arith.constant 0 : i32
        %dma_start3A_107 = tpu.memref_slice %arg21[%mul3A_99, %dma_start3A_106] : memref<10000x32xf32, #tpu.memory_space<vmem_shared>> -> memref<1000x32xf32, #tpu.memory_space<vmem_shared>>
        tpu.enqueue_dma source(%dma_start3A_107 : memref<1000x32xf32, #tpu.memory_space<vmem_shared>>) target(%dma_start3A_105 : memref<1000x32xf32, #tpu.memory_space<hbm>>) target_semaphore(%run_scoped3A_102 : memref<!tpu.dma_semaphore, #tpu.memory_space<semaphore_mem>>)
        %dma_wait3A_108 = arith.constant 0 : i32
        %dma_wait3A_109 = tpu.memref_slice %arg7[%arg0, %mul3A_101, %dma_wait3A_108] : memref<2x10000x32xf32, #tpu.memory_space<hbm>> -> memref<1x1000x32xf32, #tpu.memory_space<hbm>>
        %dma_wait3A_110 = tpu.memref_squeeze %dma_wait3A_109 : memref<1x1000x32xf32, #tpu.memory_space<hbm>> -> memref<1000x32xf32, #tpu.memory_space<hbm>>
        %dma_wait3A_111 = arith.constant 0 : i32
        %dma_wait3A_112 = tpu.memref_slice %arg21[%mul3A_99, %dma_wait3A_111] : memref<10000x32xf32, #tpu.memory_space<vmem_shared>> -> memref<1000x32xf32, #tpu.memory_space<vmem_shared>>
        tpu.wait_dma2 semaphore(%run_scoped3A_102 : memref<!tpu.dma_semaphore, #tpu.memory_space<semaphore_mem>>) src(%dma_wait3A_112 : memref<1000x32xf32, #tpu.memory_space<vmem_shared>>) dst(%dma_wait3A_110 : memref<1000x32xf32, #tpu.memory_space<hbm>>)
        tpu.yield
      }) : () -> ()
    } else {
    }
    %lt3A_93 = arith.constant 8 : i32
    %lt3A_94 = arith.cmpi slt, %arg1, %lt3A_93 : i32
    %convert_element_type3A_95 = arith.extui %lt3A_94 : i1 to i32
    %cond3A_96 = arith.constant 0 : i32
    %cond3A_97 = arith.cmpi ne, %convert_element_type3A_95, %cond3A_96 : i32
    scf.if %cond3A_97 {
      %mul3A_98 = arith.constant 16 : i32
      %mul3A_99 = arith.muli %arg1, %mul3A_98 : i32
      %mul3A_100 = arith.constant 16 : i32
      %mul3A_101 = arith.muli %arg1, %mul3A_100 : i32
      "tpu.region"() ({
        %run_scoped3A_102 = tpu.sem_alloc : memref<!tpu.dma_semaphore, #tpu.memory_space<semaphore_mem>>
        %dma_start3A_103 = arith.constant 0 : i32
        %dma_start3A_104 = tpu.memref_slice %arg8[%arg0, %mul3A_101, %dma_start3A_103] : memref<2x128x80xf32, #tpu.memory_space<hbm>> -> memref<1x16x80xf32, #tpu.memory_space<hbm>>
        %dma_start3A_105 = tpu.memref_squeeze %dma_start3A_104 : memref<1x16x80xf32, #tpu.memory_space<hbm>> -> memref<16x80xf32, #tpu.memory_space<hbm>>
        %dma_start3A_106 = arith.constant 0 : i32
        %dma_start3A_107 = tpu.memref_slice %arg22[%mul3A_99, %dma_start3A_106] : memref<128x80xf32, #tpu.memory_space<vmem_shared>> -> memref<16x80xf32, #tpu.memory_space<vmem_shared>>
        tpu.enqueue_dma source(%dma_start3A_107 : memref<16x80xf32, #tpu.memory_space<vmem_shared>>) target(%dma_start3A_105 : memref<16x80xf32, #tpu.memory_space<hbm>>) target_semaphore(%run_scoped3A_102 : memref<!tpu.dma_semaphore, #tpu.memory_space<semaphore_mem>>)
        %dma_wait3A_108 = arith.constant 0 : i32
        %dma_wait3A_109 = tpu.memref_slice %arg8[%arg0, %mul3A_101, %dma_wait3A_108] : memref<2x128x80xf32, #tpu.memory_space<hbm>> -> memref<1x16x80xf32, #tpu.memory_space<hbm>>
        %dma_wait3A_110 = tpu.memref_squeeze %dma_wait3A_109 : memref<1x16x80xf32, #tpu.memory_space<hbm>> -> memref<16x80xf32, #tpu.memory_space<hbm>>
        %dma_wait3A_111 = arith.constant 0 : i32
        %dma_wait3A_112 = tpu.memref_slice %arg22[%mul3A_99, %dma_wait3A_111] : memref<128x80xf32, #tpu.memory_space<vmem_shared>> -> memref<16x80xf32, #tpu.memory_space<vmem_shared>>
        tpu.wait_dma2 semaphore(%run_scoped3A_102 : memref<!tpu.dma_semaphore, #tpu.memory_space<semaphore_mem>>) src(%dma_wait3A_112 : memref<16x80xf32, #tpu.memory_space<vmem_shared>>) dst(%dma_wait3A_110 : memref<16x80xf32, #tpu.memory_space<hbm>>)
        tpu.yield
      }) : () -> ()
    } else {
    }
    return
  }
}

module attributes {stable_mosaic.version = 14 : i64} {
  func.func @_proj_body(%arg0: i32, %arg1: memref<400x128xf32, #tpu.memory_space<vmem>>, %arg2: memref<400x128xf32, #tpu.memory_space<vmem>>, %arg3: memref<96x256xf32, #tpu.memory_space<vmem>>, %arg4: memref<1x96xf32, #tpu.memory_space<vmem>>, %arg5: memref<400x32xf32, #tpu.memory_space<vmem>>, %arg6: memref<400x32xf32, #tpu.memory_space<vmem>>, %arg7: memref<400x32xf32, #tpu.memory_space<vmem>>) attributes {dimension_semantics = [#tpu.dimension_semantics<arbitrary>], iteration_bounds = array<i64: 25>, scalar_prefetch = 0 : i64, scratch_operands = 0 : i64, tpu.core_type = #tpu.core_type<tc>, window_params = [{transform_indices = @transform_0, window_bounds = array<i64: 400, 128>}, {transform_indices = @transform_1, window_bounds = array<i64: 400, 128>}, {pipeline_mode = #tpu.pipeline_mode<synchronous>, transform_indices = @transform_2, window_bounds = array<i64: 96, 256>}, {pipeline_mode = #tpu.pipeline_mode<synchronous>, transform_indices = @transform_3, window_bounds = array<i64: 1, 96>}, {transform_indices = @transform_4, window_bounds = array<i64: 400, 32>}, {transform_indices = @transform_5, window_bounds = array<i64: 400, 32>}, {transform_indices = @transform_6, window_bounds = array<i64: 400, 32>}]} {
    %get3A = arith.constant 0 : index
    %get3A_0 = arith.constant 0 : index
    %get3A_1 = vector.load %arg1[%get3A, %get3A_0] : memref<400x128xf32, #tpu.memory_space<vmem>>, vector<400x128xf32>
    %get3A_2 = arith.constant 0 : index
    %get3A_3 = arith.constant 0 : index
    %get3A_4 = vector.load %arg2[%get3A_2, %get3A_3] : memref<400x128xf32, #tpu.memory_space<vmem>>, vector<400x128xf32>
    %concatenate3A = tpu.concatenate %get3A_1, %get3A_4 in 1 : vector<400x128xf32>, vector<400x128xf32> -> vector<400x256xf32>
    %get3A_5 = arith.constant 0 : index
    %get3A_6 = arith.constant 0 : index
    %get3A_7 = vector.load %arg3[%get3A_5, %get3A_6] : memref<96x256xf32, #tpu.memory_space<vmem>>, vector<96x256xf32>
    %dot_general3A = arith.constant dense<0.000000e+00> : vector<400x96xf32>
    %dot_general3A_8 = tpu.matmul %concatenate3A, %get3A_7, %dot_general3A {dimension_numbers = #tpu.dot_dimension_numbers<[1], [1], [0], [0], [0, 0, 1, 0], [], []>, transpose_lhs_hint = false} : vector<400x256xf32>, vector<96x256xf32>, vector<400x96xf32> -> vector<400x96xf32>
    %get3A_9 = arith.constant 0 : index
    %get3A_10 = arith.constant 0 : index
    %get3A_11 = vector.load %arg4[%get3A_9, %get3A_10] : memref<1x96xf32, #tpu.memory_space<vmem>>, vector<1x96xf32>
    %add3A = vector.broadcast %get3A_11 : vector<1x96xf32> to vector<400x96xf32>
    %add3A_12 = arith.addf %dot_general3A_8, %add3A : vector<400x96xf32>
    %slice3A = vector.extract_strided_slice %add3A_12 {offsets = [0, 0], sizes = [400, 32], strides = [1, 1]} : vector<400x96xf32> to vector<400x32xf32>
    %mul3A = arith.constant 3.125000e-02 : f32
    %mul3A_13 = vector.broadcast %mul3A : f32 to vector<400x32xf32>
    %mul3A_14 = arith.mulf %slice3A, %mul3A_13 : vector<400x32xf32>
    %swap3A = arith.constant 0 : index
    %swap3A_15 = arith.constant 0 : index
    %swap3A_16 = vector.load %arg5[%swap3A, %swap3A_15] : memref<400x32xf32, #tpu.memory_space<vmem>>, vector<400x32xf32>
    tpu.vector_store %arg5[%swap3A, %swap3A_15], %mul3A_14 {strides = array<i32>} : memref<400x32xf32, #tpu.memory_space<vmem>>, vector<400x32xf32>,
    %slice3A_17 = vector.extract_strided_slice %add3A_12 {offsets = [0, 32], sizes = [400, 32], strides = [1, 1]} : vector<400x96xf32> to vector<400x32xf32>
    %swap3A_18 = arith.constant 0 : index
    %swap3A_19 = arith.constant 0 : index
    %swap3A_20 = vector.load %arg6[%swap3A_18, %swap3A_19] : memref<400x32xf32, #tpu.memory_space<vmem>>, vector<400x32xf32>
    tpu.vector_store %arg6[%swap3A_18, %swap3A_19], %slice3A_17 {strides = array<i32>} : memref<400x32xf32, #tpu.memory_space<vmem>>, vector<400x32xf32>,
    %slice3A_21 = vector.extract_strided_slice %add3A_12 {offsets = [0, 64], sizes = [400, 32], strides = [1, 1]} : vector<400x96xf32> to vector<400x32xf32>
    %swap3A_22 = arith.constant 0 : index
    %swap3A_23 = arith.constant 0 : index
    %swap3A_24 = vector.load %arg7[%swap3A_22, %swap3A_23] : memref<400x32xf32, #tpu.memory_space<vmem>>, vector<400x32xf32>
    tpu.vector_store %arg7[%swap3A_22, %swap3A_23], %slice3A_21 {strides = array<i32>} : memref<400x32xf32, #tpu.memory_space<vmem>>, vector<400x32xf32>,
    return
  }
  func.func @transform_0(%arg0: i32) -> (i32, i32) {
    %c0_i32 = arith.constant 0 : i32
    %c0_i32_0 = arith.constant 0 : i32
    return %arg0, %c0_i32 : i32, i32
  }
  func.func @transform_1(%arg0: i32) -> (i32, i32) {
    %c0_i32 = arith.constant 0 : i32
    %c0_i32_0 = arith.constant 0 : i32
    return %arg0, %c0_i32 : i32, i32
  }
  func.func @transform_2(%arg0: i32) -> (i32, i32) {
    %c0_i32 = arith.constant 0 : i32
    %c0_i32_0 = arith.constant 0 : i32
    %c0_i32_1 = arith.constant 0 : i32
    return %c0_i32, %c0_i32_0 : i32, i32
  }
  func.func @transform_3(%arg0: i32) -> (i32, i32) {
    %c0_i32 = arith.constant 0 : i32
    %c0_i32_0 = arith.constant 0 : i32
    %c0_i32_1 = arith.constant 0 : i32
    return %c0_i32, %c0_i32_0 : i32, i32
  }
  func.func @transform_4(%arg0: i32) -> (i32, i32) {
    %c0_i32 = arith.constant 0 : i32
    %c0_i32_0 = arith.constant 0 : i32
    return %arg0, %c0_i32 : i32, i32
  }
  func.func @transform_5(%arg0: i32) -> (i32, i32) {
    %c0_i32 = arith.constant 0 : i32
    %c0_i32_0 = arith.constant 0 : i32
    return %arg0, %c0_i32 : i32, i32
  }
  func.func @transform_6(%arg0: i32) -> (i32, i32) {
    %c0_i32 = arith.constant 0 : i32
    %c0_i32_0 = arith.constant 0 : i32
    return %arg0, %c0_i32 : i32, i32
  }
}

module attributes {stable_mosaic.version = 14 : i64} {
  func.func @_gru_body(%arg0: i32, %arg1: memref<400x128xf32, #tpu.memory_space<vmem>>, %arg2: memref<400x128xf32, #tpu.memory_space<vmem>>, %arg3: memref<400x32xf32, #tpu.memory_space<vmem>>, %arg4: memref<400x32xf32, #tpu.memory_space<vmem>>, %arg5: memref<400x1xf32, #tpu.memory_space<vmem>>, %arg6: memref<400x1xf32, #tpu.memory_space<vmem>>, %arg7: memref<384x160xf32, #tpu.memory_space<vmem>>, %arg8: memref<1x384xf32, #tpu.memory_space<vmem>>, %arg9: memref<384x128xf32, #tpu.memory_space<vmem>>, %arg10: memref<1x384xf32, #tpu.memory_space<vmem>>, %arg11: memref<96x256xf32, #tpu.memory_space<vmem>>, %arg12: memref<1x96xf32, #tpu.memory_space<vmem>>, %arg13: memref<400x128xf32, #tpu.memory_space<vmem>>, %arg14: memref<400x32xf32, #tpu.memory_space<vmem>>, %arg15: memref<400x32xf32, #tpu.memory_space<vmem>>, %arg16: memref<400x32xf32, #tpu.memory_space<vmem>>) attributes {dimension_semantics = [#tpu.dimension_semantics<arbitrary>], iteration_bounds = array<i64: 25>, scalar_prefetch = 0 : i64, scratch_operands = 0 : i64, tpu.core_type = #tpu.core_type<tc>, window_params = [{transform_indices = @transform_0, window_bounds = array<i64: 400, 128>}, {transform_indices = @transform_1, window_bounds = array<i64: 400, 128>}, {transform_indices = @transform_2, window_bounds = array<i64: 400, 32>}, {transform_indices = @transform_3, window_bounds = array<i64: 400, 32>}, {transform_indices = @transform_4, window_bounds = array<i64: 400, 1>}, {transform_indices = @transform_5, window_bounds = array<i64: 400, 1>}, {pipeline_mode = #tpu.pipeline_mode<synchronous>, transform_indices = @transform_6, window_bounds = array<i64: 384, 160>}, {pipeline_mode = #tpu.pipeline_mode<synchronous>, transform_indices = @transform_7, window_bounds = array<i64: 1, 384>}, {pipeline_mode = #tpu.pipeline_mode<synchronous>, transform_indices = @transform_8, window_bounds = array<i64: 384, 128>}, {pipeline_mode = #tpu.pipeline_mode<synchronous>, transform_indices = @transform_9, window_bounds = array<i64: 1, 384>}, {pipeline_mode = #tpu.pipeline_mode<synchronous>, transform_indices = @transform_10, window_bounds = array<i64: 96, 256>}, {pipeline_mode = #tpu.pipeline_mode<synchronous>, transform_indices = @transform_11, window_bounds = array<i64: 1, 96>}, {transform_indices = @transform_12, window_bounds = array<i64: 400, 128>}, {transform_indices = @transform_13, window_bounds = array<i64: 400, 32>}, {transform_indices = @transform_14, window_bounds = array<i64: 400, 32>}, {transform_indices = @transform_15, window_bounds = array<i64: 400, 32>}]} {
    %get3A = arith.constant 0 : index
    %get3A_0 = arith.constant 0 : index
    %get3A_1 = vector.load %arg1[%get3A, %get3A_0] : memref<400x128xf32, #tpu.memory_space<vmem>>, vector<400x128xf32>
    %get3A_2 = arith.constant 0 : index
    %get3A_3 = arith.constant 0 : index
    %get3A_4 = vector.load %arg2[%get3A_2, %get3A_3] : memref<400x128xf32, #tpu.memory_space<vmem>>, vector<400x128xf32>
    %get3A_5 = arith.constant 0 : index
    %get3A_6 = arith.constant 0 : index
    %get3A_7 = vector.load %arg5[%get3A_5, %get3A_6] : memref<400x1xf32, #tpu.memory_space<vmem>>, vector<400x1xf32>
    %get3A_8 = arith.constant 0 : index
    %get3A_9 = arith.constant 0 : index
    %get3A_10 = vector.load %arg6[%get3A_8, %get3A_9] : memref<400x1xf32, #tpu.memory_space<vmem>>, vector<400x1xf32>
    %add3A = arith.addf %get3A_7, %get3A_10 : vector<400x1xf32>
    %gt3A = arith.constant 0.000000e+00 : f32
    %gt3A_11 = vector.broadcast %gt3A : f32 to vector<400x1xf32>
    %gt3A_12 = arith.cmpf ogt, %add3A, %gt3A_11 : vector<400x1xf32>
    %gt3A_13 = arith.constant 0.000000e+00 : f32
    %gt3A_14 = vector.broadcast %gt3A_13 : f32 to vector<400x1xf32>
    %gt3A_15 = arith.cmpf ogt, %add3A, %gt3A_14 : vector<400x1xf32>
    %jit3A = arith.constant 1.000000e+00 : f32
    %broadcast_in_dim3A = vector.broadcast %jit3A : f32 to vector<400x1xf32>
    %select_n3A = arith.select %gt3A_15, %add3A, %broadcast_in_dim3A : vector<400x1xi1>, vector<400x1xf32>
    %div3A = arith.constant 1.000000e+00 : f32
    %div3A_16 = vector.broadcast %div3A : f32 to vector<400x1xf32>
    %div3A_17 = arith.divf %div3A_16, %select_n3A : vector<400x1xf32>
    %jit3A_18 = arith.constant 0.000000e+00 : f32
    %broadcast_in_dim3A_19 = vector.broadcast %jit3A_18 : f32 to vector<400x1xf32>
    %select_n3A_20 = arith.select %gt3A_12, %div3A_17, %broadcast_in_dim3A_19 : vector<400x1xi1>, vector<400x1xf32>
    %get3A_21 = arith.constant 0 : index
    %get3A_22 = arith.constant 0 : index
    %get3A_23 = vector.load %arg3[%get3A_21, %get3A_22] : memref<400x32xf32, #tpu.memory_space<vmem>>, vector<400x32xf32>
    %get3A_24 = arith.constant 0 : index
    %get3A_25 = arith.constant 0 : index
    %get3A_26 = vector.load %arg4[%get3A_24, %get3A_25] : memref<400x32xf32, #tpu.memory_space<vmem>>, vector<400x32xf32>
    %add3A_27 = arith.addf %get3A_23, %get3A_26 : vector<400x32xf32>
    %mul3A = vector.broadcast %select_n3A_20 : vector<400x1xf32> to vector<400x32xf32>
    %mul3A_28 = arith.mulf %add3A_27, %mul3A : vector<400x32xf32>
    %concatenate3A = tpu.concatenate %get3A_1, %mul3A_28 in 1 : vector<400x128xf32>, vector<400x32xf32> -> vector<400x160xf32>
    %get3A_29 = arith.constant 0 : index
    %get3A_30 = arith.constant 0 : index
    %get3A_31 = vector.load %arg7[%get3A_29, %get3A_30] : memref<384x160xf32, #tpu.memory_space<vmem>>, vector<384x160xf32>
    %dot_general3A = arith.constant dense<0.000000e+00> : vector<400x384xf32>
    %dot_general3A_32 = tpu.matmul %concatenate3A, %get3A_31, %dot_general3A {dimension_numbers = #tpu.dot_dimension_numbers<[1], [1], [0], [0], [0, 0, 1, 0], [], []>, transpose_lhs_hint = false} : vector<400x160xf32>, vector<384x160xf32>, vector<400x384xf32> -> vector<400x384xf32>
    %get3A_33 = arith.constant 0 : index
    %get3A_34 = arith.constant 0 : index
    %get3A_35 = vector.load %arg8[%get3A_33, %get3A_34] : memref<1x384xf32, #tpu.memory_space<vmem>>, vector<1x384xf32>
    %add3A_36 = vector.broadcast %get3A_35 : vector<1x384xf32> to vector<400x384xf32>
    %add3A_37 = arith.addf %dot_general3A_32, %add3A_36 : vector<400x384xf32>
    %get3A_38 = arith.constant 0 : index
    %get3A_39 = arith.constant 0 : index
    %get3A_40 = vector.load %arg9[%get3A_38, %get3A_39] : memref<384x128xf32, #tpu.memory_space<vmem>>, vector<384x128xf32>
    %dot_general3A_41 = arith.constant dense<0.000000e+00> : vector<400x384xf32>
    %dot_general3A_42 = tpu.matmul %get3A_4, %get3A_40, %dot_general3A_41 {dimension_numbers = #tpu.dot_dimension_numbers<[1], [1], [0], [0], [0, 0, 1, 0], [], []>, transpose_lhs_hint = false} : vector<400x128xf32>, vector<384x128xf32>, vector<400x384xf32> -> vector<400x384xf32>
    %get3A_43 = arith.constant 0 : index
    %get3A_44 = arith.constant 0 : index
    %get3A_45 = vector.load %arg10[%get3A_43, %get3A_44] : memref<1x384xf32, #tpu.memory_space<vmem>>, vector<1x384xf32>
    %add3A_46 = vector.broadcast %get3A_45 : vector<1x384xf32> to vector<400x384xf32>
    %add3A_47 = arith.addf %dot_general3A_42, %add3A_46 : vector<400x384xf32>
    %slice3A = vector.extract_strided_slice %add3A_37 {offsets = [0, 0], sizes = [400, 128], strides = [1, 1]} : vector<400x384xf32> to vector<400x128xf32>
    %slice3A_48 = vector.extract_strided_slice %add3A_47 {offsets = [0, 0], sizes = [400, 128], strides = [1, 1]} : vector<400x384xf32> to vector<400x128xf32>
    %add3A_49 = arith.addf %slice3A, %slice3A_48 : vector<400x128xf32>
    %logistic3A = arith.negf %add3A_49 : vector<400x128xf32>
    %logistic3A_50 = math.exp %logistic3A : vector<400x128xf32>
    %logistic3A_51 = arith.constant 1.000000e+00 : f32
    %logistic3A_52 = vector.broadcast %logistic3A_51 : f32 to vector<400x128xf32>
    %logistic3A_53 = arith.addf %logistic3A_52, %logistic3A_50 : vector<400x128xf32>
    %logistic3A_54 = arith.divf %logistic3A_52, %logistic3A_53 : vector<400x128xf32>
    %slice3A_55 = vector.extract_strided_slice %add3A_37 {offsets = [0, 128], sizes = [400, 128], strides = [1, 1]} : vector<400x384xf32> to vector<400x128xf32>
    %slice3A_56 = vector.extract_strided_slice %add3A_47 {offsets = [0, 128], sizes = [400, 128], strides = [1, 1]} : vector<400x384xf32> to vector<400x128xf32>
    %add3A_57 = arith.addf %slice3A_55, %slice3A_56 : vector<400x128xf32>
    %logistic3A_58 = arith.negf %add3A_57 : vector<400x128xf32>
    %logistic3A_59 = math.exp %logistic3A_58 : vector<400x128xf32>
    %logistic3A_60 = arith.constant 1.000000e+00 : f32
    %logistic3A_61 = vector.broadcast %logistic3A_60 : f32 to vector<400x128xf32>
    %logistic3A_62 = arith.addf %logistic3A_61, %logistic3A_59 : vector<400x128xf32>
    %logistic3A_63 = arith.divf %logistic3A_61, %logistic3A_62 : vector<400x128xf32>
    %slice3A_64 = vector.extract_strided_slice %add3A_37 {offsets = [0, 256], sizes = [400, 128], strides = [1, 1]} : vector<400x384xf32> to vector<400x128xf32>
    %slice3A_65 = vector.extract_strided_slice %add3A_47 {offsets = [0, 256], sizes = [400, 128], strides = [1, 1]} : vector<400x384xf32> to vector<400x128xf32>
    %mul3A_66 = arith.mulf %logistic3A_54, %slice3A_65 : vector<400x128xf32>
    %add3A_67 = arith.addf %slice3A_64, %mul3A_66 : vector<400x128xf32>
    %tanh3A = math.tanh %add3A_67 : vector<400x128xf32>
    %sub3A = arith.constant 1.000000e+00 : f32
    %sub3A_68 = vector.broadcast %sub3A : f32 to vector<400x128xf32>
    %sub3A_69 = arith.subf %sub3A_68, %logistic3A_63 : vector<400x128xf32>
    %mul3A_70 = arith.mulf %sub3A_69, %tanh3A : vector<400x128xf32>
    %mul3A_71 = arith.mulf %logistic3A_63, %get3A_4 : vector<400x128xf32>
    %add3A_72 = arith.addf %mul3A_70, %mul3A_71 : vector<400x128xf32>
    %swap3A = arith.constant 0 : index
    %swap3A_73 = arith.constant 0 : index
    %swap3A_74 = vector.load %arg13[%swap3A, %swap3A_73] : memref<400x128xf32, #tpu.memory_space<vmem>>, vector<400x128xf32>
    tpu.vector_store %arg13[%swap3A, %swap3A_73], %add3A_72 {strides = array<i32>} : memref<400x128xf32, #tpu.memory_space<vmem>>, vector<400x128xf32>,
    %concatenate3A_75 = tpu.concatenate %get3A_1, %add3A_72 in 1 : vector<400x128xf32>, vector<400x128xf32> -> vector<400x256xf32>
    %get3A_76 = arith.constant 0 : index
    %get3A_77 = arith.constant 0 : index
    %get3A_78 = vector.load %arg11[%get3A_76, %get3A_77] : memref<96x256xf32, #tpu.memory_space<vmem>>, vector<96x256xf32>
    %dot_general3A_79 = arith.constant dense<0.000000e+00> : vector<400x96xf32>
    %dot_general3A_80 = tpu.matmul %concatenate3A_75, %get3A_78, %dot_general3A_79 {dimension_numbers = #tpu.dot_dimension_numbers<[1], [1], [0], [0], [0, 0, 1, 0], [], []>, transpose_lhs_hint = false} : vector<400x256xf32>, vector<96x256xf32>, vector<400x96xf32> -> vector<400x96xf32>
    %get3A_81 = arith.constant 0 : index
    %get3A_82 = arith.constant 0 : index
    %get3A_83 = vector.load %arg12[%get3A_81, %get3A_82] : memref<1x96xf32, #tpu.memory_space<vmem>>, vector<1x96xf32>
    %add3A_84 = vector.broadcast %get3A_83 : vector<1x96xf32> to vector<400x96xf32>
    %add3A_85 = arith.addf %dot_general3A_80, %add3A_84 : vector<400x96xf32>
    %slice3A_86 = vector.extract_strided_slice %add3A_85 {offsets = [0, 0], sizes = [400, 32], strides = [1, 1]} : vector<400x96xf32> to vector<400x32xf32>
    %mul3A_87 = arith.constant 3.125000e-02 : f32
    %mul3A_88 = vector.broadcast %mul3A_87 : f32 to vector<400x32xf32>
    %mul3A_89 = arith.mulf %slice3A_86, %mul3A_88 : vector<400x32xf32>
    %swap3A_90 = arith.constant 0 : index
    %swap3A_91 = arith.constant 0 : index
    %swap3A_92 = vector.load %arg14[%swap3A_90, %swap3A_91] : memref<400x32xf32, #tpu.memory_space<vmem>>, vector<400x32xf32>
    tpu.vector_store %arg14[%swap3A_90, %swap3A_91], %mul3A_89 {strides = array<i32>} : memref<400x32xf32, #tpu.memory_space<vmem>>, vector<400x32xf32>,
    %slice3A_93 = vector.extract_strided_slice %add3A_85 {offsets = [0, 32], sizes = [400, 32], strides = [1, 1]} : vector<400x96xf32> to vector<400x32xf32>
    %swap3A_94 = arith.constant 0 : index
    %swap3A_95 = arith.constant 0 : index
    %swap3A_96 = vector.load %arg15[%swap3A_94, %swap3A_95] : memref<400x32xf32, #tpu.memory_space<vmem>>, vector<400x32xf32>
    tpu.vector_store %arg15[%swap3A_94, %swap3A_95], %slice3A_93 {strides = array<i32>} : memref<400x32xf32, #tpu.memory_space<vmem>>, vector<400x32xf32>,
    %slice3A_97 = vector.extract_strided_slice %add3A_85 {offsets = [0, 64], sizes = [400, 32], strides = [1, 1]} : vector<400x96xf32> to vector<400x32xf32>
    %swap3A_98 = arith.constant 0 : index
    %swap3A_99 = arith.constant 0 : index
    %swap3A_100 = vector.load %arg16[%swap3A_98, %swap3A_99] : memref<400x32xf32, #tpu.memory_space<vmem>>, vector<400x32xf32>
    tpu.vector_store %arg16[%swap3A_98, %swap3A_99], %slice3A_97 {strides = array<i32>} : memref<400x32xf32, #tpu.memory_space<vmem>>, vector<400x32xf32>,
    return
  }
  func.func @transform_0(%arg0: i32) -> (i32, i32) {
    %c0_i32 = arith.constant 0 : i32
    %c0_i32_0 = arith.constant 0 : i32
    return %arg0, %c0_i32 : i32, i32
  }
  func.func @transform_1(%arg0: i32) -> (i32, i32) {
    %c0_i32 = arith.constant 0 : i32
    %c0_i32_0 = arith.constant 0 : i32
    return %arg0, %c0_i32 : i32, i32
  }
  func.func @transform_2(%arg0: i32) -> (i32, i32) {
    %c0_i32 = arith.constant 0 : i32
    %c0_i32_0 = arith.constant 0 : i32
    return %arg0, %c0_i32 : i32, i32
  }
  func.func @transform_3(%arg0: i32) -> (i32, i32) {
    %c0_i32 = arith.constant 0 : i32
    %c0_i32_0 = arith.constant 0 : i32
    return %arg0, %c0_i32 : i32, i32
  }
  func.func @transform_4(%arg0: i32) -> (i32, i32) {
    %c0_i32 = arith.constant 0 : i32
    %c0_i32_0 = arith.constant 0 : i32
    return %arg0, %c0_i32 : i32, i32
  }
  func.func @transform_5(%arg0: i32) -> (i32, i32) {
    %c0_i32 = arith.constant 0 : i32
    %c0_i32_0 = arith.constant 0 : i32
    return %arg0, %c0_i32 : i32, i32
  }
  func.func @transform_6(%arg0: i32) -> (i32, i32) {
    %c0_i32 = arith.constant 0 : i32
    %c0_i32_0 = arith.constant 0 : i32
    %c0_i32_1 = arith.constant 0 : i32
    return %c0_i32, %c0_i32_0 : i32, i32
  }
  func.func @transform_7(%arg0: i32) -> (i32, i32) {
    %c0_i32 = arith.constant 0 : i32
    %c0_i32_0 = arith.constant 0 : i32
    %c0_i32_1 = arith.constant 0 : i32
    return %c0_i32, %c0_i32_0 : i32, i32
  }
  func.func @transform_8(%arg0: i32) -> (i32, i32) {
    %c0_i32 = arith.constant 0 : i32
    %c0_i32_0 = arith.constant 0 : i32
    %c0_i32_1 = arith.constant 0 : i32
    return %c0_i32, %c0_i32_0 : i32, i32
  }
  func.func @transform_9(%arg0: i32) -> (i32, i32) {
    %c0_i32 = arith.constant 0 : i32
    %c0_i32_0 = arith.constant 0 : i32
    %c0_i32_1 = arith.constant 0 : i32
    return %c0_i32, %c0_i32_0 : i32, i32
  }
  func.func @transform_10(%arg0: i32) -> (i32, i32) {
    %c0_i32 = arith.constant 0 : i32
    %c0_i32_0 = arith.constant 0 : i32
    %c0_i32_1 = arith.constant 0 : i32
    return %c0_i32, %c0_i32_0 : i32, i32
  }
  func.func @transform_11(%arg0: i32) -> (i32, i32) {
    %c0_i32 = arith.constant 0 : i32
    %c0_i32_0 = arith.constant 0 : i32
    %c0_i32_1 = arith.constant 0 : i32
    return %c0_i32, %c0_i32_0 : i32, i32
  }
  func.func @transform_12(%arg0: i32) -> (i32, i32) {
    %c0_i32 = arith.constant 0 : i32
    %c0_i32_0 = arith.constant 0 : i32
    return %arg0, %c0_i32 : i32, i32
  }
  func.func @transform_13(%arg0: i32) -> (i32, i32) {
    %c0_i32 = arith.constant 0 : i32
    %c0_i32_0 = arith.constant 0 : i32
    return %arg0, %c0_i32 : i32, i32
  }
  func.func @transform_14(%arg0: i32) -> (i32, i32) {
    %c0_i32 = arith.constant 0 : i32
    %c0_i32_0 = arith.constant 0 : i32
    return %arg0, %c0_i32 : i32, i32
  }
  func.func @transform_15(%arg0: i32) -> (i32, i32) {
    %c0_i32 = arith.constant 0 : i32
    %c0_i32_0 = arith.constant 0 : i32
    return %arg0, %c0_i32 : i32, i32
  }
}

module attributes {stable_mosaic.version = 14 : i64} {
  func.func @_gru_body(%arg0: i32, %arg1: memref<400x128xf32, #tpu.memory_space<vmem>>, %arg2: memref<400x128xf32, #tpu.memory_space<vmem>>, %arg3: memref<400x32xf32, #tpu.memory_space<vmem>>, %arg4: memref<400x32xf32, #tpu.memory_space<vmem>>, %arg5: memref<400x1xf32, #tpu.memory_space<vmem>>, %arg6: memref<400x1xf32, #tpu.memory_space<vmem>>, %arg7: memref<384x160xf32, #tpu.memory_space<vmem>>, %arg8: memref<1x384xf32, #tpu.memory_space<vmem>>, %arg9: memref<384x128xf32, #tpu.memory_space<vmem>>, %arg10: memref<1x384xf32, #tpu.memory_space<vmem>>, %arg11: memref<96x256xf32, #tpu.memory_space<vmem>>, %arg12: memref<1x96xf32, #tpu.memory_space<vmem>>, %arg13: memref<400x128xf32, #tpu.memory_space<vmem>>) attributes {dimension_semantics = [#tpu.dimension_semantics<arbitrary>], iteration_bounds = array<i64: 25>, scalar_prefetch = 0 : i64, scratch_operands = 0 : i64, tpu.core_type = #tpu.core_type<tc>, window_params = [{transform_indices = @transform_0, window_bounds = array<i64: 400, 128>}, {transform_indices = @transform_1, window_bounds = array<i64: 400, 128>}, {transform_indices = @transform_2, window_bounds = array<i64: 400, 32>}, {transform_indices = @transform_3, window_bounds = array<i64: 400, 32>}, {transform_indices = @transform_4, window_bounds = array<i64: 400, 1>}, {transform_indices = @transform_5, window_bounds = array<i64: 400, 1>}, {pipeline_mode = #tpu.pipeline_mode<synchronous>, transform_indices = @transform_6, window_bounds = array<i64: 384, 160>}, {pipeline_mode = #tpu.pipeline_mode<synchronous>, transform_indices = @transform_7, window_bounds = array<i64: 1, 384>}, {pipeline_mode = #tpu.pipeline_mode<synchronous>, transform_indices = @transform_8, window_bounds = array<i64: 384, 128>}, {pipeline_mode = #tpu.pipeline_mode<synchronous>, transform_indices = @transform_9, window_bounds = array<i64: 1, 384>}, {pipeline_mode = #tpu.pipeline_mode<synchronous>, transform_indices = @transform_10, window_bounds = array<i64: 96, 256>}, {pipeline_mode = #tpu.pipeline_mode<synchronous>, transform_indices = @transform_11, window_bounds = array<i64: 1, 96>}, {transform_indices = @transform_12, window_bounds = array<i64: 400, 128>}]} {
    %get3A = arith.constant 0 : index
    %get3A_0 = arith.constant 0 : index
    %get3A_1 = vector.load %arg1[%get3A, %get3A_0] : memref<400x128xf32, #tpu.memory_space<vmem>>, vector<400x128xf32>
    %get3A_2 = arith.constant 0 : index
    %get3A_3 = arith.constant 0 : index
    %get3A_4 = vector.load %arg2[%get3A_2, %get3A_3] : memref<400x128xf32, #tpu.memory_space<vmem>>, vector<400x128xf32>
    %get3A_5 = arith.constant 0 : index
    %get3A_6 = arith.constant 0 : index
    %get3A_7 = vector.load %arg5[%get3A_5, %get3A_6] : memref<400x1xf32, #tpu.memory_space<vmem>>, vector<400x1xf32>
    %get3A_8 = arith.constant 0 : index
    %get3A_9 = arith.constant 0 : index
    %get3A_10 = vector.load %arg6[%get3A_8, %get3A_9] : memref<400x1xf32, #tpu.memory_space<vmem>>, vector<400x1xf32>
    %add3A = arith.addf %get3A_7, %get3A_10 : vector<400x1xf32>
    %gt3A = arith.constant 0.000000e+00 : f32
    %gt3A_11 = vector.broadcast %gt3A : f32 to vector<400x1xf32>
    %gt3A_12 = arith.cmpf ogt, %add3A, %gt3A_11 : vector<400x1xf32>
    %gt3A_13 = arith.constant 0.000000e+00 : f32
    %gt3A_14 = vector.broadcast %gt3A_13 : f32 to vector<400x1xf32>
    %gt3A_15 = arith.cmpf ogt, %add3A, %gt3A_14 : vector<400x1xf32>
    %jit3A = arith.constant 1.000000e+00 : f32
    %broadcast_in_dim3A = vector.broadcast %jit3A : f32 to vector<400x1xf32>
    %select_n3A = arith.select %gt3A_15, %add3A, %broadcast_in_dim3A : vector<400x1xi1>, vector<400x1xf32>
    %div3A = arith.constant 1.000000e+00 : f32
    %div3A_16 = vector.broadcast %div3A : f32 to vector<400x1xf32>
    %div3A_17 = arith.divf %div3A_16, %select_n3A : vector<400x1xf32>
    %jit3A_18 = arith.constant 0.000000e+00 : f32
    %broadcast_in_dim3A_19 = vector.broadcast %jit3A_18 : f32 to vector<400x1xf32>
    %select_n3A_20 = arith.select %gt3A_12, %div3A_17, %broadcast_in_dim3A_19 : vector<400x1xi1>, vector<400x1xf32>
    %get3A_21 = arith.constant 0 : index
    %get3A_22 = arith.constant 0 : index
    %get3A_23 = vector.load %arg3[%get3A_21, %get3A_22] : memref<400x32xf32, #tpu.memory_space<vmem>>, vector<400x32xf32>
    %get3A_24 = arith.constant 0 : index
    %get3A_25 = arith.constant 0 : index
    %get3A_26 = vector.load %arg4[%get3A_24, %get3A_25] : memref<400x32xf32, #tpu.memory_space<vmem>>, vector<400x32xf32>
    %add3A_27 = arith.addf %get3A_23, %get3A_26 : vector<400x32xf32>
    %mul3A = vector.broadcast %select_n3A_20 : vector<400x1xf32> to vector<400x32xf32>
    %mul3A_28 = arith.mulf %add3A_27, %mul3A : vector<400x32xf32>
    %concatenate3A = tpu.concatenate %get3A_1, %mul3A_28 in 1 : vector<400x128xf32>, vector<400x32xf32> -> vector<400x160xf32>
    %get3A_29 = arith.constant 0 : index
    %get3A_30 = arith.constant 0 : index
    %get3A_31 = vector.load %arg7[%get3A_29, %get3A_30] : memref<384x160xf32, #tpu.memory_space<vmem>>, vector<384x160xf32>
    %dot_general3A = arith.constant dense<0.000000e+00> : vector<400x384xf32>
    %dot_general3A_32 = tpu.matmul %concatenate3A, %get3A_31, %dot_general3A {dimension_numbers = #tpu.dot_dimension_numbers<[1], [1], [0], [0], [0, 0, 1, 0], [], []>, transpose_lhs_hint = false} : vector<400x160xf32>, vector<384x160xf32>, vector<400x384xf32> -> vector<400x384xf32>
    %get3A_33 = arith.constant 0 : index
    %get3A_34 = arith.constant 0 : index
    %get3A_35 = vector.load %arg8[%get3A_33, %get3A_34] : memref<1x384xf32, #tpu.memory_space<vmem>>, vector<1x384xf32>
    %add3A_36 = vector.broadcast %get3A_35 : vector<1x384xf32> to vector<400x384xf32>
    %add3A_37 = arith.addf %dot_general3A_32, %add3A_36 : vector<400x384xf32>
    %get3A_38 = arith.constant 0 : index
    %get3A_39 = arith.constant 0 : index
    %get3A_40 = vector.load %arg9[%get3A_38, %get3A_39] : memref<384x128xf32, #tpu.memory_space<vmem>>, vector<384x128xf32>
    %dot_general3A_41 = arith.constant dense<0.000000e+00> : vector<400x384xf32>
    %dot_general3A_42 = tpu.matmul %get3A_4, %get3A_40, %dot_general3A_41 {dimension_numbers = #tpu.dot_dimension_numbers<[1], [1], [0], [0], [0, 0, 1, 0], [], []>, transpose_lhs_hint = false} : vector<400x128xf32>, vector<384x128xf32>, vector<400x384xf32> -> vector<400x384xf32>
    %get3A_43 = arith.constant 0 : index
    %get3A_44 = arith.constant 0 : index
    %get3A_45 = vector.load %arg10[%get3A_43, %get3A_44] : memref<1x384xf32, #tpu.memory_space<vmem>>, vector<1x384xf32>
    %add3A_46 = vector.broadcast %get3A_45 : vector<1x384xf32> to vector<400x384xf32>
    %add3A_47 = arith.addf %dot_general3A_42, %add3A_46 : vector<400x384xf32>
    %slice3A = vector.extract_strided_slice %add3A_37 {offsets = [0, 0], sizes = [400, 128], strides = [1, 1]} : vector<400x384xf32> to vector<400x128xf32>
    %slice3A_48 = vector.extract_strided_slice %add3A_47 {offsets = [0, 0], sizes = [400, 128], strides = [1, 1]} : vector<400x384xf32> to vector<400x128xf32>
    %add3A_49 = arith.addf %slice3A, %slice3A_48 : vector<400x128xf32>
    %logistic3A = arith.negf %add3A_49 : vector<400x128xf32>
    %logistic3A_50 = math.exp %logistic3A : vector<400x128xf32>
    %logistic3A_51 = arith.constant 1.000000e+00 : f32
    %logistic3A_52 = vector.broadcast %logistic3A_51 : f32 to vector<400x128xf32>
    %logistic3A_53 = arith.addf %logistic3A_52, %logistic3A_50 : vector<400x128xf32>
    %logistic3A_54 = arith.divf %logistic3A_52, %logistic3A_53 : vector<400x128xf32>
    %slice3A_55 = vector.extract_strided_slice %add3A_37 {offsets = [0, 128], sizes = [400, 128], strides = [1, 1]} : vector<400x384xf32> to vector<400x128xf32>
    %slice3A_56 = vector.extract_strided_slice %add3A_47 {offsets = [0, 128], sizes = [400, 128], strides = [1, 1]} : vector<400x384xf32> to vector<400x128xf32>
    %add3A_57 = arith.addf %slice3A_55, %slice3A_56 : vector<400x128xf32>
    %logistic3A_58 = arith.negf %add3A_57 : vector<400x128xf32>
    %logistic3A_59 = math.exp %logistic3A_58 : vector<400x128xf32>
    %logistic3A_60 = arith.constant 1.000000e+00 : f32
    %logistic3A_61 = vector.broadcast %logistic3A_60 : f32 to vector<400x128xf32>
    %logistic3A_62 = arith.addf %logistic3A_61, %logistic3A_59 : vector<400x128xf32>
    %logistic3A_63 = arith.divf %logistic3A_61, %logistic3A_62 : vector<400x128xf32>
    %slice3A_64 = vector.extract_strided_slice %add3A_37 {offsets = [0, 256], sizes = [400, 128], strides = [1, 1]} : vector<400x384xf32> to vector<400x128xf32>
    %slice3A_65 = vector.extract_strided_slice %add3A_47 {offsets = [0, 256], sizes = [400, 128], strides = [1, 1]} : vector<400x384xf32> to vector<400x128xf32>
    %mul3A_66 = arith.mulf %logistic3A_54, %slice3A_65 : vector<400x128xf32>
    %add3A_67 = arith.addf %slice3A_64, %mul3A_66 : vector<400x128xf32>
    %tanh3A = math.tanh %add3A_67 : vector<400x128xf32>
    %sub3A = arith.constant 1.000000e+00 : f32
    %sub3A_68 = vector.broadcast %sub3A : f32 to vector<400x128xf32>
    %sub3A_69 = arith.subf %sub3A_68, %logistic3A_63 : vector<400x128xf32>
    %mul3A_70 = arith.mulf %sub3A_69, %tanh3A : vector<400x128xf32>
    %mul3A_71 = arith.mulf %logistic3A_63, %get3A_4 : vector<400x128xf32>
    %add3A_72 = arith.addf %mul3A_70, %mul3A_71 : vector<400x128xf32>
    %swap3A = arith.constant 0 : index
    %swap3A_73 = arith.constant 0 : index
    %swap3A_74 = vector.load %arg13[%swap3A, %swap3A_73] : memref<400x128xf32, #tpu.memory_space<vmem>>, vector<400x128xf32>
    tpu.vector_store %arg13[%swap3A, %swap3A_73], %add3A_72 {strides = array<i32>} : memref<400x128xf32, #tpu.memory_space<vmem>>, vector<400x128xf32>,
    return
  }
  func.func @transform_0(%arg0: i32) -> (i32, i32) {
    %c0_i32 = arith.constant 0 : i32
    %c0_i32_0 = arith.constant 0 : i32
    return %arg0, %c0_i32 : i32, i32
  }
  func.func @transform_1(%arg0: i32) -> (i32, i32) {
    %c0_i32 = arith.constant 0 : i32
    %c0_i32_0 = arith.constant 0 : i32
    return %arg0, %c0_i32 : i32, i32
  }
  func.func @transform_2(%arg0: i32) -> (i32, i32) {
    %c0_i32 = arith.constant 0 : i32
    %c0_i32_0 = arith.constant 0 : i32
    return %arg0, %c0_i32 : i32, i32
  }
  func.func @transform_3(%arg0: i32) -> (i32, i32) {
    %c0_i32 = arith.constant 0 : i32
    %c0_i32_0 = arith.constant 0 : i32
    return %arg0, %c0_i32 : i32, i32
  }
  func.func @transform_4(%arg0: i32) -> (i32, i32) {
    %c0_i32 = arith.constant 0 : i32
    %c0_i32_0 = arith.constant 0 : i32
    return %arg0, %c0_i32 : i32, i32
  }
  func.func @transform_5(%arg0: i32) -> (i32, i32) {
    %c0_i32 = arith.constant 0 : i32
    %c0_i32_0 = arith.constant 0 : i32
    return %arg0, %c0_i32 : i32, i32
  }
  func.func @transform_6(%arg0: i32) -> (i32, i32) {
    %c0_i32 = arith.constant 0 : i32
    %c0_i32_0 = arith.constant 0 : i32
    %c0_i32_1 = arith.constant 0 : i32
    return %c0_i32, %c0_i32_0 : i32, i32
  }
  func.func @transform_7(%arg0: i32) -> (i32, i32) {
    %c0_i32 = arith.constant 0 : i32
    %c0_i32_0 = arith.constant 0 : i32
    %c0_i32_1 = arith.constant 0 : i32
    return %c0_i32, %c0_i32_0 : i32, i32
  }
  func.func @transform_8(%arg0: i32) -> (i32, i32) {
    %c0_i32 = arith.constant 0 : i32
    %c0_i32_0 = arith.constant 0 : i32
    %c0_i32_1 = arith.constant 0 : i32
    return %c0_i32, %c0_i32_0 : i32, i32
  }
  func.func @transform_9(%arg0: i32) -> (i32, i32) {
    %c0_i32 = arith.constant 0 : i32
    %c0_i32_0 = arith.constant 0 : i32
    %c0_i32_1 = arith.constant 0 : i32
    return %c0_i32, %c0_i32_0 : i32, i32
  }
  func.func @transform_10(%arg0: i32) -> (i32, i32) {
    %c0_i32 = arith.constant 0 : i32
    %c0_i32_0 = arith.constant 0 : i32
    %c0_i32_1 = arith.constant 0 : i32
    return %c0_i32, %c0_i32_0 : i32, i32
  }
  func.func @transform_11(%arg0: i32) -> (i32, i32) {
    %c0_i32 = arith.constant 0 : i32
    %c0_i32_0 = arith.constant 0 : i32
    %c0_i32_1 = arith.constant 0 : i32
    return %c0_i32, %c0_i32_0 : i32, i32
  }
  func.func @transform_12(%arg0: i32) -> (i32, i32) {
    %c0_i32 = arith.constant 0 : i32
    %c0_i32_0 = arith.constant 0 : i32
    return %arg0, %c0_i32 : i32, i32
  }
}

</mosaic_0001>

<sc_bundles>
// kernel: kernel.10.cloned.1.call-start
scs
__scs_entry_jumppad:
0x0: {  	(pc) =	sbr.rel $0x88, $3  }
0x1: {  	(tag) =	ssettag $0x0;
	lr =	simm.s32 $0x1  }
0x2: {  	[smem:$0x3F94] =	sst lr;
	_ =	strace $0xD0000000  }
0x3: {  	_ = 	snop  }
0x4: {  	_ = 	snop  }
0x5: {  	_ = 	snop  }
0x6: {  	_ = 	snop  }
0x7: {  	_ = 	snop  }
__scs_overlays_trampoline_lowered:
0x8: {  	[smem:$0x3FA3] =	sst s0  }
0x9: {  	[smem:$0x3FA4] =	sst s1  }
0xa: {  	[smem:$0x3FA5] =	sst s2  }
0xb: {  	[smem:$0x3FA6] =	sst s3  }
0xc: {  	[smem:$0x3FA7] =	sst s4  }
0xd: {  	[smem:$0x3FA8] =	sst s5  }
0xe: {  	[smem:$0x3FA9] =	sst s6  }
0xf: {  	[smem:$0x3FAA] =	sst s7  }
0x10: {  	[smem:$0x3FAB] =	sst s8  }
0x11: {  	[smem:$0x3FAC] =	sst s9;
	s0 =	simm.s32 @!p0 $0x0  }
0x12: {  	s1 =	sld [smem:$0x3F92];
	s0 =	simm.s32 @p0 $0x1  }
0x13: {  	[smem:$0x3FAD] =	sst s0;
	s0 =	simm.s32 @!p1 $0x0  }
0x14: {  	s2 =	sld [smem:$0x3F91];
	s0 =	simm.s32 @p1 $0x1  }
0x15: {  	[smem:$0x3FAE] =	sst s0;
	s0 =	simm.s32 @!p2 $0x0  }
0x16: {  	s3 =	sld [smem:$0x3FDB];
	s0 =	simm.s32 @p2 $0x1  }
0x17: {  	s4 =	simm.s32 $0x1BF5;
	[smem:$0x3FB0] =	sst s0  }
0x18: {  	s0 =	sld [smem:$0x3F93];
	_ =	swait.ge [sflag:s4], $0x0  }
0x19: {  	s7 =	sld [smem:$0x3F94]  }
0x1a: {  	s8 =	sadd.s32 $0xFFFFE003, lr  }
0x1b: {  	s9 =	sadd.s32 $0xFFFFFEF7, lr;
	s5 =	simm.s32 $0xFFFFFFFF;
	p2 =	slt.u32 s8, $0xFFFFF086  }
0x1c: {  	p1 =	slt.u32 s9, $0xF7A;
	s5 =	simm.s32 @!p2 $0x0  }
0x1d: {  	s5 =	simm.s32 @p1 $0x1;
	p0 =	seq.s32 s7, s2  }
0x1e: {  	s7 =	smul.u32 @!p0 $0xF7A, s2;
	p2 =	seq.s32 @!p0 s5, $0x0  }
0x1f: {  	s9 =	smul.u32 $0xF7A, s1;
	s8 =	simm.s32 @!p0 $0x1BF5;
	p2 =	por !p2, p0  }
0x20: {  	[sflag:s8] =	ssyncset.s32 @!p0 $0xFFFFF086;
	s6 =	sadd.s32 @!p0 s3, s7;
	s7 =	simm.s32 @!p0 $0x108  }
0x21: {  	s3 =	sadd.s32 s3, s9;
	s6 =	sadd.s32 @!p0 $0x88, s6;
	s7 =	simm.s32 @p2 $0x1082  }
0x22: {  	[simem:s7], [sflag:s8] =	dma.local @!p0 [hbm:s6], $0xF7A  }
0x23: {  	s9 =	sor.u32 $0xD0000000, s2;
	s6 =	simm.s32 $0x108;
	_ =	swait.ge @!p0 [sflag:s8], $0x0  }
0x24: {  	s3 =	sadd.s32 $0x88, s3;
	s6 =	simm.s32 @!p1 $0x1082;
	[sflag:s4] =	ssyncset.s32 $0xFFFFF086  }
0x25: {  	[simem:s6], [sflag:s4] =	dma.local [hbm:s3], $0xF7A  }
0x26: {  	[smem:$0x3F94] =	sst s1;
	(tag) =	ssettag s2;
	_ =	strace s9  }
0x27: {  	s1 =	sld [smem:$0x3FA4]  }
0x28: {  	s2 =	sld [smem:$0x3FA5]  }
0x29: {  	s4 =	sld [smem:$0x3FA7]  }
0x2a: {  	p0 =	seq.s32 s5, $0x0;
	s5 =	sld [smem:$0x3FA8]  }
0x2b: {  	s6 =	sld [smem:$0x3FA9]  }
0x2c: {  	s7 =	sld [smem:$0x3FAA]  }
0x2d: {  	s3 =	simm.s32 $0x108;
	s8 =	sld [smem:$0x3FAB]  }
0x2e: {  	s3 =	simm.s32 @!p0 $0x1082;
	s9 =	sld [smem:$0x3FAC]  }
0x2f: {  	lr =	sadd.s32 s0, s3;
	s0 =	sld [smem:$0x3FA3]  }
0x30: {  	s3 =	sld [smem:$0x3FA6]  }
0x31: {  	[smem:$0x3FAF] =	sst s10  }
0x32: {  	s10 =	sld [smem:$0x3FAD];
	_ =	sdelay $0x3  }
0x33: {  	p0 =	seq.s32 s10, $0x1;
	s10 =	sld [smem:$0x3FAF];
	_ =	sdelay $0x3  }
0x34: {  	[smem:$0x3FAF] =	sst s10  }
0x35: {  	s10 =	sld [smem:$0x3FAE];
	_ =	sdelay $0x3  }
0x36: {  	p1 =	seq.s32 s10, $0x1;
	s10 =	sld [smem:$0x3FAF];
	_ =	sdelay $0x3  }
0x37: {  	[smem:$0x3FAF] =	sst s10  }
0x38: {  	s10 =	sld [smem:$0x3FB0]  }
0x39: {  	_ = 	snop;
	(pc) =	sbr.ind lr, $3  }
0x3a: {  	_ = 	snop  }
0x3b: {  	_ = 	snop  }
0x3c: {  	p2 =	seq.s32 s10, $0x1;
	s10 =	sld [smem:$0x3FAF]  }
0x3d: {  	_ =	shalt  }
0x3e: {  	_ =	shalt  }
0x3f: {  	_ =	shalt  }
0x40: {  	_ =	shalt  }
0x41: {  	_ =	shalt  }
0x42: {  	_ =	shalt  }
0x43: {  	_ =	shalt  }
0x44: {  	_ =	shalt  }
0x45: {  	_ =	shalt  }
0x46: {  	_ =	shalt  }
0x47: {  	_ =	shalt  }
0x48: {  	_ =	shalt  }
0x49: {  	_ =	shalt  }
0x4a: {  	_ =	shalt  }
0x4b: {  	_ =	shalt  }
0x4c: {  	_ =	shalt  }
0x4d: {  	_ =	shalt  }
0x4e: {  	_ =	shalt  }
0x4f: {  	_ =	shalt  }
0x50: {  	_ =	shalt  }
0x51: {  	_ =	shalt  }
0x52: {  	_ =	shalt  }
0x53: {  	_ =	shalt  }
0x54: {  	_ =	shalt  }
0x55: {  	_ =	shalt  }
0x56: {  	_ =	shalt  }
0x57: {  	_ =	shalt  }
0x58: {  	_ =	shalt  }
0x59: {  	_ =	shalt  }
0x5a: {  	_ =	shalt  }
0x5b: {  	_ =	shalt  }
0x5c: {  	_ =	shalt  }
0x5d: {  	_ =	shalt  }
0x5e: {  	_ =	shalt  }
0x5f: {  	_ =	shalt  }
0x60: {  	_ =	shalt  }
0x61: {  	_ =	shalt  }
0x62: {  	_ =	shalt  }
0x63: {  	_ =	shalt  }
0x64: {  	_ =	shalt  }
0x65: {  	_ =	shalt  }
0x66: {  	_ =	shalt  }
0x67: {  	_ =	shalt  }
0x68: {  	_ =	shalt  }
0x69: {  	_ =	shalt  }
0x6a: {  	_ =	shalt  }
0x6b: {  	_ =	shalt  }
0x6c: {  	_ =	shalt  }
0x6d: {  	_ =	shalt  }
0x6e: {  	_ =	shalt  }
0x6f: {  	_ =	shalt  }
0x70: {  	_ =	shalt  }
0x71: {  	_ =	shalt  }
0x72: {  	_ =	shalt  }
0x73: {  	_ =	shalt  }
0x74: {  	_ =	shalt  }
0x75: {  	_ =	shalt  }
0x76: {  	_ =	shalt  }
0x77: {  	_ =	shalt  }
0x78: {  	_ =	shalt  }
0x79: {  	_ =	shalt  }
0x7a: {  	_ =	shalt  }
0x7b: {  	_ =	shalt  }
0x7c: {  	_ =	shalt  }
0x7d: {  	_ =	shalt  }
0x7e: {  	_ =	shalt  }
0x7f: {  	_ =	shalt  }
0x80: {  	_ =	shalt  }
0x81: {  	_ =	shalt  }
0x82: {  	_ =	shalt  }
0x83: {  	_ =	shalt  }
0x84: {  	_ =	shalt  }
0x85: {  	_ =	shalt  }
0x86: {  	_ =	shalt  }
0x87: {  	_ =	shalt  }
.Lfunc_end0:
.L_simem_size_0:
called_computation.1_lowered:
.L_overlay_start_0:
0x88: {  	s2 =	sld [smem:$0x3FD9]  }
0x89: {  	s3 =	sld [smem:$0x3FFE];
	_ =	sdelay $0x1  }
0x8a: {  	s1 =	srdreg.scid  }
0x8b: {  	s0 =	sand.u32 $0x1, s1  }
0x8c: {  	s17 =	sshll.u32 s0, $0xA;
	s2 =	sadd.s32 s3, s2  }
0x8d: {  	s2 =	sadd.s32 s2, s17  }
0x8e: {  	[smem:$0x3FBB] =	sst s2  }
0x8f: {  	_ = 	snop  }
0x90: {  	s2 =	sld [smem:$0x3FD0];
	(tm) =	ssettm $0x1  }
0x91: {  	s18 =	sld [smem:$0x3FFB];
	_ =	sdelay $0x3  }
0x92: {  	_ =	strace s18  }
0x93: {  	s3 =	sld [smem:$0x3FFC];
	_ =	sdelay $0x3  }
0x94: {  	_ =	strace s3  }
0x95: {  	s3 =	sld [smem:$0x3FFD];
	_ =	sdelay $0x3  }
0x96: {  	_ =	strace s3  }
0x97: {  	_ =	strace $0x8FFFFFFF  }
0x98: {  	s19 =	sld [smem:$0x3FDB];
	_ =	sdelay $0x1  }
0x99: {  	s4 =	simm.s32 $_scs_section_size  }
0x9a: {  	s5 =	simm.s32 $_size__tile_overlayer_lowered;
	s6 =	simm.s32 $_tile_overlayer_lowered  }
0x9b: {  	s22 =	simm.s32 $0x1BFF;
	s21 =	sshll.u32 s6, $0x1;
	s3 =	sadd.s32 s4, s19  }
0x9c: {  	s7 =	simm.s32 $0x0;
	s20 =	sshll.u32 s5, $0x1;
	s5 =	sadd.s32 s21, s3  }
0x9d: {  	[timem:s7], [sflag:s22] =	dma.local [hbm:s5], s20  }
0x9e: {  	_ =	swait.ge [sflag:s22], s20  }
0x9f: {  	s4 =	ssub.s32 $0x0, s20;
	[sflag:s22] =	ssyncset.done $0x0  }
0xa0: {  	[sflag:s22] =	ssyncadd.s32 s4;
	_ =	sdelay $0x1  }
0xa1: {  	s23 =	simm.s32 $0x1B8B  }
0xa2: {  	_ =	swait.ge [sflag:s23], $0x1  }
0xa3: {  	[sflag:s23] =	ssyncset.done $0x0  }
0xa4: {  	s25 =	simm.s32 $0x1B8E;
	s24 =	sld [smem:$0x3FFE];
	[sflag:s23] =	ssyncadd.s32 $0xFFFFFFFF  }
0xa5: {  	s26 =	simm.s32 $execute0_lowered;
	[smem:$0x3FD2] =	sst s25  }
0xa6: {  	s5 =	sshll.u32 s26, $0x1;
	_ =	strace $0x80000049;
	[dreg:$0x1] =	wrdreg $0xFFFFFFFF  }
0xa7: {  	s28 =	simm.s32 $_size_execute0_lowered;
	s3 =	sadd.s32 s3, s5;
	[dreg:$0x0] =	wrdreg $0x0  }
0xa8: {  	s5 =	sshll.u32 s28, $0x1;
	[dreg:$0x2] =	wrdreg s3  }
0xa9: {  	[dreg:$0x3] =	wrdreg s5  }
0xaa: {  	[dreg:$0x4] =	wrdreg $0xC0  }
0xab: {  	_ =	task [dreg:s7], $0x5FFFF  }
0xac: {  	[dreg:$0x1] =	wrdreg $0xFFFFFFFF  }
0xad: {  	[dreg:$0x0] =	wrdreg $0x60  }
0xae: {  	[dreg:$0x2] =	wrdreg s24  }
0xaf: {  	[dreg:$0x3] =	wrdreg s2  }
0xb0: {  	[dreg:$0x4] =	wrdreg $0xCE200  }
0xb1: {  	[dreg:$0x5] =	wrdreg $0x11C400  }
0xb2: {  	[dreg:$0x6] =	wrdreg $0x9  }
0xb3: {  	_ =	task.clear_ibuf [dreg:s7], $0x7FFFF;
	_ =	strace $0x90000049  }
0xb4: {  	s29 =	simm.s32 $0x9;
	_ =	strace $0x8000004B  }
0xb5: {  	_ =	swait.ge [sflag:s29], $0x1  }
0xb6: {  	[sflag:s29] =	ssyncadd.s32 $0xFFFFFFFF  }
0xb7: {  	_ =	strace $0x9000004B  }
0xb8: {  	_ =	sfence  }
0xb9: {  	s30 =	sld [smem:$0x0];
	_ =	sdelay $0x2  }
0xba: {  	s31 =	sshll.u32 s1, $0xD;
	s1 =	sshrl.u32 s1, $0x2  }
0xbb: {  	s3 =	sand.u32 $0x4000, s31;
	s1 =	sadd.s32 s1, s30  }
0xbc: {  	s0 =	sor.u32 s3, s0;
	s1 =	sshll.u32 s1, $0x11  }
0xbd: {  	s0 =	sor.u32 s1, s0  }
0xbe: {  	s0 =	sadd.s32 $0x8F2B, s0  }
0xbf: {  	[sflag:s0] =	ssyncadd.remote.s32 $0x1  }
0xc0: {  	_ =	sfence.sel $0xFFFF  }
0xc1: {  	[dreg:$0x0] =	wrdreg $0xFFFFFFFF;
	(pc) =	sbr.abs _section_cstart, $3  }
0xc2: {  	[dreg:$0x1] =	wrdreg $0xFFFFFFFF  }
0xc3: {  	_ =	task.clear_ibuf [dreg:s7], $0x2FFFF;
	_ =	strace $0x9FFFFFFF  }
0xc4: {  	(tm) =	ssettm $0x7FFFFFFF  }
0xc5: {  	_ =	shalt  }
tec
execute0_lowered:
.L_overlay_start_1:
0x0: {  	(tag) =	ssettag $0x1  }
0x1: {  	s0 =	rddreg [dreg:$0x0]  }
0x2: {  	s1 =	srdreg.scid;
	s2 =	rddreg [dreg:$0x1]  }
0x3: {  	s6 =	rddreg [dreg:$0x2];
	s5 =	stileid.u32  }
0x4: {  	s7 =	rddreg [dreg:$0x3];
	s14 =	simm.s32 $0x0;
	s28 =	simm.s32 $0x6220  }
0x5: {  	s29 =	simm.s32 $0x6C20;
	s1 =	sand.u32 $0x1, s1;
	s8 =	smul.u32 $0x500, s5  }
0x6: {  	[smem:$0x7FF] =	sst s14;
	s9 =	sadd.s32 $0x17000, s0;
	s10 =	smul.u32 $0x7D00, s5  }
0x7: {  	s13 =	sadd.s32 $0x20E00, s0;
	s15 =	sadd.s32 $0x2AC00, s0;
	s11 =	smul.u32 $0xA00, s5  }
0x8: {  	s21 =	smul.u32 $0x1F400, s5;
	_ =	strace $0x8000004A;
	[dreg:$0x5] =	wrdreg s9  }
0x9: {  	s3 =	sshll.u32 s1, $0x4;
	s4 =	smul.u32 $0x2800, s1;
	[dreg:$0x6] =	wrdreg s13  }
0xa: {  	[dreg:$0x7] =	wrdreg s15;
	s16 =	smul.u32 $0x4E200, s1;
	s1 =	ssub.s32 $0x2, s1  }
0xb: {  	s3 =	sor.u32 s5, s3;
	s17 =	sshrl.u32 s1, $0x1;
	s20 =	sshrl.u32 s11, $0x2  }
0xc: {  	s3 =	smul.u32 $0x4E2, s3;
	s4 =	sadd.s32 s8, s4;
	s1 =	ssub.s32 s1, s17  }
0xd: {  	s19 =	sadd.s32 s10, s16;
	s22 =	sadd.s32 s20, s7;
	s4 =	sshrl.u32 s4, $0x3  }
0xe: {  	[dreg:$0xa] =	wrdreg s22;
	s1 =	smax.u32 s1, $0x1;
	s3 =	sadd.s32 s3, s0  }
0xf: {  	s0 =	sadd.s32 s4, s0;
	[dreg:$0xd] =	wrdreg s1;
	s18 =	sadd.s32 $0xD200, s3  }
0x10: {  	s4 =	sshrl.u32 s19, $0x3;
	s3 =	sadd.s32 $0x3400, s3;
	[dreg:$0x8] =	wrdreg s18  }
0x11: {  	v0 =	vlaneseq.u32;
	v1 =	vimm.f32 $0.0e+00;
	s30 =	simm.s32 $0x7620;
	s2 =	sadd.s32 s2, s4;
	[dreg:$0x9] =	wrdreg s3  }
0x12: {  	v8 =	vimm.s32 $0xECA86420;
	vm0 =	vcmask $0xB08;
	vm1 =	vcmask $0x1310;
	s23 =	sshrl.u32 s21, $0x2;
	s0 =	sadd.s32 $0x34A00, s0;
	[dreg:$0xb] =	wrdreg s2  }
0x13: {  	vm2 =	vcmask $0x1B18;
	vm3 =	vcmask $0x300;
	vm4 =	vcmask $0x2320;
	s31 =	simm.s32 $0x8020;
	[dreg:$0xc] =	wrdreg s0;
	s0 =	sadd.s32 s23, s6  }
0x14: {  	vm5 =	vcmask $0x2B28;
	vm6 =	vcmask $0x3330;
	vm7 =	vcmask $0x3B38;
	p0 =	sgt.u32 s5, $0x9;
	s24 =	sadd.s32 $0x1900, s0;
	[dreg:$0xe] =	wrdreg s0  }
0x15: {  	vm8 =	vmmov $0xff;
	vm11 =	vcmask $0x1714;
	vm12 =	vcmask $0x1F1C;
	p1 =	sgt.u32 @!p0 s5, $0x7;
	s25 =	sadd.s32 $0x3200, s0;
	[dreg:$0xf] =	wrdreg s24  }
0x16: {  	vm13 =	vcmask $0x2724;
	vm14 =	vcmask $0x2F2C;
	vm15 =	vcmask $0x3734;
	p1 =	por p1, p0;
	s26 =	sadd.s32 $0x4B00, s0;
	[dreg:$0x10] =	wrdreg s25  }
0x17: {  	v12 =	vimm.s32 $0x0;
	v2 =	vor.u32 $0x10, v0;
	v3 =	vor.u32 $0x20, v0;
	s2 =	sadd.s32 s10, s6;
	s0 =	sadd.s32 $0x6400, s0;
	[dreg:$0x11] =	wrdreg s26  }
0x18: {  	v4 =	vor.u32 $0x30, v0;
	v5 =	vor.u32 $0x40, v0;
	v10 =	vunpack.c.l.s4.s8 v8;
	s3 =	sadd.s32 s8, s7;
	[dreg:$0x12] =	wrdreg s0;
	s0 =	sshrl.u32 @!p0 s2, $0x3  }
0x19: {  	v6 =	vor.u32 $0x50, v0;
	v7 =	vor.u32 $0x60, v0;
	v8 =	vor.u32 $0x70, v0;
	s23 =	simm.s32 $0x4E20;
	[dreg:$0x13] =	wrdreg s0;
	s0 =	sshrl.u32 @!p1 s3, $0x3  }
0x1a: {  	v9 =	vmul.u32 $0x20, v0;
	v11 =	vmul.u32 $0x2, v0;
	v10 =	vunpack.c.0.s8.s32 v10;
	s26 =	simm.s32 $0x5820;
	s2 =	simm.s32 $0x0;
	[dreg:$0x14] =	wrdreg s0  }
.LBB2_1:
0x1b: {  	s1 =	sand.u32 $0x7F80, s14  }
0x1c: {  	[dreg:$0x15] =	wrdreg s2;
	s25 =	sand.u32 $0x10, s14;
	s4 =	sshrl.u32 s1, $0x2  }
0x1d: {  	s2 =	simm.s32 $0x0;
	s1 =	simm.s32 $0x40;
	s8 =	sor.u32 s25, s4  }
.LBB2_2:
0x1e: {  	p2 =	sne.s32 s1, $0x63C0  }
0x1f: {  	[tilespmem:s8+$0xB2A0] =	vst v1;
	s2 =	sadd.s32 $0x10, s2;
	s4 =	smov.u32 s1;
	s1 =	sadd.s32 $0x40, s1  }
.Ltmp0:
0x20: {  	(pc) =	sbr.rel @p2 .LBB2_2-.Ltmp0, $4  }
0x21: {  	_ = 	snop  }
0x22: {  	s4 =	sand.u32 $0x7F80, s4  }
0x23: {  	s8 =	sand.u32 $0x10, s2;
	s4 =	sshrl.u32 s4, $0x2  }
0x24: {  	s8 =	sor.u32 s8, s4;
	s4 =	simm.s32 $0x0  }
0x25: {  	s1 =	smul.u32 $0xCD, s4;
	_ =	sdelay $0x1  }
0x26: {  	s1 =	sshrl.u32 s1, $0xA  }
0x27: {  	s1 =	sand.u32 $0x3F, s1  }
0x28: {  	s2 =	simm.s32 $0x1;
	s9 =	smul.u32 $0x5, s1  }
0x29: {  	s10 =	smul.u32 $0xCD, s2  }
0x2a: {  	s12 =	smul.u32 $0x140, s1;
	s9 =	ssub.s32 $0x0, s9  }
0x2b: {  	[tilespmem:s8+$0xB2A0] =	vst v1;
	s8 =	simm.s32 $0x1;
	s11 =	sshrl.u32 s10, $0xA;
	s13 =	sand.u32 $0xFF, s9  }
0x2c: {  	s1 =	simm.s32 $0x2;
	s9 =	sshrl.u32 s12, $0x2;
	s10 =	sshll.u32 s13, $0x4  }
.LBB2_4:
0x2d: {  	s12 =	smul.u32 $0xCD, s1;
	s11 =	sand.u32 $0x3F, s11  }
0x2e: {  	s9 =	sadd.s32 s10, s9;
	p2 =	sne.s32 s1, $0x27;
	s10 =	smul.u32 $0x5, s11  }
.Ltmp1:
0x2f: {  	[tilespmem:s9+$0xCBA0] =	vst v1;
	(pc) =	sbr.rel @p2 .LBB2_4-.Ltmp1, $4  }
0x30: {  	s9 =	smul.u32 $0x140, s11;
	s11 =	smov.u32 s1  }
0x31: {  	s1 =	sadd.s32 $0x1, s1;
	s8 =	ssub.s32 s8, s10  }
0x32: {  	s10 =	sand.u32 $0xFF, s8;
	s8 =	smov.u32 s11  }
0x33: {  	s9 =	sshrl.u32 s9, $0x2;
	s11 =	sshrl.u32 s12, $0xA;
	s10 =	sshll.u32 s10, $0x4  }
0x34: {  	s1 =	sand.u32 $0x3F, s11  }
0x35: {  	s11 =	smul.u32 $0x5, s1;
	_ =	sdelay $0x1  }
0x36: {  	s1 =	smul.u32 $0x140, s1;
	s8 =	ssub.s32 s8, s11  }
0x37: {  	s25 =	smul.u32 $0xCCCD, s4;
	s8 =	sand.u32 $0xFF, s8  }
0x38: {  	s9 =	sadd.s32 s10, s9;
	s1 =	sshrl.u32 s1, $0x2;
	s8 =	sshll.u32 s8, $0x4  }
0x39: {  	[tilespmem:s9+$0xCBA0] =	vst v1;
	s8 =	sadd.s32 s8, s1;
	s1 =	sshrl.u32 s25, $0x12  }
0x3a: {  	[tilespmem:s8+$0xCBA0] =	vst v1;
	s8 =	smul.u32 $0x5, s1  }
.LBB2_6:
0x3b: {  	s9 =	smul.u32 $0xCCCD, s2  }
0x3c: {  	s10 =	smov.u32 s2;
	s1 =	smul.u32 $0x140, s1;
	p2 =	sne.s32 s2, $0x27F  }
.Ltmp2:
0x3d: {  	s4 =	ssub.s32 s4, s8;
	(pc) =	sbr.rel @p2 .LBB2_6-.Ltmp2, $4  }
0x3e: {  	s2 =	sadd.s32 $0x1, s2;
	s4 =	sand.u32 $0xFFFF, s4  }
0x3f: {  	s8 =	sshrl.u32 s1, $0x2;
	s11 =	sshll.u32 s4, $0x4;
	s4 =	smov.u32 s10  }
0x40: {  	s1 =	sshrl.u32 s9, $0x12;
	s9 =	sadd.s32 s11, s8  }
0x41: {  	s8 =	smul.u32 $0x5, s1;
	[tilespmem:s9+$0x8A20] =	vst v1  }
0x42: {  	_ = 	snop  }
0x43: {  	s1 =	smul.u32 $0x140, s1;
	s2 =	ssub.s32 s4, s8  }
0x44: {  	s2 =	sand.u32 $0xFFFF, s2  }
0x45: {  	s1 =	sshrl.u32 s1, $0x2;
	s2 =	sshll.u32 s2, $0x4  }
0x46: {  	s1 =	sadd.s32 s2, s1  }
0x47: {  	[tilespmem:s1+$0x8A20] =	vst v1  }
0x48: {  	[tilespmem:$0xB220] =	vst v0  }
0x49: {  	[tilespmem:$0xB230] =	vst v2  }
0x4a: {  	[tilespmem:$0xB240] =	vst v3  }
0x4b: {  	[tilespmem:$0xB250] =	vst v4  }
0x4c: {  	[tilespmem:$0xB260] =	vst v5  }
0x4d: {  	[tilespmem:$0xB270] =	vst v6  }
0x4e: {  	[tilespmem:$0xB280] =	vst v7  }
0x4f: {  	s0 =	rddreg [dreg:$0x8];
	s3 =	simm.s32 $0x7;
	[tilespmem:$0xB290] =	vst v8  }
0x50: {  	[tilespmem:s14], [sflag:$0x7] =	stream.linear.gather [hbm4b:s0+s14], $0x2710, $0x38;
	[tilespmem:$0x11EC0] =	vst v63  }
0x51: {  	_ =	swait.ge [sflag:s3], $0x2710  }
0x52: {  	[sflag:s3] =	ssyncset.done $0x0  }
0x53: {  	s19 =	simm.s32 $0x2710;
	s18 =	rddreg [dreg:$0x9];
	[sflag:s3] =	ssyncadd.s32 $0xFFFFD8F0  }
0x54: {  	[tilespmem:s19], [sflag:$0x7] =	stream.linear.gather [hbm4b:s18+s14], $0x2710, $0x38;
	[tilespmem:$0x11EC0] =	vst v63  }
0x55: {  	_ =	swait.ge [sflag:s3], $0x2710  }
0x56: {  	s2 =	simm.s32 @!p0 $0x7;
	[sflag:s3] =	ssyncset.done $0x0  }
0x57: {  	s1 =	simm.s32 @!p0 $0xB2A0;
	s0 =	rddreg [dreg:$0xe];
	[sflag:s3] =	ssyncadd.s32 $0xFFFFD8F0  }
0x58: {  	[spmem:s0] =	stream.linear.scatter @!p0 [tilespmem:s1], [sflag:$0x7], $0x1900, $0x38;
	[tilespmem:$0x11EC0] =	vst v63  }
0x59: {  	_ =	swait.ge @!p0 [sflag:s2], $0x1900  }
0x5a: {  	[sflag:s2] =	ssyncset.done @!p0 $0x0  }
0x5b: {  	s0 =	rddreg [dreg:$0xf];
	[sflag:s2] =	ssyncadd.s32 @!p0 $0xFFFFE700  }
0x5c: {  	[spmem:s0] =	stream.linear.scatter @!p0 [tilespmem:s1], [sflag:$0x7], $0x1900, $0x38;
	[tilespmem:$0x11EC0] =	vst v63  }
0x5d: {  	_ =	swait.ge @!p0 [sflag:s2], $0x1900  }
0x5e: {  	[sflag:s2] =	ssyncset.done @!p0 $0x0  }
0x5f: {  	s0 =	rddreg [dreg:$0x10];
	[sflag:s2] =	ssyncadd.s32 @!p0 $0xFFFFE700  }
0x60: {  	[spmem:s0] =	stream.linear.scatter @!p0 [tilespmem:s1], [sflag:$0x7], $0x1900, $0x38;
	[tilespmem:$0x11EC0] =	vst v63  }
0x61: {  	_ =	swait.ge @!p0 [sflag:s2], $0x1900  }
0x62: {  	[sflag:s2] =	ssyncset.done @!p0 $0x0  }
0x63: {  	s0 =	rddreg [dreg:$0x11];
	[sflag:s2] =	ssyncadd.s32 @!p0 $0xFFFFE700  }
0x64: {  	[spmem:s0] =	stream.linear.scatter @!p0 [tilespmem:s1], [sflag:$0x7], $0x1900, $0x38;
	[tilespmem:$0x11EC0] =	vst v63  }
0x65: {  	_ =	swait.ge @!p0 [sflag:s2], $0x1900  }
0x66: {  	[sflag:s2] =	ssyncset.done @!p0 $0x0  }
0x67: {  	s0 =	rddreg [dreg:$0x12];
	[sflag:s2] =	ssyncadd.s32 @!p0 $0xFFFFE700  }
0x68: {  	[spmem:s0] =	stream.linear.scatter @!p0 [tilespmem:s1], [sflag:$0x7], $0x1900, $0x38;
	[tilespmem:$0x11EC0] =	vst v63  }
0x69: {  	_ =	swait.ge @!p0 [sflag:s2], $0x1900  }
0x6a: {  	[sflag:s2] =	ssyncset.done @!p0 $0x0  }
0x6b: {  	s21 =	simm.s32 $0xCBA0;
	s20 =	rddreg [dreg:$0xa];
	[sflag:s2] =	ssyncadd.s32 @!p0 $0xFFFFE700  }
0x6c: {  	[spmem:s20] =	stream.linear.scatter [tilespmem:s21], [sflag:$0x7], $0x280, $0x38;
	[tilespmem:$0x11EC0] =	vst v63  }
0x6d: {  	_ =	swait.ge [sflag:s3], $0x280  }
0x6e: {  	[sflag:s3] =	ssyncset.done $0x0  }
0x6f: {  	[sflag:s3] =	ssyncadd.s32 $0xFFFFFD80  }
0x70: {  	[bflag:$0x0] =	sbarrier.arrive $0xFFFF  }
0x71: {  	s2 =	simm.s32 $0x50;
	s3 =	simm.s32 $0x0;
	s22 =	rddreg [dreg:$0x5]  }
0x72: {  	[tilespmem:s23], [sflag:$0x1] =	stream.indirect.gather [hbm4b:s22+s2], $0x20, s3, s2, $0xb8;
	[tilespmem:$0x11EC0] =	vst v63  }
0x73: {  	s24 =	rddreg [dreg:$0x6]  }
0x74: {  	[tilespmem:s26], [sflag:$0x2] =	stream.indirect.gather [hbm4b:s24+s2], $0x20, s19, s2, $0xb8;
	[tilespmem:$0x11EC0] =	vst v63  }
0x75: {  	s25 =	rddreg [dreg:$0x7]  }
0x76: {  	[tilespmem:s28], [sflag:$0x3] =	stream.indirect.gather [hbm4b:s25+s2], $0x20, s3, s2, $0xb8;
	[tilespmem:$0x11EC0] =	vst v63  }
.LBB2_8:
0x77: {  	s4 =	smul.u32 $0xA0, s3;
	s0 =	rddreg [dreg:$0x5]  }
0x78: {  	s19 =	rddreg [dreg:$0x6]  }
0x79: {  	s20 =	rddreg [dreg:$0x7];
	s1 =	sadd.s32 $0x50, s4  }
0x7a: {  	[tilespmem:s29], [sflag:$0x4] =	stream.indirect.gather [hbm4b:s0+s2], $0x20, s1, s2, $0xb8;
	[tilespmem:$0x11EC0] =	vst v63  }
0x7b: {  	[dreg:$0x18] =	wrdreg s4;
	s4 =	sadd.s32 $0x2760, s4  }
0x7c: {  	[tilespmem:s30], [sflag:$0x5] =	stream.indirect.gather [hbm4b:s19+s2], $0x20, s4, s2, $0xb8;
	[tilespmem:$0x11EC0] =	vst v63  }
0x7d: {  	s21 =	simm.s32 $0x1;
	[dreg:$0x17] =	wrdreg s4  }
0x7e: {  	[tilespmem:s31], [sflag:$0x6] =	stream.indirect.gather [hbm4b:s20+s2], $0x20, s1, s2, $0xb8;
	[tilespmem:$0x11EC0] =	vst v63  }
0x7f: {  	_ =	swait.ge [sflag:s21], $0xA00  }
0x80: {  	[sflag:s21] =	ssyncset.done $0x0  }
0x81: {  	s22 =	simm.s32 $0x2;
	[sflag:s21] =	ssyncadd.s32 $0xFFFFF600  }
0x82: {  	_ =	swait.ge [sflag:s22], $0xA00  }
0x83: {  	s24 =	smul.u32 $0x280, s3;
	[sflag:s22] =	ssyncset.done $0x0  }
0x84: {  	s25 =	simm.s32 $0x3;
	[dreg:$0x16] =	wrdreg s3;
	[sflag:s22] =	ssyncadd.s32 $0xFFFFF600  }
0x85: {  	s1 =	sshra.s32 s24, $0x2;
	_ =	swait.ge [sflag:s25], $0xA00  }
0x86: {  	s1 =	sadd.s32 $0x2710, s1;
	[sflag:s25] =	ssyncset.done $0x0  }
0x87: {  	s0 =	simm.s32 $0x0;
	v13 =	vmov s1;
	[dreg:$0x19] =	wrdreg s1;
	[sflag:s25] =	ssyncadd.s32 $0xFFFFF600  }
.LBB2_9:
0x88: {  	s1 =	simm.s32 $0x0  }
0x89: {  	s2 =	sshll.u32 s0, $0x4;
	v14 =	vmov s1  }
0x8a: {  	s16 =	simm.s32 $0x1;
	v15 =	vmov s2;
	v14 =	vand.u32 $0x1C, v14  }
0x8b: {  	v16 =	vmov s16;
	v15 =	vshll.u32 v15, $0x5;
	v17 =	vbroadcast v14, $0x0  }
0x8c: {  	s17 =	simm.s32 $0x2;
	v14 =	vor.u32 v9, v15;
	v15 =	vand.u32 $0x1D, v16  }
0x8d: {  	v16 =	vmov s17;
	v15 =	vbroadcast v15, $0x0;
	v17 =	vor.u32 v14, v17  }
0x8e: {  	s18 =	simm.s32 $0x3;
	v16 =	vand.u32 $0x1E, v16  }
0x8f: {  	v18 =	vmov s18;
	v16 =	vbroadcast v16, $0x0;
	v19 =	vor.u32 v14, v15  }
0x90: {  	s19 =	simm.s32 $0x4;
	v18 =	vand.u32 $0x1F, v18  }
0x91: {  	[dreg:$0x1a] =	wrdreg s0;
	v20 =	vmov s19;
	v18 =	vbroadcast v18, $0x0;
	v15 =	vld.idx.msk [tilespmem:v13+s2+$0x0 ss:$0x1], $0xffff;
	v16 =	vor.u32 v14, v16  }
0x92: {  	s20 =	simm.s32 $0x5;
	v20 =	vand.u32 $0x1C, v20;
	v26 =	vld.idx.msk [tilespmem:v17+s23+$0x0], $0xffff  }
0x93: {  	v20 =	vbroadcast v20, $0x0;
	v28 =	vor.u32 v14, v18;
	v18 =	vmov s20;
	v17 =	vld.idx.msk [tilespmem:v17+s26+$0x0], $0xffff  }
0x94: {  	s21 =	simm.s32 $0x6;
	v18 =	vand.u32 $0x1D, v18;
	v21 =	vld.idx.msk [tilespmem:v19+s23+$0x0], $0xffff  }
0x95: {  	s22 =	simm.s32 $0x7;
	s14 =	simm.s32 $0x8;
	v22 =	vmov s21;
	v25 =	vor.u32 v14, v20;
	v24 =	vld.idx.msk [tilespmem:v19+s26+$0x0], $0xffff;
	v19 =	vbroadcast v18, $0x0  }
0x96: {  	v29 =	vmov s14;
	v20 =	vand.u32 $0x1E, v22;
	v22 =	vmov s22;
	v18 =	vld.idx.msk [tilespmem:v16+s23+$0x0], $0xffff  }
0x97: {  	s24 =	simm.s32 $0x9;
	v20 =	vbroadcast v20, $0x0;
	v30 =	vand.u32 $0x1F, v22;
	v22 =	vld.idx.msk [tilespmem:v16+s26+$0x0], $0xffff;
	v23 =	vor.u32 v14, v19  }
0x98: {  	v27 =	vimm.f32 $0.0e+00;
	v32 =	vmov s24;
	v29 =	vand.u32 $0x1C, v29;
	v16 =	vld.idx.msk [tilespmem:v28+s23+$0x0], $0xffff  }
0x99: {  	s25 =	simm.s32 $0xA;
	v30 =	vbroadcast v30, $0x0;
	v19 =	vor.u32 v14, v20;
	v20 =	vld.idx.msk [tilespmem:v28+s26+$0x0], $0xffff;
	v31 =	vmul.f32 v17, v26  }
0x9a: {  	s1 =	simm.s32 $0xC;
	v29 =	vbroadcast v29, $0x0;
	v28 =	vmov s25;
	v26 =	vand.u32 $0x1D, v32;
	v17 =	vld.idx.msk [tilespmem:v25+s23+$0x0], $0xffff  }
.LBB2_10:
0x9b: {  	p2 =	slt.u32 s1, $0x1C;
	s2 =	sadd.s32 $0x3, s14;
	v32 =	vld.idx.msk [tilespmem:v25+s26+$0x0], $0xffff;
	v33 =	vor.u32 v14, v30;
	v27 =	vadd.f32 v31, v27;
	v30 =	vmul.f32 v24, v21;
	s14 =	smov.u32 s1  }
0x9c: {  	v26 =	vbroadcast v26, $0x0;
	v28 =	vand.u32 $0x1E, v28;
	v31 =	vmov s2;
	v21 =	vld.idx.msk [tilespmem:v23+s23+$0x0], $0xffff  }
0x9d: {  	v25 =	vor.u32 v14, v29;
	v29 =	vmul.f32 v22, v18;
	v24 =	vld.idx.msk [tilespmem:v23+s26+$0x0], $0xffff;
	v27 =	vadd.f32 v30, v27  }
.Ltmp3:
0x9e: {  	v28 =	vbroadcast v28, $0x0;
	v30 =	vmov s1;
	v31 =	vand.u32 $0x1F, v31;
	v18 =	vld.idx.msk [tilespmem:v19+s23+$0x0], $0xffff;
	(pc) =	sbr.rel @p2 .LBB2_10-.Ltmp3, $4  }
0x9f: {  	s2 =	sadd.s32 $0x1, s1;
	v23 =	vor.u32 v14, v26;
	v22 =	vld.idx.msk [tilespmem:v19+s26+$0x0], $0xffff;
	v26 =	vadd.f32 v29, v27;
	v27 =	vmul.f32 v20, v16  }
0xa0: {  	v34 =	vmov s2;
	v29 =	vand.u32 $0x1C, v30;
	v30 =	vbroadcast v31, $0x0;
	v16 =	vld.idx.msk [tilespmem:v33+s23+$0x0], $0xffff  }
0xa1: {  	s2 =	sadd.s32 $0x2, s1;
	v19 =	vor.u32 v14, v28;
	v31 =	vmul.f32 v32, v17;
	v20 =	vld.idx.msk [tilespmem:v33+s26+$0x0], $0xffff;
	v27 =	vadd.f32 v27, v26  }
0xa2: {  	s1 =	sadd.s32 $0x4, s1;
	v28 =	vmov s2;
	v29 =	vbroadcast v29, $0x0;
	v26 =	vand.u32 $0x1D, v34;
	v17 =	vld.idx.msk [tilespmem:v25+s23+$0x0], $0xffff  }
0xa3: {  	(v2sf) =	vpush v15, $0xD;
	_ =	sdelay $0x1  }
0xa4: {  	(v2sf) =	vpush v15, $0xC;
	_ =	sdelay $0x1  }
0xa5: {  	(v2sf) =	vpush v15, $0xE;
	_ =	sdelay $0x1  }
0xa6: {  	(v2sf) =	vpush v15, $0xF;
	_ =	sdelay $0x1  }
0xa7: {  	(v2sf) =	vpush v15, $0x9;
	_ =	sdelay $0x1  }
0xa8: {  	(v2sf) =	vpush v15, $0x8  }
0xa9: {  	(v2sf) =	vpush v15, $0xA;
	_ =	sdelay $0x1  }
0xaa: {  	(v2sf) =	vpush v15, $0xB;
	_ =	sdelay $0x1  }
0xab: {  	(v2sf) =	vpush v15, $0x0;
	s1 =	spop (v2sf)  }
0xac: {  	(v2sf) =	vpush v15, $0x1;
	s10 =	smulhi.u32 $0x66666667, s1;
	s1 =	sshra.s32 s1, $0x1F  }
0xad: {  	s2 =	spop (v2sf);
	s1 =	smul.u32 $0x66666667, s1  }
0xae: {  	s24 =	smulhi.u32 $0x66666667, s2;
	s2 =	sshra.s32 s2, $0x1F  }
0xaf: {  	(v2sf) =	vpush v15, $0x2;
	s4 =	spop (v2sf);
	s21 =	smul.u32 $0x66666667, s2  }
0xb0: {  	(v2sf) =	vpush v15, $0x3;
	s5 =	smulhi.u32 $0x66666667, s4;
	s22 =	sshra.s32 s4, $0x1F  }
0xb1: {  	(v2sf) =	vpush v15, $0x4;
	s8 =	spop (v2sf);
	s6 =	smul.u32 $0x66666667, s22  }
0xb2: {  	(v2sf) =	vpush v15, $0x5;
	s19 =	smulhi.u32 $0x66666667, s8;
	s0 =	sshra.s32 s8, $0x1F  }
0xb3: {  	(v2sf) =	vpush v15, $0x6;
	s9 =	spop (v2sf);
	s22 =	smul.u32 $0x66666667, s0  }
0xb4: {  	(v2sf) =	vpush v15, $0x7;
	s18 =	sadd.s32 s1, s10;
	s15 =	smulhi.u32 $0x66666667, s9;
	s8 =	sshra.s32 s9, $0x1F  }
0xb5: {  	s17 =	spop (v2sf);
	s21 =	sadd.s32 s21, s24;
	s11 =	smul.u32 $0x66666667, s8  }
0xb6: {  	s25 =	spop (v2sf);
	s13 =	smulhi.u32 $0x66666667, s17;
	s17 =	sshra.s32 s17, $0x1F  }
0xb7: {  	s24 =	sshrl.u32 s21, $0x1F;
	s5 =	sadd.s32 s6, s5;
	s0 =	smul.u32 $0x66666667, s17  }
0xb8: {  	s3 =	spop (v2sf);
	s16 =	smulhi.u32 $0x66666667, s25;
	s10 =	sshra.s32 s25, $0x1F  }
0xb9: {  	s17 =	sadd.s32 $0x3, s14;
	s25 =	sshrl.u32 s18, $0x1F;
	s14 =	smul.u32 $0x66666667, s10  }
0xba: {  	v27 =	vadd.f32 v31, v27;
	v21 =	vmul.f32 v24, v21;
	s4 =	spop (v2sf);
	s1 =	smulhi.u32 $0x66666667, s3;
	s3 =	sshra.s32 s3, $0x1F  }
0xbb: {  	v25 =	vld.idx.msk [tilespmem:v25+s26+$0x0], $0xffff;
	s11 =	sadd.s32 s11, s15;
	s7 =	spop (v2sf);
	s6 =	smul.u32 $0x66666667, s3  }
0xbc: {  	v18 =	vmul.f32 v22, v18;
	v21 =	vadd.f32 v21, v27;
	v32 =	vmov s24;
	s3 =	sadd.s32 s22, s19;
	s19 =	smulhi.u32 $0x66666667, s4;
	s4 =	sshra.s32 s4, $0x1F  }
0xbd: {  	v33 =	vld.idx.msk [tilespmem:v23+s23+$0x0], $0xffff;
	v24 =	vsel vm0, s25, v32;
	s22 =	sshrl.u32 s5, $0x1F;
	s0 =	sadd.s32 s0, s13;
	s25 =	sshrl.u32 s11, $0x1F  }
0xbe: {  	v30 =	vor.u32 v14, v30;
	v23 =	vld.idx.msk [tilespmem:v23+s26+$0x0], $0xffff;
	v16 =	vmul.f32 v20, v16;
	v18 =	vadd.f32 v18, v21;
	s12 =	spop (v2sf);
	s10 =	sshrl.u32 s3, $0x1F;
	s4 =	smul.u32 $0x66666667, s4  }
0xbf: {  	v27 =	vld.idx.msk [tilespmem:v19+s23+$0x0], $0xffff;
	s13 =	smulhi.u32 $0x66666667, s7;
	s7 =	sshra.s32 s7, $0x1F;
	s20 =	spop (v2sf)  }
0xc0: {  	v19 =	vld.idx.msk [tilespmem:v19+s26+$0x0], $0xffff;
	v17 =	vmul.f32 v25, v17;
	v16 =	vadd.f32 v16, v18;
	s14 =	sadd.s32 s14, s16;
	s7 =	smul.u32 $0x66666667, s7;
	s9 =	spop (v2sf)  }
0xc1: {  	s16 =	smulhi.u32 $0x66666667, s12;
	s12 =	sshra.s32 s12, $0x1F;
	s8 =	spop (v2sf)  }
0xc2: {  	v21 =	vbroadcast v26, $0x0;
	v16 =	vadd.f32 v17, v16;
	s15 =	sshrl.u32 s0, $0x1F;
	s12 =	smul.u32 $0x66666667, s12;
	s2 =	spop (v2sf)  }
0xc3: {  	v26 =	vld.idx.msk [tilespmem:v30+s23+$0x0], $0xffff;
	v17 =	vmul.f32 v23, v33;
	v61 =	vmov s17;
	v31 =	vmov s15;
	s15 =	sshrl.u32 s14, $0x1F;
	s17 =	smulhi.u32 $0x66666667, s20;
	s24 =	spop (v2sf)  }
0xc4: {  	v29 =	vor.u32 v14, v29;
	v25 =	vld.idx.msk [tilespmem:v30+s26+$0x0], $0xffff;
	v31 =	vsel vm0, s25, v31;
	s4 =	sadd.s32 s4, s19;
	s25 =	smulhi.u32 $0x66666667, s24;
	s19 =	sshra.s32 s24, $0x1F  }
0xc5: {  	v16 =	vadd.f32 v17, v16;
	v17 =	vmul.f32 v19, v27;
	v24 =	vsel vm1, s22, v24;
	s20 =	sshra.s32 s20, $0x1F;
	s7 =	sadd.s32 s7, s13;
	s19 =	smul.u32 $0x66666667, s19  }
0xc6: {  	v22 =	vsel vm2, s10, v24;
	v24 =	vand.u32 $0x1E, v28;
	v28 =	vsel vm1, s15, v31;
	s15 =	sshrl.u32 s4, $0x1F;
	s13 =	smulhi.u32 $0x66666667, s9;
	s22 =	sshrl.u32 s7, $0x1F  }
0xc7: {  	v20 =	vmov s15;
	s15 =	smul.u32 $0x66666667, s20;
	s10 =	sadd.s32 s12, s16;
	s20 =	sadd.s32 s19, s25  }
0xc8: {  	v16 =	vadd.f32 v17, v16;
	v20 =	vnsel vm3, $0x0, v20;
	s16 =	smulhi.u32 $0x66666667, s2;
	s24 =	sshra.s32 s9, $0x1F;
	s19 =	sshra.s32 s20, $0x1F  }
0xc9: {  	v17 =	vmul.f32 v25, v26;
	s0 =	sshra.s32 s0, $0x5;
	v18 =	vsel vm0, s22, v20;
	s22 =	sshra.s32 s4, $0x5;
	s25 =	smul.u32 $0x66666667, s24;
	v31 =	vmov s19  }
0xca: {  	vm9 =	vcmask $0x704;
	s2 =	sshra.s32 s2, $0x1F;
	s9 =	sadd.s32 s6, s1;
	s4 =	sshra.s32 s4, $0x1F;
	v23 =	vsel vm3, s22, v31  }
0xcb: {  	v21 =	vor.u32 v14, v21;
	v30 =	vld.idx.msk [tilespmem:v29+s23+$0x0], $0xffff;
	v16 =	vadd.f32 v17, v16;
	s12 =	sadd.s32 s15, s17;
	s1 =	sadd.s32 s25, s13;
	s13 =	sshra.s32 s7, $0x5;
	v23 =	vsel vm9, s4, v23  }
0xcc: {  	v29 =	vld.idx.msk [tilespmem:v29+s26+$0x0], $0xffff;
	v20 =	vand.u32 $0x1F, v61;
	s25 =	smulhi.u32 $0x66666667, s8;
	s8 =	sshra.s32 s8, $0x1F;
	s7 =	sshra.s32 s7, $0x1F;
	vm9 =	vcmask $0xF0C;
	v19 =	vsel vm0, s13, v23  }
0xcd: {  	v25 =	vmov s0;
	s17 =	sshra.s32 s10, $0x5;
	v20 =	vbroadcast v20, $0x0;
	s24 =	sshrl.u32 s10, $0x1F;
	s8 =	smul.u32 $0x66666667, s8;
	v19 =	vsel vm9, s7, v19  }
0xce: {  	v24 =	vbroadcast v24, $0x0;
	s2 =	smul.u32 $0x66666667, s2;
	s15 =	sshrl.u32 s12, $0x1F;
	s10 =	sshra.s32 s10, $0x1F;
	v18 =	vsel vm1, s24, v18;
	v19 =	vsel vm1, s17, v19  }
0xcf: {  	v20 =	vor.u32 v14, v20;
	s24 =	sshra.s32 s12, $0x5;
	v18 =	vsel vm2, s15, v18;
	s22 =	sshrl.u32 s1, $0x1F;
	s6 =	sadd.s32 s8, s25;
	v19 =	vsel vm11, s10, v19  }
0xd0: {  	s2 =	sadd.s32 s2, s16;
	v17 =	vsel vm4, s22, v18;
	v23 =	vor.u32 v14, v24;
	s13 =	sshra.s32 s12, $0x1F;
	s25 =	sshrl.u32 s6, $0x1F;
	v18 =	vsel vm2, s24, v19  }
0xd1: {  	s19 =	sshrl.u32 s9, $0x1F;
	s15 =	sshrl.u32 s2, $0x1F;
	s16 =	sshra.s32 s1, $0x5;
	v24 =	vmul.f32 v29, v30;
	v17 =	vsel vm5, s25, v17;
	v18 =	vsel vm12, s13, v18  }
0xd2: {  	s1 =	sshra.s32 s1, $0x1F;
	s17 =	sshra.s32 s21, $0x5;
	v17 =	vsel vm6, s15, v17;
	v19 =	vsel vm2, s19, v28;
	v18 =	vsel vm4, s16, v18  }
0xd3: {  	s22 =	sshra.s32 s6, $0x5;
	s21 =	sshra.s32 s11, $0x5;
	s19 =	sshra.s32 s18, $0x5;
	v19 =	vcombine.low v19, v22;
	v22 =	vmov s17;
	v18 =	vsel vm13, s1, v18  }
0xd4: {  	v26 =	vld.idx.msk [tilespmem:v21+s23+$0x0], $0xffff;
	s25 =	sshra.s32 s14, $0x5;
	v25 =	vsel vm0, s21, v25;
	s24 =	sshra.s32 s5, $0x5;
	s5 =	sshra.s32 s6, $0x1F;
	v22 =	vsel vm0, s19, v22;
	v18 =	vsel vm5, s22, v18  }
0xd5: {  	v21 =	vld.idx.msk [tilespmem:v21+s26+$0x0], $0xffff;
	s8 =	sshra.s32 s2, $0x5;
	s7 =	sshra.s32 s9, $0x5;
	s6 =	sshra.s32 s3, $0x5;
	v25 =	vsel vm1, s25, v25;
	v22 =	vsel vm1, s24, v22;
	v18 =	vsel vm14, s5, v18  }
0xd6: {  	s9 =	sshrl.u32 s20, $0x1F;
	s10 =	sshra.s32 s2, $0x1F;
	v27 =	vld.idx.msk [tilespmem:v23+s23+$0x0], $0xffff;
	v25 =	vsel vm2, s7, v25;
	v22 =	vsel vm2, s6, v22;
	v18 =	vsel vm6, s8, v18  }
0xd7: {  	s11 =	sshra.s32 s20, $0x5;
	v17 =	vsel vm7, s9, v17;
	v23 =	vld.idx.msk [tilespmem:v23+s26+$0x0], $0xffff;
	v22 =	vcombine.low v25, v22;
	v18 =	vsel vm15, s10, v18  }
0xd8: {  	v17 =	vperm.xlane v17, v11;
	v19 =	vperm.xlane v19, v10;
	v25 =	vld.idx.msk [tilespmem:v20+s23+$0x0], $0xffff;
	v18 =	vsel vm7, s11, v18  }
0xd9: {  	v20 =	vld.idx.msk [tilespmem:v20+s26+$0x0], $0xffff;
	v22 =	vperm.xlane v22, v10;
	v18 =	vperm.xlane v18, v11  }
0xda: {  	v21 =	vmul.f32 v21, v26;
	v16 =	vadd.f32 v24, v16  }
0xdb: {  	v17 =	vsel vm8, v17, v19;
	v18 =	vsel vm8, v18, v22  }
0xdc: {  	v16 =	vadd.f32 v21, v16;
	v19 =	vmul.f32 v23, v27;
	v17 =	vadd.s32 v17, v18  }
0xdd: {  	v18 =	vmul.u32 $0xFFFFFFB0, v17  }
0xde: {  	v16 =	vadd.f32 v19, v16;
	v19 =	vmul.f32 v20, v25  }
0xdf: {  	v18 =	vadd.s32 v15, v18  }
0xe0: {  	vm9 =	vlt.s32 v15, $0x1;
	v16 =	vadd.f32 v19, v16;
	vm10 =	vne.s32 v18, $0x0  }
0xe1: {  	vm9 =	vmand vm9, vm10  }
0xe2: {  	v15 =	vmul.f32 $1.442695020e+00, v16;
	v16 =	vsel vm9, $0xFFFFFFFF, v12  }
0xe3: {  	vm9 =	vlt.s32 v18, $0x0;
	v16 =	vadd.s32 v16, v17;
	v17 =	vadd.s32 $0x50, v18  }
0xe4: {  	(erf) = vpow2.f32 v15;
	v17 =	vsel vm9, v17, v18;
	v15 =	vmul.u32 $0x50, v16  }
0xe5: {  	v16 =	vand.u32 $0xFFFFFFF8, v17  }
0xe6: {  	s12 =	simm.s32 $0x1;
	s13 =	simm.s32 $0x2;
	v17 =	vand.u32 $0x7, v17;
	v15 =	vadd.s32 v16, v15  }
0xe7: {  	v16 =	vmov s12;
	v17 =	vor.u32 v17, v15;
	v15 =	vmov s13  }
0xe8: {  	s15 =	simm.s32 $0x0;
	v16 =	vand.u32 $0x1D, v16;
	v15 =	vand.u32 $0x1E, v15  }
0xe9: {  	s14 =	simm.s32 $0x3;
	v19 =	vmov s15;
	v16 =	vbroadcast v16, $0x0;
	v15 =	vbroadcast v15, $0x0  }
0xea: {  	s16 =	simm.s32 $0x5;
	v19 =	vand.u32 $0x1C, v19;
	v18 =	vmov s14  }
0xeb: {  	v24 =	vor.u32 v14, v16;
	v31 =	vor.u32 v14, v15;
	v15 =	vmov s16  }
0xec: {  	s18 =	simm.s32 $0x7;
	s25 =	simm.s32 $0x8;
	v18 =	vand.u32 $0x1F, v18;
	v16 =	vbroadcast v19, $0x0  }
0xed: {  	v63 =	vmov s25;
	v20 =	vmov s18;
	v18 =	vbroadcast v18, $0x0  }
0xee: {  	s17 =	simm.s32 $0x6;
	s19 =	simm.s32 $0x8A20;
	v20 =	vand.u32 $0x1F, v20;
	v21 =	vand.u32 $0x1D, v15;
	v16 =	vor.u32 v14, v16;
	v15 =	vpop (erf)  }
0xef: {  	s20 =	simm.s32 $0x4;
	v19 =	vmov s17;
	v21 =	vbroadcast v21, $0x0;
	[tilespmem:v17+s19+$0x0] =	vst.idx.add.f32.msk $0xffff, v15;
	v17 =	vor.u32 v14, v18  }
0xf0: {  	v23 =	vmov s20;
	v20 =	vbroadcast v20, $0x0;
	v18 =	vand.u32 $0x1E, v19;
	v22 =	vld.idx.msk [tilespmem:v24+s28+$0x0], $0xffff  }
0xf1: {  	s24 =	simm.s32 $0xB;
	v23 =	vand.u32 $0x1C, v23;
	v19 =	vor.u32 v14, v21;
	v21 =	vbroadcast v18, $0x0;
	v25 =	vld.idx.msk [tilespmem:v31+s28+$0x0], $0xffff  }
0xf2: {  	s21 =	simm.s32 $0x9;
	s22 =	simm.s32 $0xA;
	v28 =	vmov s24;
	v23 =	vbroadcast v23, $0x0;
	v18 =	vor.u32 v14, v20  }
0xf3: {  	v26 =	vmov s22;
	v30 =	vld.idx.msk [tilespmem:v16+s28+$0x0], $0xffff;
	v20 =	vor.u32 v14, v21;
	v21 =	vmov s21  }
0xf4: {  	v28 =	vand.u32 $0x1F, v28;
	v29 =	vand.u32 $0x1D, v21;
	v21 =	vor.u32 v14, v23;
	v27 =	vld.idx.msk [tilespmem:v17+s28+$0x0], $0xffff  }
0xf5: {  	v26 =	vand.u32 $0x1E, v26;
	v29 =	vbroadcast v29, $0x0;
	v62 =	vmul.f32 v22, v15  }
0xf6: {  	v34 =	vbroadcast v28, $0x0;
	v28 =	vand.u32 $0x1C, v63;
	v23 =	vld.idx.msk [tilespmem:v19+s28+$0x0], $0xffff;
	v35 =	vmul.f32 v25, v15  }
0xf7: {  	v28 =	vbroadcast v28, $0x0;
	v22 =	vld.idx.msk [tilespmem:v18+s28+$0x0], $0xffff;
	v25 =	vor.u32 v14, v29;
	v29 =	vbroadcast v26, $0x0;
	[tilespmem:v24+s28+$0x0] =	vst.idx.msk $0xffff, v62  }
0xf8: {  	s1 =	simm.s32 $0xC;
	v30 =	vmul.f32 v30, v15;
	v26 =	vld.idx.msk [tilespmem:v20+s28+$0x0], $0xffff;
	v24 =	vor.u32 v14, v34;
	[tilespmem:v31+s28+$0x0] =	vst.idx.msk $0xffff, v35  }
.LBB2_12:
0xf9: {  	s0 =	sadd.s32 $0x1, s1;
	s2 =	sadd.s32 $0x2, s1;
	s3 =	sadd.s32 $0x3, s1;
	v31 =	vld.idx.msk [tilespmem:v21+s28+$0x0], $0xffff;
	v36 =	vmul.f32 v27, v15;
	v32 =	vmovc v20;
	v20 =	vor.u32 v14, v29;
	v33 =	vmov v19  }
0xfa: {  	p2 =	slt.u32 s1, $0x1C;
	v19 =	vmovc v25;
	v29 =	vmov s0;
	v34 =	vmov s2;
	v35 =	vmov s3;
	[tilespmem:v16+s28+$0x0] =	vst.idx.msk $0xffff, v30;
	v16 =	vmovc v21;
	s0 =	smov.u32 s1;
	s1 =	sadd.s32 $0x4, s1  }
.Ltmp4:
0xfb: {  	v21 =	vor.u32 v14, v28;
	v29 =	vand.u32 $0x1D, v29;
	v30 =	vand.u32 $0x1E, v34;
	[tilespmem:v17+s28+$0x0] =	vst.idx.msk $0xffff, v36;
	v17 =	vmovc v18;
	(pc) =	sbr.rel @p2 .LBB2_12-.Ltmp4, $4  }
0xfc: {  	v34 =	vmul.f32 v23, v15;
	v27 =	vmovc v22;
	v18 =	vmovc v24;
	v28 =	vbroadcast v29, $0x0;
	v29 =	vand.u32 $0x1F, v35;
	v23 =	vld.idx.msk [tilespmem:v25+s28+$0x0], $0xffff  }
0xfd: {  	v25 =	vmov s0;
	v36 =	vmul.f32 v26, v15;
	v35 =	vbroadcast v29, $0x0;
	v22 =	vld.idx.msk [tilespmem:v24+s28+$0x0], $0xffff  }
0xfe: {  	v24 =	vand.u32 $0x1C, v25;
	v29 =	vbroadcast v30, $0x0;
	v25 =	vor.u32 v14, v28;
	v26 =	vld.idx.msk [tilespmem:v20+s28+$0x0], $0xffff;
	[tilespmem:v33+s28+$0x0] =	vst.idx.msk $0xffff, v34  }
0xff: {  	v28 =	vbroadcast v24, $0x0;
	v30 =	vmul.f32 v31, v15;
	v24 =	vor.u32 v14, v35;
	[tilespmem:v32+s28+$0x0] =	vst.idx.msk $0xffff, v36  }
0x100: {  	_ = 	snop  }
0x101: {  	v29 =	vor.u32 v14, v29;
	_ =	sdelay $0x2  }
0x102: {  	v53 =	vld.idx.msk [tilespmem:v21+s28+$0x0], $0xffff  }
0x103: {  	v27 =	vmul.f32 v27, v15;
	v31 =	vld.idx.msk [tilespmem:v25+s28+$0x0], $0xffff  }
0x104: {  	[tilespmem:v16+s28+$0x0] =	vst.idx.msk $0xffff, v30;
	v54 =	vmul.f32 v23, v15;
	v55 =	vld.idx.msk [tilespmem:v29+s28+$0x0], $0xffff  }
0x105: {  	[tilespmem:v17+s28+$0x0] =	vst.idx.msk $0xffff, v27;
	v60 =	vmul.f32 v22, v15  }
0x106: {  	v14 =	vor.u32 v14, v28;
	v56 =	vmul.f32 v26, v15;
	[tilespmem:v19+s28+$0x0] =	vst.idx.msk $0xffff, v54  }
0x107: {  	[tilespmem:v18+s28+$0x0] =	vst.idx.msk $0xffff, v60;
	v59 =	vmul.f32 v53, v15  }
0x108: {  	[tilespmem:v20+s28+$0x0] =	vst.idx.msk $0xffff, v56;
	v61 =	vmul.f32 v31, v15  }
0x109: {  	[tilespmem:v21+s28+$0x0] =	vst.idx.msk $0xffff, v59;
	v62 =	vmul.f32 v55, v15  }
0x10a: {  	[tilespmem:v25+s28+$0x0] =	vst.idx.msk $0xffff, v61  }
0x10b: {  	v57 =	vld.idx.msk [tilespmem:v14+s28+$0x0], $0xffff;
	[tilespmem:v29+s28+$0x0] =	vst.idx.msk $0xffff, v62  }
0x10c: {  	v58 =	vld.idx.msk [tilespmem:v24+s28+$0x0], $0xffff;
	s0 =	rddreg [dreg:$0x1a]  }
0x10d: {  	s0 =	sadd.s32 $0x1, s0  }
0x10e: {  	p2 =	sne.s32 s0, $0x5  }
.Ltmp5:
0x10f: {  	_ = 	snop;
	(pc) =	sbr.rel @p2 .LBB2_9-.Ltmp5, $4  }
0x110: {  	v63 =	vmul.f32 v57, v15  }
0x111: {  	v15 =	vmul.f32 v58, v15  }
0x112: {  	[tilespmem:v14+s28+$0x0] =	vst.idx.msk $0xffff, v63  }
0x113: {  	[tilespmem:v24+s28+$0x0] =	vst.idx.msk $0xffff, v15  }
0x114: {  	s0 =	rddreg [dreg:$0x2]  }
0x115: {  	s3 =	simm.s32 $0x50;
	s1 =	rddreg [dreg:$0x19];
	s15 =	simm.s32 $0x7  }
0x116: {  	[spmem:s0] =	stream.indirect.scatter.add.f32 [tilespmem:s28], [sflag:$0x7], $0x20, s1, s3, $0xb8;
	[tilespmem:$0x11EC0] =	vst v63  }
0x117: {  	_ =	swait.ge [sflag:s15], $0xA00  }
0x118: {  	[sflag:s15] =	ssyncset.done $0x0;
	s2 =	rddreg [dreg:$0x18]  }
0x119: {  	s17 =	rddreg [dreg:$0x5];
	[sflag:s15] =	ssyncadd.s32 $0xFFFFF600;
	s16 =	sadd.s32 $0xA0, s2  }
0x11a: {  	[tilespmem:s23], [sflag:$0x1] =	stream.indirect.gather [hbm4b:s17+s3], $0x20, s16, s3, $0xb8;
	[tilespmem:$0x11EC0] =	vst v63  }
0x11b: {  	s19 =	rddreg [dreg:$0x6];
	s18 =	sadd.s32 $0x27B0, s2  }
0x11c: {  	[tilespmem:s26], [sflag:$0x2] =	stream.indirect.gather [hbm4b:s19+s3], $0x20, s18, s3, $0xb8;
	[tilespmem:$0x11EC0] =	vst v63  }
0x11d: {  	s21 =	simm.s32 $0x4;
	s20 =	rddreg [dreg:$0x7]  }
0x11e: {  	[tilespmem:s28], [sflag:$0x3] =	stream.indirect.gather [hbm4b:s20+s3], $0x20, s16, s3, $0xb8;
	[tilespmem:$0x11EC0] =	vst v63  }
0x11f: {  	_ =	swait.ge [sflag:s21], $0xA00  }
0x120: {  	[sflag:s21] =	ssyncset.done $0x0  }
0x121: {  	s22 =	simm.s32 $0x5;
	[sflag:s21] =	ssyncadd.s32 $0xFFFFF600  }
0x122: {  	_ =	swait.ge [sflag:s22], $0xA00  }
0x123: {  	[sflag:s22] =	ssyncset.done $0x0  }
0x124: {  	s24 =	simm.s32 $0x6;
	[sflag:s22] =	ssyncadd.s32 $0xFFFFF600  }
0x125: {  	_ =	swait.ge [sflag:s24], $0xA00  }
0x126: {  	[sflag:s24] =	ssyncset.done $0x0;
	s25 =	rddreg [dreg:$0x17]  }
0x127: {  	s0 =	simm.s32 $0x0;
	[sflag:s24] =	ssyncadd.s32 $0xFFFFF600;
	v13 =	vmov s25  }
.LBB2_15:
0x128: {  	s1 =	simm.s32 $0x0  }
0x129: {  	s15 =	sshll.u32 s0, $0x4;
	v14 =	vmov s1  }
0x12a: {  	s16 =	simm.s32 $0x1;
	v15 =	vmov s15;
	v14 =	vand.u32 $0x1C, v14  }
0x12b: {  	v16 =	vmov s16;
	v15 =	vshll.u32 v15, $0x5;
	v17 =	vbroadcast v14, $0x0  }
0x12c: {  	s17 =	simm.s32 $0x2;
	v14 =	vor.u32 v9, v15;
	v15 =	vand.u32 $0x1D, v16  }
0x12d: {  	v16 =	vmov s17;
	v15 =	vbroadcast v15, $0x0;
	v17 =	vor.u32 v14, v17  }
0x12e: {  	s18 =	simm.s32 $0x3;
	v16 =	vand.u32 $0x1E, v16  }
0x12f: {  	v18 =	vmov s18;
	v16 =	vbroadcast v16, $0x0;
	v19 =	vor.u32 v14, v15  }
0x130: {  	s19 =	simm.s32 $0x4;
	v18 =	vand.u32 $0x1F, v18  }
0x131: {  	[dreg:$0x1b] =	wrdreg s0;
	v20 =	vmov s19;
	v18 =	vbroadcast v18, $0x0;
	v15 =	vld.idx.msk [tilespmem:v13+s15+$0x0 ss:$0x1], $0xffff;
	v16 =	vor.u32 v14, v16  }
0x132: {  	s20 =	simm.s32 $0x5;
	v20 =	vand.u32 $0x1C, v20;
	v26 =	vld.idx.msk [tilespmem:v17+s29+$0x0], $0xffff  }
0x133: {  	v20 =	vbroadcast v20, $0x0;
	v28 =	vor.u32 v14, v18;
	v18 =	vmov s20;
	v17 =	vld.idx.msk [tilespmem:v17+s30+$0x0], $0xffff  }
0x134: {  	s21 =	simm.s32 $0x6;
	v18 =	vand.u32 $0x1D, v18;
	v21 =	vld.idx.msk [tilespmem:v19+s29+$0x0], $0xffff  }
0x135: {  	s22 =	simm.s32 $0x7;
	s14 =	simm.s32 $0x8;
	v22 =	vmov s21;
	v25 =	vor.u32 v14, v20;
	v24 =	vld.idx.msk [tilespmem:v19+s30+$0x0], $0xffff;
	v19 =	vbroadcast v18, $0x0  }
0x136: {  	v29 =	vmov s14;
	v20 =	vand.u32 $0x1E, v22;
	v22 =	vmov s22;
	v18 =	vld.idx.msk [tilespmem:v16+s29+$0x0], $0xffff  }
0x137: {  	s24 =	simm.s32 $0x9;
	v20 =	vbroadcast v20, $0x0;
	v30 =	vand.u32 $0x1F, v22;
	v22 =	vld.idx.msk [tilespmem:v16+s30+$0x0], $0xffff;
	v23 =	vor.u32 v14, v19  }
0x138: {  	v27 =	vimm.f32 $0.0e+00;
	v32 =	vmov s24;
	v29 =	vand.u32 $0x1C, v29;
	v16 =	vld.idx.msk [tilespmem:v28+s29+$0x0], $0xffff  }
0x139: {  	s25 =	simm.s32 $0xA;
	v30 =	vbroadcast v30, $0x0;
	v19 =	vor.u32 v14, v20;
	v20 =	vld.idx.msk [tilespmem:v28+s30+$0x0], $0xffff;
	v31 =	vmul.f32 v17, v26  }
0x13a: {  	s1 =	simm.s32 $0xC;
	v29 =	vbroadcast v29, $0x0;
	v28 =	vmov s25;
	v26 =	vand.u32 $0x1D, v32;
	v17 =	vld.idx.msk [tilespmem:v25+s29+$0x0], $0xffff  }
.LBB2_16:
0x13b: {  	p2 =	slt.u32 s1, $0x1C;
	s0 =	sadd.s32 $0x3, s14;
	v32 =	vld.idx.msk [tilespmem:v25+s30+$0x0], $0xffff;
	v33 =	vor.u32 v14, v30;
	v27 =	vadd.f32 v31, v27;
	v30 =	vmul.f32 v24, v21;
	s14 =	smov.u32 s1  }
0x13c: {  	v26 =	vbroadcast v26, $0x0;
	v28 =	vand.u32 $0x1E, v28;
	v31 =	vmov s0;
	v21 =	vld.idx.msk [tilespmem:v23+s29+$0x0], $0xffff  }
0x13d: {  	v25 =	vor.u32 v14, v29;
	v29 =	vmul.f32 v22, v18;
	v24 =	vld.idx.msk [tilespmem:v23+s30+$0x0], $0xffff;
	v27 =	vadd.f32 v30, v27  }
.Ltmp6:
0x13e: {  	v28 =	vbroadcast v28, $0x0;
	v30 =	vmov s1;
	v31 =	vand.u32 $0x1F, v31;
	v18 =	vld.idx.msk [tilespmem:v19+s29+$0x0], $0xffff;
	(pc) =	sbr.rel @p2 .LBB2_16-.Ltmp6, $4  }
0x13f: {  	s0 =	sadd.s32 $0x1, s1;
	v23 =	vor.u32 v14, v26;
	v22 =	vld.idx.msk [tilespmem:v19+s30+$0x0], $0xffff;
	v26 =	vadd.f32 v29, v27;
	v27 =	vmul.f32 v20, v16  }
0x140: {  	v34 =	vmov s0;
	v29 =	vand.u32 $0x1C, v30;
	v30 =	vbroadcast v31, $0x0;
	v16 =	vld.idx.msk [tilespmem:v33+s29+$0x0], $0xffff  }
0x141: {  	s0 =	sadd.s32 $0x2, s1;
	v19 =	vor.u32 v14, v28;
	v31 =	vmul.f32 v32, v17;
	v20 =	vld.idx.msk [tilespmem:v33+s30+$0x0], $0xffff;
	v27 =	vadd.f32 v27, v26  }
0x142: {  	s1 =	sadd.s32 $0x4, s1;
	v28 =	vmov s0;
	v29 =	vbroadcast v29, $0x0;
	v26 =	vand.u32 $0x1D, v34;
	v17 =	vld.idx.msk [tilespmem:v25+s29+$0x0], $0xffff  }
0x143: {  	(v2sf) =	vpush v15, $0xD;
	_ =	sdelay $0x1  }
0x144: {  	(v2sf) =	vpush v15, $0xC;
	_ =	sdelay $0x1  }
0x145: {  	(v2sf) =	vpush v15, $0xE;
	_ =	sdelay $0x1  }
0x146: {  	(v2sf) =	vpush v15, $0xF;
	_ =	sdelay $0x1  }
0x147: {  	(v2sf) =	vpush v15, $0x9;
	_ =	sdelay $0x1  }
0x148: {  	(v2sf) =	vpush v15, $0x8;
	_ =	sdelay $0x1  }
0x149: {  	(v2sf) =	vpush v15, $0xA;
	_ =	sdelay $0x1  }
0x14a: {  	(v2sf) =	vpush v15, $0xB  }
0x14b: {  	(v2sf) =	vpush v15, $0x0;
	s0 =	spop (v2sf)  }
0x14c: {  	s4 =	smulhi.u32 $0x66666667, s0;
	s0 =	sshra.s32 s0, $0x1F  }
0x14d: {  	(v2sf) =	vpush v15, $0x1;
	s1 =	spop (v2sf);
	s0 =	smul.u32 $0x66666667, s0  }
0x14e: {  	s7 =	smulhi.u32 $0x66666667, s1;
	s1 =	sshra.s32 s1, $0x1F  }
0x14f: {  	s2 =	spop (v2sf);
	s1 =	smul.u32 $0x66666667, s1  }
0x150: {  	(v2sf) =	vpush v15, $0x2;
	s12 =	smulhi.u32 $0x66666667, s2;
	s2 =	sshra.s32 s2, $0x1F  }
0x151: {  	(v2sf) =	vpush v15, $0x3;
	s3 =	spop (v2sf);
	s16 =	smul.u32 $0x66666667, s2  }
0x152: {  	(v2sf) =	vpush v15, $0x4;
	s22 =	smulhi.u32 $0x66666667, s3;
	s17 =	sshra.s32 s3, $0x1F  }
0x153: {  	(v2sf) =	vpush v15, $0x5;
	s5 =	spop (v2sf);
	s3 =	smul.u32 $0x66666667, s17  }
0x154: {  	(v2sf) =	vpush v15, $0x6;
	s13 =	smulhi.u32 $0x66666667, s5;
	s18 =	sshra.s32 s5, $0x1F  }
0x155: {  	(v2sf) =	vpush v15, $0x7;
	s6 =	spop (v2sf);
	s5 =	smul.u32 $0x66666667, s18  }
0x156: {  	s15 =	smulhi.u32 $0x66666667, s6;
	s6 =	sshra.s32 s6, $0x1F  }
0x157: {  	s17 =	sadd.s32 s0, s4;
	s10 =	spop (v2sf);
	s6 =	smul.u32 $0x66666667, s6  }
0x158: {  	s18 =	sadd.s32 $0x3, s14;
	s0 =	smulhi.u32 $0x66666667, s10;
	s24 =	sshra.s32 s10, $0x1F  }
0x159: {  	s14 =	sshrl.u32 s17, $0x1F;
	s11 =	spop (v2sf);
	s4 =	smul.u32 $0x66666667, s24  }
0x15a: {  	s19 =	spop (v2sf);
	s24 =	sadd.s32 s1, s7;
	s1 =	smulhi.u32 $0x66666667, s11  }
0x15b: {  	v27 =	vadd.f32 v31, v27;
	v21 =	vmul.f32 v24, v21;
	s10 =	sshra.s32 s11, $0x1F;
	s7 =	sadd.s32 s16, s12;
	s16 =	sadd.s32 s3, s22  }
0x15c: {  	v25 =	vld.idx.msk [tilespmem:v25+s30+$0x0], $0xffff;
	s5 =	sadd.s32 s5, s13;
	s21 =	spop (v2sf);
	s12 =	smul.u32 $0x66666667, s10  }
0x15d: {  	v18 =	vmul.f32 v22, v18;
	v21 =	vadd.f32 v21, v27;
	s11 =	sshrl.u32 s24, $0x1F;
	s22 =	smulhi.u32 $0x66666667, s19;
	s3 =	sshra.s32 s19, $0x1F  }
0x15e: {  	v33 =	vld.idx.msk [tilespmem:v23+s29+$0x0], $0xffff;
	s19 =	sshrl.u32 s7, $0x1F;
	s10 =	sshrl.u32 s16, $0x1F;
	s3 =	smul.u32 $0x66666667, s3  }
0x15f: {  	v30 =	vor.u32 v14, v30;
	v23 =	vld.idx.msk [tilespmem:v23+s30+$0x0], $0xffff;
	v16 =	vmul.f32 v20, v16;
	v18 =	vadd.f32 v18, v21;
	s6 =	sadd.s32 s6, s15;
	s25 =	spop (v2sf);
	s15 =	smulhi.u32 $0x66666667, s21  }
0x160: {  	s21 =	sshra.s32 s21, $0x1F;
	s13 =	sshrl.u32 s6, $0x1F;
	s20 =	spop (v2sf)  }
0x161: {  	v27 =	vld.idx.msk [tilespmem:v19+s29+$0x0], $0xffff;
	v17 =	vmul.f32 v25, v17;
	v16 =	vadd.f32 v16, v18;
	s0 =	sadd.s32 s4, s0;
	s21 =	smul.u32 $0x66666667, s21;
	s9 =	spop (v2sf)  }
0x162: {  	v19 =	vld.idx.msk [tilespmem:v19+s30+$0x0], $0xffff;
	v32 =	vmov s11;
	s4 =	smulhi.u32 $0x66666667, s25;
	s11 =	sshra.s32 s25, $0x1F;
	s8 =	spop (v2sf)  }
0x163: {  	v29 =	vor.u32 v14, v29;
	v21 =	vbroadcast v26, $0x0;
	v16 =	vadd.f32 v17, v16;
	s25 =	sshrl.u32 s5, $0x1F;
	s11 =	smul.u32 $0x66666667, s11;
	s2 =	spop (v2sf)  }
0x164: {  	v26 =	vld.idx.msk [tilespmem:v30+s29+$0x0], $0xffff;
	v17 =	vmul.f32 v23, v33;
	v24 =	vsel vm0, s14, v32;
	v31 =	vmov s13;
	s3 =	sadd.s32 s3, s22;
	s14 =	smulhi.u32 $0x66666667, s20;
	s22 =	spop (v2sf)  }
0x165: {  	v25 =	vld.idx.msk [tilespmem:v30+s30+$0x0], $0xffff;
	v61 =	vmov s18;
	s13 =	sshrl.u32 s0, $0x1F;
	v24 =	vsel vm1, s19, v24;
	v31 =	vsel vm0, s25, v31;
	s25 =	smulhi.u32 $0x66666667, s22;
	s18 =	sshra.s32 s22, $0x1F  }
0x166: {  	s20 =	sshra.s32 s20, $0x1F;
	v22 =	vsel vm2, s10, v24;
	v24 =	vand.u32 $0x1E, v28;
	v28 =	vsel vm1, s13, v31;
	s13 =	sshrl.u32 s3, $0x1F;
	s18 =	smul.u32 $0x66666667, s18  }
0x167: {  	v16 =	vadd.f32 v17, v16;
	v17 =	vmul.f32 v19, v27;
	s6 =	sshra.s32 s6, $0x5;
	s15 =	sadd.s32 s21, s15;
	v20 =	vmov s13;
	s13 =	smul.u32 $0x66666667, s20  }
0x168: {  	s21 =	sshrl.u32 s15, $0x1F;
	s4 =	sadd.s32 s11, s4;
	s20 =	sadd.s32 s18, s25  }
0x169: {  	v16 =	vadd.f32 v17, v16;
	v20 =	vnsel vm3, $0x0, v20;
	s22 =	smulhi.u32 $0x66666667, s9;
	s11 =	sadd.s32 s13, s14;
	s19 =	sshra.s32 s20, $0x1F  }
0x16a: {  	v17 =	vmul.f32 v25, v26;
	v18 =	vsel vm0, s21, v20;
	s21 =	sshra.s32 s3, $0x5;
	s25 =	sshra.s32 s9, $0x1F;
	s18 =	smulhi.u32 $0x66666667, s2;
	v31 =	vmov s19  }
0x16b: {  	vm9 =	vcmask $0x704;
	s3 =	sshra.s32 s3, $0x1F;
	s9 =	sadd.s32 s12, s1;
	s12 =	smul.u32 $0x66666667, s25;
	v23 =	vsel vm3, s21, v31  }
0x16c: {  	v21 =	vor.u32 v14, v21;
	v30 =	vld.idx.msk [tilespmem:v29+s29+$0x0], $0xffff;
	v16 =	vadd.f32 v17, v16;
	s13 =	sshra.s32 s15, $0x5;
	s25 =	smulhi.u32 $0x66666667, s8;
	s8 =	sshra.s32 s8, $0x1F;
	v23 =	vsel vm9, s3, v23  }
0x16d: {  	v29 =	vld.idx.msk [tilespmem:v29+s30+$0x0], $0xffff;
	v20 =	vand.u32 $0x1F, v61;
	s15 =	sshra.s32 s15, $0x1F;
	s2 =	sshra.s32 s2, $0x1F;
	s8 =	smul.u32 $0x66666667, s8;
	vm9 =	vcmask $0xF0C;
	v19 =	vsel vm0, s13, v23  }
0x16e: {  	v25 =	vmov s6;
	v20 =	vbroadcast v20, $0x0;
	s19 =	sshra.s32 s4, $0x5;
	s1 =	sadd.s32 s12, s22;
	s22 =	sshrl.u32 s4, $0x1F;
	v19 =	vsel vm9, s15, v19  }
0x16f: {  	v24 =	vbroadcast v24, $0x0;
	s14 =	sshrl.u32 s11, $0x1F;
	s2 =	smul.u32 $0x66666667, s2;
	s4 =	sshra.s32 s4, $0x1F;
	v18 =	vsel vm1, s22, v18;
	v19 =	vsel vm1, s19, v19  }
0x170: {  	v20 =	vor.u32 v14, v20;
	s8 =	sadd.s32 s8, s25;
	s22 =	sshrl.u32 s1, $0x1F;
	s25 =	sshra.s32 s11, $0x5;
	v18 =	vsel vm2, s14, v18;
	v19 =	vsel vm11, s4, v19  }
0x171: {  	s21 =	sshrl.u32 s9, $0x1F;
	v23 =	vor.u32 v14, v24;
	s13 =	sshrl.u32 s8, $0x1F;
	s14 =	sshra.s32 s11, $0x1F;
	v17 =	vsel vm4, s22, v18;
	v18 =	vsel vm2, s25, v19  }
0x172: {  	s2 =	sadd.s32 s2, s18;
	s18 =	sshra.s32 s1, $0x5;
	v24 =	vmul.f32 v29, v30;
	s22 =	sshra.s32 s5, $0x5;
	v17 =	vsel vm5, s13, v17;
	v18 =	vsel vm12, s14, v18  }
0x173: {  	s1 =	sshra.s32 s1, $0x1F;
	s19 =	sshra.s32 s24, $0x5;
	v25 =	vsel vm0, s22, v25;
	v19 =	vsel vm2, s21, v28;
	v18 =	vsel vm4, s18, v18  }
0x174: {  	s15 =	sshrl.u32 s2, $0x1F;
	s24 =	sshra.s32 s8, $0x5;
	s21 =	sshra.s32 s17, $0x5;
	v19 =	vcombine.low v19, v22;
	v22 =	vmov s19;
	v18 =	vsel vm13, s1, v18  }
0x175: {  	v26 =	vld.idx.msk [tilespmem:v21+s29+$0x0], $0xffff;
	s0 =	sshra.s32 s0, $0x5;
	s5 =	sshra.s32 s8, $0x1F;
	v17 =	vsel vm6, s15, v17;
	s25 =	sshra.s32 s7, $0x5;
	v22 =	vsel vm0, s21, v22;
	v18 =	vsel vm5, s24, v18  }
0x176: {  	v21 =	vld.idx.msk [tilespmem:v21+s30+$0x0], $0xffff;
	s6 =	sshra.s32 s16, $0x5;
	s8 =	sshra.s32 s2, $0x5;
	v25 =	vsel vm1, s0, v25;
	s7 =	sshra.s32 s9, $0x5;
	v22 =	vsel vm1, s25, v22;
	v18 =	vsel vm14, s5, v18  }
0x177: {  	s10 =	sshra.s32 s2, $0x1F;
	s9 =	sshrl.u32 s20, $0x1F;
	v27 =	vld.idx.msk [tilespmem:v23+s29+$0x0], $0xffff;
	v25 =	vsel vm2, s7, v25;
	v22 =	vsel vm2, s6, v22;
	v18 =	vsel vm6, s8, v18  }
0x178: {  	s11 =	sshra.s32 s20, $0x5;
	v23 =	vld.idx.msk [tilespmem:v23+s30+$0x0], $0xffff;
	v17 =	vsel vm7, s9, v17;
	v22 =	vcombine.low v25, v22;
	v18 =	vsel vm15, s10, v18  }
0x179: {  	v17 =	vperm.xlane v17, v11;
	v19 =	vperm.xlane v19, v10;
	v25 =	vld.idx.msk [tilespmem:v20+s29+$0x0], $0xffff;
	v18 =	vsel vm7, s11, v18  }
0x17a: {  	v20 =	vld.idx.msk [tilespmem:v20+s30+$0x0], $0xffff;
	v22 =	vperm.xlane v22, v10;
	v18 =	vperm.xlane v18, v11  }
0x17b: {  	v21 =	vmul.f32 v21, v26;
	v16 =	vadd.f32 v24, v16  }
0x17c: {  	v17 =	vsel vm8, v17, v19;
	v18 =	vsel vm8, v18, v22  }
0x17d: {  	v16 =	vadd.f32 v21, v16;
	v19 =	vmul.f32 v23, v27;
	v17 =	vadd.s32 v17, v18  }
0x17e: {  	v18 =	vmul.u32 $0xFFFFFFB0, v17  }
0x17f: {  	v16 =	vadd.f32 v19, v16;
	v19 =	vmul.f32 v20, v25  }
0x180: {  	v18 =	vadd.s32 v15, v18  }
0x181: {  	vm9 =	vlt.s32 v15, $0x1;
	v16 =	vadd.f32 v19, v16;
	vm10 =	vne.s32 v18, $0x0  }
0x182: {  	vm9 =	vmand vm9, vm10  }
0x183: {  	v15 =	vmul.f32 $1.442695020e+00, v16;
	v16 =	vsel vm9, $0xFFFFFFFF, v12  }
0x184: {  	vm9 =	vlt.s32 v18, $0x0;
	v16 =	vadd.s32 v16, v17;
	v17 =	vadd.s32 $0x50, v18  }
0x185: {  	(erf) = vpow2.f32 v15;
	v17 =	vsel vm9, v17, v18;
	v15 =	vmul.u32 $0x50, v16  }
0x186: {  	v16 =	vand.u32 $0xFFFFFFF8, v17  }
0x187: {  	s12 =	simm.s32 $0x1;
	s13 =	simm.s32 $0x2;
	v17 =	vand.u32 $0x7, v17;
	v15 =	vadd.s32 v16, v15  }
0x188: {  	v16 =	vmov s12;
	v17 =	vor.u32 v17, v15;
	v15 =	vmov s13  }
0x189: {  	s15 =	simm.s32 $0x0;
	v16 =	vand.u32 $0x1D, v16;
	v15 =	vand.u32 $0x1E, v15  }
0x18a: {  	s14 =	simm.s32 $0x3;
	v19 =	vmov s15;
	v16 =	vbroadcast v16, $0x0;
	v15 =	vbroadcast v15, $0x0  }
0x18b: {  	s16 =	simm.s32 $0x5;
	v19 =	vand.u32 $0x1C, v19;
	v18 =	vmov s14  }
0x18c: {  	v24 =	vor.u32 v14, v16;
	v31 =	vor.u32 v14, v15;
	v15 =	vmov s16  }
0x18d: {  	s22 =	simm.s32 $0xA;
	s18 =	simm.s32 $0x7;
	v18 =	vand.u32 $0x1F, v18;
	v16 =	vbroadcast v19, $0x0  }
0x18e: {  	v26 =	vmov s22;
	v20 =	vmov s18;
	v18 =	vbroadcast v18, $0x0  }
0x18f: {  	s17 =	simm.s32 $0x6;
	s19 =	simm.s32 $0x8A20;
	v20 =	vand.u32 $0x1F, v20;
	v21 =	vand.u32 $0x1D, v15;
	v16 =	vor.u32 v14, v16;
	v15 =	vpop (erf)  }
0x190: {  	s20 =	simm.s32 $0x4;
	v19 =	vmov s17;
	v21 =	vbroadcast v21, $0x0;
	[tilespmem:v17+s19+$0x0] =	vst.idx.add.f32.msk $0xffff, v15;
	v17 =	vor.u32 v14, v18  }
0x191: {  	v23 =	vmov s20;
	v20 =	vbroadcast v20, $0x0;
	v18 =	vand.u32 $0x1E, v19;
	v22 =	vld.idx.msk [tilespmem:v24+s31+$0x0], $0xffff  }
0x192: {  	v23 =	vand.u32 $0x1C, v23;
	v19 =	vor.u32 v14, v21;
	v21 =	vbroadcast v18, $0x0;
	v25 =	vld.idx.msk [tilespmem:v31+s31+$0x0], $0xffff  }
0x193: {  	v26 =	vand.u32 $0x1E, v26;
	s21 =	simm.s32 $0x9;
	s25 =	simm.s32 $0x8;
	v23 =	vbroadcast v23, $0x0;
	v18 =	vor.u32 v14, v20  }
0x194: {  	s24 =	simm.s32 $0xB;
	v63 =	vmov s25;
	v30 =	vld.idx.msk [tilespmem:v16+s31+$0x0], $0xffff;
	v20 =	vor.u32 v14, v21;
	v21 =	vmov s21  }
0x195: {  	v28 =	vmov s24;
	v29 =	vand.u32 $0x1D, v21;
	v21 =	vor.u32 v14, v23;
	v27 =	vld.idx.msk [tilespmem:v17+s31+$0x0], $0xffff  }
0x196: {  	v28 =	vand.u32 $0x1F, v28;
	v29 =	vbroadcast v29, $0x0;
	v62 =	vmul.f32 v22, v15  }
0x197: {  	v34 =	vbroadcast v28, $0x0;
	v28 =	vand.u32 $0x1C, v63;
	v23 =	vld.idx.msk [tilespmem:v19+s31+$0x0], $0xffff;
	v35 =	vmul.f32 v25, v15  }
0x198: {  	v28 =	vbroadcast v28, $0x0;
	v22 =	vld.idx.msk [tilespmem:v18+s31+$0x0], $0xffff;
	v25 =	vor.u32 v14, v29;
	v29 =	vbroadcast v26, $0x0;
	[tilespmem:v24+s31+$0x0] =	vst.idx.msk $0xffff, v62  }
0x199: {  	s1 =	simm.s32 $0xC;
	v30 =	vmul.f32 v30, v15;
	v26 =	vld.idx.msk [tilespmem:v20+s31+$0x0], $0xffff;
	v24 =	vor.u32 v14, v34;
	[tilespmem:v31+s31+$0x0] =	vst.idx.msk $0xffff, v35  }
.LBB2_18:
0x19a: {  	s0 =	sadd.s32 $0x1, s1;
	s2 =	sadd.s32 $0x2, s1;
	s3 =	sadd.s32 $0x3, s1;
	v31 =	vld.idx.msk [tilespmem:v21+s31+$0x0], $0xffff;
	v36 =	vmul.f32 v27, v15;
	v32 =	vmovc v20;
	v20 =	vor.u32 v14, v29;
	v33 =	vmov v19  }
0x19b: {  	p2 =	slt.u32 s1, $0x1C;
	v19 =	vmovc v25;
	v29 =	vmov s0;
	v34 =	vmov s2;
	v35 =	vmov s3;
	[tilespmem:v16+s31+$0x0] =	vst.idx.msk $0xffff, v30;
	v16 =	vmovc v21;
	s0 =	smov.u32 s1;
	s1 =	sadd.s32 $0x4, s1  }
.Ltmp7:
0x19c: {  	v21 =	vor.u32 v14, v28;
	v29 =	vand.u32 $0x1D, v29;
	v30 =	vand.u32 $0x1E, v34;
	[tilespmem:v17+s31+$0x0] =	vst.idx.msk $0xffff, v36;
	v17 =	vmovc v18;
	(pc) =	sbr.rel @p2 .LBB2_18-.Ltmp7, $4  }
0x19d: {  	v34 =	vmul.f32 v23, v15;
	v27 =	vmovc v22;
	v18 =	vmovc v24;
	v28 =	vbroadcast v29, $0x0;
	v29 =	vand.u32 $0x1F, v35;
	v23 =	vld.idx.msk [tilespmem:v25+s31+$0x0], $0xffff  }
0x19e: {  	v25 =	vmov s0;
	v36 =	vmul.f32 v26, v15;
	v35 =	vbroadcast v29, $0x0;
	v22 =	vld.idx.msk [tilespmem:v24+s31+$0x0], $0xffff  }
0x19f: {  	v24 =	vand.u32 $0x1C, v25;
	v29 =	vbroadcast v30, $0x0;
	v25 =	vor.u32 v14, v28;
	v26 =	vld.idx.msk [tilespmem:v20+s31+$0x0], $0xffff;
	[tilespmem:v33+s31+$0x0] =	vst.idx.msk $0xffff, v34  }
0x1a0: {  	v28 =	vbroadcast v24, $0x0;
	v30 =	vmul.f32 v31, v15;
	v24 =	vor.u32 v14, v35;
	[tilespmem:v32+s31+$0x0] =	vst.idx.msk $0xffff, v36  }
0x1a1: {  	_ = 	snop  }
0x1a2: {  	v29 =	vor.u32 v14, v29;
	_ =	sdelay $0x2  }
0x1a3: {  	v53 =	vld.idx.msk [tilespmem:v21+s31+$0x0], $0xffff  }
0x1a4: {  	v27 =	vmul.f32 v27, v15;
	v31 =	vld.idx.msk [tilespmem:v25+s31+$0x0], $0xffff  }
0x1a5: {  	[tilespmem:v16+s31+$0x0] =	vst.idx.msk $0xffff, v30;
	v54 =	vmul.f32 v23, v15;
	v55 =	vld.idx.msk [tilespmem:v29+s31+$0x0], $0xffff  }
0x1a6: {  	[tilespmem:v17+s31+$0x0] =	vst.idx.msk $0xffff, v27;
	v60 =	vmul.f32 v22, v15  }
0x1a7: {  	v14 =	vor.u32 v14, v28;
	v56 =	vmul.f32 v26, v15;
	[tilespmem:v19+s31+$0x0] =	vst.idx.msk $0xffff, v54  }
0x1a8: {  	[tilespmem:v18+s31+$0x0] =	vst.idx.msk $0xffff, v60;
	v59 =	vmul.f32 v53, v15  }
0x1a9: {  	[tilespmem:v20+s31+$0x0] =	vst.idx.msk $0xffff, v56;
	v61 =	vmul.f32 v31, v15  }
0x1aa: {  	[tilespmem:v21+s31+$0x0] =	vst.idx.msk $0xffff, v59;
	v62 =	vmul.f32 v55, v15  }
0x1ab: {  	[tilespmem:v25+s31+$0x0] =	vst.idx.msk $0xffff, v61  }
0x1ac: {  	v57 =	vld.idx.msk [tilespmem:v14+s31+$0x0], $0xffff;
	[tilespmem:v29+s31+$0x0] =	vst.idx.msk $0xffff, v62  }
0x1ad: {  	v58 =	vld.idx.msk [tilespmem:v24+s31+$0x0], $0xffff;
	s0 =	rddreg [dreg:$0x1b]  }
0x1ae: {  	s0 =	sadd.s32 $0x1, s0  }
0x1af: {  	p2 =	sne.s32 s0, $0x5  }
.Ltmp8:
0x1b0: {  	_ = 	snop;
	(pc) =	sbr.rel @p2 .LBB2_15-.Ltmp8, $4  }
0x1b1: {  	v63 =	vmul.f32 v57, v15  }
0x1b2: {  	v15 =	vmul.f32 v58, v15  }
0x1b3: {  	[tilespmem:v14+s31+$0x0] =	vst.idx.msk $0xffff, v63  }
0x1b4: {  	[tilespmem:v24+s31+$0x0] =	vst.idx.msk $0xffff, v15  }
0x1b5: {  	s0 =	rddreg [dreg:$0x2]  }
0x1b6: {  	s2 =	simm.s32 $0x50;
	s1 =	rddreg [dreg:$0x17];
	s25 =	simm.s32 $0x7  }
0x1b7: {  	[spmem:s0] =	stream.indirect.scatter.add.f32 [tilespmem:s31], [sflag:$0x7], $0x20, s1, s2, $0xb8;
	[tilespmem:$0x11EC0] =	vst v63  }
0x1b8: {  	_ =	swait.ge [sflag:s25], $0xA00  }
0x1b9: {  	s3 =	rddreg [dreg:$0x16]  }
0x1ba: {  	s3 =	sadd.s32 $0x1, s3  }
0x1bb: {  	p2 =	sne.s32 s3, $0x3E  }
.Ltmp9:
0x1bc: {  	_ = 	snop;
	(pc) =	sbr.rel @p2 .LBB2_8-.Ltmp9, $3  }
0x1bd: {  	_ =	sdelay $0x1  }
0x1be: {  	[sflag:s25] =	ssyncset.done $0x0  }
0x1bf: {  	[sflag:s25] =	ssyncadd.s32 $0xFFFFF600  }
0x1c0: {  	s0 =	simm.s32 $0x1  }
0x1c1: {  	_ =	swait.ge [sflag:s0], $0xA00  }
0x1c2: {  	[sflag:s0] =	ssyncset.done $0x0  }
0x1c3: {  	s24 =	simm.s32 $0x2;
	[sflag:s0] =	ssyncadd.s32 $0xFFFFF600  }
0x1c4: {  	_ =	swait.ge [sflag:s24], $0xA00  }
0x1c5: {  	[sflag:s24] =	ssyncset.done $0x0  }
0x1c6: {  	s25 =	simm.s32 $0x3;
	[sflag:s24] =	ssyncadd.s32 $0xFFFFF600  }
0x1c7: {  	_ =	swait.ge [sflag:s25], $0xA00  }
0x1c8: {  	[sflag:s25] =	ssyncset.done $0x0  }
0x1c9: {  	s0 =	simm.s32 $0x0;
	[sflag:s25] =	ssyncadd.s32 $0xFFFFF600  }
.LBB2_22:
0x1ca: {  	s1 =	simm.s32 $0x0  }
0x1cb: {  	s15 =	sshll.u32 s0, $0x4;
	v13 =	vmov s1  }
0x1cc: {  	s16 =	simm.s32 $0x1;
	v14 =	vmov s15;
	v13 =	vand.u32 $0x1C, v13  }
0x1cd: {  	v15 =	vmov s16;
	v14 =	vshll.u32 v14, $0x5;
	v16 =	vbroadcast v13, $0x0  }
0x1ce: {  	s17 =	simm.s32 $0x2;
	v13 =	vor.u32 v9, v14;
	v14 =	vand.u32 $0x1D, v15  }
0x1cf: {  	v15 =	vmov s17;
	v14 =	vbroadcast v14, $0x0;
	v16 =	vor.u32 v13, v16  }
0x1d0: {  	s18 =	simm.s32 $0x3;
	v15 =	vand.u32 $0x1E, v15  }
0x1d1: {  	v17 =	vmov s18;
	v15 =	vbroadcast v15, $0x0;
	v18 =	vor.u32 v13, v14  }
0x1d2: {  	s19 =	simm.s32 $0x4;
	v17 =	vand.u32 $0x1F, v17  }
0x1d3: {  	[dreg:$0x1c] =	wrdreg s0;
	v19 =	vmov s19;
	v17 =	vbroadcast v17, $0x0;
	v14 =	vld [tilespmem:s15+$0x4DD0];
	v15 =	vor.u32 v13, v15  }
0x1d4: {  	s20 =	simm.s32 $0x5;
	v19 =	vand.u32 $0x1C, v19;
	v25 =	vld.idx.msk [tilespmem:v16+s23+$0x0], $0xffff  }
0x1d5: {  	v19 =	vbroadcast v19, $0x0;
	v27 =	vor.u32 v13, v17;
	v17 =	vmov s20;
	v16 =	vld.idx.msk [tilespmem:v16+s26+$0x0], $0xffff  }
0x1d6: {  	s21 =	simm.s32 $0x6;
	v17 =	vand.u32 $0x1D, v17;
	v20 =	vld.idx.msk [tilespmem:v18+s23+$0x0], $0xffff  }
0x1d7: {  	s22 =	simm.s32 $0x7;
	s13 =	simm.s32 $0x8;
	v21 =	vmov s21;
	v24 =	vor.u32 v13, v19;
	v23 =	vld.idx.msk [tilespmem:v18+s26+$0x0], $0xffff;
	v18 =	vbroadcast v17, $0x0  }
0x1d8: {  	v28 =	vmov s13;
	v19 =	vand.u32 $0x1E, v21;
	v21 =	vmov s22;
	v17 =	vld.idx.msk [tilespmem:v15+s23+$0x0], $0xffff  }
0x1d9: {  	s24 =	simm.s32 $0x9;
	v19 =	vbroadcast v19, $0x0;
	v29 =	vand.u32 $0x1F, v21;
	v21 =	vld.idx.msk [tilespmem:v15+s26+$0x0], $0xffff;
	v22 =	vor.u32 v13, v18  }
0x1da: {  	v26 =	vimm.f32 $0.0e+00;
	v31 =	vmov s24;
	v28 =	vand.u32 $0x1C, v28;
	v15 =	vld.idx.msk [tilespmem:v27+s23+$0x0], $0xffff  }
0x1db: {  	s25 =	simm.s32 $0xA;
	v29 =	vbroadcast v29, $0x0;
	v18 =	vor.u32 v13, v19;
	v19 =	vld.idx.msk [tilespmem:v27+s26+$0x0], $0xffff;
	v30 =	vmul.f32 v16, v25  }
0x1dc: {  	s1 =	simm.s32 $0xC;
	v28 =	vbroadcast v28, $0x0;
	v27 =	vmov s25;
	v25 =	vand.u32 $0x1D, v31;
	v16 =	vld.idx.msk [tilespmem:v24+s23+$0x0], $0xffff  }
.LBB2_23:
0x1dd: {  	p2 =	slt.u32 s1, $0x1C;
	s0 =	sadd.s32 $0x3, s13;
	v31 =	vld.idx.msk [tilespmem:v24+s26+$0x0], $0xffff;
	v32 =	vor.u32 v13, v29;
	v26 =	vadd.f32 v30, v26;
	v29 =	vmul.f32 v23, v20;
	s13 =	smov.u32 s1  }
0x1de: {  	v25 =	vbroadcast v25, $0x0;
	v27 =	vand.u32 $0x1E, v27;
	v30 =	vmov s0;
	v20 =	vld.idx.msk [tilespmem:v22+s23+$0x0], $0xffff  }
0x1df: {  	v24 =	vor.u32 v13, v28;
	v28 =	vmul.f32 v21, v17;
	v23 =	vld.idx.msk [tilespmem:v22+s26+$0x0], $0xffff;
	v26 =	vadd.f32 v29, v26  }
.Ltmp10:
0x1e0: {  	v27 =	vbroadcast v27, $0x0;
	v29 =	vmov s1;
	v30 =	vand.u32 $0x1F, v30;
	v17 =	vld.idx.msk [tilespmem:v18+s23+$0x0], $0xffff;
	(pc) =	sbr.rel @p2 .LBB2_23-.Ltmp10, $4  }
0x1e1: {  	s0 =	sadd.s32 $0x1, s1;
	v22 =	vor.u32 v13, v25;
	v21 =	vld.idx.msk [tilespmem:v18+s26+$0x0], $0xffff;
	v25 =	vadd.f32 v28, v26;
	v26 =	vmul.f32 v19, v15  }
0x1e2: {  	v33 =	vmov s0;
	v28 =	vand.u32 $0x1C, v29;
	v29 =	vbroadcast v30, $0x0;
	v15 =	vld.idx.msk [tilespmem:v32+s23+$0x0], $0xffff  }
0x1e3: {  	s0 =	sadd.s32 $0x2, s1;
	v18 =	vor.u32 v13, v27;
	v30 =	vmul.f32 v31, v16;
	v19 =	vld.idx.msk [tilespmem:v32+s26+$0x0], $0xffff;
	v26 =	vadd.f32 v26, v25  }
0x1e4: {  	s1 =	sadd.s32 $0x4, s1;
	v27 =	vmov s0;
	v28 =	vbroadcast v28, $0x0;
	v25 =	vand.u32 $0x1D, v33;
	v16 =	vld.idx.msk [tilespmem:v24+s23+$0x0], $0xffff  }
0x1e5: {  	(v2sf) =	vpush v14, $0xD;
	_ =	sdelay $0x1  }
0x1e6: {  	(v2sf) =	vpush v14, $0xC;
	_ =	sdelay $0x1  }
0x1e7: {  	(v2sf) =	vpush v14, $0xE;
	_ =	sdelay $0x1  }
0x1e8: {  	(v2sf) =	vpush v14, $0xF;
	_ =	sdelay $0x1  }
0x1e9: {  	(v2sf) =	vpush v14, $0x9  }
0x1ea: {  	(v2sf) =	vpush v14, $0x8;
	_ =	sdelay $0x1  }
0x1eb: {  	(v2sf) =	vpush v14, $0xA;
	_ =	sdelay $0x1  }
0x1ec: {  	(v2sf) =	vpush v14, $0xB;
	_ =	sdelay $0x1  }
0x1ed: {  	(v2sf) =	vpush v14, $0x0;
	s0 =	spop (v2sf)  }
0x1ee: {  	s4 =	smulhi.u32 $0x66666667, s0;
	s0 =	sshra.s32 s0, $0x1F  }
0x1ef: {  	(v2sf) =	vpush v14, $0x1;
	s1 =	spop (v2sf);
	s0 =	smul.u32 $0x66666667, s0  }
0x1f0: {  	s7 =	smulhi.u32 $0x66666667, s1;
	s1 =	sshra.s32 s1, $0x1F  }
0x1f1: {  	(v2sf) =	vpush v14, $0x2;
	s2 =	spop (v2sf);
	s1 =	smul.u32 $0x66666667, s1  }
0x1f2: {  	(v2sf) =	vpush v14, $0x3;
	s16 =	smulhi.u32 $0x66666667, s2;
	s2 =	sshra.s32 s2, $0x1F  }
0x1f3: {  	(v2sf) =	vpush v14, $0x4;
	s3 =	spop (v2sf);
	s20 =	smul.u32 $0x66666667, s2  }
0x1f4: {  	(v2sf) =	vpush v14, $0x5;
	s22 =	smulhi.u32 $0x66666667, s3;
	s12 =	sshra.s32 s3, $0x1F  }
0x1f5: {  	(v2sf) =	vpush v14, $0x6;
	s5 =	spop (v2sf);
	s3 =	smul.u32 $0x66666667, s12  }
0x1f6: {  	(v2sf) =	vpush v14, $0x7;
	s6 =	spop (v2sf);
	s25 =	smulhi.u32 $0x66666667, s5;
	s15 =	sshra.s32 s5, $0x1F  }
0x1f7: {  	s12 =	sadd.s32 $0x3, s13;
	s7 =	sadd.s32 s1, s7;
	s5 =	smul.u32 $0x66666667, s15  }
0x1f8: {  	s10 =	spop (v2sf);
	s11 =	smulhi.u32 $0x66666667, s6;
	s6 =	sshra.s32 s6, $0x1F  }
0x1f9: {  	s15 =	sadd.s32 s0, s4;
	s16 =	sadd.s32 s20, s16;
	s6 =	smul.u32 $0x66666667, s6  }
0x1fa: {  	s14 =	spop (v2sf);
	s0 =	smulhi.u32 $0x66666667, s10;
	s17 =	sshra.s32 s10, $0x1F  }
0x1fb: {  	s13 =	sshrl.u32 s15, $0x1F;
	s3 =	sadd.s32 s3, s22;
	s17 =	smul.u32 $0x66666667, s17  }
0x1fc: {  	s19 =	spop (v2sf);
	s1 =	smulhi.u32 $0x66666667, s14;
	s10 =	sshra.s32 s14, $0x1F  }
0x1fd: {  	s14 =	sshrl.u32 s7, $0x1F;
	s5 =	sadd.s32 s5, s25;
	s20 =	smul.u32 $0x66666667, s10  }
0x1fe: {  	s21 =	spop (v2sf);
	s22 =	smulhi.u32 $0x66666667, s19;
	s4 =	sshra.s32 s19, $0x1F  }
0x1ff: {  	v26 =	vadd.f32 v30, v26;
	v24 =	vld.idx.msk [tilespmem:v24+s26+$0x0], $0xffff;
	v20 =	vmul.f32 v23, v20;
	s19 =	sshrl.u32 s16, $0x1F;
	s10 =	sshrl.u32 s3, $0x1F;
	s4 =	smul.u32 $0x66666667, s4  }
0x200: {  	v29 =	vor.u32 v13, v29;
	s6 =	sadd.s32 s6, s11;
	s24 =	spop (v2sf);
	s11 =	smulhi.u32 $0x66666667, s21  }
0x201: {  	v32 =	vld.idx.msk [tilespmem:v22+s23+$0x0], $0xffff;
	v17 =	vmul.f32 v21, v17;
	v20 =	vadd.f32 v20, v26;
	s21 =	sshra.s32 s21, $0x1F;
	s25 =	sshrl.u32 s6, $0x1F;
	s18 =	spop (v2sf)  }
0x202: {  	v22 =	vld.idx.msk [tilespmem:v22+s26+$0x0], $0xffff;
	v31 =	vmov s14;
	s14 =	sadd.s32 s17, s0;
	s21 =	smul.u32 $0x66666667, s21;
	s9 =	spop (v2sf)  }
0x203: {  	v26 =	vld.idx.msk [tilespmem:v18+s23+$0x0], $0xffff;
	v15 =	vmul.f32 v19, v15;
	v17 =	vadd.f32 v17, v20;
	s0 =	smulhi.u32 $0x66666667, s24;
	s17 =	sshra.s32 s24, $0x1F;
	s8 =	spop (v2sf)  }
0x204: {  	v18 =	vld.idx.msk [tilespmem:v18+s26+$0x0], $0xffff;
	v20 =	vbroadcast v25, $0x0;
	v16 =	vmul.f32 v24, v16;
	s6 =	sshra.s32 s6, $0x5;
	s17 =	smul.u32 $0x66666667, s17;
	s2 =	spop (v2sf)  }
0x205: {  	v25 =	vld.idx.msk [tilespmem:v29+s23+$0x0], $0xffff;
	v15 =	vadd.f32 v15, v17;
	v23 =	vsel vm0, s13, v31;
	v31 =	vmov s12;
	s4 =	sadd.s32 s4, s22;
	s12 =	smulhi.u32 $0x66666667, s18;
	s22 =	spop (v2sf)  }
0x206: {  	v28 =	vor.u32 v13, v28;
	v24 =	vld.idx.msk [tilespmem:v29+s26+$0x0], $0xffff;
	s24 =	sshrl.u32 s5, $0x1F;
	v30 =	vmov s25;
	v23 =	vsel vm1, s19, v23;
	s19 =	smulhi.u32 $0x66666667, s22;
	s13 =	sshra.s32 s22, $0x1F  }
0x207: {  	v15 =	vadd.f32 v16, v15;
	v16 =	vmul.f32 v22, v32;
	s25 =	sshrl.u32 s14, $0x1F;
	v30 =	vsel vm0, s24, v30;
	s18 =	sshra.s32 s18, $0x1F;
	s13 =	smul.u32 $0x66666667, s13  }
0x208: {  	v21 =	vsel vm2, s10, v23;
	v23 =	vand.u32 $0x1E, v27;
	s11 =	sadd.s32 s21, s11;
	v27 =	vsel vm1, s25, v30;
	s25 =	sshrl.u32 s4, $0x1F;
	s24 =	smulhi.u32 $0x66666667, s9  }
0x209: {  	v15 =	vadd.f32 v16, v15;
	v16 =	vmul.f32 v18, v26;
	s21 =	sshrl.u32 s11, $0x1F;
	s22 =	smul.u32 $0x66666667, s18;
	s18 =	sadd.s32 s13, s19  }
0x20a: {  	vm9 =	vcmask $0x704;
	v19 =	vmov s25;
	s25 =	sshra.s32 s9, $0x1F;
	s9 =	sadd.s32 s20, s1;
	s20 =	sshra.s32 s18, $0x1F  }
0x20b: {  	v15 =	vadd.f32 v16, v15;
	v16 =	vmul.f32 v24, v25;
	s12 =	sadd.s32 s22, s12;
	s22 =	sshra.s32 s4, $0x5;
	s19 =	smul.u32 $0x66666667, s25;
	v30 =	vmov s20  }
0x20c: {  	v20 =	vor.u32 v13, v20;
	s0 =	sadd.s32 s17, s0;
	v19 =	vnsel vm3, $0x0, v19;
	s4 =	sshra.s32 s4, $0x1F;
	s25 =	smulhi.u32 $0x66666667, s8;
	v22 =	vsel vm3, s22, v30  }
0x20d: {  	v29 =	vld.idx.msk [tilespmem:v28+s23+$0x0], $0xffff;
	v15 =	vadd.f32 v16, v15;
	v17 =	vsel vm0, s21, v19;
	s8 =	sshra.s32 s8, $0x1F;
	s13 =	sshra.s32 s11, $0x5;
	s11 =	sshra.s32 s11, $0x1F;
	v22 =	vsel vm9, s4, v22  }
0x20e: {  	v28 =	vld.idx.msk [tilespmem:v28+s26+$0x0], $0xffff;
	v19 =	vand.u32 $0x1F, v31;
	s8 =	smul.u32 $0x66666667, s8;
	s1 =	sadd.s32 s19, s24;
	s24 =	sshrl.u32 s0, $0x1F;
	vm9 =	vcmask $0xF0C;
	v18 =	vsel vm0, s13, v22  }
0x20f: {  	v24 =	vmov s6;
	v19 =	vbroadcast v19, $0x0;
	s19 =	smulhi.u32 $0x66666667, s2;
	s2 =	sshra.s32 s2, $0x1F;
	s20 =	sshra.s32 s0, $0x5;
	v18 =	vsel vm9, s11, v18  }
0x210: {  	v23 =	vbroadcast v23, $0x0;
	s17 =	sshrl.u32 s12, $0x1F;
	s0 =	sshra.s32 s0, $0x1F;
	v17 =	vsel vm1, s24, v17;
	s2 =	smul.u32 $0x66666667, s2;
	v18 =	vsel vm1, s20, v18  }
0x211: {  	v19 =	vor.u32 v13, v19;
	s8 =	sadd.s32 s8, s25;
	s22 =	sshrl.u32 s1, $0x1F;
	s24 =	sshra.s32 s12, $0x5;
	v17 =	vsel vm2, s17, v17;
	v18 =	vsel vm11, s0, v18  }
0x212: {  	s12 =	sshra.s32 s12, $0x1F;
	s25 =	sshrl.u32 s8, $0x1F;
	v22 =	vor.u32 v13, v23;
	v16 =	vsel vm4, s22, v17;
	s2 =	sadd.s32 s2, s19;
	v17 =	vsel vm2, s24, v18  }
0x213: {  	s21 =	sshrl.u32 s9, $0x1F;
	v23 =	vmul.f32 v28, v29;
	s13 =	sshra.s32 s1, $0x5;
	v16 =	vsel vm5, s25, v16;
	s4 =	sshrl.u32 s2, $0x1F;
	v17 =	vsel vm12, s12, v17  }
0x214: {  	s17 =	sshra.s32 s7, $0x5;
	s19 =	sshra.s32 s1, $0x1F;
	v16 =	vsel vm6, s4, v16;
	v18 =	vsel vm2, s21, v27;
	v17 =	vsel vm4, s13, v17  }
0x215: {  	s22 =	sshra.s32 s8, $0x5;
	s20 =	sshra.s32 s15, $0x5;
	s21 =	sshra.s32 s5, $0x5;
	v18 =	vcombine.low v18, v21;
	v21 =	vmov s17;
	v17 =	vsel vm13, s19, v17  }
0x216: {  	v25 =	vld.idx.msk [tilespmem:v20+s23+$0x0], $0xffff;
	s25 =	sshra.s32 s14, $0x5;
	s24 =	sshra.s32 s16, $0x5;
	s5 =	sshra.s32 s8, $0x1F;
	v24 =	vsel vm0, s21, v24;
	v21 =	vsel vm0, s20, v21;
	v17 =	vsel vm5, s22, v17  }
0x217: {  	v20 =	vld.idx.msk [tilespmem:v20+s26+$0x0], $0xffff;
	s6 =	sshra.s32 s3, $0x5;
	s7 =	sshra.s32 s9, $0x5;
	s8 =	sshra.s32 s2, $0x5;
	v24 =	vsel vm1, s25, v24;
	v21 =	vsel vm1, s24, v21;
	v17 =	vsel vm14, s5, v17  }
0x218: {  	s9 =	sshrl.u32 s18, $0x1F;
	s10 =	sshra.s32 s2, $0x1F;
	v26 =	vld.idx.msk [tilespmem:v22+s23+$0x0], $0xffff;
	v24 =	vsel vm2, s7, v24;
	v21 =	vsel vm2, s6, v21;
	v17 =	vsel vm6, s8, v17  }
0x219: {  	s11 =	sshra.s32 s18, $0x5;
	v16 =	vsel vm7, s9, v16;
	v22 =	vld.idx.msk [tilespmem:v22+s26+$0x0], $0xffff;
	v21 =	vcombine.low v24, v21;
	v17 =	vsel vm15, s10, v17  }
0x21a: {  	v16 =	vperm.xlane v16, v11;
	v18 =	vperm.xlane v18, v10;
	v24 =	vld.idx.msk [tilespmem:v19+s23+$0x0], $0xffff;
	v17 =	vsel vm7, s11, v17  }
0x21b: {  	v19 =	vld.idx.msk [tilespmem:v19+s26+$0x0], $0xffff;
	v21 =	vperm.xlane v21, v10;
	v17 =	vperm.xlane v17, v11  }
0x21c: {  	v20 =	vmul.f32 v20, v25;
	v15 =	vadd.f32 v23, v15  }
0x21d: {  	v16 =	vsel vm8, v16, v18;
	v17 =	vsel vm8, v17, v21  }
0x21e: {  	v15 =	vadd.f32 v20, v15;
	v18 =	vmul.f32 v22, v26;
	v16 =	vadd.s32 v16, v17  }
0x21f: {  	v17 =	vmul.u32 $0xFFFFFFB0, v16  }
0x220: {  	v15 =	vadd.f32 v18, v15;
	v18 =	vmul.f32 v19, v24  }
0x221: {  	v17 =	vadd.s32 v14, v17  }
0x222: {  	vm9 =	vlt.s32 v14, $0x1;
	v15 =	vadd.f32 v18, v15;
	vm10 =	vne.s32 v17, $0x0  }
0x223: {  	vm9 =	vmand vm9, vm10  }
0x224: {  	v14 =	vmul.f32 $1.442695020e+00, v15;
	v15 =	vsel vm9, $0xFFFFFFFF, v12  }
0x225: {  	vm9 =	vlt.s32 v17, $0x0;
	v15 =	vadd.s32 v15, v16;
	v16 =	vadd.s32 $0x50, v17  }
0x226: {  	(erf) = vpow2.f32 v14;
	v16 =	vsel vm9, v16, v17;
	v14 =	vmul.u32 $0x50, v15  }
0x227: {  	v15 =	vand.u32 $0xFFFFFFF8, v16  }
0x228: {  	s12 =	simm.s32 $0x1;
	s13 =	simm.s32 $0x2;
	v16 =	vand.u32 $0x7, v16;
	v14 =	vadd.s32 v15, v14  }
0x229: {  	v15 =	vmov s12;
	v16 =	vor.u32 v16, v14;
	v14 =	vmov s13  }
0x22a: {  	s15 =	simm.s32 $0x0;
	v15 =	vand.u32 $0x1D, v15;
	v14 =	vand.u32 $0x1E, v14  }
0x22b: {  	s14 =	simm.s32 $0x3;
	v18 =	vmov s15;
	v15 =	vbroadcast v15, $0x0;
	v14 =	vbroadcast v14, $0x0  }
0x22c: {  	s16 =	simm.s32 $0x5;
	v18 =	vand.u32 $0x1C, v18;
	v17 =	vmov s14  }
0x22d: {  	v23 =	vor.u32 v13, v15;
	v30 =	vor.u32 v13, v14;
	v14 =	vmov s16  }
0x22e: {  	s18 =	simm.s32 $0x7;
	s25 =	simm.s32 $0x8;
	v17 =	vand.u32 $0x1F, v17;
	v15 =	vbroadcast v18, $0x0  }
0x22f: {  	v63 =	vmov s25;
	v19 =	vmov s18;
	v17 =	vbroadcast v17, $0x0  }
0x230: {  	s17 =	simm.s32 $0x6;
	s19 =	simm.s32 $0x8A20;
	v19 =	vand.u32 $0x1F, v19;
	v20 =	vand.u32 $0x1D, v14;
	v15 =	vor.u32 v13, v15;
	v14 =	vpop (erf)  }
0x231: {  	s20 =	simm.s32 $0x4;
	v18 =	vmov s17;
	v20 =	vbroadcast v20, $0x0;
	[tilespmem:v16+s19+$0x0] =	vst.idx.add.f32.msk $0xffff, v14;
	v16 =	vor.u32 v13, v17  }
0x232: {  	v22 =	vmov s20;
	v19 =	vbroadcast v19, $0x0;
	v17 =	vand.u32 $0x1E, v18;
	v21 =	vld.idx.msk [tilespmem:v23+s28+$0x0], $0xffff  }
0x233: {  	s24 =	simm.s32 $0xB;
	v22 =	vand.u32 $0x1C, v22;
	v18 =	vor.u32 v13, v20;
	v20 =	vbroadcast v17, $0x0;
	v24 =	vld.idx.msk [tilespmem:v30+s28+$0x0], $0xffff  }
0x234: {  	s21 =	simm.s32 $0x9;
	s22 =	simm.s32 $0xA;
	v27 =	vmov s24;
	v22 =	vbroadcast v22, $0x0;
	v17 =	vor.u32 v13, v19  }
0x235: {  	v25 =	vmov s22;
	v29 =	vld.idx.msk [tilespmem:v15+s28+$0x0], $0xffff;
	v19 =	vor.u32 v13, v20;
	v20 =	vmov s21  }
0x236: {  	v27 =	vand.u32 $0x1F, v27;
	v28 =	vand.u32 $0x1D, v20;
	v20 =	vor.u32 v13, v22;
	v26 =	vld.idx.msk [tilespmem:v16+s28+$0x0], $0xffff  }
0x237: {  	v25 =	vand.u32 $0x1E, v25;
	v28 =	vbroadcast v28, $0x0;
	v31 =	vmul.f32 v21, v14  }
0x238: {  	v33 =	vbroadcast v27, $0x0;
	v27 =	vand.u32 $0x1C, v63;
	v22 =	vld.idx.msk [tilespmem:v18+s28+$0x0], $0xffff;
	v34 =	vmul.f32 v24, v14  }
0x239: {  	v27 =	vbroadcast v27, $0x0;
	v21 =	vld.idx.msk [tilespmem:v17+s28+$0x0], $0xffff;
	v24 =	vor.u32 v13, v28;
	v28 =	vbroadcast v25, $0x0;
	[tilespmem:v23+s28+$0x0] =	vst.idx.msk $0xffff, v31  }
0x23a: {  	s1 =	simm.s32 $0xC;
	v29 =	vmul.f32 v29, v14;
	v25 =	vld.idx.msk [tilespmem:v19+s28+$0x0], $0xffff;
	v23 =	vor.u32 v13, v33;
	[tilespmem:v30+s28+$0x0] =	vst.idx.msk $0xffff, v34  }
.LBB2_25:
0x23b: {  	s0 =	sadd.s32 $0x1, s1;
	s2 =	sadd.s32 $0x2, s1;
	s3 =	sadd.s32 $0x3, s1;
	v30 =	vld.idx.msk [tilespmem:v20+s28+$0x0], $0xffff;
	v35 =	vmul.f32 v26, v14;
	v31 =	vmovc v19;
	v19 =	vor.u32 v13, v28;
	v32 =	vmov v18  }
0x23c: {  	p2 =	slt.u32 s1, $0x1C;
	v18 =	vmovc v24;
	v28 =	vmov s0;
	v33 =	vmov s2;
	v34 =	vmov s3;
	[tilespmem:v15+s28+$0x0] =	vst.idx.msk $0xffff, v29;
	v15 =	vmovc v20;
	s0 =	smov.u32 s1;
	s1 =	sadd.s32 $0x4, s1  }
.Ltmp11:
0x23d: {  	v20 =	vor.u32 v13, v27;
	v28 =	vand.u32 $0x1D, v28;
	v29 =	vand.u32 $0x1E, v33;
	[tilespmem:v16+s28+$0x0] =	vst.idx.msk $0xffff, v35;
	v16 =	vmovc v17;
	(pc) =	sbr.rel @p2 .LBB2_25-.Ltmp11, $4  }
0x23e: {  	v33 =	vmul.f32 v22, v14;
	v26 =	vmovc v21;
	v17 =	vmovc v23;
	v27 =	vbroadcast v28, $0x0;
	v28 =	vand.u32 $0x1F, v34;
	v22 =	vld.idx.msk [tilespmem:v24+s28+$0x0], $0xffff  }
0x23f: {  	v24 =	vmov s0;
	v35 =	vmul.f32 v25, v14;
	v34 =	vbroadcast v28, $0x0;
	v21 =	vld.idx.msk [tilespmem:v23+s28+$0x0], $0xffff  }
0x240: {  	v23 =	vand.u32 $0x1C, v24;
	v28 =	vbroadcast v29, $0x0;
	v24 =	vor.u32 v13, v27;
	v25 =	vld.idx.msk [tilespmem:v19+s28+$0x0], $0xffff;
	[tilespmem:v32+s28+$0x0] =	vst.idx.msk $0xffff, v33  }
0x241: {  	v27 =	vbroadcast v23, $0x0;
	v29 =	vmul.f32 v30, v14;
	v23 =	vor.u32 v13, v34;
	[tilespmem:v31+s28+$0x0] =	vst.idx.msk $0xffff, v35  }
0x242: {  	_ =	sdelay $0x1  }
0x243: {  	v28 =	vor.u32 v13, v28;
	_ =	sdelay $0x1  }
0x244: {  	v57 =	vld.idx.msk [tilespmem:v20+s28+$0x0], $0xffff;
	_ =	sdelay $0x1  }
0x245: {  	v26 =	vmul.f32 v26, v14;
	v30 =	vld.idx.msk [tilespmem:v24+s28+$0x0], $0xffff  }
0x246: {  	[tilespmem:v15+s28+$0x0] =	vst.idx.msk $0xffff, v29;
	v15 =	vmul.f32 v22, v14;
	v58 =	vld.idx.msk [tilespmem:v28+s28+$0x0], $0xffff  }
0x247: {  	[tilespmem:v16+s28+$0x0] =	vst.idx.msk $0xffff, v26;
	v62 =	vmul.f32 v21, v14  }
0x248: {  	v13 =	vor.u32 v13, v27;
	[tilespmem:v18+s28+$0x0] =	vst.idx.msk $0xffff, v15;
	v15 =	vmul.f32 v57, v14  }
0x249: {  	v59 =	vmul.f32 v25, v14;
	[tilespmem:v17+s28+$0x0] =	vst.idx.msk $0xffff, v62  }
0x24a: {  	[tilespmem:v20+s28+$0x0] =	vst.idx.msk $0xffff, v15;
	v15 =	vmul.f32 v30, v14  }
0x24b: {  	[tilespmem:v19+s28+$0x0] =	vst.idx.msk $0xffff, v59;
	v63 =	vmul.f32 v58, v14  }
0x24c: {  	[tilespmem:v24+s28+$0x0] =	vst.idx.msk $0xffff, v15  }
0x24d: {  	v60 =	vld.idx.msk [tilespmem:v13+s28+$0x0], $0xffff;
	[tilespmem:v28+s28+$0x0] =	vst.idx.msk $0xffff, v63  }
0x24e: {  	v61 =	vld.idx.msk [tilespmem:v23+s28+$0x0], $0xffff;
	s0 =	rddreg [dreg:$0x1c]  }
0x24f: {  	s0 =	sadd.s32 $0x1, s0  }
0x250: {  	p2 =	sne.s32 s0, $0x5  }
.Ltmp12:
0x251: {  	_ = 	snop;
	(pc) =	sbr.rel @p2 .LBB2_22-.Ltmp12, $4  }
0x252: {  	v15 =	vmul.f32 v60, v14  }
0x253: {  	v14 =	vmul.f32 v61, v14  }
0x254: {  	[tilespmem:v13+s28+$0x0] =	vst.idx.msk $0xffff, v15  }
0x255: {  	[tilespmem:v23+s28+$0x0] =	vst.idx.msk $0xffff, v14  }
0x256: {  	s0 =	rddreg [dreg:$0x2]  }
0x257: {  	s1 =	simm.s32 $0x50;
	s2 =	simm.s32 $0x4DD0;
	s20 =	simm.s32 $0x7  }
0x258: {  	[spmem:s0] =	stream.indirect.scatter.add.f32 [tilespmem:s28], [sflag:$0x7], $0x20, s2, s1, $0xb8;
	[tilespmem:$0x11EC0] =	vst v63  }
0x259: {  	_ =	swait.ge [sflag:s20], $0xA00  }
0x25a: {  	[sflag:s20] =	ssyncset.done $0x0  }
0x25b: {  	s22 =	simm.s32 $0x8A20;
	[sflag:s20] =	ssyncadd.s32 $0xFFFFF600  }
0x25c: {  	s3 =	simm.s32 $0x80;
	s4 =	simm.s32 $0xB220;
	s21 =	rddreg [dreg:$0x3]  }
0x25d: {  	[spmem:s21] =	stream.indirect.scatter.add.f32 [tilespmem:s22], [sflag:$0x7], $0x50, s4, s3, $0xb8;
	[tilespmem:$0x11EC0] =	vst v63  }
0x25e: {  	_ =	swait.ge [sflag:s20], $0x2800  }
0x25f: {  	[sflag:s20] =	ssyncset.done $0x0  }
0x260: {  	[sflag:s20] =	ssyncadd.s32 $0xFFFFD800  }
0x261: {  	s0 =	stileid.u32;
	[bflag:$0x0] =	sbarrier.arrive $0xFFFF  }
0x262: {  	s0 =	sshll.u32 @!p0 s0, $0x6;
	s1 =	rddreg [dreg:$0xb]  }
0x263: {  	s0 =	sor.u32 @!p0 $0x1C07, s0;
	s2 =	rddreg [dreg:$0x13]  }
0x264: {  	[hbm:s1], [sflag:s0] =	dma.local @!p0 [spmem:s2], $0xFA0  }
0x265: {  	s1 =	simm.s32 @!p0 $0x7  }
0x266: {  	_ =	swait.ge @!p0 [sflag:s1], $0xFA0  }
0x267: {  	[sflag:s1] =	ssyncset.done @!p0 $0x0;
	s2 =	rddreg [dreg:$0x14]  }
0x268: {  	[sflag:s1] =	ssyncadd.s32 @!p0 $0xFFFFF060;
	s1 =	rddreg [dreg:$0xc]  }
0x269: {  	[hbm:s1], [sflag:s0] =	dma.local @!p1 [spmem:s2], $0xA0  }
0x26a: {  	s0 =	simm.s32 @!p1 $0x7  }
0x26b: {  	_ =	swait.ge @!p1 [sflag:s0], $0xA0  }
0x26c: {  	s24 =	rddreg [dreg:$0x15]  }
0x26d: {  	s25 =	rddreg [dreg:$0xd];
	s2 =	sadd.s32 $0x1, s24  }
0x26e: {  	p2 =	sne.s32 s2, s25  }
.Ltmp13:
0x26f: {  	_ = 	snop;
	(pc) =	sbr.rel @p2 .LBB2_1-.Ltmp13, $3  }
0x270: {  	_ =	sdelay $0x1  }
0x271: {  	[sflag:s0] =	ssyncset.done @!p1 $0x0  }
0x272: {  	s14 =	simm.s32 $0x0;
	[sflag:s0] =	ssyncadd.s32 @!p1 $0xFFFFFF60  }
0x273: {  	_ =	sfence.sel $0x180000  }
0x274: {  	[bflag:$0x0] =	sbarrier.arrive $0xFFFF  }
0x275: {  	_ =	strace $0x9000004A  }
0x276: {  	s0 =	stileid.u32;
	[bflag:$0x2] =	sbarrier.arrive $0xFFFF  }
0x277: {  	p0 =	sne.s32 s0, $0x0;
	s0 =	rddreg [dreg:$0x4]  }
0x278: {  	s0 =	sadd.s32 @!p0 $0x100000, s0  }
0x279: {  	[sflag:s0] =	ssyncadd.tile.s32 @!p0 $0x1;
	_ =	shalt  }
.Lfunc_end2:
_tile_overlayer_lowered:
.L_overlay_start_2:
0x27a: {  	(tag) =	ssettag $0x2  }
0x27b: {  	s0 =	rddreg [dreg:$0x0];
	s2 =	stileid.u32  }
0x27c: {  	s1 =	rddreg [dreg:$0x1];
	p0 =	sne.s32 s2, $0x0  }
0x27d: {  	s3 =	rddreg [dreg:$0x2];
	[bflag:$0x3] =	sbarrier.arrive $0xFFFF;
	s2 =	simm.s32 @!p0 $0x1C07  }
0x27e: {  	[timem:s3], [sflag:s2] =	dma.local @!p0 [hbm:s0], s1  }
0x27f: {  	s0 =	simm.s32 @!p0 $0x7  }
0x280: {  	_ =	swait.ge @!p0 [sflag:s0], s1  }
0x281: {  	s1 =	ssub.s32 @!p0 $0x0, s1;
	[sflag:s0] =	ssyncset.done @!p0 $0x0  }
0x282: {  	[sflag:s0] =	ssyncadd.s32 @!p0 s1  }
0x283: {  	[bflag:$0x3] =	sbarrier.arrive $0xFFFF  }
0x284: {  	_ =	shalt  }

// kernel: kernel.7.cloned.1.call-start
scs
__scs_entry_jumppad:
0x0: {  	(pc) =	sbr.rel $0x88, $3  }
0x1: {  	(tag) =	ssettag $0x0;
	lr =	simm.s32 $0x1  }
0x2: {  	[smem:$0x3F94] =	sst lr;
	_ =	strace $0xD0000000  }
0x3: {  	_ = 	snop  }
0x4: {  	_ = 	snop  }
0x5: {  	_ = 	snop  }
0x6: {  	_ = 	snop  }
0x7: {  	_ = 	snop  }
__scs_overlays_trampoline_lowered:
0x8: {  	[smem:$0x3FA3] =	sst s0  }
0x9: {  	[smem:$0x3FA4] =	sst s1  }
0xa: {  	[smem:$0x3FA5] =	sst s2  }
0xb: {  	[smem:$0x3FA6] =	sst s3  }
0xc: {  	[smem:$0x3FA7] =	sst s4  }
0xd: {  	[smem:$0x3FA8] =	sst s5  }
0xe: {  	[smem:$0x3FA9] =	sst s6  }
0xf: {  	[smem:$0x3FAA] =	sst s7  }
0x10: {  	[smem:$0x3FAB] =	sst s8  }
0x11: {  	[smem:$0x3FAC] =	sst s9;
	s0 =	simm.s32 @!p0 $0x0  }
0x12: {  	s1 =	sld [smem:$0x3F92];
	s0 =	simm.s32 @p0 $0x1  }
0x13: {  	[smem:$0x3FAD] =	sst s0;
	s0 =	simm.s32 @!p1 $0x0  }
0x14: {  	s2 =	sld [smem:$0x3F91];
	s0 =	simm.s32 @p1 $0x1  }
0x15: {  	[smem:$0x3FAE] =	sst s0;
	s0 =	simm.s32 @!p2 $0x0  }
0x16: {  	s3 =	sld [smem:$0x3FDB];
	s0 =	simm.s32 @p2 $0x1  }
0x17: {  	s4 =	simm.s32 $0x1BF5;
	[smem:$0x3FB0] =	sst s0  }
0x18: {  	s0 =	sld [smem:$0x3F93];
	_ =	swait.ge [sflag:s4], $0x0  }
0x19: {  	s7 =	sld [smem:$0x3F94]  }
0x1a: {  	s8 =	sadd.s32 $0xFFFFE003, lr  }
0x1b: {  	s9 =	sadd.s32 $0xFFFFFEF7, lr;
	s5 =	simm.s32 $0xFFFFFFFF;
	p2 =	slt.u32 s8, $0xFFFFF086  }
0x1c: {  	p1 =	slt.u32 s9, $0xF7A;
	s5 =	simm.s32 @!p2 $0x0  }
0x1d: {  	s5 =	simm.s32 @p1 $0x1;
	p0 =	seq.s32 s7, s2  }
0x1e: {  	s7 =	smul.u32 @!p0 $0xF7A, s2;
	p2 =	seq.s32 @!p0 s5, $0x0  }
0x1f: {  	s9 =	smul.u32 $0xF7A, s1;
	s8 =	simm.s32 @!p0 $0x1BF5;
	p2 =	por !p2, p0  }
0x20: {  	[sflag:s8] =	ssyncset.s32 @!p0 $0xFFFFF086;
	s6 =	sadd.s32 @!p0 s3, s7;
	s7 =	simm.s32 @!p0 $0x108  }
0x21: {  	s3 =	sadd.s32 s3, s9;
	s6 =	sadd.s32 @!p0 $0x88, s6;
	s7 =	simm.s32 @p2 $0x1082  }
0x22: {  	[simem:s7], [sflag:s8] =	dma.local @!p0 [hbm:s6], $0xF7A  }
0x23: {  	s9 =	sor.u32 $0xD0000000, s2;
	s6 =	simm.s32 $0x108;
	_ =	swait.ge @!p0 [sflag:s8], $0x0  }
0x24: {  	s3 =	sadd.s32 $0x88, s3;
	s6 =	simm.s32 @!p1 $0x1082;
	[sflag:s4] =	ssyncset.s32 $0xFFFFF086  }
0x25: {  	[simem:s6], [sflag:s4] =	dma.local [hbm:s3], $0xF7A  }
0x26: {  	[smem:$0x3F94] =	sst s1;
	(tag) =	ssettag s2;
	_ =	strace s9  }
0x27: {  	s1 =	sld [smem:$0x3FA4]  }
0x28: {  	s2 =	sld [smem:$0x3FA5]  }
0x29: {  	s4 =	sld [smem:$0x3FA7]  }
0x2a: {  	p0 =	seq.s32 s5, $0x0;
	s5 =	sld [smem:$0x3FA8]  }
0x2b: {  	s6 =	sld [smem:$0x3FA9]  }
0x2c: {  	s7 =	sld [smem:$0x3FAA]  }
0x2d: {  	s3 =	simm.s32 $0x108;
	s8 =	sld [smem:$0x3FAB]  }
0x2e: {  	s3 =	simm.s32 @!p0 $0x1082;
	s9 =	sld [smem:$0x3FAC]  }
0x2f: {  	lr =	sadd.s32 s0, s3;
	s0 =	sld [smem:$0x3FA3]  }
0x30: {  	s3 =	sld [smem:$0x3FA6]  }
0x31: {  	[smem:$0x3FAF] =	sst s10  }
0x32: {  	s10 =	sld [smem:$0x3FAD];
	_ =	sdelay $0x3  }
0x33: {  	p0 =	seq.s32 s10, $0x1;
	s10 =	sld [smem:$0x3FAF];
	_ =	sdelay $0x3  }
0x34: {  	[smem:$0x3FAF] =	sst s10  }
0x35: {  	s10 =	sld [smem:$0x3FAE];
	_ =	sdelay $0x3  }
0x36: {  	p1 =	seq.s32 s10, $0x1;
	s10 =	sld [smem:$0x3FAF];
	_ =	sdelay $0x3  }
0x37: {  	[smem:$0x3FAF] =	sst s10  }
0x38: {  	s10 =	sld [smem:$0x3FB0]  }
0x39: {  	_ = 	snop;
	(pc) =	sbr.ind lr, $3  }
0x3a: {  	_ = 	snop  }
0x3b: {  	_ = 	snop  }
0x3c: {  	p2 =	seq.s32 s10, $0x1;
	s10 =	sld [smem:$0x3FAF]  }
0x3d: {  	_ =	shalt  }
0x3e: {  	_ =	shalt  }
0x3f: {  	_ =	shalt  }
0x40: {  	_ =	shalt  }
0x41: {  	_ =	shalt  }
0x42: {  	_ =	shalt  }
0x43: {  	_ =	shalt  }
0x44: {  	_ =	shalt  }
0x45: {  	_ =	shalt  }
0x46: {  	_ =	shalt  }
0x47: {  	_ =	shalt  }
0x48: {  	_ =	shalt  }
0x49: {  	_ =	shalt  }
0x4a: {  	_ =	shalt  }
0x4b: {  	_ =	shalt  }
0x4c: {  	_ =	shalt  }
0x4d: {  	_ =	shalt  }
0x4e: {  	_ =	shalt  }
0x4f: {  	_ =	shalt  }
0x50: {  	_ =	shalt  }
0x51: {  	_ =	shalt  }
0x52: {  	_ =	shalt  }
0x53: {  	_ =	shalt  }
0x54: {  	_ =	shalt  }
0x55: {  	_ =	shalt  }
0x56: {  	_ =	shalt  }
0x57: {  	_ =	shalt  }
0x58: {  	_ =	shalt  }
0x59: {  	_ =	shalt  }
0x5a: {  	_ =	shalt  }
0x5b: {  	_ =	shalt  }
0x5c: {  	_ =	shalt  }
0x5d: {  	_ =	shalt  }
0x5e: {  	_ =	shalt  }
0x5f: {  	_ =	shalt  }
0x60: {  	_ =	shalt  }
0x61: {  	_ =	shalt  }
0x62: {  	_ =	shalt  }
0x63: {  	_ =	shalt  }
0x64: {  	_ =	shalt  }
0x65: {  	_ =	shalt  }
0x66: {  	_ =	shalt  }
0x67: {  	_ =	shalt  }
0x68: {  	_ =	shalt  }
0x69: {  	_ =	shalt  }
0x6a: {  	_ =	shalt  }
0x6b: {  	_ =	shalt  }
0x6c: {  	_ =	shalt  }
0x6d: {  	_ =	shalt  }
0x6e: {  	_ =	shalt  }
0x6f: {  	_ =	shalt  }
0x70: {  	_ =	shalt  }
0x71: {  	_ =	shalt  }
0x72: {  	_ =	shalt  }
0x73: {  	_ =	shalt  }
0x74: {  	_ =	shalt  }
0x75: {  	_ =	shalt  }
0x76: {  	_ =	shalt  }
0x77: {  	_ =	shalt  }
0x78: {  	_ =	shalt  }
0x79: {  	_ =	shalt  }
0x7a: {  	_ =	shalt  }
0x7b: {  	_ =	shalt  }
0x7c: {  	_ =	shalt  }
0x7d: {  	_ =	shalt  }
0x7e: {  	_ =	shalt  }
0x7f: {  	_ =	shalt  }
0x80: {  	_ =	shalt  }
0x81: {  	_ =	shalt  }
0x82: {  	_ =	shalt  }
0x83: {  	_ =	shalt  }
0x84: {  	_ =	shalt  }
0x85: {  	_ =	shalt  }
0x86: {  	_ =	shalt  }
0x87: {  	_ =	shalt  }
.Lfunc_end0:
.L_simem_size_0:
called_computation_lowered:
.L_overlay_start_0:
0x88: {  	s2 =	sld [smem:$0x3FD9]  }
0x89: {  	s3 =	sld [smem:$0x3FFE];
	_ =	sdelay $0x1  }
0x8a: {  	s1 =	srdreg.scid  }
0x8b: {  	s0 =	sand.u32 $0x1, s1  }
0x8c: {  	s17 =	sshll.u32 s0, $0xA;
	s2 =	sadd.s32 s3, s2  }
0x8d: {  	s2 =	sadd.s32 s2, s17  }
0x8e: {  	[smem:$0x3FBB] =	sst s2  }
0x8f: {  	_ = 	snop  }
0x90: {  	s2 =	sld [smem:$0x3FD0];
	(tm) =	ssettm $0x1  }
0x91: {  	s18 =	sld [smem:$0x3FFB];
	_ =	sdelay $0x3  }
0x92: {  	_ =	strace s18  }
0x93: {  	s3 =	sld [smem:$0x3FFC];
	_ =	sdelay $0x3  }
0x94: {  	_ =	strace s3  }
0x95: {  	s3 =	sld [smem:$0x3FFD];
	_ =	sdelay $0x3  }
0x96: {  	_ =	strace s3  }
0x97: {  	_ =	strace $0x8FFFFFFF  }
0x98: {  	s19 =	sld [smem:$0x3FDB];
	_ =	sdelay $0x1  }
0x99: {  	s4 =	simm.s32 $_scs_section_size  }
0x9a: {  	s5 =	simm.s32 $_size__tile_overlayer_lowered;
	s6 =	simm.s32 $_tile_overlayer_lowered  }
0x9b: {  	s22 =	simm.s32 $0x1BFF;
	s21 =	sshll.u32 s6, $0x1;
	s3 =	sadd.s32 s4, s19  }
0x9c: {  	s7 =	simm.s32 $0x0;
	s20 =	sshll.u32 s5, $0x1;
	s5 =	sadd.s32 s21, s3  }
0x9d: {  	[timem:s7], [sflag:s22] =	dma.local [hbm:s5], s20  }
0x9e: {  	_ =	swait.ge [sflag:s22], s20  }
0x9f: {  	s4 =	ssub.s32 $0x0, s20;
	[sflag:s22] =	ssyncset.done $0x0  }
0xa0: {  	[sflag:s22] =	ssyncadd.s32 s4;
	_ =	sdelay $0x1  }
0xa1: {  	s23 =	simm.s32 $0x1B8B  }
0xa2: {  	_ =	swait.ge [sflag:s23], $0x1  }
0xa3: {  	[sflag:s23] =	ssyncset.done $0x0  }
0xa4: {  	s25 =	simm.s32 $0x1B8E;
	s24 =	sld [smem:$0x3FFE];
	[sflag:s23] =	ssyncadd.s32 $0xFFFFFFFF  }
0xa5: {  	s26 =	simm.s32 $execute0_lowered;
	[smem:$0x3FD2] =	sst s25  }
0xa6: {  	s5 =	sshll.u32 s26, $0x1;
	_ =	strace $0x80000046;
	[dreg:$0x1] =	wrdreg $0xFFFFFFFF  }
0xa7: {  	s28 =	simm.s32 $_size_execute0_lowered;
	s3 =	sadd.s32 s3, s5;
	[dreg:$0x0] =	wrdreg $0x0  }
0xa8: {  	s5 =	sshll.u32 s28, $0x1;
	[dreg:$0x2] =	wrdreg s3  }
0xa9: {  	[dreg:$0x3] =	wrdreg s5  }
0xaa: {  	[dreg:$0x4] =	wrdreg $0xC0  }
0xab: {  	_ =	task [dreg:s7], $0x5FFFF  }
0xac: {  	[dreg:$0x1] =	wrdreg $0xFFFFFFFF  }
0xad: {  	[dreg:$0x0] =	wrdreg $0x60  }
0xae: {  	[dreg:$0x2] =	wrdreg s24  }
0xaf: {  	[dreg:$0x3] =	wrdreg s2  }
0xb0: {  	[dreg:$0x4] =	wrdreg $0xCE200  }
0xb1: {  	[dreg:$0x5] =	wrdreg $0x11C400  }
0xb2: {  	[dreg:$0x6] =	wrdreg $0x9  }
0xb3: {  	_ =	task.clear_ibuf [dreg:s7], $0x7FFFF;
	_ =	strace $0x90000046  }
0xb4: {  	s29 =	simm.s32 $0x9;
	_ =	strace $0x80000048  }
0xb5: {  	_ =	swait.ge [sflag:s29], $0x1  }
0xb6: {  	[sflag:s29] =	ssyncadd.s32 $0xFFFFFFFF  }
0xb7: {  	_ =	strace $0x90000048  }
0xb8: {  	_ =	sfence  }
0xb9: {  	s30 =	sld [smem:$0x0];
	_ =	sdelay $0x2  }
0xba: {  	s31 =	sshll.u32 s1, $0xD;
	s1 =	sshrl.u32 s1, $0x2  }
0xbb: {  	s3 =	sand.u32 $0x4000, s31;
	s1 =	sadd.s32 s1, s30  }
0xbc: {  	s0 =	sor.u32 s3, s0;
	s1 =	sshll.u32 s1, $0x11  }
0xbd: {  	s0 =	sor.u32 s1, s0  }
0xbe: {  	s0 =	sadd.s32 $0x8F2B, s0  }
0xbf: {  	[sflag:s0] =	ssyncadd.remote.s32 $0x1  }
0xc0: {  	_ =	sfence.sel $0xFFFF  }
0xc1: {  	[dreg:$0x0] =	wrdreg $0xFFFFFFFF;
	(pc) =	sbr.abs _section_cstart, $3  }
0xc2: {  	[dreg:$0x1] =	wrdreg $0xFFFFFFFF  }
0xc3: {  	_ =	task.clear_ibuf [dreg:s7], $0x2FFFF;
	_ =	strace $0x9FFFFFFF  }
0xc4: {  	(tm) =	ssettm $0x7FFFFFFF  }
0xc5: {  	_ =	shalt  }
tec
execute0_lowered:
.L_overlay_start_1:
0x0: {  	(tag) =	ssettag $0x1  }
0x1: {  	s0 =	rddreg [dreg:$0x0]  }
0x2: {  	s1 =	srdreg.scid;
	s2 =	rddreg [dreg:$0x1]  }
0x3: {  	s6 =	rddreg [dreg:$0x2];
	s5 =	stileid.u32  }
0x4: {  	s7 =	rddreg [dreg:$0x3];
	s14 =	simm.s32 $0x0;
	s28 =	simm.s32 $0x6220  }
0x5: {  	s29 =	simm.s32 $0x6C20;
	s1 =	sand.u32 $0x1, s1;
	s8 =	smul.u32 $0x500, s5  }
0x6: {  	[smem:$0x7FF] =	sst s14;
	s9 =	sadd.s32 $0x17000, s0;
	s10 =	smul.u32 $0x7D00, s5  }
0x7: {  	s13 =	sadd.s32 $0x20E00, s0;
	s15 =	sadd.s32 $0x2AC00, s0;
	s11 =	smul.u32 $0xA00, s5  }
0x8: {  	s21 =	smul.u32 $0x1F400, s5;
	_ =	strace $0x80000047;
	[dreg:$0x5] =	wrdreg s9  }
0x9: {  	s3 =	sshll.u32 s1, $0x4;
	s4 =	smul.u32 $0x2800, s1;
	[dreg:$0x6] =	wrdreg s13  }
0xa: {  	[dreg:$0x7] =	wrdreg s15;
	s16 =	smul.u32 $0x4E200, s1;
	s1 =	ssub.s32 $0x2, s1  }
0xb: {  	s3 =	sor.u32 s5, s3;
	s17 =	sshrl.u32 s1, $0x1;
	s20 =	sshrl.u32 s11, $0x2  }
0xc: {  	s3 =	smul.u32 $0x4E2, s3;
	s4 =	sadd.s32 s8, s4;
	s1 =	ssub.s32 s1, s17  }
0xd: {  	s19 =	sadd.s32 s10, s16;
	s22 =	sadd.s32 s20, s7;
	s4 =	sshrl.u32 s4, $0x3  }
0xe: {  	[dreg:$0xa] =	wrdreg s22;
	s1 =	smax.u32 s1, $0x1;
	s3 =	sadd.s32 s3, s0  }
0xf: {  	s0 =	sadd.s32 s4, s0;
	[dreg:$0xd] =	wrdreg s1;
	s18 =	sadd.s32 $0xD200, s3  }
0x10: {  	s4 =	sshrl.u32 s19, $0x3;
	s3 =	sadd.s32 $0x3400, s3;
	[dreg:$0x8] =	wrdreg s18  }
0x11: {  	v0 =	vlaneseq.u32;
	v1 =	vimm.f32 $0.0e+00;
	s30 =	simm.s32 $0x7620;
	s2 =	sadd.s32 s2, s4;
	[dreg:$0x9] =	wrdreg s3  }
0x12: {  	v8 =	vimm.s32 $0xECA86420;
	vm0 =	vcmask $0xB08;
	vm1 =	vcmask $0x1310;
	s23 =	sshrl.u32 s21, $0x2;
	s0 =	sadd.s32 $0x34A00, s0;
	[dreg:$0xb] =	wrdreg s2  }
0x13: {  	vm2 =	vcmask $0x1B18;
	vm3 =	vcmask $0x300;
	vm4 =	vcmask $0x2320;
	s31 =	simm.s32 $0x8020;
	[dreg:$0xc] =	wrdreg s0;
	s0 =	sadd.s32 s23, s6  }
0x14: {  	vm5 =	vcmask $0x2B28;
	vm6 =	vcmask $0x3330;
	vm7 =	vcmask $0x3B38;
	p0 =	sgt.u32 s5, $0x9;
	s24 =	sadd.s32 $0x1900, s0;
	[dreg:$0xe] =	wrdreg s0  }
0x15: {  	vm8 =	vmmov $0xff;
	vm11 =	vcmask $0x1714;
	vm12 =	vcmask $0x1F1C;
	p1 =	sgt.u32 @!p0 s5, $0x7;
	s25 =	sadd.s32 $0x3200, s0;
	[dreg:$0xf] =	wrdreg s24  }
0x16: {  	vm13 =	vcmask $0x2724;
	vm14 =	vcmask $0x2F2C;
	vm15 =	vcmask $0x3734;
	p1 =	por p1, p0;
	s26 =	sadd.s32 $0x4B00, s0;
	[dreg:$0x10] =	wrdreg s25  }
0x17: {  	v12 =	vimm.s32 $0x0;
	v2 =	vor.u32 $0x10, v0;
	v3 =	vor.u32 $0x20, v0;
	s2 =	sadd.s32 s10, s6;
	s0 =	sadd.s32 $0x6400, s0;
	[dreg:$0x11] =	wrdreg s26  }
0x18: {  	v4 =	vor.u32 $0x30, v0;
	v5 =	vor.u32 $0x40, v0;
	v10 =	vunpack.c.l.s4.s8 v8;
	s3 =	sadd.s32 s8, s7;
	[dreg:$0x12] =	wrdreg s0;
	s0 =	sshrl.u32 @!p0 s2, $0x3  }
0x19: {  	v6 =	vor.u32 $0x50, v0;
	v7 =	vor.u32 $0x60, v0;
	v8 =	vor.u32 $0x70, v0;
	s23 =	simm.s32 $0x4E20;
	[dreg:$0x13] =	wrdreg s0;
	s0 =	sshrl.u32 @!p1 s3, $0x3  }
0x1a: {  	v9 =	vmul.u32 $0x20, v0;
	v11 =	vmul.u32 $0x2, v0;
	v10 =	vunpack.c.0.s8.s32 v10;
	s26 =	simm.s32 $0x5820;
	s2 =	simm.s32 $0x0;
	[dreg:$0x14] =	wrdreg s0  }
.LBB2_1:
0x1b: {  	s1 =	sand.u32 $0x7F80, s14  }
0x1c: {  	[dreg:$0x15] =	wrdreg s2;
	s25 =	sand.u32 $0x10, s14;
	s4 =	sshrl.u32 s1, $0x2  }
0x1d: {  	s2 =	simm.s32 $0x0;
	s1 =	simm.s32 $0x40;
	s8 =	sor.u32 s25, s4  }
.LBB2_2:
0x1e: {  	p2 =	sne.s32 s1, $0x63C0  }
0x1f: {  	[tilespmem:s8+$0xB2A0] =	vst v1;
	s2 =	sadd.s32 $0x10, s2;
	s4 =	smov.u32 s1;
	s1 =	sadd.s32 $0x40, s1  }
.Ltmp0:
0x20: {  	(pc) =	sbr.rel @p2 .LBB2_2-.Ltmp0, $4  }
0x21: {  	_ = 	snop  }
0x22: {  	s4 =	sand.u32 $0x7F80, s4  }
0x23: {  	s8 =	sand.u32 $0x10, s2;
	s4 =	sshrl.u32 s4, $0x2  }
0x24: {  	s8 =	sor.u32 s8, s4;
	s4 =	simm.s32 $0x0  }
0x25: {  	s1 =	smul.u32 $0xCD, s4;
	_ =	sdelay $0x1  }
0x26: {  	s1 =	sshrl.u32 s1, $0xA  }
0x27: {  	s1 =	sand.u32 $0x3F, s1  }
0x28: {  	s2 =	simm.s32 $0x1;
	s9 =	smul.u32 $0x5, s1  }
0x29: {  	s10 =	smul.u32 $0xCD, s2  }
0x2a: {  	s12 =	smul.u32 $0x140, s1;
	s9 =	ssub.s32 $0x0, s9  }
0x2b: {  	[tilespmem:s8+$0xB2A0] =	vst v1;
	s8 =	simm.s32 $0x1;
	s11 =	sshrl.u32 s10, $0xA;
	s13 =	sand.u32 $0xFF, s9  }
0x2c: {  	s1 =	simm.s32 $0x2;
	s9 =	sshrl.u32 s12, $0x2;
	s10 =	sshll.u32 s13, $0x4  }
.LBB2_4:
0x2d: {  	s12 =	smul.u32 $0xCD, s1;
	s11 =	sand.u32 $0x3F, s11  }
0x2e: {  	s9 =	sadd.s32 s10, s9;
	p2 =	sne.s32 s1, $0x27;
	s10 =	smul.u32 $0x5, s11  }
.Ltmp1:
0x2f: {  	[tilespmem:s9+$0xCBA0] =	vst v1;
	(pc) =	sbr.rel @p2 .LBB2_4-.Ltmp1, $4  }
0x30: {  	s9 =	smul.u32 $0x140, s11;
	s11 =	smov.u32 s1  }
0x31: {  	s1 =	sadd.s32 $0x1, s1;
	s8 =	ssub.s32 s8, s10  }
0x32: {  	s10 =	sand.u32 $0xFF, s8;
	s8 =	smov.u32 s11  }
0x33: {  	s9 =	sshrl.u32 s9, $0x2;
	s11 =	sshrl.u32 s12, $0xA;
	s10 =	sshll.u32 s10, $0x4  }
0x34: {  	s1 =	sand.u32 $0x3F, s11  }
0x35: {  	s11 =	smul.u32 $0x5, s1;
	_ =	sdelay $0x1  }
0x36: {  	s1 =	smul.u32 $0x140, s1;
	s8 =	ssub.s32 s8, s11  }
0x37: {  	s25 =	smul.u32 $0xCCCD, s4;
	s8 =	sand.u32 $0xFF, s8  }
0x38: {  	s9 =	sadd.s32 s10, s9;
	s1 =	sshrl.u32 s1, $0x2;
	s8 =	sshll.u32 s8, $0x4  }
0x39: {  	[tilespmem:s9+$0xCBA0] =	vst v1;
	s8 =	sadd.s32 s8, s1;
	s1 =	sshrl.u32 s25, $0x12  }
0x3a: {  	[tilespmem:s8+$0xCBA0] =	vst v1;
	s8 =	smul.u32 $0x5, s1  }
.LBB2_6:
0x3b: {  	s9 =	smul.u32 $0xCCCD, s2  }
0x3c: {  	s10 =	smov.u32 s2;
	s1 =	smul.u32 $0x140, s1;
	p2 =	sne.s32 s2, $0x27F  }
.Ltmp2:
0x3d: {  	s4 =	ssub.s32 s4, s8;
	(pc) =	sbr.rel @p2 .LBB2_6-.Ltmp2, $4  }
0x3e: {  	s2 =	sadd.s32 $0x1, s2;
	s4 =	sand.u32 $0xFFFF, s4  }
0x3f: {  	s8 =	sshrl.u32 s1, $0x2;
	s11 =	sshll.u32 s4, $0x4;
	s4 =	smov.u32 s10  }
0x40: {  	s1 =	sshrl.u32 s9, $0x12;
	s9 =	sadd.s32 s11, s8  }
0x41: {  	s8 =	smul.u32 $0x5, s1;
	[tilespmem:s9+$0x8A20] =	vst v1  }
0x42: {  	_ = 	snop  }
0x43: {  	s1 =	smul.u32 $0x140, s1;
	s2 =	ssub.s32 s4, s8  }
0x44: {  	s2 =	sand.u32 $0xFFFF, s2  }
0x45: {  	s1 =	sshrl.u32 s1, $0x2;
	s2 =	sshll.u32 s2, $0x4  }
0x46: {  	s1 =	sadd.s32 s2, s1  }
0x47: {  	[tilespmem:s1+$0x8A20] =	vst v1  }
0x48: {  	[tilespmem:$0xB220] =	vst v0  }
0x49: {  	[tilespmem:$0xB230] =	vst v2  }
0x4a: {  	[tilespmem:$0xB240] =	vst v3  }
0x4b: {  	[tilespmem:$0xB250] =	vst v4  }
0x4c: {  	[tilespmem:$0xB260] =	vst v5  }
0x4d: {  	[tilespmem:$0xB270] =	vst v6  }
0x4e: {  	[tilespmem:$0xB280] =	vst v7  }
0x4f: {  	s0 =	rddreg [dreg:$0x8];
	s3 =	simm.s32 $0x7;
	[tilespmem:$0xB290] =	vst v8  }
0x50: {  	[tilespmem:s14], [sflag:$0x7] =	stream.linear.gather [hbm4b:s0+s14], $0x2710, $0x38;
	[tilespmem:$0x11EC0] =	vst v63  }
0x51: {  	_ =	swait.ge [sflag:s3], $0x2710  }
0x52: {  	[sflag:s3] =	ssyncset.done $0x0  }
0x53: {  	s19 =	simm.s32 $0x2710;
	s18 =	rddreg [dreg:$0x9];
	[sflag:s3] =	ssyncadd.s32 $0xFFFFD8F0  }
0x54: {  	[tilespmem:s19], [sflag:$0x7] =	stream.linear.gather [hbm4b:s18+s14], $0x2710, $0x38;
	[tilespmem:$0x11EC0] =	vst v63  }
0x55: {  	_ =	swait.ge [sflag:s3], $0x2710  }
0x56: {  	s2 =	simm.s32 @!p0 $0x7;
	[sflag:s3] =	ssyncset.done $0x0  }
0x57: {  	s1 =	simm.s32 @!p0 $0xB2A0;
	s0 =	rddreg [dreg:$0xe];
	[sflag:s3] =	ssyncadd.s32 $0xFFFFD8F0  }
0x58: {  	[spmem:s0] =	stream.linear.scatter @!p0 [tilespmem:s1], [sflag:$0x7], $0x1900, $0x38;
	[tilespmem:$0x11EC0] =	vst v63  }
0x59: {  	_ =	swait.ge @!p0 [sflag:s2], $0x1900  }
0x5a: {  	[sflag:s2] =	ssyncset.done @!p0 $0x0  }
0x5b: {  	s0 =	rddreg [dreg:$0xf];
	[sflag:s2] =	ssyncadd.s32 @!p0 $0xFFFFE700  }
0x5c: {  	[spmem:s0] =	stream.linear.scatter @!p0 [tilespmem:s1], [sflag:$0x7], $0x1900, $0x38;
	[tilespmem:$0x11EC0] =	vst v63  }
0x5d: {  	_ =	swait.ge @!p0 [sflag:s2], $0x1900  }
0x5e: {  	[sflag:s2] =	ssyncset.done @!p0 $0x0  }
0x5f: {  	s0 =	rddreg [dreg:$0x10];
	[sflag:s2] =	ssyncadd.s32 @!p0 $0xFFFFE700  }
0x60: {  	[spmem:s0] =	stream.linear.scatter @!p0 [tilespmem:s1], [sflag:$0x7], $0x1900, $0x38;
	[tilespmem:$0x11EC0] =	vst v63  }
0x61: {  	_ =	swait.ge @!p0 [sflag:s2], $0x1900  }
0x62: {  	[sflag:s2] =	ssyncset.done @!p0 $0x0  }
0x63: {  	s0 =	rddreg [dreg:$0x11];
	[sflag:s2] =	ssyncadd.s32 @!p0 $0xFFFFE700  }
0x64: {  	[spmem:s0] =	stream.linear.scatter @!p0 [tilespmem:s1], [sflag:$0x7], $0x1900, $0x38;
	[tilespmem:$0x11EC0] =	vst v63  }
0x65: {  	_ =	swait.ge @!p0 [sflag:s2], $0x1900  }
0x66: {  	[sflag:s2] =	ssyncset.done @!p0 $0x0  }
0x67: {  	s0 =	rddreg [dreg:$0x12];
	[sflag:s2] =	ssyncadd.s32 @!p0 $0xFFFFE700  }
0x68: {  	[spmem:s0] =	stream.linear.scatter @!p0 [tilespmem:s1], [sflag:$0x7], $0x1900, $0x38;
	[tilespmem:$0x11EC0] =	vst v63  }
0x69: {  	_ =	swait.ge @!p0 [sflag:s2], $0x1900  }
0x6a: {  	[sflag:s2] =	ssyncset.done @!p0 $0x0  }
0x6b: {  	s21 =	simm.s32 $0xCBA0;
	s20 =	rddreg [dreg:$0xa];
	[sflag:s2] =	ssyncadd.s32 @!p0 $0xFFFFE700  }
0x6c: {  	[spmem:s20] =	stream.linear.scatter [tilespmem:s21], [sflag:$0x7], $0x280, $0x38;
	[tilespmem:$0x11EC0] =	vst v63  }
0x6d: {  	_ =	swait.ge [sflag:s3], $0x280  }
0x6e: {  	[sflag:s3] =	ssyncset.done $0x0  }
0x6f: {  	[sflag:s3] =	ssyncadd.s32 $0xFFFFFD80  }
0x70: {  	[bflag:$0x0] =	sbarrier.arrive $0xFFFF  }
0x71: {  	s2 =	simm.s32 $0x50;
	s3 =	simm.s32 $0x0;
	s22 =	rddreg [dreg:$0x5]  }
0x72: {  	[tilespmem:s23], [sflag:$0x1] =	stream.indirect.gather [hbm4b:s22+s2], $0x20, s3, s2, $0xb8;
	[tilespmem:$0x11EC0] =	vst v63  }
0x73: {  	s24 =	rddreg [dreg:$0x6]  }
0x74: {  	[tilespmem:s26], [sflag:$0x2] =	stream.indirect.gather [hbm4b:s24+s2], $0x20, s19, s2, $0xb8;
	[tilespmem:$0x11EC0] =	vst v63  }
0x75: {  	s25 =	rddreg [dreg:$0x7]  }
0x76: {  	[tilespmem:s28], [sflag:$0x3] =	stream.indirect.gather [hbm4b:s25+s2], $0x20, s3, s2, $0xb8;
	[tilespmem:$0x11EC0] =	vst v63  }
.LBB2_8:
0x77: {  	s4 =	smul.u32 $0xA0, s3;
	s0 =	rddreg [dreg:$0x5]  }
0x78: {  	s19 =	rddreg [dreg:$0x6]  }
0x79: {  	s20 =	rddreg [dreg:$0x7];
	s1 =	sadd.s32 $0x50, s4  }
0x7a: {  	[tilespmem:s29], [sflag:$0x4] =	stream.indirect.gather [hbm4b:s0+s2], $0x20, s1, s2, $0xb8;
	[tilespmem:$0x11EC0] =	vst v63  }
0x7b: {  	[dreg:$0x18] =	wrdreg s4;
	s4 =	sadd.s32 $0x2760, s4  }
0x7c: {  	[tilespmem:s30], [sflag:$0x5] =	stream.indirect.gather [hbm4b:s19+s2], $0x20, s4, s2, $0xb8;
	[tilespmem:$0x11EC0] =	vst v63  }
0x7d: {  	s21 =	simm.s32 $0x1;
	[dreg:$0x17] =	wrdreg s4  }
0x7e: {  	[tilespmem:s31], [sflag:$0x6] =	stream.indirect.gather [hbm4b:s20+s2], $0x20, s1, s2, $0xb8;
	[tilespmem:$0x11EC0] =	vst v63  }
0x7f: {  	_ =	swait.ge [sflag:s21], $0xA00  }
0x80: {  	[sflag:s21] =	ssyncset.done $0x0  }
0x81: {  	s22 =	simm.s32 $0x2;
	[sflag:s21] =	ssyncadd.s32 $0xFFFFF600  }
0x82: {  	_ =	swait.ge [sflag:s22], $0xA00  }
0x83: {  	s24 =	smul.u32 $0x280, s3;
	[sflag:s22] =	ssyncset.done $0x0  }
0x84: {  	s25 =	simm.s32 $0x3;
	[dreg:$0x16] =	wrdreg s3;
	[sflag:s22] =	ssyncadd.s32 $0xFFFFF600  }
0x85: {  	s1 =	sshra.s32 s24, $0x2;
	_ =	swait.ge [sflag:s25], $0xA00  }
0x86: {  	s1 =	sadd.s32 $0x2710, s1;
	[sflag:s25] =	ssyncset.done $0x0  }
0x87: {  	s0 =	simm.s32 $0x0;
	v13 =	vmov s1;
	[dreg:$0x19] =	wrdreg s1;
	[sflag:s25] =	ssyncadd.s32 $0xFFFFF600  }
.LBB2_9:
0x88: {  	s1 =	simm.s32 $0x0  }
0x89: {  	s2 =	sshll.u32 s0, $0x4;
	v14 =	vmov s1  }
0x8a: {  	s16 =	simm.s32 $0x1;
	v15 =	vmov s2;
	v14 =	vand.u32 $0x1C, v14  }
0x8b: {  	v16 =	vmov s16;
	v15 =	vshll.u32 v15, $0x5;
	v17 =	vbroadcast v14, $0x0  }
0x8c: {  	s17 =	simm.s32 $0x2;
	v14 =	vor.u32 v9, v15;
	v15 =	vand.u32 $0x1D, v16  }
0x8d: {  	v16 =	vmov s17;
	v15 =	vbroadcast v15, $0x0;
	v17 =	vor.u32 v14, v17  }
0x8e: {  	s18 =	simm.s32 $0x3;
	v16 =	vand.u32 $0x1E, v16  }
0x8f: {  	v18 =	vmov s18;
	v16 =	vbroadcast v16, $0x0;
	v19 =	vor.u32 v14, v15  }
0x90: {  	s19 =	simm.s32 $0x4;
	v18 =	vand.u32 $0x1F, v18  }
0x91: {  	[dreg:$0x1a] =	wrdreg s0;
	v20 =	vmov s19;
	v18 =	vbroadcast v18, $0x0;
	v15 =	vld.idx.msk [tilespmem:v13+s2+$0x0 ss:$0x1], $0xffff;
	v16 =	vor.u32 v14, v16  }
0x92: {  	s20 =	simm.s32 $0x5;
	v20 =	vand.u32 $0x1C, v20;
	v26 =	vld.idx.msk [tilespmem:v17+s23+$0x0], $0xffff  }
0x93: {  	v20 =	vbroadcast v20, $0x0;
	v28 =	vor.u32 v14, v18;
	v18 =	vmov s20;
	v17 =	vld.idx.msk [tilespmem:v17+s26+$0x0], $0xffff  }
0x94: {  	s21 =	simm.s32 $0x6;
	v18 =	vand.u32 $0x1D, v18;
	v21 =	vld.idx.msk [tilespmem:v19+s23+$0x0], $0xffff  }
0x95: {  	s22 =	simm.s32 $0x7;
	s14 =	simm.s32 $0x8;
	v22 =	vmov s21;
	v25 =	vor.u32 v14, v20;
	v24 =	vld.idx.msk [tilespmem:v19+s26+$0x0], $0xffff;
	v19 =	vbroadcast v18, $0x0  }
0x96: {  	v29 =	vmov s14;
	v20 =	vand.u32 $0x1E, v22;
	v22 =	vmov s22;
	v18 =	vld.idx.msk [tilespmem:v16+s23+$0x0], $0xffff  }
0x97: {  	s24 =	simm.s32 $0x9;
	v20 =	vbroadcast v20, $0x0;
	v30 =	vand.u32 $0x1F, v22;
	v22 =	vld.idx.msk [tilespmem:v16+s26+$0x0], $0xffff;
	v23 =	vor.u32 v14, v19  }
0x98: {  	v27 =	vimm.f32 $0.0e+00;
	v32 =	vmov s24;
	v29 =	vand.u32 $0x1C, v29;
	v16 =	vld.idx.msk [tilespmem:v28+s23+$0x0], $0xffff  }
0x99: {  	s25 =	simm.s32 $0xA;
	v30 =	vbroadcast v30, $0x0;
	v19 =	vor.u32 v14, v20;
	v20 =	vld.idx.msk [tilespmem:v28+s26+$0x0], $0xffff;
	v31 =	vmul.f32 v17, v26  }
0x9a: {  	s1 =	simm.s32 $0xC;
	v29 =	vbroadcast v29, $0x0;
	v28 =	vmov s25;
	v26 =	vand.u32 $0x1D, v32;
	v17 =	vld.idx.msk [tilespmem:v25+s23+$0x0], $0xffff  }
.LBB2_10:
0x9b: {  	p2 =	slt.u32 s1, $0x1C;
	s2 =	sadd.s32 $0x3, s14;
	v32 =	vld.idx.msk [tilespmem:v25+s26+$0x0], $0xffff;
	v33 =	vor.u32 v14, v30;
	v27 =	vadd.f32 v31, v27;
	v30 =	vmul.f32 v24, v21;
	s14 =	smov.u32 s1  }
0x9c: {  	v26 =	vbroadcast v26, $0x0;
	v28 =	vand.u32 $0x1E, v28;
	v31 =	vmov s2;
	v21 =	vld.idx.msk [tilespmem:v23+s23+$0x0], $0xffff  }
0x9d: {  	v25 =	vor.u32 v14, v29;
	v29 =	vmul.f32 v22, v18;
	v24 =	vld.idx.msk [tilespmem:v23+s26+$0x0], $0xffff;
	v27 =	vadd.f32 v30, v27  }
.Ltmp3:
0x9e: {  	v28 =	vbroadcast v28, $0x0;
	v30 =	vmov s1;
	v31 =	vand.u32 $0x1F, v31;
	v18 =	vld.idx.msk [tilespmem:v19+s23+$0x0], $0xffff;
	(pc) =	sbr.rel @p2 .LBB2_10-.Ltmp3, $4  }
0x9f: {  	s2 =	sadd.s32 $0x1, s1;
	v23 =	vor.u32 v14, v26;
	v22 =	vld.idx.msk [tilespmem:v19+s26+$0x0], $0xffff;
	v26 =	vadd.f32 v29, v27;
	v27 =	vmul.f32 v20, v16  }
0xa0: {  	v34 =	vmov s2;
	v29 =	vand.u32 $0x1C, v30;
	v30 =	vbroadcast v31, $0x0;
	v16 =	vld.idx.msk [tilespmem:v33+s23+$0x0], $0xffff  }
0xa1: {  	s2 =	sadd.s32 $0x2, s1;
	v19 =	vor.u32 v14, v28;
	v31 =	vmul.f32 v32, v17;
	v20 =	vld.idx.msk [tilespmem:v33+s26+$0x0], $0xffff;
	v27 =	vadd.f32 v27, v26  }
0xa2: {  	s1 =	sadd.s32 $0x4, s1;
	v28 =	vmov s2;
	v29 =	vbroadcast v29, $0x0;
	v26 =	vand.u32 $0x1D, v34;
	v17 =	vld.idx.msk [tilespmem:v25+s23+$0x0], $0xffff  }
0xa3: {  	(v2sf) =	vpush v15, $0xD;
	_ =	sdelay $0x1  }
0xa4: {  	(v2sf) =	vpush v15, $0xC;
	_ =	sdelay $0x1  }
0xa5: {  	(v2sf) =	vpush v15, $0xE;
	_ =	sdelay $0x1  }
0xa6: {  	(v2sf) =	vpush v15, $0xF;
	_ =	sdelay $0x1  }
0xa7: {  	(v2sf) =	vpush v15, $0x9;
	_ =	sdelay $0x1  }
0xa8: {  	(v2sf) =	vpush v15, $0x8  }
0xa9: {  	(v2sf) =	vpush v15, $0xA;
	_ =	sdelay $0x1  }
0xaa: {  	(v2sf) =	vpush v15, $0xB;
	_ =	sdelay $0x1  }
0xab: {  	(v2sf) =	vpush v15, $0x0;
	s1 =	spop (v2sf)  }
0xac: {  	(v2sf) =	vpush v15, $0x1;
	s10 =	smulhi.u32 $0x66666667, s1;
	s1 =	sshra.s32 s1, $0x1F  }
0xad: {  	s2 =	spop (v2sf);
	s1 =	smul.u32 $0x66666667, s1  }
0xae: {  	s24 =	smulhi.u32 $0x66666667, s2;
	s2 =	sshra.s32 s2, $0x1F  }
0xaf: {  	(v2sf) =	vpush v15, $0x2;
	s4 =	spop (v2sf);
	s21 =	smul.u32 $0x66666667, s2  }
0xb0: {  	(v2sf) =	vpush v15, $0x3;
	s5 =	smulhi.u32 $0x66666667, s4;
	s22 =	sshra.s32 s4, $0x1F  }
0xb1: {  	(v2sf) =	vpush v15, $0x4;
	s8 =	spop (v2sf);
	s6 =	smul.u32 $0x66666667, s22  }
0xb2: {  	(v2sf) =	vpush v15, $0x5;
	s19 =	smulhi.u32 $0x66666667, s8;
	s0 =	sshra.s32 s8, $0x1F  }
0xb3: {  	(v2sf) =	vpush v15, $0x6;
	s9 =	spop (v2sf);
	s22 =	smul.u32 $0x66666667, s0  }
0xb4: {  	(v2sf) =	vpush v15, $0x7;
	s18 =	sadd.s32 s1, s10;
	s15 =	smulhi.u32 $0x66666667, s9;
	s8 =	sshra.s32 s9, $0x1F  }
0xb5: {  	s17 =	spop (v2sf);
	s21 =	sadd.s32 s21, s24;
	s11 =	smul.u32 $0x66666667, s8  }
0xb6: {  	s25 =	spop (v2sf);
	s13 =	smulhi.u32 $0x66666667, s17;
	s17 =	sshra.s32 s17, $0x1F  }
0xb7: {  	s24 =	sshrl.u32 s21, $0x1F;
	s5 =	sadd.s32 s6, s5;
	s0 =	smul.u32 $0x66666667, s17  }
0xb8: {  	s3 =	spop (v2sf);
	s16 =	smulhi.u32 $0x66666667, s25;
	s10 =	sshra.s32 s25, $0x1F  }
0xb9: {  	s17 =	sadd.s32 $0x3, s14;
	s25 =	sshrl.u32 s18, $0x1F;
	s14 =	smul.u32 $0x66666667, s10  }
0xba: {  	v27 =	vadd.f32 v31, v27;
	v21 =	vmul.f32 v24, v21;
	s4 =	spop (v2sf);
	s1 =	smulhi.u32 $0x66666667, s3;
	s3 =	sshra.s32 s3, $0x1F  }
0xbb: {  	v25 =	vld.idx.msk [tilespmem:v25+s26+$0x0], $0xffff;
	s11 =	sadd.s32 s11, s15;
	s7 =	spop (v2sf);
	s6 =	smul.u32 $0x66666667, s3  }
0xbc: {  	v18 =	vmul.f32 v22, v18;
	v21 =	vadd.f32 v21, v27;
	v32 =	vmov s24;
	s3 =	sadd.s32 s22, s19;
	s19 =	smulhi.u32 $0x66666667, s4;
	s4 =	sshra.s32 s4, $0x1F  }
0xbd: {  	v33 =	vld.idx.msk [tilespmem:v23+s23+$0x0], $0xffff;
	v24 =	vsel vm0, s25, v32;
	s22 =	sshrl.u32 s5, $0x1F;
	s0 =	sadd.s32 s0, s13;
	s25 =	sshrl.u32 s11, $0x1F  }
0xbe: {  	v30 =	vor.u32 v14, v30;
	v23 =	vld.idx.msk [tilespmem:v23+s26+$0x0], $0xffff;
	v16 =	vmul.f32 v20, v16;
	v18 =	vadd.f32 v18, v21;
	s12 =	spop (v2sf);
	s10 =	sshrl.u32 s3, $0x1F;
	s4 =	smul.u32 $0x66666667, s4  }
0xbf: {  	v27 =	vld.idx.msk [tilespmem:v19+s23+$0x0], $0xffff;
	s13 =	smulhi.u32 $0x66666667, s7;
	s7 =	sshra.s32 s7, $0x1F;
	s20 =	spop (v2sf)  }
0xc0: {  	v19 =	vld.idx.msk [tilespmem:v19+s26+$0x0], $0xffff;
	v17 =	vmul.f32 v25, v17;
	v16 =	vadd.f32 v16, v18;
	s14 =	sadd.s32 s14, s16;
	s7 =	smul.u32 $0x66666667, s7;
	s9 =	spop (v2sf)  }
0xc1: {  	s16 =	smulhi.u32 $0x66666667, s12;
	s12 =	sshra.s32 s12, $0x1F;
	s8 =	spop (v2sf)  }
0xc2: {  	v21 =	vbroadcast v26, $0x0;
	v16 =	vadd.f32 v17, v16;
	s15 =	sshrl.u32 s0, $0x1F;
	s12 =	smul.u32 $0x66666667, s12;
	s2 =	spop (v2sf)  }
0xc3: {  	v26 =	vld.idx.msk [tilespmem:v30+s23+$0x0], $0xffff;
	v17 =	vmul.f32 v23, v33;
	v61 =	vmov s17;
	v31 =	vmov s15;
	s15 =	sshrl.u32 s14, $0x1F;
	s17 =	smulhi.u32 $0x66666667, s20;
	s24 =	spop (v2sf)  }
0xc4: {  	v29 =	vor.u32 v14, v29;
	v25 =	vld.idx.msk [tilespmem:v30+s26+$0x0], $0xffff;
	v31 =	vsel vm0, s25, v31;
	s4 =	sadd.s32 s4, s19;
	s25 =	smulhi.u32 $0x66666667, s24;
	s19 =	sshra.s32 s24, $0x1F  }
0xc5: {  	v16 =	vadd.f32 v17, v16;
	v17 =	vmul.f32 v19, v27;
	v24 =	vsel vm1, s22, v24;
	s20 =	sshra.s32 s20, $0x1F;
	s7 =	sadd.s32 s7, s13;
	s19 =	smul.u32 $0x66666667, s19  }
0xc6: {  	v22 =	vsel vm2, s10, v24;
	v24 =	vand.u32 $0x1E, v28;
	v28 =	vsel vm1, s15, v31;
	s15 =	sshrl.u32 s4, $0x1F;
	s13 =	smulhi.u32 $0x66666667, s9;
	s22 =	sshrl.u32 s7, $0x1F  }
0xc7: {  	v20 =	vmov s15;
	s15 =	smul.u32 $0x66666667, s20;
	s10 =	sadd.s32 s12, s16;
	s20 =	sadd.s32 s19, s25  }
0xc8: {  	v16 =	vadd.f32 v17, v16;
	v20 =	vnsel vm3, $0x0, v20;
	s16 =	smulhi.u32 $0x66666667, s2;
	s24 =	sshra.s32 s9, $0x1F;
	s19 =	sshra.s32 s20, $0x1F  }
0xc9: {  	v17 =	vmul.f32 v25, v26;
	s0 =	sshra.s32 s0, $0x5;
	v18 =	vsel vm0, s22, v20;
	s22 =	sshra.s32 s4, $0x5;
	s25 =	smul.u32 $0x66666667, s24;
	v31 =	vmov s19  }
0xca: {  	vm9 =	vcmask $0x704;
	s2 =	sshra.s32 s2, $0x1F;
	s9 =	sadd.s32 s6, s1;
	s4 =	sshra.s32 s4, $0x1F;
	v23 =	vsel vm3, s22, v31  }
0xcb: {  	v21 =	vor.u32 v14, v21;
	v30 =	vld.idx.msk [tilespmem:v29+s23+$0x0], $0xffff;
	v16 =	vadd.f32 v17, v16;
	s12 =	sadd.s32 s15, s17;
	s1 =	sadd.s32 s25, s13;
	s13 =	sshra.s32 s7, $0x5;
	v23 =	vsel vm9, s4, v23  }
0xcc: {  	v29 =	vld.idx.msk [tilespmem:v29+s26+$0x0], $0xffff;
	v20 =	vand.u32 $0x1F, v61;
	s25 =	smulhi.u32 $0x66666667, s8;
	s8 =	sshra.s32 s8, $0x1F;
	s7 =	sshra.s32 s7, $0x1F;
	vm9 =	vcmask $0xF0C;
	v19 =	vsel vm0, s13, v23  }
0xcd: {  	v25 =	vmov s0;
	s17 =	sshra.s32 s10, $0x5;
	v20 =	vbroadcast v20, $0x0;
	s24 =	sshrl.u32 s10, $0x1F;
	s8 =	smul.u32 $0x66666667, s8;
	v19 =	vsel vm9, s7, v19  }
0xce: {  	v24 =	vbroadcast v24, $0x0;
	s2 =	smul.u32 $0x66666667, s2;
	s15 =	sshrl.u32 s12, $0x1F;
	s10 =	sshra.s32 s10, $0x1F;
	v18 =	vsel vm1, s24, v18;
	v19 =	vsel vm1, s17, v19  }
0xcf: {  	v20 =	vor.u32 v14, v20;
	s24 =	sshra.s32 s12, $0x5;
	v18 =	vsel vm2, s15, v18;
	s22 =	sshrl.u32 s1, $0x1F;
	s6 =	sadd.s32 s8, s25;
	v19 =	vsel vm11, s10, v19  }
0xd0: {  	s2 =	sadd.s32 s2, s16;
	v17 =	vsel vm4, s22, v18;
	v23 =	vor.u32 v14, v24;
	s13 =	sshra.s32 s12, $0x1F;
	s25 =	sshrl.u32 s6, $0x1F;
	v18 =	vsel vm2, s24, v19  }
0xd1: {  	s19 =	sshrl.u32 s9, $0x1F;
	s15 =	sshrl.u32 s2, $0x1F;
	s16 =	sshra.s32 s1, $0x5;
	v24 =	vmul.f32 v29, v30;
	v17 =	vsel vm5, s25, v17;
	v18 =	vsel vm12, s13, v18  }
0xd2: {  	s1 =	sshra.s32 s1, $0x1F;
	s17 =	sshra.s32 s21, $0x5;
	v17 =	vsel vm6, s15, v17;
	v19 =	vsel vm2, s19, v28;
	v18 =	vsel vm4, s16, v18  }
0xd3: {  	s22 =	sshra.s32 s6, $0x5;
	s21 =	sshra.s32 s11, $0x5;
	s19 =	sshra.s32 s18, $0x5;
	v19 =	vcombine.low v19, v22;
	v22 =	vmov s17;
	v18 =	vsel vm13, s1, v18  }
0xd4: {  	v26 =	vld.idx.msk [tilespmem:v21+s23+$0x0], $0xffff;
	s25 =	sshra.s32 s14, $0x5;
	v25 =	vsel vm0, s21, v25;
	s24 =	sshra.s32 s5, $0x5;
	s5 =	sshra.s32 s6, $0x1F;
	v22 =	vsel vm0, s19, v22;
	v18 =	vsel vm5, s22, v18  }
0xd5: {  	v21 =	vld.idx.msk [tilespmem:v21+s26+$0x0], $0xffff;
	s8 =	sshra.s32 s2, $0x5;
	s7 =	sshra.s32 s9, $0x5;
	s6 =	sshra.s32 s3, $0x5;
	v25 =	vsel vm1, s25, v25;
	v22 =	vsel vm1, s24, v22;
	v18 =	vsel vm14, s5, v18  }
0xd6: {  	s9 =	sshrl.u32 s20, $0x1F;
	s10 =	sshra.s32 s2, $0x1F;
	v27 =	vld.idx.msk [tilespmem:v23+s23+$0x0], $0xffff;
	v25 =	vsel vm2, s7, v25;
	v22 =	vsel vm2, s6, v22;
	v18 =	vsel vm6, s8, v18  }
0xd7: {  	s11 =	sshra.s32 s20, $0x5;
	v17 =	vsel vm7, s9, v17;
	v23 =	vld.idx.msk [tilespmem:v23+s26+$0x0], $0xffff;
	v22 =	vcombine.low v25, v22;
	v18 =	vsel vm15, s10, v18  }
0xd8: {  	v17 =	vperm.xlane v17, v11;
	v19 =	vperm.xlane v19, v10;
	v25 =	vld.idx.msk [tilespmem:v20+s23+$0x0], $0xffff;
	v18 =	vsel vm7, s11, v18  }
0xd9: {  	v20 =	vld.idx.msk [tilespmem:v20+s26+$0x0], $0xffff;
	v22 =	vperm.xlane v22, v10;
	v18 =	vperm.xlane v18, v11  }
0xda: {  	v21 =	vmul.f32 v21, v26;
	v16 =	vadd.f32 v24, v16  }
0xdb: {  	v17 =	vsel vm8, v17, v19;
	v18 =	vsel vm8, v18, v22  }
0xdc: {  	v16 =	vadd.f32 v21, v16;
	v19 =	vmul.f32 v23, v27;
	v17 =	vadd.s32 v17, v18  }
0xdd: {  	v18 =	vmul.u32 $0xFFFFFFB0, v17  }
0xde: {  	v16 =	vadd.f32 v19, v16;
	v19 =	vmul.f32 v20, v25  }
0xdf: {  	v18 =	vadd.s32 v15, v18  }
0xe0: {  	vm9 =	vlt.s32 v15, $0x1;
	v16 =	vadd.f32 v19, v16;
	vm10 =	vne.s32 v18, $0x0  }
0xe1: {  	vm9 =	vmand vm9, vm10  }
0xe2: {  	v15 =	vmul.f32 $1.442695020e+00, v16;
	v16 =	vsel vm9, $0xFFFFFFFF, v12  }
0xe3: {  	vm9 =	vlt.s32 v18, $0x0;
	v16 =	vadd.s32 v16, v17;
	v17 =	vadd.s32 $0x50, v18  }
0xe4: {  	(erf) = vpow2.f32 v15;
	v17 =	vsel vm9, v17, v18;
	v15 =	vmul.u32 $0x50, v16  }
0xe5: {  	v16 =	vand.u32 $0xFFFFFFF8, v17  }
0xe6: {  	s12 =	simm.s32 $0x1;
	s13 =	simm.s32 $0x2;
	v17 =	vand.u32 $0x7, v17;
	v15 =	vadd.s32 v16, v15  }
0xe7: {  	v16 =	vmov s12;
	v17 =	vor.u32 v17, v15;
	v15 =	vmov s13  }
0xe8: {  	s15 =	simm.s32 $0x0;
	v16 =	vand.u32 $0x1D, v16;
	v15 =	vand.u32 $0x1E, v15  }
0xe9: {  	s14 =	simm.s32 $0x3;
	v19 =	vmov s15;
	v16 =	vbroadcast v16, $0x0;
	v15 =	vbroadcast v15, $0x0  }
0xea: {  	s16 =	simm.s32 $0x5;
	v19 =	vand.u32 $0x1C, v19;
	v18 =	vmov s14  }
0xeb: {  	v24 =	vor.u32 v14, v16;
	v31 =	vor.u32 v14, v15;
	v15 =	vmov s16  }
0xec: {  	s18 =	simm.s32 $0x7;
	s25 =	simm.s32 $0x8;
	v18 =	vand.u32 $0x1F, v18;
	v16 =	vbroadcast v19, $0x0  }
0xed: {  	v63 =	vmov s25;
	v20 =	vmov s18;
	v18 =	vbroadcast v18, $0x0  }
0xee: {  	s17 =	simm.s32 $0x6;
	s19 =	simm.s32 $0x8A20;
	v20 =	vand.u32 $0x1F, v20;
	v21 =	vand.u32 $0x1D, v15;
	v16 =	vor.u32 v14, v16;
	v15 =	vpop (erf)  }
0xef: {  	s20 =	simm.s32 $0x4;
	v19 =	vmov s17;
	v21 =	vbroadcast v21, $0x0;
	[tilespmem:v17+s19+$0x0] =	vst.idx.add.f32.msk $0xffff, v15;
	v17 =	vor.u32 v14, v18  }
0xf0: {  	v23 =	vmov s20;
	v20 =	vbroadcast v20, $0x0;
	v18 =	vand.u32 $0x1E, v19;
	v22 =	vld.idx.msk [tilespmem:v24+s28+$0x0], $0xffff  }
0xf1: {  	s24 =	simm.s32 $0xB;
	v23 =	vand.u32 $0x1C, v23;
	v19 =	vor.u32 v14, v21;
	v21 =	vbroadcast v18, $0x0;
	v25 =	vld.idx.msk [tilespmem:v31+s28+$0x0], $0xffff  }
0xf2: {  	s21 =	simm.s32 $0x9;
	s22 =	simm.s32 $0xA;
	v28 =	vmov s24;
	v23 =	vbroadcast v23, $0x0;
	v18 =	vor.u32 v14, v20  }
0xf3: {  	v26 =	vmov s22;
	v30 =	vld.idx.msk [tilespmem:v16+s28+$0x0], $0xffff;
	v20 =	vor.u32 v14, v21;
	v21 =	vmov s21  }
0xf4: {  	v28 =	vand.u32 $0x1F, v28;
	v29 =	vand.u32 $0x1D, v21;
	v21 =	vor.u32 v14, v23;
	v27 =	vld.idx.msk [tilespmem:v17+s28+$0x0], $0xffff  }
0xf5: {  	v26 =	vand.u32 $0x1E, v26;
	v29 =	vbroadcast v29, $0x0;
	v62 =	vmul.f32 v22, v15  }
0xf6: {  	v34 =	vbroadcast v28, $0x0;
	v28 =	vand.u32 $0x1C, v63;
	v23 =	vld.idx.msk [tilespmem:v19+s28+$0x0], $0xffff;
	v35 =	vmul.f32 v25, v15  }
0xf7: {  	v28 =	vbroadcast v28, $0x0;
	v22 =	vld.idx.msk [tilespmem:v18+s28+$0x0], $0xffff;
	v25 =	vor.u32 v14, v29;
	v29 =	vbroadcast v26, $0x0;
	[tilespmem:v24+s28+$0x0] =	vst.idx.msk $0xffff, v62  }
0xf8: {  	s1 =	simm.s32 $0xC;
	v30 =	vmul.f32 v30, v15;
	v26 =	vld.idx.msk [tilespmem:v20+s28+$0x0], $0xffff;
	v24 =	vor.u32 v14, v34;
	[tilespmem:v31+s28+$0x0] =	vst.idx.msk $0xffff, v35  }
.LBB2_12:
0xf9: {  	s0 =	sadd.s32 $0x1, s1;
	s2 =	sadd.s32 $0x2, s1;
	s3 =	sadd.s32 $0x3, s1;
	v31 =	vld.idx.msk [tilespmem:v21+s28+$0x0], $0xffff;
	v36 =	vmul.f32 v27, v15;
	v32 =	vmovc v20;
	v20 =	vor.u32 v14, v29;
	v33 =	vmov v19  }
0xfa: {  	p2 =	slt.u32 s1, $0x1C;
	v19 =	vmovc v25;
	v29 =	vmov s0;
	v34 =	vmov s2;
	v35 =	vmov s3;
	[tilespmem:v16+s28+$0x0] =	vst.idx.msk $0xffff, v30;
	v16 =	vmovc v21;
	s0 =	smov.u32 s1;
	s1 =	sadd.s32 $0x4, s1  }
.Ltmp4:
0xfb: {  	v21 =	vor.u32 v14, v28;
	v29 =	vand.u32 $0x1D, v29;
	v30 =	vand.u32 $0x1E, v34;
	[tilespmem:v17+s28+$0x0] =	vst.idx.msk $0xffff, v36;
	v17 =	vmovc v18;
	(pc) =	sbr.rel @p2 .LBB2_12-.Ltmp4, $4  }
0xfc: {  	v34 =	vmul.f32 v23, v15;
	v27 =	vmovc v22;
	v18 =	vmovc v24;
	v28 =	vbroadcast v29, $0x0;
	v29 =	vand.u32 $0x1F, v35;
	v23 =	vld.idx.msk [tilespmem:v25+s28+$0x0], $0xffff  }
0xfd: {  	v25 =	vmov s0;
	v36 =	vmul.f32 v26, v15;
	v35 =	vbroadcast v29, $0x0;
	v22 =	vld.idx.msk [tilespmem:v24+s28+$0x0], $0xffff  }
0xfe: {  	v24 =	vand.u32 $0x1C, v25;
	v29 =	vbroadcast v30, $0x0;
	v25 =	vor.u32 v14, v28;
	v26 =	vld.idx.msk [tilespmem:v20+s28+$0x0], $0xffff;
	[tilespmem:v33+s28+$0x0] =	vst.idx.msk $0xffff, v34  }
0xff: {  	v28 =	vbroadcast v24, $0x0;
	v30 =	vmul.f32 v31, v15;
	v24 =	vor.u32 v14, v35;
	[tilespmem:v32+s28+$0x0] =	vst.idx.msk $0xffff, v36  }
0x100: {  	_ = 	snop  }
0x101: {  	v29 =	vor.u32 v14, v29;
	_ =	sdelay $0x2  }
0x102: {  	v53 =	vld.idx.msk [tilespmem:v21+s28+$0x0], $0xffff  }
0x103: {  	v27 =	vmul.f32 v27, v15;
	v31 =	vld.idx.msk [tilespmem:v25+s28+$0x0], $0xffff  }
0x104: {  	[tilespmem:v16+s28+$0x0] =	vst.idx.msk $0xffff, v30;
	v54 =	vmul.f32 v23, v15;
	v55 =	vld.idx.msk [tilespmem:v29+s28+$0x0], $0xffff  }
0x105: {  	[tilespmem:v17+s28+$0x0] =	vst.idx.msk $0xffff, v27;
	v60 =	vmul.f32 v22, v15  }
0x106: {  	v14 =	vor.u32 v14, v28;
	v56 =	vmul.f32 v26, v15;
	[tilespmem:v19+s28+$0x0] =	vst.idx.msk $0xffff, v54  }
0x107: {  	[tilespmem:v18+s28+$0x0] =	vst.idx.msk $0xffff, v60;
	v59 =	vmul.f32 v53, v15  }
0x108: {  	[tilespmem:v20+s28+$0x0] =	vst.idx.msk $0xffff, v56;
	v61 =	vmul.f32 v31, v15  }
0x109: {  	[tilespmem:v21+s28+$0x0] =	vst.idx.msk $0xffff, v59;
	v62 =	vmul.f32 v55, v15  }
0x10a: {  	[tilespmem:v25+s28+$0x0] =	vst.idx.msk $0xffff, v61  }
0x10b: {  	v57 =	vld.idx.msk [tilespmem:v14+s28+$0x0], $0xffff;
	[tilespmem:v29+s28+$0x0] =	vst.idx.msk $0xffff, v62  }
0x10c: {  	v58 =	vld.idx.msk [tilespmem:v24+s28+$0x0], $0xffff;
	s0 =	rddreg [dreg:$0x1a]  }
0x10d: {  	s0 =	sadd.s32 $0x1, s0  }
0x10e: {  	p2 =	sne.s32 s0, $0x5  }
.Ltmp5:
0x10f: {  	_ = 	snop;
	(pc) =	sbr.rel @p2 .LBB2_9-.Ltmp5, $4  }
0x110: {  	v63 =	vmul.f32 v57, v15  }
0x111: {  	v15 =	vmul.f32 v58, v15  }
0x112: {  	[tilespmem:v14+s28+$0x0] =	vst.idx.msk $0xffff, v63  }
0x113: {  	[tilespmem:v24+s28+$0x0] =	vst.idx.msk $0xffff, v15  }
0x114: {  	s0 =	rddreg [dreg:$0x2]  }
0x115: {  	s3 =	simm.s32 $0x50;
	s1 =	rddreg [dreg:$0x19];
	s15 =	simm.s32 $0x7  }
0x116: {  	[spmem:s0] =	stream.indirect.scatter.add.f32 [tilespmem:s28], [sflag:$0x7], $0x20, s1, s3, $0xb8;
	[tilespmem:$0x11EC0] =	vst v63  }
0x117: {  	_ =	swait.ge [sflag:s15], $0xA00  }
0x118: {  	[sflag:s15] =	ssyncset.done $0x0;
	s2 =	rddreg [dreg:$0x18]  }
0x119: {  	s17 =	rddreg [dreg:$0x5];
	[sflag:s15] =	ssyncadd.s32 $0xFFFFF600;
	s16 =	sadd.s32 $0xA0, s2  }
0x11a: {  	[tilespmem:s23], [sflag:$0x1] =	stream.indirect.gather [hbm4b:s17+s3], $0x20, s16, s3, $0xb8;
	[tilespmem:$0x11EC0] =	vst v63  }
0x11b: {  	s19 =	rddreg [dreg:$0x6];
	s18 =	sadd.s32 $0x27B0, s2  }
0x11c: {  	[tilespmem:s26], [sflag:$0x2] =	stream.indirect.gather [hbm4b:s19+s3], $0x20, s18, s3, $0xb8;
	[tilespmem:$0x11EC0] =	vst v63  }
0x11d: {  	s21 =	simm.s32 $0x4;
	s20 =	rddreg [dreg:$0x7]  }
0x11e: {  	[tilespmem:s28], [sflag:$0x3] =	stream.indirect.gather [hbm4b:s20+s3], $0x20, s16, s3, $0xb8;
	[tilespmem:$0x11EC0] =	vst v63  }
0x11f: {  	_ =	swait.ge [sflag:s21], $0xA00  }
0x120: {  	[sflag:s21] =	ssyncset.done $0x0  }
0x121: {  	s22 =	simm.s32 $0x5;
	[sflag:s21] =	ssyncadd.s32 $0xFFFFF600  }
0x122: {  	_ =	swait.ge [sflag:s22], $0xA00  }
0x123: {  	[sflag:s22] =	ssyncset.done $0x0  }
0x124: {  	s24 =	simm.s32 $0x6;
	[sflag:s22] =	ssyncadd.s32 $0xFFFFF600  }
0x125: {  	_ =	swait.ge [sflag:s24], $0xA00  }
0x126: {  	[sflag:s24] =	ssyncset.done $0x0;
	s25 =	rddreg [dreg:$0x17]  }
0x127: {  	s0 =	simm.s32 $0x0;
	[sflag:s24] =	ssyncadd.s32 $0xFFFFF600;
	v13 =	vmov s25  }
.LBB2_15:
0x128: {  	s1 =	simm.s32 $0x0  }
0x129: {  	s15 =	sshll.u32 s0, $0x4;
	v14 =	vmov s1  }
0x12a: {  	s16 =	simm.s32 $0x1;
	v15 =	vmov s15;
	v14 =	vand.u32 $0x1C, v14  }
0x12b: {  	v16 =	vmov s16;
	v15 =	vshll.u32 v15, $0x5;
	v17 =	vbroadcast v14, $0x0  }
0x12c: {  	s17 =	simm.s32 $0x2;
	v14 =	vor.u32 v9, v15;
	v15 =	vand.u32 $0x1D, v16  }
0x12d: {  	v16 =	vmov s17;
	v15 =	vbroadcast v15, $0x0;
	v17 =	vor.u32 v14, v17  }
0x12e: {  	s18 =	simm.s32 $0x3;
	v16 =	vand.u32 $0x1E, v16  }
0x12f: {  	v18 =	vmov s18;
	v16 =	vbroadcast v16, $0x0;
	v19 =	vor.u32 v14, v15  }
0x130: {  	s19 =	simm.s32 $0x4;
	v18 =	vand.u32 $0x1F, v18  }
0x131: {  	[dreg:$0x1b] =	wrdreg s0;
	v20 =	vmov s19;
	v18 =	vbroadcast v18, $0x0;
	v15 =	vld.idx.msk [tilespmem:v13+s15+$0x0 ss:$0x1], $0xffff;
	v16 =	vor.u32 v14, v16  }
0x132: {  	s20 =	simm.s32 $0x5;
	v20 =	vand.u32 $0x1C, v20;
	v26 =	vld.idx.msk [tilespmem:v17+s29+$0x0], $0xffff  }
0x133: {  	v20 =	vbroadcast v20, $0x0;
	v28 =	vor.u32 v14, v18;
	v18 =	vmov s20;
	v17 =	vld.idx.msk [tilespmem:v17+s30+$0x0], $0xffff  }
0x134: {  	s21 =	simm.s32 $0x6;
	v18 =	vand.u32 $0x1D, v18;
	v21 =	vld.idx.msk [tilespmem:v19+s29+$0x0], $0xffff  }
0x135: {  	s22 =	simm.s32 $0x7;
	s14 =	simm.s32 $0x8;
	v22 =	vmov s21;
	v25 =	vor.u32 v14, v20;
	v24 =	vld.idx.msk [tilespmem:v19+s30+$0x0], $0xffff;
	v19 =	vbroadcast v18, $0x0  }
0x136: {  	v29 =	vmov s14;
	v20 =	vand.u32 $0x1E, v22;
	v22 =	vmov s22;
	v18 =	vld.idx.msk [tilespmem:v16+s29+$0x0], $0xffff  }
0x137: {  	s24 =	simm.s32 $0x9;
	v20 =	vbroadcast v20, $0x0;
	v30 =	vand.u32 $0x1F, v22;
	v22 =	vld.idx.msk [tilespmem:v16+s30+$0x0], $0xffff;
	v23 =	vor.u32 v14, v19  }
0x138: {  	v27 =	vimm.f32 $0.0e+00;
	v32 =	vmov s24;
	v29 =	vand.u32 $0x1C, v29;
	v16 =	vld.idx.msk [tilespmem:v28+s29+$0x0], $0xffff  }
0x139: {  	s25 =	simm.s32 $0xA;
	v30 =	vbroadcast v30, $0x0;
	v19 =	vor.u32 v14, v20;
	v20 =	vld.idx.msk [tilespmem:v28+s30+$0x0], $0xffff;
	v31 =	vmul.f32 v17, v26  }
0x13a: {  	s1 =	simm.s32 $0xC;
	v29 =	vbroadcast v29, $0x0;
	v28 =	vmov s25;
	v26 =	vand.u32 $0x1D, v32;
	v17 =	vld.idx.msk [tilespmem:v25+s29+$0x0], $0xffff  }
.LBB2_16:
0x13b: {  	p2 =	slt.u32 s1, $0x1C;
	s0 =	sadd.s32 $0x3, s14;
	v32 =	vld.idx.msk [tilespmem:v25+s30+$0x0], $0xffff;
	v33 =	vor.u32 v14, v30;
	v27 =	vadd.f32 v31, v27;
	v30 =	vmul.f32 v24, v21;
	s14 =	smov.u32 s1  }
0x13c: {  	v26 =	vbroadcast v26, $0x0;
	v28 =	vand.u32 $0x1E, v28;
	v31 =	vmov s0;
	v21 =	vld.idx.msk [tilespmem:v23+s29+$0x0], $0xffff  }
0x13d: {  	v25 =	vor.u32 v14, v29;
	v29 =	vmul.f32 v22, v18;
	v24 =	vld.idx.msk [tilespmem:v23+s30+$0x0], $0xffff;
	v27 =	vadd.f32 v30, v27  }
.Ltmp6:
0x13e: {  	v28 =	vbroadcast v28, $0x0;
	v30 =	vmov s1;
	v31 =	vand.u32 $0x1F, v31;
	v18 =	vld.idx.msk [tilespmem:v19+s29+$0x0], $0xffff;
	(pc) =	sbr.rel @p2 .LBB2_16-.Ltmp6, $4  }
0x13f: {  	s0 =	sadd.s32 $0x1, s1;
	v23 =	vor.u32 v14, v26;
	v22 =	vld.idx.msk [tilespmem:v19+s30+$0x0], $0xffff;
	v26 =	vadd.f32 v29, v27;
	v27 =	vmul.f32 v20, v16  }
0x140: {  	v34 =	vmov s0;
	v29 =	vand.u32 $0x1C, v30;
	v30 =	vbroadcast v31, $0x0;
	v16 =	vld.idx.msk [tilespmem:v33+s29+$0x0], $0xffff  }
0x141: {  	s0 =	sadd.s32 $0x2, s1;
	v19 =	vor.u32 v14, v28;
	v31 =	vmul.f32 v32, v17;
	v20 =	vld.idx.msk [tilespmem:v33+s30+$0x0], $0xffff;
	v27 =	vadd.f32 v27, v26  }
0x142: {  	s1 =	sadd.s32 $0x4, s1;
	v28 =	vmov s0;
	v29 =	vbroadcast v29, $0x0;
	v26 =	vand.u32 $0x1D, v34;
	v17 =	vld.idx.msk [tilespmem:v25+s29+$0x0], $0xffff  }
0x143: {  	(v2sf) =	vpush v15, $0xD;
	_ =	sdelay $0x1  }
0x144: {  	(v2sf) =	vpush v15, $0xC;
	_ =	sdelay $0x1  }
0x145: {  	(v2sf) =	vpush v15, $0xE;
	_ =	sdelay $0x1  }
0x146: {  	(v2sf) =	vpush v15, $0xF;
	_ =	sdelay $0x1  }
0x147: {  	(v2sf) =	vpush v15, $0x9;
	_ =	sdelay $0x1  }
0x148: {  	(v2sf) =	vpush v15, $0x8;
	_ =	sdelay $0x1  }
0x149: {  	(v2sf) =	vpush v15, $0xA;
	_ =	sdelay $0x1  }
0x14a: {  	(v2sf) =	vpush v15, $0xB  }
0x14b: {  	(v2sf) =	vpush v15, $0x0;
	s0 =	spop (v2sf)  }
0x14c: {  	s4 =	smulhi.u32 $0x66666667, s0;
	s0 =	sshra.s32 s0, $0x1F  }
0x14d: {  	(v2sf) =	vpush v15, $0x1;
	s1 =	spop (v2sf);
	s0 =	smul.u32 $0x66666667, s0  }
0x14e: {  	s7 =	smulhi.u32 $0x66666667, s1;
	s1 =	sshra.s32 s1, $0x1F  }
0x14f: {  	s2 =	spop (v2sf);
	s1 =	smul.u32 $0x66666667, s1  }
0x150: {  	(v2sf) =	vpush v15, $0x2;
	s12 =	smulhi.u32 $0x66666667, s2;
	s2 =	sshra.s32 s2, $0x1F  }
0x151: {  	(v2sf) =	vpush v15, $0x3;
	s3 =	spop (v2sf);
	s16 =	smul.u32 $0x66666667, s2  }
0x152: {  	(v2sf) =	vpush v15, $0x4;
	s22 =	smulhi.u32 $0x66666667, s3;
	s17 =	sshra.s32 s3, $0x1F  }
0x153: {  	(v2sf) =	vpush v15, $0x5;
	s5 =	spop (v2sf);
	s3 =	smul.u32 $0x66666667, s17  }
0x154: {  	(v2sf) =	vpush v15, $0x6;
	s13 =	smulhi.u32 $0x66666667, s5;
	s18 =	sshra.s32 s5, $0x1F  }
0x155: {  	(v2sf) =	vpush v15, $0x7;
	s6 =	spop (v2sf);
	s5 =	smul.u32 $0x66666667, s18  }
0x156: {  	s15 =	smulhi.u32 $0x66666667, s6;
	s6 =	sshra.s32 s6, $0x1F  }
0x157: {  	s17 =	sadd.s32 s0, s4;
	s10 =	spop (v2sf);
	s6 =	smul.u32 $0x66666667, s6  }
0x158: {  	s18 =	sadd.s32 $0x3, s14;
	s0 =	smulhi.u32 $0x66666667, s10;
	s24 =	sshra.s32 s10, $0x1F  }
0x159: {  	s14 =	sshrl.u32 s17, $0x1F;
	s11 =	spop (v2sf);
	s4 =	smul.u32 $0x66666667, s24  }
0x15a: {  	s19 =	spop (v2sf);
	s24 =	sadd.s32 s1, s7;
	s1 =	smulhi.u32 $0x66666667, s11  }
0x15b: {  	v27 =	vadd.f32 v31, v27;
	v21 =	vmul.f32 v24, v21;
	s10 =	sshra.s32 s11, $0x1F;
	s7 =	sadd.s32 s16, s12;
	s16 =	sadd.s32 s3, s22  }
0x15c: {  	v25 =	vld.idx.msk [tilespmem:v25+s30+$0x0], $0xffff;
	s5 =	sadd.s32 s5, s13;
	s21 =	spop (v2sf);
	s12 =	smul.u32 $0x66666667, s10  }
0x15d: {  	v18 =	vmul.f32 v22, v18;
	v21 =	vadd.f32 v21, v27;
	s11 =	sshrl.u32 s24, $0x1F;
	s22 =	smulhi.u32 $0x66666667, s19;
	s3 =	sshra.s32 s19, $0x1F  }
0x15e: {  	v33 =	vld.idx.msk [tilespmem:v23+s29+$0x0], $0xffff;
	s19 =	sshrl.u32 s7, $0x1F;
	s10 =	sshrl.u32 s16, $0x1F;
	s3 =	smul.u32 $0x66666667, s3  }
0x15f: {  	v30 =	vor.u32 v14, v30;
	v23 =	vld.idx.msk [tilespmem:v23+s30+$0x0], $0xffff;
	v16 =	vmul.f32 v20, v16;
	v18 =	vadd.f32 v18, v21;
	s6 =	sadd.s32 s6, s15;
	s25 =	spop (v2sf);
	s15 =	smulhi.u32 $0x66666667, s21  }
0x160: {  	s21 =	sshra.s32 s21, $0x1F;
	s13 =	sshrl.u32 s6, $0x1F;
	s20 =	spop (v2sf)  }
0x161: {  	v27 =	vld.idx.msk [tilespmem:v19+s29+$0x0], $0xffff;
	v17 =	vmul.f32 v25, v17;
	v16 =	vadd.f32 v16, v18;
	s0 =	sadd.s32 s4, s0;
	s21 =	smul.u32 $0x66666667, s21;
	s9 =	spop (v2sf)  }
0x162: {  	v19 =	vld.idx.msk [tilespmem:v19+s30+$0x0], $0xffff;
	v32 =	vmov s11;
	s4 =	smulhi.u32 $0x66666667, s25;
	s11 =	sshra.s32 s25, $0x1F;
	s8 =	spop (v2sf)  }
0x163: {  	v29 =	vor.u32 v14, v29;
	v21 =	vbroadcast v26, $0x0;
	v16 =	vadd.f32 v17, v16;
	s25 =	sshrl.u32 s5, $0x1F;
	s11 =	smul.u32 $0x66666667, s11;
	s2 =	spop (v2sf)  }
0x164: {  	v26 =	vld.idx.msk [tilespmem:v30+s29+$0x0], $0xffff;
	v17 =	vmul.f32 v23, v33;
	v24 =	vsel vm0, s14, v32;
	v31 =	vmov s13;
	s3 =	sadd.s32 s3, s22;
	s14 =	smulhi.u32 $0x66666667, s20;
	s22 =	spop (v2sf)  }
0x165: {  	v25 =	vld.idx.msk [tilespmem:v30+s30+$0x0], $0xffff;
	v61 =	vmov s18;
	s13 =	sshrl.u32 s0, $0x1F;
	v24 =	vsel vm1, s19, v24;
	v31 =	vsel vm0, s25, v31;
	s25 =	smulhi.u32 $0x66666667, s22;
	s18 =	sshra.s32 s22, $0x1F  }
0x166: {  	s20 =	sshra.s32 s20, $0x1F;
	v22 =	vsel vm2, s10, v24;
	v24 =	vand.u32 $0x1E, v28;
	v28 =	vsel vm1, s13, v31;
	s13 =	sshrl.u32 s3, $0x1F;
	s18 =	smul.u32 $0x66666667, s18  }
0x167: {  	v16 =	vadd.f32 v17, v16;
	v17 =	vmul.f32 v19, v27;
	s6 =	sshra.s32 s6, $0x5;
	s15 =	sadd.s32 s21, s15;
	v20 =	vmov s13;
	s13 =	smul.u32 $0x66666667, s20  }
0x168: {  	s21 =	sshrl.u32 s15, $0x1F;
	s4 =	sadd.s32 s11, s4;
	s20 =	sadd.s32 s18, s25  }
0x169: {  	v16 =	vadd.f32 v17, v16;
	v20 =	vnsel vm3, $0x0, v20;
	s22 =	smulhi.u32 $0x66666667, s9;
	s11 =	sadd.s32 s13, s14;
	s19 =	sshra.s32 s20, $0x1F  }
0x16a: {  	v17 =	vmul.f32 v25, v26;
	v18 =	vsel vm0, s21, v20;
	s21 =	sshra.s32 s3, $0x5;
	s25 =	sshra.s32 s9, $0x1F;
	s18 =	smulhi.u32 $0x66666667, s2;
	v31 =	vmov s19  }
0x16b: {  	vm9 =	vcmask $0x704;
	s3 =	sshra.s32 s3, $0x1F;
	s9 =	sadd.s32 s12, s1;
	s12 =	smul.u32 $0x66666667, s25;
	v23 =	vsel vm3, s21, v31  }
0x16c: {  	v21 =	vor.u32 v14, v21;
	v30 =	vld.idx.msk [tilespmem:v29+s29+$0x0], $0xffff;
	v16 =	vadd.f32 v17, v16;
	s13 =	sshra.s32 s15, $0x5;
	s25 =	smulhi.u32 $0x66666667, s8;
	s8 =	sshra.s32 s8, $0x1F;
	v23 =	vsel vm9, s3, v23  }
0x16d: {  	v29 =	vld.idx.msk [tilespmem:v29+s30+$0x0], $0xffff;
	v20 =	vand.u32 $0x1F, v61;
	s15 =	sshra.s32 s15, $0x1F;
	s2 =	sshra.s32 s2, $0x1F;
	s8 =	smul.u32 $0x66666667, s8;
	vm9 =	vcmask $0xF0C;
	v19 =	vsel vm0, s13, v23  }
0x16e: {  	v25 =	vmov s6;
	v20 =	vbroadcast v20, $0x0;
	s19 =	sshra.s32 s4, $0x5;
	s1 =	sadd.s32 s12, s22;
	s22 =	sshrl.u32 s4, $0x1F;
	v19 =	vsel vm9, s15, v19  }
0x16f: {  	v24 =	vbroadcast v24, $0x0;
	s14 =	sshrl.u32 s11, $0x1F;
	s2 =	smul.u32 $0x66666667, s2;
	s4 =	sshra.s32 s4, $0x1F;
	v18 =	vsel vm1, s22, v18;
	v19 =	vsel vm1, s19, v19  }
0x170: {  	v20 =	vor.u32 v14, v20;
	s8 =	sadd.s32 s8, s25;
	s22 =	sshrl.u32 s1, $0x1F;
	s25 =	sshra.s32 s11, $0x5;
	v18 =	vsel vm2, s14, v18;
	v19 =	vsel vm11, s4, v19  }
0x171: {  	s21 =	sshrl.u32 s9, $0x1F;
	v23 =	vor.u32 v14, v24;
	s13 =	sshrl.u32 s8, $0x1F;
	s14 =	sshra.s32 s11, $0x1F;
	v17 =	vsel vm4, s22, v18;
	v18 =	vsel vm2, s25, v19  }
0x172: {  	s2 =	sadd.s32 s2, s18;
	s18 =	sshra.s32 s1, $0x5;
	v24 =	vmul.f32 v29, v30;
	s22 =	sshra.s32 s5, $0x5;
	v17 =	vsel vm5, s13, v17;
	v18 =	vsel vm12, s14, v18  }
0x173: {  	s1 =	sshra.s32 s1, $0x1F;
	s19 =	sshra.s32 s24, $0x5;
	v25 =	vsel vm0, s22, v25;
	v19 =	vsel vm2, s21, v28;
	v18 =	vsel vm4, s18, v18  }
0x174: {  	s15 =	sshrl.u32 s2, $0x1F;
	s24 =	sshra.s32 s8, $0x5;
	s21 =	sshra.s32 s17, $0x5;
	v19 =	vcombine.low v19, v22;
	v22 =	vmov s19;
	v18 =	vsel vm13, s1, v18  }
0x175: {  	v26 =	vld.idx.msk [tilespmem:v21+s29+$0x0], $0xffff;
	s0 =	sshra.s32 s0, $0x5;
	s5 =	sshra.s32 s8, $0x1F;
	v17 =	vsel vm6, s15, v17;
	s25 =	sshra.s32 s7, $0x5;
	v22 =	vsel vm0, s21, v22;
	v18 =	vsel vm5, s24, v18  }
0x176: {  	v21 =	vld.idx.msk [tilespmem:v21+s30+$0x0], $0xffff;
	s6 =	sshra.s32 s16, $0x5;
	s8 =	sshra.s32 s2, $0x5;
	v25 =	vsel vm1, s0, v25;
	s7 =	sshra.s32 s9, $0x5;
	v22 =	vsel vm1, s25, v22;
	v18 =	vsel vm14, s5, v18  }
0x177: {  	s10 =	sshra.s32 s2, $0x1F;
	s9 =	sshrl.u32 s20, $0x1F;
	v27 =	vld.idx.msk [tilespmem:v23+s29+$0x0], $0xffff;
	v25 =	vsel vm2, s7, v25;
	v22 =	vsel vm2, s6, v22;
	v18 =	vsel vm6, s8, v18  }
0x178: {  	s11 =	sshra.s32 s20, $0x5;
	v23 =	vld.idx.msk [tilespmem:v23+s30+$0x0], $0xffff;
	v17 =	vsel vm7, s9, v17;
	v22 =	vcombine.low v25, v22;
	v18 =	vsel vm15, s10, v18  }
0x179: {  	v17 =	vperm.xlane v17, v11;
	v19 =	vperm.xlane v19, v10;
	v25 =	vld.idx.msk [tilespmem:v20+s29+$0x0], $0xffff;
	v18 =	vsel vm7, s11, v18  }
0x17a: {  	v20 =	vld.idx.msk [tilespmem:v20+s30+$0x0], $0xffff;
	v22 =	vperm.xlane v22, v10;
	v18 =	vperm.xlane v18, v11  }
0x17b: {  	v21 =	vmul.f32 v21, v26;
	v16 =	vadd.f32 v24, v16  }
0x17c: {  	v17 =	vsel vm8, v17, v19;
	v18 =	vsel vm8, v18, v22  }
0x17d: {  	v16 =	vadd.f32 v21, v16;
	v19 =	vmul.f32 v23, v27;
	v17 =	vadd.s32 v17, v18  }
0x17e: {  	v18 =	vmul.u32 $0xFFFFFFB0, v17  }
0x17f: {  	v16 =	vadd.f32 v19, v16;
	v19 =	vmul.f32 v20, v25  }
0x180: {  	v18 =	vadd.s32 v15, v18  }
0x181: {  	vm9 =	vlt.s32 v15, $0x1;
	v16 =	vadd.f32 v19, v16;
	vm10 =	vne.s32 v18, $0x0  }
0x182: {  	vm9 =	vmand vm9, vm10  }
0x183: {  	v15 =	vmul.f32 $1.442695020e+00, v16;
	v16 =	vsel vm9, $0xFFFFFFFF, v12  }
0x184: {  	vm9 =	vlt.s32 v18, $0x0;
	v16 =	vadd.s32 v16, v17;
	v17 =	vadd.s32 $0x50, v18  }
0x185: {  	(erf) = vpow2.f32 v15;
	v17 =	vsel vm9, v17, v18;
	v15 =	vmul.u32 $0x50, v16  }
0x186: {  	v16 =	vand.u32 $0xFFFFFFF8, v17  }
0x187: {  	s12 =	simm.s32 $0x1;
	s13 =	simm.s32 $0x2;
	v17 =	vand.u32 $0x7, v17;
	v15 =	vadd.s32 v16, v15  }
0x188: {  	v16 =	vmov s12;
	v17 =	vor.u32 v17, v15;
	v15 =	vmov s13  }
0x189: {  	s15 =	simm.s32 $0x0;
	v16 =	vand.u32 $0x1D, v16;
	v15 =	vand.u32 $0x1E, v15  }
0x18a: {  	s14 =	simm.s32 $0x3;
	v19 =	vmov s15;
	v16 =	vbroadcast v16, $0x0;
	v15 =	vbroadcast v15, $0x0  }
0x18b: {  	s16 =	simm.s32 $0x5;
	v19 =	vand.u32 $0x1C, v19;
	v18 =	vmov s14  }
0x18c: {  	v24 =	vor.u32 v14, v16;
	v31 =	vor.u32 v14, v15;
	v15 =	vmov s16  }
0x18d: {  	s22 =	simm.s32 $0xA;
	s18 =	simm.s32 $0x7;
	v18 =	vand.u32 $0x1F, v18;
	v16 =	vbroadcast v19, $0x0  }
0x18e: {  	v26 =	vmov s22;
	v20 =	vmov s18;
	v18 =	vbroadcast v18, $0x0  }
0x18f: {  	s17 =	simm.s32 $0x6;
	s19 =	simm.s32 $0x8A20;
	v20 =	vand.u32 $0x1F, v20;
	v21 =	vand.u32 $0x1D, v15;
	v16 =	vor.u32 v14, v16;
	v15 =	vpop (erf)  }
0x190: {  	s20 =	simm.s32 $0x4;
	v19 =	vmov s17;
	v21 =	vbroadcast v21, $0x0;
	[tilespmem:v17+s19+$0x0] =	vst.idx.add.f32.msk $0xffff, v15;
	v17 =	vor.u32 v14, v18  }
0x191: {  	v23 =	vmov s20;
	v20 =	vbroadcast v20, $0x0;
	v18 =	vand.u32 $0x1E, v19;
	v22 =	vld.idx.msk [tilespmem:v24+s31+$0x0], $0xffff  }
0x192: {  	v23 =	vand.u32 $0x1C, v23;
	v19 =	vor.u32 v14, v21;
	v21 =	vbroadcast v18, $0x0;
	v25 =	vld.idx.msk [tilespmem:v31+s31+$0x0], $0xffff  }
0x193: {  	v26 =	vand.u32 $0x1E, v26;
	s21 =	simm.s32 $0x9;
	s25 =	simm.s32 $0x8;
	v23 =	vbroadcast v23, $0x0;
	v18 =	vor.u32 v14, v20  }
0x194: {  	s24 =	simm.s32 $0xB;
	v63 =	vmov s25;
	v30 =	vld.idx.msk [tilespmem:v16+s31+$0x0], $0xffff;
	v20 =	vor.u32 v14, v21;
	v21 =	vmov s21  }
0x195: {  	v28 =	vmov s24;
	v29 =	vand.u32 $0x1D, v21;
	v21 =	vor.u32 v14, v23;
	v27 =	vld.idx.msk [tilespmem:v17+s31+$0x0], $0xffff  }
0x196: {  	v28 =	vand.u32 $0x1F, v28;
	v29 =	vbroadcast v29, $0x0;
	v62 =	vmul.f32 v22, v15  }
0x197: {  	v34 =	vbroadcast v28, $0x0;
	v28 =	vand.u32 $0x1C, v63;
	v23 =	vld.idx.msk [tilespmem:v19+s31+$0x0], $0xffff;
	v35 =	vmul.f32 v25, v15  }
0x198: {  	v28 =	vbroadcast v28, $0x0;
	v22 =	vld.idx.msk [tilespmem:v18+s31+$0x0], $0xffff;
	v25 =	vor.u32 v14, v29;
	v29 =	vbroadcast v26, $0x0;
	[tilespmem:v24+s31+$0x0] =	vst.idx.msk $0xffff, v62  }
0x199: {  	s1 =	simm.s32 $0xC;
	v30 =	vmul.f32 v30, v15;
	v26 =	vld.idx.msk [tilespmem:v20+s31+$0x0], $0xffff;
	v24 =	vor.u32 v14, v34;
	[tilespmem:v31+s31+$0x0] =	vst.idx.msk $0xffff, v35  }
.LBB2_18:
0x19a: {  	s0 =	sadd.s32 $0x1, s1;
	s2 =	sadd.s32 $0x2, s1;
	s3 =	sadd.s32 $0x3, s1;
	v31 =	vld.idx.msk [tilespmem:v21+s31+$0x0], $0xffff;
	v36 =	vmul.f32 v27, v15;
	v32 =	vmovc v20;
	v20 =	vor.u32 v14, v29;
	v33 =	vmov v19  }
0x19b: {  	p2 =	slt.u32 s1, $0x1C;
	v19 =	vmovc v25;
	v29 =	vmov s0;
	v34 =	vmov s2;
	v35 =	vmov s3;
	[tilespmem:v16+s31+$0x0] =	vst.idx.msk $0xffff, v30;
	v16 =	vmovc v21;
	s0 =	smov.u32 s1;
	s1 =	sadd.s32 $0x4, s1  }
.Ltmp7:
0x19c: {  	v21 =	vor.u32 v14, v28;
	v29 =	vand.u32 $0x1D, v29;
	v30 =	vand.u32 $0x1E, v34;
	[tilespmem:v17+s31+$0x0] =	vst.idx.msk $0xffff, v36;
	v17 =	vmovc v18;
	(pc) =	sbr.rel @p2 .LBB2_18-.Ltmp7, $4  }
0x19d: {  	v34 =	vmul.f32 v23, v15;
	v27 =	vmovc v22;
	v18 =	vmovc v24;
	v28 =	vbroadcast v29, $0x0;
	v29 =	vand.u32 $0x1F, v35;
	v23 =	vld.idx.msk [tilespmem:v25+s31+$0x0], $0xffff  }
0x19e: {  	v25 =	vmov s0;
	v36 =	vmul.f32 v26, v15;
	v35 =	vbroadcast v29, $0x0;
	v22 =	vld.idx.msk [tilespmem:v24+s31+$0x0], $0xffff  }
0x19f: {  	v24 =	vand.u32 $0x1C, v25;
	v29 =	vbroadcast v30, $0x0;
	v25 =	vor.u32 v14, v28;
	v26 =	vld.idx.msk [tilespmem:v20+s31+$0x0], $0xffff;
	[tilespmem:v33+s31+$0x0] =	vst.idx.msk $0xffff, v34  }
0x1a0: {  	v28 =	vbroadcast v24, $0x0;
	v30 =	vmul.f32 v31, v15;
	v24 =	vor.u32 v14, v35;
	[tilespmem:v32+s31+$0x0] =	vst.idx.msk $0xffff, v36  }
0x1a1: {  	_ = 	snop  }
0x1a2: {  	v29 =	vor.u32 v14, v29;
	_ =	sdelay $0x2  }
0x1a3: {  	v53 =	vld.idx.msk [tilespmem:v21+s31+$0x0], $0xffff  }
0x1a4: {  	v27 =	vmul.f32 v27, v15;
	v31 =	vld.idx.msk [tilespmem:v25+s31+$0x0], $0xffff  }
0x1a5: {  	[tilespmem:v16+s31+$0x0] =	vst.idx.msk $0xffff, v30;
	v54 =	vmul.f32 v23, v15;
	v55 =	vld.idx.msk [tilespmem:v29+s31+$0x0], $0xffff  }
0x1a6: {  	[tilespmem:v17+s31+$0x0] =	vst.idx.msk $0xffff, v27;
	v60 =	vmul.f32 v22, v15  }
0x1a7: {  	v14 =	vor.u32 v14, v28;
	v56 =	vmul.f32 v26, v15;
	[tilespmem:v19+s31+$0x0] =	vst.idx.msk $0xffff, v54  }
0x1a8: {  	[tilespmem:v18+s31+$0x0] =	vst.idx.msk $0xffff, v60;
	v59 =	vmul.f32 v53, v15  }
0x1a9: {  	[tilespmem:v20+s31+$0x0] =	vst.idx.msk $0xffff, v56;
	v61 =	vmul.f32 v31, v15  }
0x1aa: {  	[tilespmem:v21+s31+$0x0] =	vst.idx.msk $0xffff, v59;
	v62 =	vmul.f32 v55, v15  }
0x1ab: {  	[tilespmem:v25+s31+$0x0] =	vst.idx.msk $0xffff, v61  }
0x1ac: {  	v57 =	vld.idx.msk [tilespmem:v14+s31+$0x0], $0xffff;
	[tilespmem:v29+s31+$0x0] =	vst.idx.msk $0xffff, v62  }
0x1ad: {  	v58 =	vld.idx.msk [tilespmem:v24+s31+$0x0], $0xffff;
	s0 =	rddreg [dreg:$0x1b]  }
0x1ae: {  	s0 =	sadd.s32 $0x1, s0  }
0x1af: {  	p2 =	sne.s32 s0, $0x5  }
.Ltmp8:
0x1b0: {  	_ = 	snop;
	(pc) =	sbr.rel @p2 .LBB2_15-.Ltmp8, $4  }
0x1b1: {  	v63 =	vmul.f32 v57, v15  }
0x1b2: {  	v15 =	vmul.f32 v58, v15  }
0x1b3: {  	[tilespmem:v14+s31+$0x0] =	vst.idx.msk $0xffff, v63  }
0x1b4: {  	[tilespmem:v24+s31+$0x0] =	vst.idx.msk $0xffff, v15  }
0x1b5: {  	s0 =	rddreg [dreg:$0x2]  }
0x1b6: {  	s2 =	simm.s32 $0x50;
	s1 =	rddreg [dreg:$0x17];
	s25 =	simm.s32 $0x7  }
0x1b7: {  	[spmem:s0] =	stream.indirect.scatter.add.f32 [tilespmem:s31], [sflag:$0x7], $0x20, s1, s2, $0xb8;
	[tilespmem:$0x11EC0] =	vst v63  }
0x1b8: {  	_ =	swait.ge [sflag:s25], $0xA00  }
0x1b9: {  	s3 =	rddreg [dreg:$0x16]  }
0x1ba: {  	s3 =	sadd.s32 $0x1, s3  }
0x1bb: {  	p2 =	sne.s32 s3, $0x3E  }
.Ltmp9:
0x1bc: {  	_ = 	snop;
	(pc) =	sbr.rel @p2 .LBB2_8-.Ltmp9, $3  }
0x1bd: {  	_ =	sdelay $0x1  }
0x1be: {  	[sflag:s25] =	ssyncset.done $0x0  }
0x1bf: {  	[sflag:s25] =	ssyncadd.s32 $0xFFFFF600  }
0x1c0: {  	s0 =	simm.s32 $0x1  }
0x1c1: {  	_ =	swait.ge [sflag:s0], $0xA00  }
0x1c2: {  	[sflag:s0] =	ssyncset.done $0x0  }
0x1c3: {  	s24 =	simm.s32 $0x2;
	[sflag:s0] =	ssyncadd.s32 $0xFFFFF600  }
0x1c4: {  	_ =	swait.ge [sflag:s24], $0xA00  }
0x1c5: {  	[sflag:s24] =	ssyncset.done $0x0  }
0x1c6: {  	s25 =	simm.s32 $0x3;
	[sflag:s24] =	ssyncadd.s32 $0xFFFFF600  }
0x1c7: {  	_ =	swait.ge [sflag:s25], $0xA00  }
0x1c8: {  	[sflag:s25] =	ssyncset.done $0x0  }
0x1c9: {  	s0 =	simm.s32 $0x0;
	[sflag:s25] =	ssyncadd.s32 $0xFFFFF600  }
.LBB2_22:
0x1ca: {  	s1 =	simm.s32 $0x0  }
0x1cb: {  	s15 =	sshll.u32 s0, $0x4;
	v13 =	vmov s1  }
0x1cc: {  	s16 =	simm.s32 $0x1;
	v14 =	vmov s15;
	v13 =	vand.u32 $0x1C, v13  }
0x1cd: {  	v15 =	vmov s16;
	v14 =	vshll.u32 v14, $0x5;
	v16 =	vbroadcast v13, $0x0  }
0x1ce: {  	s17 =	simm.s32 $0x2;
	v13 =	vor.u32 v9, v14;
	v14 =	vand.u32 $0x1D, v15  }
0x1cf: {  	v15 =	vmov s17;
	v14 =	vbroadcast v14, $0x0;
	v16 =	vor.u32 v13, v16  }
0x1d0: {  	s18 =	simm.s32 $0x3;
	v15 =	vand.u32 $0x1E, v15  }
0x1d1: {  	v17 =	vmov s18;
	v15 =	vbroadcast v15, $0x0;
	v18 =	vor.u32 v13, v14  }
0x1d2: {  	s19 =	simm.s32 $0x4;
	v17 =	vand.u32 $0x1F, v17  }
0x1d3: {  	[dreg:$0x1c] =	wrdreg s0;
	v19 =	vmov s19;
	v17 =	vbroadcast v17, $0x0;
	v14 =	vld [tilespmem:s15+$0x4DD0];
	v15 =	vor.u32 v13, v15  }
0x1d4: {  	s20 =	simm.s32 $0x5;
	v19 =	vand.u32 $0x1C, v19;
	v25 =	vld.idx.msk [tilespmem:v16+s23+$0x0], $0xffff  }
0x1d5: {  	v19 =	vbroadcast v19, $0x0;
	v27 =	vor.u32 v13, v17;
	v17 =	vmov s20;
	v16 =	vld.idx.msk [tilespmem:v16+s26+$0x0], $0xffff  }
0x1d6: {  	s21 =	simm.s32 $0x6;
	v17 =	vand.u32 $0x1D, v17;
	v20 =	vld.idx.msk [tilespmem:v18+s23+$0x0], $0xffff  }
0x1d7: {  	s22 =	simm.s32 $0x7;
	s13 =	simm.s32 $0x8;
	v21 =	vmov s21;
	v24 =	vor.u32 v13, v19;
	v23 =	vld.idx.msk [tilespmem:v18+s26+$0x0], $0xffff;
	v18 =	vbroadcast v17, $0x0  }
0x1d8: {  	v28 =	vmov s13;
	v19 =	vand.u32 $0x1E, v21;
	v21 =	vmov s22;
	v17 =	vld.idx.msk [tilespmem:v15+s23+$0x0], $0xffff  }
0x1d9: {  	s24 =	simm.s32 $0x9;
	v19 =	vbroadcast v19, $0x0;
	v29 =	vand.u32 $0x1F, v21;
	v21 =	vld.idx.msk [tilespmem:v15+s26+$0x0], $0xffff;
	v22 =	vor.u32 v13, v18  }
0x1da: {  	v26 =	vimm.f32 $0.0e+00;
	v31 =	vmov s24;
	v28 =	vand.u32 $0x1C, v28;
	v15 =	vld.idx.msk [tilespmem:v27+s23+$0x0], $0xffff  }
0x1db: {  	s25 =	simm.s32 $0xA;
	v29 =	vbroadcast v29, $0x0;
	v18 =	vor.u32 v13, v19;
	v19 =	vld.idx.msk [tilespmem:v27+s26+$0x0], $0xffff;
	v30 =	vmul.f32 v16, v25  }
0x1dc: {  	s1 =	simm.s32 $0xC;
	v28 =	vbroadcast v28, $0x0;
	v27 =	vmov s25;
	v25 =	vand.u32 $0x1D, v31;
	v16 =	vld.idx.msk [tilespmem:v24+s23+$0x0], $0xffff  }
.LBB2_23:
0x1dd: {  	p2 =	slt.u32 s1, $0x1C;
	s0 =	sadd.s32 $0x3, s13;
	v31 =	vld.idx.msk [tilespmem:v24+s26+$0x0], $0xffff;
	v32 =	vor.u32 v13, v29;
	v26 =	vadd.f32 v30, v26;
	v29 =	vmul.f32 v23, v20;
	s13 =	smov.u32 s1  }
0x1de: {  	v25 =	vbroadcast v25, $0x0;
	v27 =	vand.u32 $0x1E, v27;
	v30 =	vmov s0;
	v20 =	vld.idx.msk [tilespmem:v22+s23+$0x0], $0xffff  }
0x1df: {  	v24 =	vor.u32 v13, v28;
	v28 =	vmul.f32 v21, v17;
	v23 =	vld.idx.msk [tilespmem:v22+s26+$0x0], $0xffff;
	v26 =	vadd.f32 v29, v26  }
.Ltmp10:
0x1e0: {  	v27 =	vbroadcast v27, $0x0;
	v29 =	vmov s1;
	v30 =	vand.u32 $0x1F, v30;
	v17 =	vld.idx.msk [tilespmem:v18+s23+$0x0], $0xffff;
	(pc) =	sbr.rel @p2 .LBB2_23-.Ltmp10, $4  }
0x1e1: {  	s0 =	sadd.s32 $0x1, s1;
	v22 =	vor.u32 v13, v25;
	v21 =	vld.idx.msk [tilespmem:v18+s26+$0x0], $0xffff;
	v25 =	vadd.f32 v28, v26;
	v26 =	vmul.f32 v19, v15  }
0x1e2: {  	v33 =	vmov s0;
	v28 =	vand.u32 $0x1C, v29;
	v29 =	vbroadcast v30, $0x0;
	v15 =	vld.idx.msk [tilespmem:v32+s23+$0x0], $0xffff  }
0x1e3: {  	s0 =	sadd.s32 $0x2, s1;
	v18 =	vor.u32 v13, v27;
	v30 =	vmul.f32 v31, v16;
	v19 =	vld.idx.msk [tilespmem:v32+s26+$0x0], $0xffff;
	v26 =	vadd.f32 v26, v25  }
0x1e4: {  	s1 =	sadd.s32 $0x4, s1;
	v27 =	vmov s0;
	v28 =	vbroadcast v28, $0x0;
	v25 =	vand.u32 $0x1D, v33;
	v16 =	vld.idx.msk [tilespmem:v24+s23+$0x0], $0xffff  }
0x1e5: {  	(v2sf) =	vpush v14, $0xD;
	_ =	sdelay $0x1  }
0x1e6: {  	(v2sf) =	vpush v14, $0xC;
	_ =	sdelay $0x1  }
0x1e7: {  	(v2sf) =	vpush v14, $0xE;
	_ =	sdelay $0x1  }
0x1e8: {  	(v2sf) =	vpush v14, $0xF;
	_ =	sdelay $0x1  }
0x1e9: {  	(v2sf) =	vpush v14, $0x9  }
0x1ea: {  	(v2sf) =	vpush v14, $0x8;
	_ =	sdelay $0x1  }
0x1eb: {  	(v2sf) =	vpush v14, $0xA;
	_ =	sdelay $0x1  }
0x1ec: {  	(v2sf) =	vpush v14, $0xB;
	_ =	sdelay $0x1  }
0x1ed: {  	(v2sf) =	vpush v14, $0x0;
	s0 =	spop (v2sf)  }
0x1ee: {  	s4 =	smulhi.u32 $0x66666667, s0;
	s0 =	sshra.s32 s0, $0x1F  }
0x1ef: {  	(v2sf) =	vpush v14, $0x1;
	s1 =	spop (v2sf);
	s0 =	smul.u32 $0x66666667, s0  }
0x1f0: {  	s7 =	smulhi.u32 $0x66666667, s1;
	s1 =	sshra.s32 s1, $0x1F  }
0x1f1: {  	(v2sf) =	vpush v14, $0x2;
	s2 =	spop (v2sf);
	s1 =	smul.u32 $0x66666667, s1  }
0x1f2: {  	(v2sf) =	vpush v14, $0x3;
	s16 =	smulhi.u32 $0x66666667, s2;
	s2 =	sshra.s32 s2, $0x1F  }
0x1f3: {  	(v2sf) =	vpush v14, $0x4;
	s3 =	spop (v2sf);
	s20 =	smul.u32 $0x66666667, s2  }
0x1f4: {  	(v2sf) =	vpush v14, $0x5;
	s22 =	smulhi.u32 $0x66666667, s3;
	s12 =	sshra.s32 s3, $0x1F  }
0x1f5: {  	(v2sf) =	vpush v14, $0x6;
	s5 =	spop (v2sf);
	s3 =	smul.u32 $0x66666667, s12  }
0x1f6: {  	(v2sf) =	vpush v14, $0x7;
	s6 =	spop (v2sf);
	s25 =	smulhi.u32 $0x66666667, s5;
	s15 =	sshra.s32 s5, $0x1F  }
0x1f7: {  	s12 =	sadd.s32 $0x3, s13;
	s7 =	sadd.s32 s1, s7;
	s5 =	smul.u32 $0x66666667, s15  }
0x1f8: {  	s10 =	spop (v2sf);
	s11 =	smulhi.u32 $0x66666667, s6;
	s6 =	sshra.s32 s6, $0x1F  }
0x1f9: {  	s15 =	sadd.s32 s0, s4;
	s16 =	sadd.s32 s20, s16;
	s6 =	smul.u32 $0x66666667, s6  }
0x1fa: {  	s14 =	spop (v2sf);
	s0 =	smulhi.u32 $0x66666667, s10;
	s17 =	sshra.s32 s10, $0x1F  }
0x1fb: {  	s13 =	sshrl.u32 s15, $0x1F;
	s3 =	sadd.s32 s3, s22;
	s17 =	smul.u32 $0x66666667, s17  }
0x1fc: {  	s19 =	spop (v2sf);
	s1 =	smulhi.u32 $0x66666667, s14;
	s10 =	sshra.s32 s14, $0x1F  }
0x1fd: {  	s14 =	sshrl.u32 s7, $0x1F;
	s5 =	sadd.s32 s5, s25;
	s20 =	smul.u32 $0x66666667, s10  }
0x1fe: {  	s21 =	spop (v2sf);
	s22 =	smulhi.u32 $0x66666667, s19;
	s4 =	sshra.s32 s19, $0x1F  }
0x1ff: {  	v26 =	vadd.f32 v30, v26;
	v24 =	vld.idx.msk [tilespmem:v24+s26+$0x0], $0xffff;
	v20 =	vmul.f32 v23, v20;
	s19 =	sshrl.u32 s16, $0x1F;
	s10 =	sshrl.u32 s3, $0x1F;
	s4 =	smul.u32 $0x66666667, s4  }
0x200: {  	v29 =	vor.u32 v13, v29;
	s6 =	sadd.s32 s6, s11;
	s24 =	spop (v2sf);
	s11 =	smulhi.u32 $0x66666667, s21  }
0x201: {  	v32 =	vld.idx.msk [tilespmem:v22+s23+$0x0], $0xffff;
	v17 =	vmul.f32 v21, v17;
	v20 =	vadd.f32 v20, v26;
	s21 =	sshra.s32 s21, $0x1F;
	s25 =	sshrl.u32 s6, $0x1F;
	s18 =	spop (v2sf)  }
0x202: {  	v22 =	vld.idx.msk [tilespmem:v22+s26+$0x0], $0xffff;
	v31 =	vmov s14;
	s14 =	sadd.s32 s17, s0;
	s21 =	smul.u32 $0x66666667, s21;
	s9 =	spop (v2sf)  }
0x203: {  	v26 =	vld.idx.msk [tilespmem:v18+s23+$0x0], $0xffff;
	v15 =	vmul.f32 v19, v15;
	v17 =	vadd.f32 v17, v20;
	s0 =	smulhi.u32 $0x66666667, s24;
	s17 =	sshra.s32 s24, $0x1F;
	s8 =	spop (v2sf)  }
0x204: {  	v18 =	vld.idx.msk [tilespmem:v18+s26+$0x0], $0xffff;
	v20 =	vbroadcast v25, $0x0;
	v16 =	vmul.f32 v24, v16;
	s6 =	sshra.s32 s6, $0x5;
	s17 =	smul.u32 $0x66666667, s17;
	s2 =	spop (v2sf)  }
0x205: {  	v25 =	vld.idx.msk [tilespmem:v29+s23+$0x0], $0xffff;
	v15 =	vadd.f32 v15, v17;
	v23 =	vsel vm0, s13, v31;
	v31 =	vmov s12;
	s4 =	sadd.s32 s4, s22;
	s12 =	smulhi.u32 $0x66666667, s18;
	s22 =	spop (v2sf)  }
0x206: {  	v28 =	vor.u32 v13, v28;
	v24 =	vld.idx.msk [tilespmem:v29+s26+$0x0], $0xffff;
	s24 =	sshrl.u32 s5, $0x1F;
	v30 =	vmov s25;
	v23 =	vsel vm1, s19, v23;
	s19 =	smulhi.u32 $0x66666667, s22;
	s13 =	sshra.s32 s22, $0x1F  }
0x207: {  	v15 =	vadd.f32 v16, v15;
	v16 =	vmul.f32 v22, v32;
	s25 =	sshrl.u32 s14, $0x1F;
	v30 =	vsel vm0, s24, v30;
	s18 =	sshra.s32 s18, $0x1F;
	s13 =	smul.u32 $0x66666667, s13  }
0x208: {  	v21 =	vsel vm2, s10, v23;
	v23 =	vand.u32 $0x1E, v27;
	s11 =	sadd.s32 s21, s11;
	v27 =	vsel vm1, s25, v30;
	s25 =	sshrl.u32 s4, $0x1F;
	s24 =	smulhi.u32 $0x66666667, s9  }
0x209: {  	v15 =	vadd.f32 v16, v15;
	v16 =	vmul.f32 v18, v26;
	s21 =	sshrl.u32 s11, $0x1F;
	s22 =	smul.u32 $0x66666667, s18;
	s18 =	sadd.s32 s13, s19  }
0x20a: {  	vm9 =	vcmask $0x704;
	v19 =	vmov s25;
	s25 =	sshra.s32 s9, $0x1F;
	s9 =	sadd.s32 s20, s1;
	s20 =	sshra.s32 s18, $0x1F  }
0x20b: {  	v15 =	vadd.f32 v16, v15;
	v16 =	vmul.f32 v24, v25;
	s12 =	sadd.s32 s22, s12;
	s22 =	sshra.s32 s4, $0x5;
	s19 =	smul.u32 $0x66666667, s25;
	v30 =	vmov s20  }
0x20c: {  	v20 =	vor.u32 v13, v20;
	s0 =	sadd.s32 s17, s0;
	v19 =	vnsel vm3, $0x0, v19;
	s4 =	sshra.s32 s4, $0x1F;
	s25 =	smulhi.u32 $0x66666667, s8;
	v22 =	vsel vm3, s22, v30  }
0x20d: {  	v29 =	vld.idx.msk [tilespmem:v28+s23+$0x0], $0xffff;
	v15 =	vadd.f32 v16, v15;
	v17 =	vsel vm0, s21, v19;
	s8 =	sshra.s32 s8, $0x1F;
	s13 =	sshra.s32 s11, $0x5;
	s11 =	sshra.s32 s11, $0x1F;
	v22 =	vsel vm9, s4, v22  }
0x20e: {  	v28 =	vld.idx.msk [tilespmem:v28+s26+$0x0], $0xffff;
	v19 =	vand.u32 $0x1F, v31;
	s8 =	smul.u32 $0x66666667, s8;
	s1 =	sadd.s32 s19, s24;
	s24 =	sshrl.u32 s0, $0x1F;
	vm9 =	vcmask $0xF0C;
	v18 =	vsel vm0, s13, v22  }
0x20f: {  	v24 =	vmov s6;
	v19 =	vbroadcast v19, $0x0;
	s19 =	smulhi.u32 $0x66666667, s2;
	s2 =	sshra.s32 s2, $0x1F;
	s20 =	sshra.s32 s0, $0x5;
	v18 =	vsel vm9, s11, v18  }
0x210: {  	v23 =	vbroadcast v23, $0x0;
	s17 =	sshrl.u32 s12, $0x1F;
	s0 =	sshra.s32 s0, $0x1F;
	v17 =	vsel vm1, s24, v17;
	s2 =	smul.u32 $0x66666667, s2;
	v18 =	vsel vm1, s20, v18  }
0x211: {  	v19 =	vor.u32 v13, v19;
	s8 =	sadd.s32 s8, s25;
	s22 =	sshrl.u32 s1, $0x1F;
	s24 =	sshra.s32 s12, $0x5;
	v17 =	vsel vm2, s17, v17;
	v18 =	vsel vm11, s0, v18  }
0x212: {  	s12 =	sshra.s32 s12, $0x1F;
	s25 =	sshrl.u32 s8, $0x1F;
	v22 =	vor.u32 v13, v23;
	v16 =	vsel vm4, s22, v17;
	s2 =	sadd.s32 s2, s19;
	v17 =	vsel vm2, s24, v18  }
0x213: {  	s21 =	sshrl.u32 s9, $0x1F;
	v23 =	vmul.f32 v28, v29;
	s13 =	sshra.s32 s1, $0x5;
	v16 =	vsel vm5, s25, v16;
	s4 =	sshrl.u32 s2, $0x1F;
	v17 =	vsel vm12, s12, v17  }
0x214: {  	s17 =	sshra.s32 s7, $0x5;
	s19 =	sshra.s32 s1, $0x1F;
	v16 =	vsel vm6, s4, v16;
	v18 =	vsel vm2, s21, v27;
	v17 =	vsel vm4, s13, v17  }
0x215: {  	s22 =	sshra.s32 s8, $0x5;
	s20 =	sshra.s32 s15, $0x5;
	s21 =	sshra.s32 s5, $0x5;
	v18 =	vcombine.low v18, v21;
	v21 =	vmov s17;
	v17 =	vsel vm13, s19, v17  }
0x216: {  	v25 =	vld.idx.msk [tilespmem:v20+s23+$0x0], $0xffff;
	s25 =	sshra.s32 s14, $0x5;
	s24 =	sshra.s32 s16, $0x5;
	s5 =	sshra.s32 s8, $0x1F;
	v24 =	vsel vm0, s21, v24;
	v21 =	vsel vm0, s20, v21;
	v17 =	vsel vm5, s22, v17  }
0x217: {  	v20 =	vld.idx.msk [tilespmem:v20+s26+$0x0], $0xffff;
	s6 =	sshra.s32 s3, $0x5;
	s7 =	sshra.s32 s9, $0x5;
	s8 =	sshra.s32 s2, $0x5;
	v24 =	vsel vm1, s25, v24;
	v21 =	vsel vm1, s24, v21;
	v17 =	vsel vm14, s5, v17  }
0x218: {  	s9 =	sshrl.u32 s18, $0x1F;
	s10 =	sshra.s32 s2, $0x1F;
	v26 =	vld.idx.msk [tilespmem:v22+s23+$0x0], $0xffff;
	v24 =	vsel vm2, s7, v24;
	v21 =	vsel vm2, s6, v21;
	v17 =	vsel vm6, s8, v17  }
0x219: {  	s11 =	sshra.s32 s18, $0x5;
	v16 =	vsel vm7, s9, v16;
	v22 =	vld.idx.msk [tilespmem:v22+s26+$0x0], $0xffff;
	v21 =	vcombine.low v24, v21;
	v17 =	vsel vm15, s10, v17  }
0x21a: {  	v16 =	vperm.xlane v16, v11;
	v18 =	vperm.xlane v18, v10;
	v24 =	vld.idx.msk [tilespmem:v19+s23+$0x0], $0xffff;
	v17 =	vsel vm7, s11, v17  }
0x21b: {  	v19 =	vld.idx.msk [tilespmem:v19+s26+$0x0], $0xffff;
	v21 =	vperm.xlane v21, v10;
	v17 =	vperm.xlane v17, v11  }
0x21c: {  	v20 =	vmul.f32 v20, v25;
	v15 =	vadd.f32 v23, v15  }
0x21d: {  	v16 =	vsel vm8, v16, v18;
	v17 =	vsel vm8, v17, v21  }
0x21e: {  	v15 =	vadd.f32 v20, v15;
	v18 =	vmul.f32 v22, v26;
	v16 =	vadd.s32 v16, v17  }
0x21f: {  	v17 =	vmul.u32 $0xFFFFFFB0, v16  }
0x220: {  	v15 =	vadd.f32 v18, v15;
	v18 =	vmul.f32 v19, v24  }
0x221: {  	v17 =	vadd.s32 v14, v17  }
0x222: {  	vm9 =	vlt.s32 v14, $0x1;
	v15 =	vadd.f32 v18, v15;
	vm10 =	vne.s32 v17, $0x0  }
0x223: {  	vm9 =	vmand vm9, vm10  }
0x224: {  	v14 =	vmul.f32 $1.442695020e+00, v15;
	v15 =	vsel vm9, $0xFFFFFFFF, v12  }
0x225: {  	vm9 =	vlt.s32 v17, $0x0;
	v15 =	vadd.s32 v15, v16;
	v16 =	vadd.s32 $0x50, v17  }
0x226: {  	(erf) = vpow2.f32 v14;
	v16 =	vsel vm9, v16, v17;
	v14 =	vmul.u32 $0x50, v15  }
0x227: {  	v15 =	vand.u32 $0xFFFFFFF8, v16  }
0x228: {  	s12 =	simm.s32 $0x1;
	s13 =	simm.s32 $0x2;
	v16 =	vand.u32 $0x7, v16;
	v14 =	vadd.s32 v15, v14  }
0x229: {  	v15 =	vmov s12;
	v16 =	vor.u32 v16, v14;
	v14 =	vmov s13  }
0x22a: {  	s15 =	simm.s32 $0x0;
	v15 =	vand.u32 $0x1D, v15;
	v14 =	vand.u32 $0x1E, v14  }
0x22b: {  	s14 =	simm.s32 $0x3;
	v18 =	vmov s15;
	v15 =	vbroadcast v15, $0x0;
	v14 =	vbroadcast v14, $0x0  }
0x22c: {  	s16 =	simm.s32 $0x5;
	v18 =	vand.u32 $0x1C, v18;
	v17 =	vmov s14  }
0x22d: {  	v23 =	vor.u32 v13, v15;
	v30 =	vor.u32 v13, v14;
	v14 =	vmov s16  }
0x22e: {  	s18 =	simm.s32 $0x7;
	s25 =	simm.s32 $0x8;
	v17 =	vand.u32 $0x1F, v17;
	v15 =	vbroadcast v18, $0x0  }
0x22f: {  	v63 =	vmov s25;
	v19 =	vmov s18;
	v17 =	vbroadcast v17, $0x0  }
0x230: {  	s17 =	simm.s32 $0x6;
	s19 =	simm.s32 $0x8A20;
	v19 =	vand.u32 $0x1F, v19;
	v20 =	vand.u32 $0x1D, v14;
	v15 =	vor.u32 v13, v15;
	v14 =	vpop (erf)  }
0x231: {  	s20 =	simm.s32 $0x4;
	v18 =	vmov s17;
	v20 =	vbroadcast v20, $0x0;
	[tilespmem:v16+s19+$0x0] =	vst.idx.add.f32.msk $0xffff, v14;
	v16 =	vor.u32 v13, v17  }
0x232: {  	v22 =	vmov s20;
	v19 =	vbroadcast v19, $0x0;
	v17 =	vand.u32 $0x1E, v18;
	v21 =	vld.idx.msk [tilespmem:v23+s28+$0x0], $0xffff  }
0x233: {  	s24 =	simm.s32 $0xB;
	v22 =	vand.u32 $0x1C, v22;
	v18 =	vor.u32 v13, v20;
	v20 =	vbroadcast v17, $0x0;
	v24 =	vld.idx.msk [tilespmem:v30+s28+$0x0], $0xffff  }
0x234: {  	s21 =	simm.s32 $0x9;
	s22 =	simm.s32 $0xA;
	v27 =	vmov s24;
	v22 =	vbroadcast v22, $0x0;
	v17 =	vor.u32 v13, v19  }
0x235: {  	v25 =	vmov s22;
	v29 =	vld.idx.msk [tilespmem:v15+s28+$0x0], $0xffff;
	v19 =	vor.u32 v13, v20;
	v20 =	vmov s21  }
0x236: {  	v27 =	vand.u32 $0x1F, v27;
	v28 =	vand.u32 $0x1D, v20;
	v20 =	vor.u32 v13, v22;
	v26 =	vld.idx.msk [tilespmem:v16+s28+$0x0], $0xffff  }
0x237: {  	v25 =	vand.u32 $0x1E, v25;
	v28 =	vbroadcast v28, $0x0;
	v31 =	vmul.f32 v21, v14  }
0x238: {  	v33 =	vbroadcast v27, $0x0;
	v27 =	vand.u32 $0x1C, v63;
	v22 =	vld.idx.msk [tilespmem:v18+s28+$0x0], $0xffff;
	v34 =	vmul.f32 v24, v14  }
0x239: {  	v27 =	vbroadcast v27, $0x0;
	v21 =	vld.idx.msk [tilespmem:v17+s28+$0x0], $0xffff;
	v24 =	vor.u32 v13, v28;
	v28 =	vbroadcast v25, $0x0;
	[tilespmem:v23+s28+$0x0] =	vst.idx.msk $0xffff, v31  }
0x23a: {  	s1 =	simm.s32 $0xC;
	v29 =	vmul.f32 v29, v14;
	v25 =	vld.idx.msk [tilespmem:v19+s28+$0x0], $0xffff;
	v23 =	vor.u32 v13, v33;
	[tilespmem:v30+s28+$0x0] =	vst.idx.msk $0xffff, v34  }
.LBB2_25:
0x23b: {  	s0 =	sadd.s32 $0x1, s1;
	s2 =	sadd.s32 $0x2, s1;
	s3 =	sadd.s32 $0x3, s1;
	v30 =	vld.idx.msk [tilespmem:v20+s28+$0x0], $0xffff;
	v35 =	vmul.f32 v26, v14;
	v31 =	vmovc v19;
	v19 =	vor.u32 v13, v28;
	v32 =	vmov v18  }
0x23c: {  	p2 =	slt.u32 s1, $0x1C;
	v18 =	vmovc v24;
	v28 =	vmov s0;
	v33 =	vmov s2;
	v34 =	vmov s3;
	[tilespmem:v15+s28+$0x0] =	vst.idx.msk $0xffff, v29;
	v15 =	vmovc v20;
	s0 =	smov.u32 s1;
	s1 =	sadd.s32 $0x4, s1  }
.Ltmp11:
0x23d: {  	v20 =	vor.u32 v13, v27;
	v28 =	vand.u32 $0x1D, v28;
	v29 =	vand.u32 $0x1E, v33;
	[tilespmem:v16+s28+$0x0] =	vst.idx.msk $0xffff, v35;
	v16 =	vmovc v17;
	(pc) =	sbr.rel @p2 .LBB2_25-.Ltmp11, $4  }
0x23e: {  	v33 =	vmul.f32 v22, v14;
	v26 =	vmovc v21;
	v17 =	vmovc v23;
	v27 =	vbroadcast v28, $0x0;
	v28 =	vand.u32 $0x1F, v34;
	v22 =	vld.idx.msk [tilespmem:v24+s28+$0x0], $0xffff  }
0x23f: {  	v24 =	vmov s0;
	v35 =	vmul.f32 v25, v14;
	v34 =	vbroadcast v28, $0x0;
	v21 =	vld.idx.msk [tilespmem:v23+s28+$0x0], $0xffff  }
0x240: {  	v23 =	vand.u32 $0x1C, v24;
	v28 =	vbroadcast v29, $0x0;
	v24 =	vor.u32 v13, v27;
	v25 =	vld.idx.msk [tilespmem:v19+s28+$0x0], $0xffff;
	[tilespmem:v32+s28+$0x0] =	vst.idx.msk $0xffff, v33  }
0x241: {  	v27 =	vbroadcast v23, $0x0;
	v29 =	vmul.f32 v30, v14;
	v23 =	vor.u32 v13, v34;
	[tilespmem:v31+s28+$0x0] =	vst.idx.msk $0xffff, v35  }
0x242: {  	_ =	sdelay $0x1  }
0x243: {  	v28 =	vor.u32 v13, v28;
	_ =	sdelay $0x1  }
0x244: {  	v57 =	vld.idx.msk [tilespmem:v20+s28+$0x0], $0xffff;
	_ =	sdelay $0x1  }
0x245: {  	v26 =	vmul.f32 v26, v14;
	v30 =	vld.idx.msk [tilespmem:v24+s28+$0x0], $0xffff  }
0x246: {  	[tilespmem:v15+s28+$0x0] =	vst.idx.msk $0xffff, v29;
	v15 =	vmul.f32 v22, v14;
	v58 =	vld.idx.msk [tilespmem:v28+s28+$0x0], $0xffff  }
0x247: {  	[tilespmem:v16+s28+$0x0] =	vst.idx.msk $0xffff, v26;
	v62 =	vmul.f32 v21, v14  }
0x248: {  	v13 =	vor.u32 v13, v27;
	[tilespmem:v18+s28+$0x0] =	vst.idx.msk $0xffff, v15;
	v15 =	vmul.f32 v57, v14  }
0x249: {  	v59 =	vmul.f32 v25, v14;
	[tilespmem:v17+s28+$0x0] =	vst.idx.msk $0xffff, v62  }
0x24a: {  	[tilespmem:v20+s28+$0x0] =	vst.idx.msk $0xffff, v15;
	v15 =	vmul.f32 v30, v14  }
0x24b: {  	[tilespmem:v19+s28+$0x0] =	vst.idx.msk $0xffff, v59;
	v63 =	vmul.f32 v58, v14  }
0x24c: {  	[tilespmem:v24+s28+$0x0] =	vst.idx.msk $0xffff, v15  }
0x24d: {  	v60 =	vld.idx.msk [tilespmem:v13+s28+$0x0], $0xffff;
	[tilespmem:v28+s28+$0x0] =	vst.idx.msk $0xffff, v63  }
0x24e: {  	v61 =	vld.idx.msk [tilespmem:v23+s28+$0x0], $0xffff;
	s0 =	rddreg [dreg:$0x1c]  }
0x24f: {  	s0 =	sadd.s32 $0x1, s0  }
0x250: {  	p2 =	sne.s32 s0, $0x5  }
.Ltmp12:
0x251: {  	_ = 	snop;
	(pc) =	sbr.rel @p2 .LBB2_22-.Ltmp12, $4  }
0x252: {  	v15 =	vmul.f32 v60, v14  }
0x253: {  	v14 =	vmul.f32 v61, v14  }
0x254: {  	[tilespmem:v13+s28+$0x0] =	vst.idx.msk $0xffff, v15  }
0x255: {  	[tilespmem:v23+s28+$0x0] =	vst.idx.msk $0xffff, v14  }
0x256: {  	s0 =	rddreg [dreg:$0x2]  }
0x257: {  	s1 =	simm.s32 $0x50;
	s2 =	simm.s32 $0x4DD0;
	s20 =	simm.s32 $0x7  }
0x258: {  	[spmem:s0] =	stream.indirect.scatter.add.f32 [tilespmem:s28], [sflag:$0x7], $0x20, s2, s1, $0xb8;
	[tilespmem:$0x11EC0] =	vst v63  }
0x259: {  	_ =	swait.ge [sflag:s20], $0xA00  }
0x25a: {  	[sflag:s20] =	ssyncset.done $0x0  }
0x25b: {  	s22 =	simm.s32 $0x8A20;
	[sflag:s20] =	ssyncadd.s32 $0xFFFFF600  }
0x25c: {  	s3 =	simm.s32 $0x80;
	s4 =	simm.s32 $0xB220;
	s21 =	rddreg [dreg:$0x3]  }
0x25d: {  	[spmem:s21] =	stream.indirect.scatter.add.f32 [tilespmem:s22], [sflag:$0x7], $0x50, s4, s3, $0xb8;
	[tilespmem:$0x11EC0] =	vst v63  }
0x25e: {  	_ =	swait.ge [sflag:s20], $0x2800  }
0x25f: {  	[sflag:s20] =	ssyncset.done $0x0  }
0x260: {  	[sflag:s20] =	ssyncadd.s32 $0xFFFFD800  }
0x261: {  	s0 =	stileid.u32;
	[bflag:$0x0] =	sbarrier.arrive $0xFFFF  }
0x262: {  	s0 =	sshll.u32 @!p0 s0, $0x6;
	s1 =	rddreg [dreg:$0xb]  }
0x263: {  	s0 =	sor.u32 @!p0 $0x1C07, s0;
	s2 =	rddreg [dreg:$0x13]  }
0x264: {  	[hbm:s1], [sflag:s0] =	dma.local @!p0 [spmem:s2], $0xFA0  }
0x265: {  	s1 =	simm.s32 @!p0 $0x7  }
0x266: {  	_ =	swait.ge @!p0 [sflag:s1], $0xFA0  }
0x267: {  	[sflag:s1] =	ssyncset.done @!p0 $0x0;
	s2 =	rddreg [dreg:$0x14]  }
0x268: {  	[sflag:s1] =	ssyncadd.s32 @!p0 $0xFFFFF060;
	s1 =	rddreg [dreg:$0xc]  }
0x269: {  	[hbm:s1], [sflag:s0] =	dma.local @!p1 [spmem:s2], $0xA0  }
0x26a: {  	s0 =	simm.s32 @!p1 $0x7  }
0x26b: {  	_ =	swait.ge @!p1 [sflag:s0], $0xA0  }
0x26c: {  	s24 =	rddreg [dreg:$0x15]  }
0x26d: {  	s25 =	rddreg [dreg:$0xd];
	s2 =	sadd.s32 $0x1, s24  }
0x26e: {  	p2 =	sne.s32 s2, s25  }
.Ltmp13:
0x26f: {  	_ = 	snop;
	(pc) =	sbr.rel @p2 .LBB2_1-.Ltmp13, $3  }
0x270: {  	_ =	sdelay $0x1  }
0x271: {  	[sflag:s0] =	ssyncset.done @!p1 $0x0  }
0x272: {  	s14 =	simm.s32 $0x0;
	[sflag:s0] =	ssyncadd.s32 @!p1 $0xFFFFFF60  }
0x273: {  	_ =	sfence.sel $0x180000  }
0x274: {  	[bflag:$0x0] =	sbarrier.arrive $0xFFFF  }
0x275: {  	_ =	strace $0x90000047  }
0x276: {  	s0 =	stileid.u32;
	[bflag:$0x2] =	sbarrier.arrive $0xFFFF  }
0x277: {  	p0 =	sne.s32 s0, $0x0;
	s0 =	rddreg [dreg:$0x4]  }
0x278: {  	s0 =	sadd.s32 @!p0 $0x100000, s0  }
0x279: {  	[sflag:s0] =	ssyncadd.tile.s32 @!p0 $0x1;
	_ =	shalt  }
.Lfunc_end2:
_tile_overlayer_lowered:
.L_overlay_start_2:
0x27a: {  	(tag) =	ssettag $0x2  }
0x27b: {  	s0 =	rddreg [dreg:$0x0];
	s2 =	stileid.u32  }
0x27c: {  	s1 =	rddreg [dreg:$0x1];
	p0 =	sne.s32 s2, $0x0  }
0x27d: {  	s3 =	rddreg [dreg:$0x2];
	[bflag:$0x3] =	sbarrier.arrive $0xFFFF;
	s2 =	simm.s32 @!p0 $0x1C07  }
0x27e: {  	[timem:s3], [sflag:s2] =	dma.local @!p0 [hbm:s0], s1  }
0x27f: {  	s0 =	simm.s32 @!p0 $0x7  }
0x280: {  	_ =	swait.ge @!p0 [sflag:s0], s1  }
0x281: {  	s1 =	ssub.s32 @!p0 $0x0, s1;
	[sflag:s0] =	ssyncset.done @!p0 $0x0  }
0x282: {  	[sflag:s0] =	ssyncadd.s32 @!p0 s1  }
0x283: {  	[bflag:$0x3] =	sbarrier.arrive $0xFFFF  }
0x284: {  	_ =	shalt  }

</sc_bundles>
